<compile_context>
chip_gen: v7x
topology: tpu7x:2x2x1
jax: 0.10.2.dev20260603
libtpu: 0.0.44.dev20260713+nightly
codegen_flags: <defaults>
</compile_context>

<pallas_src>
import functools

import jax
import jax.numpy as jnp
from jax import lax
from jax.experimental import pallas as pl
from jax.experimental.pallas import tpu as pltpu
from jax.experimental.pallas import tpu_sc as plsc

_EPS = 1e-12
_LANES = 16
_NWORKERS = 32
_NCORES = 2
_NBUF = 4


@functools.cache
def _build(B, S, H, V):
    assert H % _LANES == 0
    NJ = H // _LANES
    assert B % _NWORKERS == 0
    spw = B // _NWORKERS
    assert spw % _NBUF == 0 and spw >= 2 * _NBUF
    half = S // 2
    assert 2 * half == S and half <= 128
    inv_h = 1.0 / H

    mesh = plsc.VectorSubcoreMesh(core_axis_name="c", subcore_axis_name="s")

    def body(ids_hbm, word_hbm, pos_hbm, tok_hbm, gam_hbm, bet_hbm, out_hbm,
             idx_v, buf_v, comb_v, gam_v, bet_v, tok_v, *sems):
        gsems = sems[:_NBUF]
        osems = sems[_NBUF:2 * _NBUF]
        isems = sems[2 * _NBUF:]
        wid = lax.axis_index("s") * _NCORES + lax.axis_index("c")
        base = wid * spw

        pltpu.sync_copy(pos_hbm.at[pl.ds(0, S)], comb_v)
        pltpu.sync_copy(tok_hbm.at[0], tok_v)
        pltpu.sync_copy(gam_hbm, gam_v)
        pltpu.sync_copy(bet_hbm, bet_v)

        @plsc.parallel_loop(0, S)
        def _(r):
            for j in range(NJ):
                sl = pl.ds(j * _LANES, _LANES)
                comb_v[r, sl] = comb_v[r, sl] + tok_v[sl]


        def issue_idx(slot, seq):
            pltpu.async_copy(ids_hbm.at[seq], idx_v.at[slot], isems[slot])

        def wait_idx(slot):
            pltpu.make_async_copy(ids_hbm.at[0], idx_v.at[slot],
                                  isems[slot]).wait()

        def issue_gather(slot, seq):
            pltpu.async_copy(word_hbm.at[idx_v.at[slot, 0]],
                             buf_v.at[slot, pl.ds(0, half)], gsems[slot])
            pltpu.async_copy(word_hbm.at[idx_v.at[slot, 1]],
                             buf_v.at[slot, pl.ds(half, half)], gsems[slot])

        def wait_gather(slot):
            pltpu.make_async_copy(word_hbm.at[pl.ds(0, S)],
                                  buf_v.at[slot], gsems[slot]).wait()

        def issue_scatter(slot, seq):
            pltpu.async_copy(buf_v.at[slot],
                             out_hbm.at[pl.ds(seq * S, S)], osems[slot])

        def wait_scatter(slot):
            pltpu.make_async_copy(buf_v.at[slot],
                                  out_hbm.at[pl.ds(0, S)], osems[slot]).wait()

        def compute(slot):
            @plsc.parallel_loop(0, S, unroll=3)
            def _(r):
                x = []
                for j in range(NJ):
                    sl = pl.ds(j * _LANES, _LANES)
                    x.append(buf_v[slot, r, sl] + comb_v[r, sl])
                s1 = x[0]
                for j in range(1, NJ):
                    s1 = s1 + x[j]
                s2 = x[0] * x[0]
                for j in range(1, NJ):
                    s2 = s2 + x[j] * x[j]
                tot1 = plsc.cumsum(s1)[_LANES - 1]
                tot2 = plsc.cumsum(s2)[_LANES - 1]
                mean = tot1 * inv_h
                var = tot2 * inv_h - mean * mean
                a = var + _EPS
                i = lax.bitcast_convert_type(a, jnp.int32)
                i = 0x5F3759DF - lax.shift_right_arithmetic(i, 1)
                y = lax.bitcast_convert_type(i, jnp.float32)
                ah = 0.5 * a
                for _ in range(2):
                    y = y * (1.5 - ah * y * y)
                for j in range(NJ):
                    sl = pl.ds(j * _LANES, _LANES)
                    buf_v[slot, r, sl] = ((x[j] - mean) * y * gam_v[sl]
                                          + bet_v[sl])

        pltpu.sync_copy(ids_hbm.at[base], idx_v.at[0])
        issue_gather(0, base)
        issue_idx(1, base + 1)

        def group(gg, carry):
            for slot in range(_NBUF):
                g = gg * _NBUF + slot
                seq = base + g
                nslot = (slot + 1) % _NBUF
                n2slot = (slot + 2) % _NBUF

                @pl.when(g + 1 < spw)
                def _():
                    @pl.when(g + 1 >= _NBUF)
                    def _():
                        wait_scatter(nslot)
                    wait_idx(nslot)
                    issue_gather(nslot, seq + 1)

                @pl.when(g + 2 < spw)
                def _():
                    issue_idx(n2slot, seq + 2)

                wait_gather(slot)
                compute(slot)
                issue_scatter(slot, seq)
            return carry

        lax.fori_loop(0, spw // _NBUF, group, 0)
        for slot in range(_NBUF):
            wait_scatter(slot)

    return pl.kernel(
        body,
        out_type=jax.ShapeDtypeStruct((B * S, H), jnp.float32),
        mesh=mesh,
        compiler_params=pltpu.CompilerParams(needs_layout_passes=False),
        scratch_types=[
            pltpu.VMEM((_NBUF, 2, half), jnp.int32),
            pltpu.VMEM((_NBUF, S, H), jnp.float32),
            pltpu.VMEM((S, H), jnp.float32),
            pltpu.VMEM((H,), jnp.float32),
            pltpu.VMEM((H,), jnp.float32),
            pltpu.VMEM((H,), jnp.float32),
        ] + [pltpu.SemaphoreType.DMA] * (3 * _NBUF),
    )


def kernel(input_ids, word_emb, pos_emb, tok_emb, ln_gamma, ln_beta):
    B, S = input_ids.shape
    V, H = word_emb.shape
    ids3 = input_ids.astype(jnp.int32).reshape(B, 2, S // 2)
    out_flat = _build(B, S, H, V)(ids3, word_emb, pos_emb, tok_emb,
                                  ln_gamma, ln_beta)
    return out_flat.reshape(B, S, H)

# --- scband reference (transcript-rebuilt; emitter-appended) ---
"""Pipeline reference for scband-bert-embeddings-31636729102683 (READ-ONLY COPY).

The authoritative reference and input builder live on the scoring server;
editing this copy changes nothing except your own understanding.
"""

import jax, jax.numpy as jnp
import numpy as np

VOCAB = 100000
HIDDEN = 128
MAX_POS = 512
TYPE_VOCAB = 2
EPS = 1e-12
B, S = 1024, 200


def setup_inputs(seed: int = 0) -> dict:
    key = jax.random.key(seed)
    k1, k2, k3, k4 = jax.random.split(key, 4)
    input_ids = jax.random.randint(k1, (B, S), 0, VOCAB, dtype=jnp.int64 if jax.config.jax_enable_x64 else jnp.int32)
    word_emb = (jax.random.normal(k2, (VOCAB, HIDDEN), dtype=jnp.float32) * 0.02).at[0].set(0.0)
    pos_emb = jax.random.normal(k3, (MAX_POS, HIDDEN), dtype=jnp.float32) * 0.02
    tok_emb = jax.random.normal(k4, (TYPE_VOCAB, HIDDEN), dtype=jnp.float32) * 0.02
    ln_gamma = jnp.ones((HIDDEN,), dtype=jnp.float32)
    ln_beta = jnp.zeros((HIDDEN,), dtype=jnp.float32)
    return {
        "input_ids": input_ids,
        "word_emb": word_emb,
        "pos_emb": pos_emb,
        "tok_emb": tok_emb,
        "ln_gamma": ln_gamma,
        "ln_beta": ln_beta,
    }


def reference(input_ids, word_emb, pos_emb, tok_emb, ln_gamma, ln_beta):
    seq_length = input_ids.shape[1]
    position_ids = jnp.arange(seq_length)[None, :]  # [1, S], broadcasts over batch
    token_type_ids = jnp.zeros_like(input_ids)
    words_embeddings = jnp.take(word_emb, input_ids, axis=0)          # gather [B, S, H]
    position_embeddings = jnp.take(pos_emb, position_ids, axis=0)     # [1, S, H]
    token_type_embeddings = jnp.take(tok_emb, token_type_ids, axis=0) # [B, S, H]
    embeddings = words_embeddings + position_embeddings + token_type_embeddings
    mean = jnp.mean(embeddings, axis=-1, keepdims=True)
    var = jnp.var(embeddings, axis=-1, keepdims=True)  # biased, matches torch LayerNorm
    normed = (embeddings - mean) / jnp.sqrt(var + EPS)
    out = normed * ln_gamma + ln_beta
    # dropout is identity in eval mode
    return out

if __name__ == "__main__":
    import jax
    _d = setup_inputs()
    print(jax.jit(kernel)(*tuple(_d.values())))

</pallas_src>

<mosaic_0001>
#map = affine_map<(d0, d1) -> (0, 0, 0)>
#map1 = affine_map<(d0, d1) -> (0, 0)>
#map2 = affine_map<(d0, d1) -> (0)>
module attributes {stable_mosaic.version = 14 : i64} {
  func.func @body(%arg0: i32, %arg1: i32, %arg2: memref<1024x2x100xi32, #tpu.memory_space<hbm>>, %arg3: memref<100000x128xf32, #tpu.memory_space<hbm>>, %arg4: memref<512x128xf32, #tpu.memory_space<hbm>>, %arg5: memref<2x128xf32, #tpu.memory_space<hbm>>, %arg6: memref<128xf32, #tpu.memory_space<hbm>>, %arg7: memref<128xf32, #tpu.memory_space<hbm>>, %arg8: memref<204800x128xf32, #tpu.memory_space<hbm>>, %arg9: memref<4x2x100xi32, #tpu.memory_space<vmem>>, %arg10: memref<4x200x128xf32, #tpu.memory_space<vmem>>, %arg11: memref<200x128xf32, #tpu.memory_space<vmem>>, %arg12: memref<128xf32, #tpu.memory_space<vmem>>, %arg13: memref<128xf32, #tpu.memory_space<vmem>>, %arg14: memref<128xf32, #tpu.memory_space<vmem>>, %arg15: memref<!tpu.dma_semaphore, #tpu.memory_space<semaphore_mem>>, %arg16: memref<!tpu.dma_semaphore, #tpu.memory_space<semaphore_mem>>, %arg17: memref<!tpu.dma_semaphore, #tpu.memory_space<semaphore_mem>>, %arg18: memref<!tpu.dma_semaphore, #tpu.memory_space<semaphore_mem>>, %arg19: memref<!tpu.dma_semaphore, #tpu.memory_space<semaphore_mem>>, %arg20: memref<!tpu.dma_semaphore, #tpu.memory_space<semaphore_mem>>, %arg21: memref<!tpu.dma_semaphore, #tpu.memory_space<semaphore_mem>>, %arg22: memref<!tpu.dma_semaphore, #tpu.memory_space<semaphore_mem>>, %arg23: memref<!tpu.dma_semaphore, #tpu.memory_space<semaphore_mem>>, %arg24: memref<!tpu.dma_semaphore, #tpu.memory_space<semaphore_mem>>, %arg25: memref<!tpu.dma_semaphore, #tpu.memory_space<semaphore_mem>>, %arg26: memref<!tpu.dma_semaphore, #tpu.memory_space<semaphore_mem>>) attributes {dimension_semantics = [#tpu.dimension_semantics<core_parallel>, #tpu.dimension_semantics<subcore_parallel>], iteration_bounds = array<i64: 2, 16>, scalar_prefetch = 0 : i64, scratch_operands = 18 : i64, tpu.core_type = #tpu.core_type<sc_vector_subcore>, window_params = [{transform_indices = #map}, {transform_indices = #map1}, {transform_indices = #map1}, {transform_indices = #map1}, {transform_indices = #map2}, {transform_indices = #map2}, {transform_indices = #map1}]} {
    %mul3A = arith.constant 2 : i32
    %mul3A_0 = arith.muli %arg1, %mul3A : i32
    %add3A = arith.addi %mul3A_0, %arg0 : i32
    %mul3A_1 = arith.constant 32 : i32
    %mul3A_2 = arith.muli %add3A, %mul3A_1 : i32
    "tpu.region"() ({
      %run_scoped3A_114 = tpu.sem_alloc : memref<!tpu.dma_semaphore, #tpu.memory_space<semaphore_mem>>
      %dma_start3A_115 = arith.constant 0 : i32
      %dma_start3A_116 = arith.constant 0 : i32
      %dma_start3A_117 = tpu.memref_slice %arg4[%dma_start3A_115, %dma_start3A_116] : memref<512x128xf32, #tpu.memory_space<hbm>> -> memref<200x128xf32, #tpu.memory_space<hbm>>
      %dma_start3A_118 = arith.constant 0 : i32
      %dma_start3A_119 = arith.constant 0 : i32
      %dma_start3A_120 = tpu.memref_slice %arg4[%dma_start3A_118, %dma_start3A_119] : memref<512x128xf32, #tpu.memory_space<hbm>> -> memref<200x128xf32, #tpu.memory_space<hbm>>
      tpu.enqueue_dma source(%dma_start3A_120 : memref<200x128xf32, #tpu.memory_space<hbm>>) target(%arg11 : memref<200x128xf32, #tpu.memory_space<vmem>>) target_semaphore(%run_scoped3A_114 : memref<!tpu.dma_semaphore, #tpu.memory_space<semaphore_mem>>)
      %dma_wait3A_121 = arith.constant 0 : i32
      %dma_wait3A_122 = arith.constant 0 : i32
      %dma_wait3A_123 = tpu.memref_slice %arg4[%dma_wait3A_121, %dma_wait3A_122] : memref<512x128xf32, #tpu.memory_space<hbm>> -> memref<200x128xf32, #tpu.memory_space<hbm>>
      %dma_wait3A_124 = arith.constant 0 : i32
      %dma_wait3A_125 = arith.constant 0 : i32
      %dma_wait3A_126 = tpu.memref_slice %arg4[%dma_wait3A_124, %dma_wait3A_125] : memref<512x128xf32, #tpu.memory_space<hbm>> -> memref<200x128xf32, #tpu.memory_space<hbm>>
      tpu.wait_dma2 semaphore(%run_scoped3A_114 : memref<!tpu.dma_semaphore, #tpu.memory_space<semaphore_mem>>) src(%dma_wait3A_126 : memref<200x128xf32, #tpu.memory_space<hbm>>) dst(%arg11 : memref<200x128xf32, #tpu.memory_space<vmem>>)
      tpu.yield
    }) : () -> ()
    %run_scoped3A = arith.constant 0 : i32
    "tpu.region"() ({
      %run_scoped3A_114 = tpu.sem_alloc : memref<!tpu.dma_semaphore, #tpu.memory_space<semaphore_mem>>
      %dma_start3A_115 = arith.constant 0 : i32
      %dma_start3A_116 = tpu.memref_slice %arg5[%run_scoped3A, %dma_start3A_115] : memref<2x128xf32, #tpu.memory_space<hbm>> -> memref<1x128xf32, #tpu.memory_space<hbm>>
      %dma_start3A_117 = tpu.memref_squeeze %dma_start3A_116 : memref<1x128xf32, #tpu.memory_space<hbm>> -> memref<128xf32, #tpu.memory_space<hbm>>
      %dma_start3A_118 = arith.constant 0 : i32
      %dma_start3A_119 = tpu.memref_slice %arg5[%run_scoped3A, %dma_start3A_118] : memref<2x128xf32, #tpu.memory_space<hbm>> -> memref<1x128xf32, #tpu.memory_space<hbm>>
      %dma_start3A_120 = tpu.memref_squeeze %dma_start3A_119 : memref<1x128xf32, #tpu.memory_space<hbm>> -> memref<128xf32, #tpu.memory_space<hbm>>
      tpu.enqueue_dma source(%dma_start3A_120 : memref<128xf32, #tpu.memory_space<hbm>>) target(%arg14 : memref<128xf32, #tpu.memory_space<vmem>>) target_semaphore(%run_scoped3A_114 : memref<!tpu.dma_semaphore, #tpu.memory_space<semaphore_mem>>)
      %dma_wait3A_121 = arith.constant 0 : i32
      %dma_wait3A_122 = tpu.memref_slice %arg5[%run_scoped3A, %dma_wait3A_121] : memref<2x128xf32, #tpu.memory_space<hbm>> -> memref<1x128xf32, #tpu.memory_space<hbm>>
      %dma_wait3A_123 = tpu.memref_squeeze %dma_wait3A_122 : memref<1x128xf32, #tpu.memory_space<hbm>> -> memref<128xf32, #tpu.memory_space<hbm>>
      %dma_wait3A_124 = arith.constant 0 : i32
      %dma_wait3A_125 = tpu.memref_slice %arg5[%run_scoped3A, %dma_wait3A_124] : memref<2x128xf32, #tpu.memory_space<hbm>> -> memref<1x128xf32, #tpu.memory_space<hbm>>
      %dma_wait3A_126 = tpu.memref_squeeze %dma_wait3A_125 : memref<1x128xf32, #tpu.memory_space<hbm>> -> memref<128xf32, #tpu.memory_space<hbm>>
      tpu.wait_dma2 semaphore(%run_scoped3A_114 : memref<!tpu.dma_semaphore, #tpu.memory_space<semaphore_mem>>) src(%dma_wait3A_126 : memref<128xf32, #tpu.memory_space<hbm>>) dst(%arg14 : memref<128xf32, #tpu.memory_space<vmem>>)
      tpu.yield
    }) : () -> ()
    "tpu.region"() ({
      %run_scoped3A_114 = tpu.sem_alloc : memref<!tpu.dma_semaphore, #tpu.memory_space<semaphore_mem>>
      tpu.enqueue_dma source(%arg6 : memref<128xf32, #tpu.memory_space<hbm>>) target(%arg12 : memref<128xf32, #tpu.memory_space<vmem>>) target_semaphore(%run_scoped3A_114 : memref<!tpu.dma_semaphore, #tpu.memory_space<semaphore_mem>>)
      tpu.wait_dma2 semaphore(%run_scoped3A_114 : memref<!tpu.dma_semaphore, #tpu.memory_space<semaphore_mem>>) src(%arg6 : memref<128xf32, #tpu.memory_space<hbm>>) dst(%arg12 : memref<128xf32, #tpu.memory_space<vmem>>)
      tpu.yield
    }) : () -> ()
    "tpu.region"() ({
      %run_scoped3A_114 = tpu.sem_alloc : memref<!tpu.dma_semaphore, #tpu.memory_space<semaphore_mem>>
      tpu.enqueue_dma source(%arg7 : memref<128xf32, #tpu.memory_space<hbm>>) target(%arg13 : memref<128xf32, #tpu.memory_space<vmem>>) target_semaphore(%run_scoped3A_114 : memref<!tpu.dma_semaphore, #tpu.memory_space<semaphore_mem>>)
      tpu.wait_dma2 semaphore(%run_scoped3A_114 : memref<!tpu.dma_semaphore, #tpu.memory_space<semaphore_mem>>) src(%arg7 : memref<128xf32, #tpu.memory_space<hbm>>) dst(%arg13 : memref<128xf32, #tpu.memory_space<vmem>>)
      tpu.yield
    }) : () -> ()
    %parallel_loop3A = arith.constant 0 : i32
    %parallel_loop3A_3 = arith.constant 200 : i32
    %parallel_loop3A_4 = arith.constant 1 : i32
    scf.for %parallel_loop3A_114 = %parallel_loop3A to %parallel_loop3A_3 step %parallel_loop3A_4  : i32 {
      %parallel_loop3A_115 = arith.index_cast %parallel_loop3A_114 : i32 to index
      %parallel_loop3A_116 = arith.constant 0 : index
      %parallel_loop3A_117 = tpu.vector_load %arg11[%parallel_loop3A_115, %parallel_loop3A_116] {strides = array<i32>} : memref<200x128xf32, #tpu.memory_space<vmem>>, vector<16xf32>,
      %parallel_loop3A_118 = arith.constant 0 : index
      %parallel_loop3A_119 = tpu.vector_load %arg14[%parallel_loop3A_118] {strides = array<i32>} : memref<128xf32, #tpu.memory_space<vmem>>, vector<16xf32>,
      %parallel_loop3A_120 = arith.addf %parallel_loop3A_117, %parallel_loop3A_119 : vector<16xf32>
      %parallel_loop3A_121 = arith.index_cast %parallel_loop3A_114 : i32 to index
      %parallel_loop3A_122 = arith.constant 0 : index
      %parallel_loop3A_123 = tpu.vector_load %arg11[%parallel_loop3A_121, %parallel_loop3A_122] {strides = array<i32>} : memref<200x128xf32, #tpu.memory_space<vmem>>, vector<16xf32>,
      tpu.vector_store %arg11[%parallel_loop3A_121, %parallel_loop3A_122], %parallel_loop3A_120 {strides = array<i32>} : memref<200x128xf32, #tpu.memory_space<vmem>>, vector<16xf32>,
      %parallel_loop3A_124 = arith.index_cast %parallel_loop3A_114 : i32 to index
      %parallel_loop3A_125 = arith.constant 16 : index
      %parallel_loop3A_126 = tpu.vector_load %arg11[%parallel_loop3A_124, %parallel_loop3A_125] {strides = array<i32>} : memref<200x128xf32, #tpu.memory_space<vmem>>, vector<16xf32>,
      %parallel_loop3A_127 = arith.constant 16 : index
      %parallel_loop3A_128 = tpu.vector_load %arg14[%parallel_loop3A_127] {strides = array<i32>} : memref<128xf32, #tpu.memory_space<vmem>>, vector<16xf32>,
      %parallel_loop3A_129 = arith.addf %parallel_loop3A_126, %parallel_loop3A_128 : vector<16xf32>
      %parallel_loop3A_130 = arith.index_cast %parallel_loop3A_114 : i32 to index
      %parallel_loop3A_131 = arith.constant 16 : index
      %parallel_loop3A_132 = tpu.vector_load %arg11[%parallel_loop3A_130, %parallel_loop3A_131] {strides = array<i32>} : memref<200x128xf32, #tpu.memory_space<vmem>>, vector<16xf32>,
      tpu.vector_store %arg11[%parallel_loop3A_130, %parallel_loop3A_131], %parallel_loop3A_129 {strides = array<i32>} : memref<200x128xf32, #tpu.memory_space<vmem>>, vector<16xf32>,
      %parallel_loop3A_133 = arith.index_cast %parallel_loop3A_114 : i32 to index
      %parallel_loop3A_134 = arith.constant 32 : index
      %parallel_loop3A_135 = tpu.vector_load %arg11[%parallel_loop3A_133, %parallel_loop3A_134] {strides = array<i32>} : memref<200x128xf32, #tpu.memory_space<vmem>>, vector<16xf32>,
      %parallel_loop3A_136 = arith.constant 32 : index
      %parallel_loop3A_137 = tpu.vector_load %arg14[%parallel_loop3A_136] {strides = array<i32>} : memref<128xf32, #tpu.memory_space<vmem>>, vector<16xf32>,
      %parallel_loop3A_138 = arith.addf %parallel_loop3A_135, %parallel_loop3A_137 : vector<16xf32>
      %parallel_loop3A_139 = arith.index_cast %parallel_loop3A_114 : i32 to index
      %parallel_loop3A_140 = arith.constant 32 : index
      %parallel_loop3A_141 = tpu.vector_load %arg11[%parallel_loop3A_139, %parallel_loop3A_140] {strides = array<i32>} : memref<200x128xf32, #tpu.memory_space<vmem>>, vector<16xf32>,
      tpu.vector_store %arg11[%parallel_loop3A_139, %parallel_loop3A_140], %parallel_loop3A_138 {strides = array<i32>} : memref<200x128xf32, #tpu.memory_space<vmem>>, vector<16xf32>,
      %parallel_loop3A_142 = arith.index_cast %parallel_loop3A_114 : i32 to index
      %parallel_loop3A_143 = arith.constant 48 : index
      %parallel_loop3A_144 = tpu.vector_load %arg11[%parallel_loop3A_142, %parallel_loop3A_143] {strides = array<i32>} : memref<200x128xf32, #tpu.memory_space<vmem>>, vector<16xf32>,
      %parallel_loop3A_145 = arith.constant 48 : index
      %parallel_loop3A_146 = tpu.vector_load %arg14[%parallel_loop3A_145] {strides = array<i32>} : memref<128xf32, #tpu.memory_space<vmem>>, vector<16xf32>,
      %parallel_loop3A_147 = arith.addf %parallel_loop3A_144, %parallel_loop3A_146 : vector<16xf32>
      %parallel_loop3A_148 = arith.index_cast %parallel_loop3A_114 : i32 to index
      %parallel_loop3A_149 = arith.constant 48 : index
      %parallel_loop3A_150 = tpu.vector_load %arg11[%parallel_loop3A_148, %parallel_loop3A_149] {strides = array<i32>} : memref<200x128xf32, #tpu.memory_space<vmem>>, vector<16xf32>,
      tpu.vector_store %arg11[%parallel_loop3A_148, %parallel_loop3A_149], %parallel_loop3A_147 {strides = array<i32>} : memref<200x128xf32, #tpu.memory_space<vmem>>, vector<16xf32>,
      %parallel_loop3A_151 = arith.index_cast %parallel_loop3A_114 : i32 to index
      %parallel_loop3A_152 = arith.constant 64 : index
      %parallel_loop3A_153 = tpu.vector_load %arg11[%parallel_loop3A_151, %parallel_loop3A_152] {strides = array<i32>} : memref<200x128xf32, #tpu.memory_space<vmem>>, vector<16xf32>,
      %parallel_loop3A_154 = arith.constant 64 : index
      %parallel_loop3A_155 = tpu.vector_load %arg14[%parallel_loop3A_154] {strides = array<i32>} : memref<128xf32, #tpu.memory_space<vmem>>, vector<16xf32>,
      %parallel_loop3A_156 = arith.addf %parallel_loop3A_153, %parallel_loop3A_155 : vector<16xf32>
      %parallel_loop3A_157 = arith.index_cast %parallel_loop3A_114 : i32 to index
      %parallel_loop3A_158 = arith.constant 64 : index
      %parallel_loop3A_159 = tpu.vector_load %arg11[%parallel_loop3A_157, %parallel_loop3A_158] {strides = array<i32>} : memref<200x128xf32, #tpu.memory_space<vmem>>, vector<16xf32>,
      tpu.vector_store %arg11[%parallel_loop3A_157, %parallel_loop3A_158], %parallel_loop3A_156 {strides = array<i32>} : memref<200x128xf32, #tpu.memory_space<vmem>>, vector<16xf32>,
      %parallel_loop3A_160 = arith.index_cast %parallel_loop3A_114 : i32 to index
      %parallel_loop3A_161 = arith.constant 80 : index
      %parallel_loop3A_162 = tpu.vector_load %arg11[%parallel_loop3A_160, %parallel_loop3A_161] {strides = array<i32>} : memref<200x128xf32, #tpu.memory_space<vmem>>, vector<16xf32>,
      %parallel_loop3A_163 = arith.constant 80 : index
      %parallel_loop3A_164 = tpu.vector_load %arg14[%parallel_loop3A_163] {strides = array<i32>} : memref<128xf32, #tpu.memory_space<vmem>>, vector<16xf32>,
      %parallel_loop3A_165 = arith.addf %parallel_loop3A_162, %parallel_loop3A_164 : vector<16xf32>
      %parallel_loop3A_166 = arith.index_cast %parallel_loop3A_114 : i32 to index
      %parallel_loop3A_167 = arith.constant 80 : index
      %parallel_loop3A_168 = tpu.vector_load %arg11[%parallel_loop3A_166, %parallel_loop3A_167] {strides = array<i32>} : memref<200x128xf32, #tpu.memory_space<vmem>>, vector<16xf32>,
      tpu.vector_store %arg11[%parallel_loop3A_166, %parallel_loop3A_167], %parallel_loop3A_165 {strides = array<i32>} : memref<200x128xf32, #tpu.memory_space<vmem>>, vector<16xf32>,
      %parallel_loop3A_169 = arith.index_cast %parallel_loop3A_114 : i32 to index
      %parallel_loop3A_170 = arith.constant 96 : index
      %parallel_loop3A_171 = tpu.vector_load %arg11[%parallel_loop3A_169, %parallel_loop3A_170] {strides = array<i32>} : memref<200x128xf32, #tpu.memory_space<vmem>>, vector<16xf32>,
      %parallel_loop3A_172 = arith.constant 96 : index
      %parallel_loop3A_173 = tpu.vector_load %arg14[%parallel_loop3A_172] {strides = array<i32>} : memref<128xf32, #tpu.memory_space<vmem>>, vector<16xf32>,
      %parallel_loop3A_174 = arith.addf %parallel_loop3A_171, %parallel_loop3A_173 : vector<16xf32>
      %parallel_loop3A_175 = arith.index_cast %parallel_loop3A_114 : i32 to index
      %parallel_loop3A_176 = arith.constant 96 : index
      %parallel_loop3A_177 = tpu.vector_load %arg11[%parallel_loop3A_175, %parallel_loop3A_176] {strides = array<i32>} : memref<200x128xf32, #tpu.memory_space<vmem>>, vector<16xf32>,
      tpu.vector_store %arg11[%parallel_loop3A_175, %parallel_loop3A_176], %parallel_loop3A_174 {strides = array<i32>} : memref<200x128xf32, #tpu.memory_space<vmem>>, vector<16xf32>,
      %parallel_loop3A_178 = arith.index_cast %parallel_loop3A_114 : i32 to index
      %parallel_loop3A_179 = arith.constant 112 : index
      %parallel_loop3A_180 = tpu.vector_load %arg11[%parallel_loop3A_178, %parallel_loop3A_179] {strides = array<i32>} : memref<200x128xf32, #tpu.memory_space<vmem>>, vector<16xf32>,
      %parallel_loop3A_181 = arith.constant 112 : index
      %parallel_loop3A_182 = tpu.vector_load %arg14[%parallel_loop3A_181] {strides = array<i32>} : memref<128xf32, #tpu.memory_space<vmem>>, vector<16xf32>,
      %parallel_loop3A_183 = arith.addf %parallel_loop3A_180, %parallel_loop3A_182 : vector<16xf32>
      %parallel_loop3A_184 = arith.index_cast %parallel_loop3A_114 : i32 to index
      %parallel_loop3A_185 = arith.constant 112 : index
      %parallel_loop3A_186 = tpu.vector_load %arg11[%parallel_loop3A_184, %parallel_loop3A_185] {strides = array<i32>} : memref<200x128xf32, #tpu.memory_space<vmem>>, vector<16xf32>,
      tpu.vector_store %arg11[%parallel_loop3A_184, %parallel_loop3A_185], %parallel_loop3A_183 {strides = array<i32>} : memref<200x128xf32, #tpu.memory_space<vmem>>, vector<16xf32>,
    } {sc.loop_unroll_factor = 1 : i64, sc.parallel_access}
    %run_scoped3A_5 = arith.constant 0 : i32
    "tpu.region"() ({
      %run_scoped3A_114 = tpu.sem_alloc : memref<!tpu.dma_semaphore, #tpu.memory_space<semaphore_mem>>
      %dma_start3A_115 = arith.constant 0 : i32
      %dma_start3A_116 = arith.constant 0 : i32
      %dma_start3A_117 = tpu.memref_slice %arg9[%run_scoped3A_5, %dma_start3A_115, %dma_start3A_116] : memref<4x2x100xi32, #tpu.memory_space<vmem>> -> memref<1x2x100xi32, #tpu.memory_space<vmem>>
      %dma_start3A_118 = tpu.memref_squeeze %dma_start3A_117 : memref<1x2x100xi32, #tpu.memory_space<vmem>> -> memref<2x100xi32, #tpu.memory_space<vmem>>
      %dma_start3A_119 = arith.constant 0 : i32
      %dma_start3A_120 = arith.constant 0 : i32
      %dma_start3A_121 = tpu.memref_slice %arg2[%mul3A_2, %dma_start3A_119, %dma_start3A_120] : memref<1024x2x100xi32, #tpu.memory_space<hbm>> -> memref<1x2x100xi32, #tpu.memory_space<hbm>>
      %dma_start3A_122 = tpu.memref_squeeze %dma_start3A_121 : memref<1x2x100xi32, #tpu.memory_space<hbm>> -> memref<2x100xi32, #tpu.memory_space<hbm>>
      %dma_start3A_123 = arith.constant 0 : i32
      %dma_start3A_124 = arith.constant 0 : i32
      %dma_start3A_125 = tpu.memref_slice %arg9[%run_scoped3A_5, %dma_start3A_123, %dma_start3A_124] : memref<4x2x100xi32, #tpu.memory_space<vmem>> -> memref<1x2x100xi32, #tpu.memory_space<vmem>>
      %dma_start3A_126 = tpu.memref_squeeze %dma_start3A_125 : memref<1x2x100xi32, #tpu.memory_space<vmem>> -> memref<2x100xi32, #tpu.memory_space<vmem>>
      %dma_start3A_127 = arith.constant 0 : i32
      %dma_start3A_128 = arith.constant 0 : i32
      %dma_start3A_129 = tpu.memref_slice %arg2[%mul3A_2, %dma_start3A_127, %dma_start3A_128] : memref<1024x2x100xi32, #tpu.memory_space<hbm>> -> memref<1x2x100xi32, #tpu.memory_space<hbm>>
      %dma_start3A_130 = tpu.memref_squeeze %dma_start3A_129 : memref<1x2x100xi32, #tpu.memory_space<hbm>> -> memref<2x100xi32, #tpu.memory_space<hbm>>
      tpu.enqueue_dma source(%dma_start3A_130 : memref<2x100xi32, #tpu.memory_space<hbm>>) target(%dma_start3A_126 : memref<2x100xi32, #tpu.memory_space<vmem>>) target_semaphore(%run_scoped3A_114 : memref<!tpu.dma_semaphore, #tpu.memory_space<semaphore_mem>>)
      %dma_wait3A_131 = arith.constant 0 : i32
      %dma_wait3A_132 = arith.constant 0 : i32
      %dma_wait3A_133 = tpu.memref_slice %arg9[%run_scoped3A_5, %dma_wait3A_131, %dma_wait3A_132] : memref<4x2x100xi32, #tpu.memory_space<vmem>> -> memref<1x2x100xi32, #tpu.memory_space<vmem>>
      %dma_wait3A_134 = tpu.memref_squeeze %dma_wait3A_133 : memref<1x2x100xi32, #tpu.memory_space<vmem>> -> memref<2x100xi32, #tpu.memory_space<vmem>>
      %dma_wait3A_135 = arith.constant 0 : i32
      %dma_wait3A_136 = arith.constant 0 : i32
      %dma_wait3A_137 = tpu.memref_slice %arg2[%mul3A_2, %dma_wait3A_135, %dma_wait3A_136] : memref<1024x2x100xi32, #tpu.memory_space<hbm>> -> memref<1x2x100xi32, #tpu.memory_space<hbm>>
      %dma_wait3A_138 = tpu.memref_squeeze %dma_wait3A_137 : memref<1x2x100xi32, #tpu.memory_space<hbm>> -> memref<2x100xi32, #tpu.memory_space<hbm>>
      %dma_wait3A_139 = arith.constant 0 : i32
      %dma_wait3A_140 = arith.constant 0 : i32
      %dma_wait3A_141 = tpu.memref_slice %arg9[%run_scoped3A_5, %dma_wait3A_139, %dma_wait3A_140] : memref<4x2x100xi32, #tpu.memory_space<vmem>> -> memref<1x2x100xi32, #tpu.memory_space<vmem>>
      %dma_wait3A_142 = tpu.memref_squeeze %dma_wait3A_141 : memref<1x2x100xi32, #tpu.memory_space<vmem>> -> memref<2x100xi32, #tpu.memory_space<vmem>>
      %dma_wait3A_143 = arith.constant 0 : i32
      %dma_wait3A_144 = arith.constant 0 : i32
      %dma_wait3A_145 = tpu.memref_slice %arg2[%mul3A_2, %dma_wait3A_143, %dma_wait3A_144] : memref<1024x2x100xi32, #tpu.memory_space<hbm>> -> memref<1x2x100xi32, #tpu.memory_space<hbm>>
      %dma_wait3A_146 = tpu.memref_squeeze %dma_wait3A_145 : memref<1x2x100xi32, #tpu.memory_space<hbm>> -> memref<2x100xi32, #tpu.memory_space<hbm>>
      tpu.wait_dma2 semaphore(%run_scoped3A_114 : memref<!tpu.dma_semaphore, #tpu.memory_space<semaphore_mem>>) src(%dma_wait3A_146 : memref<2x100xi32, #tpu.memory_space<hbm>>) dst(%dma_wait3A_142 : memref<2x100xi32, #tpu.memory_space<vmem>>)
      tpu.yield
    }) : () -> ()
    %dma_start3A = arith.constant 0 : i32
    %dma_start3A_6 = arith.constant 0 : i32
    %dma_start3A_7 = arith.constant 0 : i32
    %dma_start3A_8 = arith.constant 0 : i32
    %dma_start3A_9 = arith.constant 0 : i32
    %dma_start3A_10 = tpu.memref_slice %arg10[%dma_start3A_7, %dma_start3A_8, %dma_start3A_9] : memref<4x200x128xf32, #tpu.memory_space<vmem>> -> memref<1x100x128xf32, #tpu.memory_space<vmem>>
    %dma_start3A_11 = tpu.memref_squeeze %dma_start3A_10 : memref<1x100x128xf32, #tpu.memory_space<vmem>> -> memref<100x128xf32, #tpu.memory_space<vmem>>
    %dma_start3A_12 = arith.constant 0 : i32
    %dma_start3A_13 = tpu.memref_slice %arg9[%dma_start3A, %dma_start3A_6, %dma_start3A_12] : memref<4x2x100xi32, #tpu.memory_space<vmem>> -> memref<1x1x100xi32, #tpu.memory_space<vmem>>
    %dma_start3A_14 = tpu.memref_squeeze %dma_start3A_13 : memref<1x1x100xi32, #tpu.memory_space<vmem>> -> memref<100xi32, #tpu.memory_space<vmem>>
    %dma_start3A_15 = arith.constant 0 : i32
    %dma_start3A_16 = arith.constant 0 : i32
    %dma_start3A_17 = tpu.memref_slice %arg3[%dma_start3A_15, %dma_start3A_16] : memref<100000x128xf32, #tpu.memory_space<hbm>> -> memref<100000x128xf32, #tpu.memory_space<hbm>>
    tpu.enqueue_indirect_dma source(%dma_start3A_17 : memref<100000x128xf32, #tpu.memory_space<hbm>>) target(%dma_start3A_11 : memref<100x128xf32, #tpu.memory_space<vmem>>) offsets(%dma_start3A_14 : memref<100xi32, #tpu.memory_space<vmem>>) semaphore(%arg15 : memref<!tpu.dma_semaphore, #tpu.memory_space<semaphore_mem>>)
    %dma_start3A_18 = arith.constant 0 : i32
    %dma_start3A_19 = arith.constant 1 : i32
    %dma_start3A_20 = arith.constant 0 : i32
    %dma_start3A_21 = arith.constant 100 : i32
    %dma_start3A_22 = arith.constant 0 : i32
    %dma_start3A_23 = tpu.memref_slice %arg10[%dma_start3A_20, %dma_start3A_21, %dma_start3A_22] : memref<4x200x128xf32, #tpu.memory_space<vmem>> -> memref<1x100x128xf32, #tpu.memory_space<vmem>>
    %dma_start3A_24 = tpu.memref_squeeze %dma_start3A_23 : memref<1x100x128xf32, #tpu.memory_space<vmem>> -> memref<100x128xf32, #tpu.memory_space<vmem>>
    %dma_start3A_25 = arith.constant 0 : i32
    %dma_start3A_26 = tpu.memref_slice %arg9[%dma_start3A_18, %dma_start3A_19, %dma_start3A_25] : memref<4x2x100xi32, #tpu.memory_space<vmem>> -> memref<1x1x100xi32, #tpu.memory_space<vmem>>
    %dma_start3A_27 = tpu.memref_squeeze %dma_start3A_26 : memref<1x1x100xi32, #tpu.memory_space<vmem>> -> memref<100xi32, #tpu.memory_space<vmem>>
    %dma_start3A_28 = arith.constant 0 : i32
    %dma_start3A_29 = arith.constant 0 : i32
    %dma_start3A_30 = tpu.memref_slice %arg3[%dma_start3A_28, %dma_start3A_29] : memref<100000x128xf32, #tpu.memory_space<hbm>> -> memref<100000x128xf32, #tpu.memory_space<hbm>>
    tpu.enqueue_indirect_dma source(%dma_start3A_30 : memref<100000x128xf32, #tpu.memory_space<hbm>>) target(%dma_start3A_24 : memref<100x128xf32, #tpu.memory_space<vmem>>) offsets(%dma_start3A_27 : memref<100xi32, #tpu.memory_space<vmem>>) semaphore(%arg15 : memref<!tpu.dma_semaphore, #tpu.memory_space<semaphore_mem>>)
    %add3A_31 = arith.constant 1 : i32
    %add3A_32 = arith.addi %mul3A_2, %add3A_31 : i32
    %dma_start3A_33 = arith.constant 1 : i32
    %dma_start3A_34 = arith.constant 0 : i32
    %dma_start3A_35 = arith.constant 0 : i32
    %dma_start3A_36 = tpu.memref_slice %arg9[%dma_start3A_33, %dma_start3A_34, %dma_start3A_35] : memref<4x2x100xi32, #tpu.memory_space<vmem>> -> memref<1x2x100xi32, #tpu.memory_space<vmem>>
    %dma_start3A_37 = tpu.memref_squeeze %dma_start3A_36 : memref<1x2x100xi32, #tpu.memory_space<vmem>> -> memref<2x100xi32, #tpu.memory_space<vmem>>
    %dma_start3A_38 = arith.constant 0 : i32
    %dma_start3A_39 = arith.constant 0 : i32
    %dma_start3A_40 = tpu.memref_slice %arg2[%add3A_32, %dma_start3A_38, %dma_start3A_39] : memref<1024x2x100xi32, #tpu.memory_space<hbm>> -> memref<1x2x100xi32, #tpu.memory_space<hbm>>
    %dma_start3A_41 = tpu.memref_squeeze %dma_start3A_40 : memref<1x2x100xi32, #tpu.memory_space<hbm>> -> memref<2x100xi32, #tpu.memory_space<hbm>>
    %dma_start3A_42 = arith.constant 0 : i32
    %dma_start3A_43 = arith.constant 0 : i32
    %dma_start3A_44 = tpu.memref_slice %arg9[%dma_start3A_33, %dma_start3A_42, %dma_start3A_43] : memref<4x2x100xi32, #tpu.memory_space<vmem>> -> memref<1x2x100xi32, #tpu.memory_space<vmem>>
    %dma_start3A_45 = tpu.memref_squeeze %dma_start3A_44 : memref<1x2x100xi32, #tpu.memory_space<vmem>> -> memref<2x100xi32, #tpu.memory_space<vmem>>
    %dma_start3A_46 = arith.constant 0 : i32
    %dma_start3A_47 = arith.constant 0 : i32
    %dma_start3A_48 = tpu.memref_slice %arg2[%add3A_32, %dma_start3A_46, %dma_start3A_47] : memref<1024x2x100xi32, #tpu.memory_space<hbm>> -> memref<1x2x100xi32, #tpu.memory_space<hbm>>
    %dma_start3A_49 = tpu.memref_squeeze %dma_start3A_48 : memref<1x2x100xi32, #tpu.memory_space<hbm>> -> memref<2x100xi32, #tpu.memory_space<hbm>>
    tpu.enqueue_dma source(%dma_start3A_49 : memref<2x100xi32, #tpu.memory_space<hbm>>) target(%dma_start3A_45 : memref<2x100xi32, #tpu.memory_space<vmem>>) target_semaphore(%arg24 : memref<!tpu.dma_semaphore, #tpu.memory_space<semaphore_mem>>)
    %scan3A = arith.constant 0 : i32
    %scan3A_50 = arith.constant 0 : i32
    %scan3A_51 = arith.constant 8 : i32
    %scan3A_52 = arith.addi %scan3A_50, %scan3A_51 : i32
    %scan3A_53 = arith.constant 1 : i32
    scf.for %scan3A_114 = %scan3A_50 to %scan3A_52 step %scan3A_53  : i32 {
      %mul3A_115 = arith.constant 4 : i32
      %mul3A_116 = arith.muli %scan3A_114, %mul3A_115 : i32
      %add3A_117 = arith.constant 0 : i32
      %add3A_118 = arith.addi %mul3A_116, %add3A_117 : i32
      %add3A_119 = arith.addi %mul3A_2, %add3A_118 : i32
      %add3A_120 = arith.constant 1 : i32
      %add3A_121 = arith.addi %add3A_118, %add3A_120 : i32
      %lt3A = arith.constant 32 : i32
      %lt3A_122 = arith.cmpi slt, %add3A_121, %lt3A : i32
      %convert_element_type3A = arith.extui %lt3A_122 : i1 to i32
      %cond3A = arith.constant 0 : i32
      %cond3A_123 = arith.cmpi ne, %convert_element_type3A, %cond3A : i32
      scf.if %cond3A_123 {
        %add3A_320 = arith.constant 1 : i32
        %add3A_321 = arith.addi %add3A_118, %add3A_320 : i32
        %ge3A = arith.constant 4 : i32
        %ge3A_322 = arith.cmpi sge, %add3A_321, %ge3A : i32
        %convert_element_type3A_323 = arith.extui %ge3A_322 : i1 to i32
        %cond3A_324 = arith.constant 0 : i32
        %cond3A_325 = arith.cmpi ne, %convert_element_type3A_323, %cond3A_324 : i32
        scf.if %cond3A_325 {
          %dma_wait3A_372 = arith.constant 1 : i32
          %dma_wait3A_373 = arith.constant 0 : i32
          %dma_wait3A_374 = arith.constant 0 : i32
          %dma_wait3A_375 = tpu.memref_slice %arg10[%dma_wait3A_372, %dma_wait3A_373, %dma_wait3A_374] : memref<4x200x128xf32, #tpu.memory_space<vmem>> -> memref<1x200x128xf32, #tpu.memory_space<vmem>>
          %dma_wait3A_376 = tpu.memref_squeeze %dma_wait3A_375 : memref<1x200x128xf32, #tpu.memory_space<vmem>> -> memref<200x128xf32, #tpu.memory_space<vmem>>
          %dma_wait3A_377 = arith.constant 0 : i32
          %dma_wait3A_378 = arith.constant 0 : i32
          %dma_wait3A_379 = tpu.memref_slice %arg8[%dma_wait3A_377, %dma_wait3A_378] : memref<204800x128xf32, #tpu.memory_space<hbm>> -> memref<200x128xf32, #tpu.memory_space<hbm>>
          %dma_wait3A_380 = arith.constant 0 : i32
          %dma_wait3A_381 = arith.constant 0 : i32
          %dma_wait3A_382 = tpu.memref_slice %arg8[%dma_wait3A_380, %dma_wait3A_381] : memref<204800x128xf32, #tpu.memory_space<hbm>> -> memref<200x128xf32, #tpu.memory_space<hbm>>
          %dma_wait3A_383 = arith.constant 0 : i32
          %dma_wait3A_384 = arith.constant 0 : i32
          %dma_wait3A_385 = tpu.memref_slice %arg10[%dma_wait3A_372, %dma_wait3A_383, %dma_wait3A_384] : memref<4x200x128xf32, #tpu.memory_space<vmem>> -> memref<1x200x128xf32, #tpu.memory_space<vmem>>
          %dma_wait3A_386 = tpu.memref_squeeze %dma_wait3A_385 : memref<1x200x128xf32, #tpu.memory_space<vmem>> -> memref<200x128xf32, #tpu.memory_space<vmem>>
          tpu.wait_dma2 semaphore(%arg20 : memref<!tpu.dma_semaphore, #tpu.memory_space<semaphore_mem>>) src(%dma_wait3A_386 : memref<200x128xf32, #tpu.memory_space<vmem>>) dst(%dma_wait3A_382 : memref<200x128xf32, #tpu.memory_space<hbm>>)
        } else {
        }
        %dma_wait3A_326 = arith.constant 0 : i32
        %dma_wait3A_327 = arith.constant 1 : i32
        %dma_wait3A_328 = arith.constant 0 : i32
        %dma_wait3A_329 = arith.constant 0 : i32
        %dma_wait3A_330 = tpu.memref_slice %arg9[%dma_wait3A_327, %dma_wait3A_328, %dma_wait3A_329] : memref<4x2x100xi32, #tpu.memory_space<vmem>> -> memref<1x2x100xi32, #tpu.memory_space<vmem>>
        %dma_wait3A_331 = tpu.memref_squeeze %dma_wait3A_330 : memref<1x2x100xi32, #tpu.memory_space<vmem>> -> memref<2x100xi32, #tpu.memory_space<vmem>>
        %dma_wait3A_332 = arith.constant 0 : i32
        %dma_wait3A_333 = arith.constant 0 : i32
        %dma_wait3A_334 = tpu.memref_slice %arg2[%dma_wait3A_326, %dma_wait3A_332, %dma_wait3A_333] : memref<1024x2x100xi32, #tpu.memory_space<hbm>> -> memref<1x2x100xi32, #tpu.memory_space<hbm>>
        %dma_wait3A_335 = tpu.memref_squeeze %dma_wait3A_334 : memref<1x2x100xi32, #tpu.memory_space<hbm>> -> memref<2x100xi32, #tpu.memory_space<hbm>>
        %dma_wait3A_336 = arith.constant 0 : i32
        %dma_wait3A_337 = arith.constant 0 : i32
        %dma_wait3A_338 = tpu.memref_slice %arg9[%dma_wait3A_327, %dma_wait3A_336, %dma_wait3A_337] : memref<4x2x100xi32, #tpu.memory_space<vmem>> -> memref<1x2x100xi32, #tpu.memory_space<vmem>>
        %dma_wait3A_339 = tpu.memref_squeeze %dma_wait3A_338 : memref<1x2x100xi32, #tpu.memory_space<vmem>> -> memref<2x100xi32, #tpu.memory_space<vmem>>
        %dma_wait3A_340 = arith.constant 0 : i32
        %dma_wait3A_341 = arith.constant 0 : i32
        %dma_wait3A_342 = tpu.memref_slice %arg2[%dma_wait3A_326, %dma_wait3A_340, %dma_wait3A_341] : memref<1024x2x100xi32, #tpu.memory_space<hbm>> -> memref<1x2x100xi32, #tpu.memory_space<hbm>>
        %dma_wait3A_343 = tpu.memref_squeeze %dma_wait3A_342 : memref<1x2x100xi32, #tpu.memory_space<hbm>> -> memref<2x100xi32, #tpu.memory_space<hbm>>
        tpu.wait_dma2 semaphore(%arg24 : memref<!tpu.dma_semaphore, #tpu.memory_space<semaphore_mem>>) src(%dma_wait3A_343 : memref<2x100xi32, #tpu.memory_space<hbm>>) dst(%dma_wait3A_339 : memref<2x100xi32, #tpu.memory_space<vmem>>)
        %add3A_344 = arith.constant 1 : i32
        %add3A_345 = arith.addi %add3A_119, %add3A_344 : i32
        %dma_start3A_346 = arith.constant 1 : i32
        %dma_start3A_347 = arith.constant 0 : i32
        %dma_start3A_348 = arith.constant 1 : i32
        %dma_start3A_349 = arith.constant 0 : i32
        %dma_start3A_350 = arith.constant 0 : i32
        %dma_start3A_351 = tpu.memref_slice %arg10[%dma_start3A_348, %dma_start3A_349, %dma_start3A_350] : memref<4x200x128xf32, #tpu.memory_space<vmem>> -> memref<1x100x128xf32, #tpu.memory_space<vmem>>
        %dma_start3A_352 = tpu.memref_squeeze %dma_start3A_351 : memref<1x100x128xf32, #tpu.memory_space<vmem>> -> memref<100x128xf32, #tpu.memory_space<vmem>>
        %dma_start3A_353 = arith.constant 0 : i32
        %dma_start3A_354 = tpu.memref_slice %arg9[%dma_start3A_346, %dma_start3A_347, %dma_start3A_353] : memref<4x2x100xi32, #tpu.memory_space<vmem>> -> memref<1x1x100xi32, #tpu.memory_space<vmem>>
        %dma_start3A_355 = tpu.memref_squeeze %dma_start3A_354 : memref<1x1x100xi32, #tpu.memory_space<vmem>> -> memref<100xi32, #tpu.memory_space<vmem>>
        %dma_start3A_356 = arith.constant 0 : i32
        %dma_start3A_357 = arith.constant 0 : i32
        %dma_start3A_358 = tpu.memref_slice %arg3[%dma_start3A_356, %dma_start3A_357] : memref<100000x128xf32, #tpu.memory_space<hbm>> -> memref<100000x128xf32, #tpu.memory_space<hbm>>
        tpu.enqueue_indirect_dma source(%dma_start3A_358 : memref<100000x128xf32, #tpu.memory_space<hbm>>) target(%dma_start3A_352 : memref<100x128xf32, #tpu.memory_space<vmem>>) offsets(%dma_start3A_355 : memref<100xi32, #tpu.memory_space<vmem>>) semaphore(%arg16 : memref<!tpu.dma_semaphore, #tpu.memory_space<semaphore_mem>>)
        %dma_start3A_359 = arith.constant 1 : i32
        %dma_start3A_360 = arith.constant 1 : i32
        %dma_start3A_361 = arith.constant 1 : i32
        %dma_start3A_362 = arith.constant 100 : i32
        %dma_start3A_363 = arith.constant 0 : i32
        %dma_start3A_364 = tpu.memref_slice %arg10[%dma_start3A_361, %dma_start3A_362, %dma_start3A_363] : memref<4x200x128xf32, #tpu.memory_space<vmem>> -> memref<1x100x128xf32, #tpu.memory_space<vmem>>
        %dma_start3A_365 = tpu.memref_squeeze %dma_start3A_364 : memref<1x100x128xf32, #tpu.memory_space<vmem>> -> memref<100x128xf32, #tpu.memory_space<vmem>>
        %dma_start3A_366 = arith.constant 0 : i32
        %dma_start3A_367 = tpu.memref_slice %arg9[%dma_start3A_359, %dma_start3A_360, %dma_start3A_366] : memref<4x2x100xi32, #tpu.memory_space<vmem>> -> memref<1x1x100xi32, #tpu.memory_space<vmem>>
        %dma_start3A_368 = tpu.memref_squeeze %dma_start3A_367 : memref<1x1x100xi32, #tpu.memory_space<vmem>> -> memref<100xi32, #tpu.memory_space<vmem>>
        %dma_start3A_369 = arith.constant 0 : i32
        %dma_start3A_370 = arith.constant 0 : i32
        %dma_start3A_371 = tpu.memref_slice %arg3[%dma_start3A_369, %dma_start3A_370] : memref<100000x128xf32, #tpu.memory_space<hbm>> -> memref<100000x128xf32, #tpu.memory_space<hbm>>
        tpu.enqueue_indirect_dma source(%dma_start3A_371 : memref<100000x128xf32, #tpu.memory_space<hbm>>) target(%dma_start3A_365 : memref<100x128xf32, #tpu.memory_space<vmem>>) offsets(%dma_start3A_368 : memref<100xi32, #tpu.memory_space<vmem>>) semaphore(%arg16 : memref<!tpu.dma_semaphore, #tpu.memory_space<semaphore_mem>>)
      } else {
      }
      %add3A_124 = arith.constant 2 : i32
      %add3A_125 = arith.addi %add3A_118, %add3A_124 : i32
      %lt3A_126 = arith.constant 32 : i32
      %lt3A_127 = arith.cmpi slt, %add3A_125, %lt3A_126 : i32
      %convert_element_type3A_128 = arith.extui %lt3A_127 : i1 to i32
      %cond3A_129 = arith.constant 0 : i32
      %cond3A_130 = arith.cmpi ne, %convert_element_type3A_128, %cond3A_129 : i32
      scf.if %cond3A_130 {
        %add3A_320 = arith.constant 2 : i32
        %add3A_321 = arith.addi %add3A_119, %add3A_320 : i32
        %dma_start3A_322 = arith.constant 2 : i32
        %dma_start3A_323 = arith.constant 0 : i32
        %dma_start3A_324 = arith.constant 0 : i32
        %dma_start3A_325 = tpu.memref_slice %arg9[%dma_start3A_322, %dma_start3A_323, %dma_start3A_324] : memref<4x2x100xi32, #tpu.memory_space<vmem>> -> memref<1x2x100xi32, #tpu.memory_space<vmem>>
        %dma_start3A_326 = tpu.memref_squeeze %dma_start3A_325 : memref<1x2x100xi32, #tpu.memory_space<vmem>> -> memref<2x100xi32, #tpu.memory_space<vmem>>
        %dma_start3A_327 = arith.constant 0 : i32
        %dma_start3A_328 = arith.constant 0 : i32
        %dma_start3A_329 = tpu.memref_slice %arg2[%add3A_321, %dma_start3A_327, %dma_start3A_328] : memref<1024x2x100xi32, #tpu.memory_space<hbm>> -> memref<1x2x100xi32, #tpu.memory_space<hbm>>
        %dma_start3A_330 = tpu.memref_squeeze %dma_start3A_329 : memref<1x2x100xi32, #tpu.memory_space<hbm>> -> memref<2x100xi32, #tpu.memory_space<hbm>>
        %dma_start3A_331 = arith.constant 0 : i32
        %dma_start3A_332 = arith.constant 0 : i32
        %dma_start3A_333 = tpu.memref_slice %arg9[%dma_start3A_322, %dma_start3A_331, %dma_start3A_332] : memref<4x2x100xi32, #tpu.memory_space<vmem>> -> memref<1x2x100xi32, #tpu.memory_space<vmem>>
        %dma_start3A_334 = tpu.memref_squeeze %dma_start3A_333 : memref<1x2x100xi32, #tpu.memory_space<vmem>> -> memref<2x100xi32, #tpu.memory_space<vmem>>
        %dma_start3A_335 = arith.constant 0 : i32
        %dma_start3A_336 = arith.constant 0 : i32
        %dma_start3A_337 = tpu.memref_slice %arg2[%add3A_321, %dma_start3A_335, %dma_start3A_336] : memref<1024x2x100xi32, #tpu.memory_space<hbm>> -> memref<1x2x100xi32, #tpu.memory_space<hbm>>
        %dma_start3A_338 = tpu.memref_squeeze %dma_start3A_337 : memref<1x2x100xi32, #tpu.memory_space<hbm>> -> memref<2x100xi32, #tpu.memory_space<hbm>>
        tpu.enqueue_dma source(%dma_start3A_338 : memref<2x100xi32, #tpu.memory_space<hbm>>) target(%dma_start3A_334 : memref<2x100xi32, #tpu.memory_space<vmem>>) target_semaphore(%arg25 : memref<!tpu.dma_semaphore, #tpu.memory_space<semaphore_mem>>)
      } else {
      }
      %dma_wait3A_131 = arith.constant 0 : i32
      %dma_wait3A_132 = arith.constant 0 : i32
      %dma_wait3A_133 = arith.constant 0 : i32
      %dma_wait3A_134 = tpu.memref_slice %arg10[%dma_wait3A_131, %dma_wait3A_132, %dma_wait3A_133] : memref<4x200x128xf32, #tpu.memory_space<vmem>> -> memref<1x200x128xf32, #tpu.memory_space<vmem>>
      %dma_wait3A_135 = tpu.memref_squeeze %dma_wait3A_134 : memref<1x200x128xf32, #tpu.memory_space<vmem>> -> memref<200x128xf32, #tpu.memory_space<vmem>>
      %dma_wait3A_136 = arith.constant 0 : i32
      %dma_wait3A_137 = arith.constant 0 : i32
      %dma_wait3A_138 = tpu.memref_slice %arg3[%dma_wait3A_136, %dma_wait3A_137] : memref<100000x128xf32, #tpu.memory_space<hbm>> -> memref<200x128xf32, #tpu.memory_space<hbm>>
      %dma_wait3A_139 = arith.constant 0 : i32
      %dma_wait3A_140 = arith.constant 0 : i32
      %dma_wait3A_141 = tpu.memref_slice %arg10[%dma_wait3A_131, %dma_wait3A_139, %dma_wait3A_140] : memref<4x200x128xf32, #tpu.memory_space<vmem>> -> memref<1x200x128xf32, #tpu.memory_space<vmem>>
      %dma_wait3A_142 = tpu.memref_squeeze %dma_wait3A_141 : memref<1x200x128xf32, #tpu.memory_space<vmem>> -> memref<200x128xf32, #tpu.memory_space<vmem>>
      %dma_wait3A_143 = arith.constant 0 : i32
      %dma_wait3A_144 = arith.constant 0 : i32
      %dma_wait3A_145 = tpu.memref_slice %arg3[%dma_wait3A_143, %dma_wait3A_144] : memref<100000x128xf32, #tpu.memory_space<hbm>> -> memref<200x128xf32, #tpu.memory_space<hbm>>
      tpu.wait_dma2 semaphore(%arg15 : memref<!tpu.dma_semaphore, #tpu.memory_space<semaphore_mem>>) src(%dma_wait3A_145 : memref<200x128xf32, #tpu.memory_space<hbm>>) dst(%dma_wait3A_142 : memref<200x128xf32, #tpu.memory_space<vmem>>)
      %parallel_loop3A_146 = arith.constant 0 : i32
      %parallel_loop3A_147 = arith.constant 200 : i32
      %parallel_loop3A_148 = arith.constant 1 : i32
      scf.for %parallel_loop3A_320 = %parallel_loop3A_146 to %parallel_loop3A_147 step %parallel_loop3A_148  : i32 {
        %parallel_loop3A_321 = arith.constant 0 : i32
        %parallel_loop3A_322 = arith.index_cast %parallel_loop3A_321 : i32 to index
        %parallel_loop3A_323 = arith.index_cast %parallel_loop3A_320 : i32 to index
        %parallel_loop3A_324 = arith.constant 0 : index
        %parallel_loop3A_325 = tpu.vector_load %arg10[%parallel_loop3A_322, %parallel_loop3A_323, %parallel_loop3A_324] {strides = array<i32>} : memref<4x200x128xf32, #tpu.memory_space<vmem>>, vector<16xf32>,
        %parallel_loop3A_326 = arith.index_cast %parallel_loop3A_320 : i32 to index
        %parallel_loop3A_327 = arith.constant 0 : index
        %parallel_loop3A_328 = tpu.vector_load %arg11[%parallel_loop3A_326, %parallel_loop3A_327] {strides = array<i32>} : memref<200x128xf32, #tpu.memory_space<vmem>>, vector<16xf32>,
        %parallel_loop3A_329 = arith.addf %parallel_loop3A_325, %parallel_loop3A_328 : vector<16xf32>
        %parallel_loop3A_330 = arith.constant 0 : i32
        %parallel_loop3A_331 = arith.index_cast %parallel_loop3A_330 : i32 to index
        %parallel_loop3A_332 = arith.index_cast %parallel_loop3A_320 : i32 to index
        %parallel_loop3A_333 = arith.constant 16 : index
        %parallel_loop3A_334 = tpu.vector_load %arg10[%parallel_loop3A_331, %parallel_loop3A_332, %parallel_loop3A_333] {strides = array<i32>} : memref<4x200x128xf32, #tpu.memory_space<vmem>>, vector<16xf32>,
        %parallel_loop3A_335 = arith.index_cast %parallel_loop3A_320 : i32 to index
        %parallel_loop3A_336 = arith.constant 16 : index
        %parallel_loop3A_337 = tpu.vector_load %arg11[%parallel_loop3A_335, %parallel_loop3A_336] {strides = array<i32>} : memref<200x128xf32, #tpu.memory_space<vmem>>, vector<16xf32>,
        %parallel_loop3A_338 = arith.addf %parallel_loop3A_334, %parallel_loop3A_337 : vector<16xf32>
        %parallel_loop3A_339 = arith.constant 0 : i32
        %parallel_loop3A_340 = arith.index_cast %parallel_loop3A_339 : i32 to index
        %parallel_loop3A_341 = arith.index_cast %parallel_loop3A_320 : i32 to index
        %parallel_loop3A_342 = arith.constant 32 : index
        %parallel_loop3A_343 = tpu.vector_load %arg10[%parallel_loop3A_340, %parallel_loop3A_341, %parallel_loop3A_342] {strides = array<i32>} : memref<4x200x128xf32, #tpu.memory_space<vmem>>, vector<16xf32>,
        %parallel_loop3A_344 = arith.index_cast %parallel_loop3A_320 : i32 to index
        %parallel_loop3A_345 = arith.constant 32 : index
        %parallel_loop3A_346 = tpu.vector_load %arg11[%parallel_loop3A_344, %parallel_loop3A_345] {strides = array<i32>} : memref<200x128xf32, #tpu.memory_space<vmem>>, vector<16xf32>,
        %parallel_loop3A_347 = arith.addf %parallel_loop3A_343, %parallel_loop3A_346 : vector<16xf32>
        %parallel_loop3A_348 = arith.constant 0 : i32
        %parallel_loop3A_349 = arith.index_cast %parallel_loop3A_348 : i32 to index
        %parallel_loop3A_350 = arith.index_cast %parallel_loop3A_320 : i32 to index
        %parallel_loop3A_351 = arith.constant 48 : index
        %parallel_loop3A_352 = tpu.vector_load %arg10[%parallel_loop3A_349, %parallel_loop3A_350, %parallel_loop3A_351] {strides = array<i32>} : memref<4x200x128xf32, #tpu.memory_space<vmem>>, vector<16xf32>,
        %parallel_loop3A_353 = arith.index_cast %parallel_loop3A_320 : i32 to index
        %parallel_loop3A_354 = arith.constant 48 : index
        %parallel_loop3A_355 = tpu.vector_load %arg11[%parallel_loop3A_353, %parallel_loop3A_354] {strides = array<i32>} : memref<200x128xf32, #tpu.memory_space<vmem>>, vector<16xf32>,
        %parallel_loop3A_356 = arith.addf %parallel_loop3A_352, %parallel_loop3A_355 : vector<16xf32>
        %parallel_loop3A_357 = arith.constant 0 : i32
        %parallel_loop3A_358 = arith.index_cast %parallel_loop3A_357 : i32 to index
        %parallel_loop3A_359 = arith.index_cast %parallel_loop3A_320 : i32 to index
        %parallel_loop3A_360 = arith.constant 64 : index
        %parallel_loop3A_361 = tpu.vector_load %arg10[%parallel_loop3A_358, %parallel_loop3A_359, %parallel_loop3A_360] {strides = array<i32>} : memref<4x200x128xf32, #tpu.memory_space<vmem>>, vector<16xf32>,
        %parallel_loop3A_362 = arith.index_cast %parallel_loop3A_320 : i32 to index
        %parallel_loop3A_363 = arith.constant 64 : index
        %parallel_loop3A_364 = tpu.vector_load %arg11[%parallel_loop3A_362, %parallel_loop3A_363] {strides = array<i32>} : memref<200x128xf32, #tpu.memory_space<vmem>>, vector<16xf32>,
        %parallel_loop3A_365 = arith.addf %parallel_loop3A_361, %parallel_loop3A_364 : vector<16xf32>
        %parallel_loop3A_366 = arith.constant 0 : i32
        %parallel_loop3A_367 = arith.index_cast %parallel_loop3A_366 : i32 to index
        %parallel_loop3A_368 = arith.index_cast %parallel_loop3A_320 : i32 to index
        %parallel_loop3A_369 = arith.constant 80 : index
        %parallel_loop3A_370 = tpu.vector_load %arg10[%parallel_loop3A_367, %parallel_loop3A_368, %parallel_loop3A_369] {strides = array<i32>} : memref<4x200x128xf32, #tpu.memory_space<vmem>>, vector<16xf32>,
        %parallel_loop3A_371 = arith.index_cast %parallel_loop3A_320 : i32 to index
        %parallel_loop3A_372 = arith.constant 80 : index
        %parallel_loop3A_373 = tpu.vector_load %arg11[%parallel_loop3A_371, %parallel_loop3A_372] {strides = array<i32>} : memref<200x128xf32, #tpu.memory_space<vmem>>, vector<16xf32>,
        %parallel_loop3A_374 = arith.addf %parallel_loop3A_370, %parallel_loop3A_373 : vector<16xf32>
        %parallel_loop3A_375 = arith.constant 0 : i32
        %parallel_loop3A_376 = arith.index_cast %parallel_loop3A_375 : i32 to index
        %parallel_loop3A_377 = arith.index_cast %parallel_loop3A_320 : i32 to index
        %parallel_loop3A_378 = arith.constant 96 : index
        %parallel_loop3A_379 = tpu.vector_load %arg10[%parallel_loop3A_376, %parallel_loop3A_377, %parallel_loop3A_378] {strides = array<i32>} : memref<4x200x128xf32, #tpu.memory_space<vmem>>, vector<16xf32>,
        %parallel_loop3A_380 = arith.index_cast %parallel_loop3A_320 : i32 to index
        %parallel_loop3A_381 = arith.constant 96 : index
        %parallel_loop3A_382 = tpu.vector_load %arg11[%parallel_loop3A_380, %parallel_loop3A_381] {strides = array<i32>} : memref<200x128xf32, #tpu.memory_space<vmem>>, vector<16xf32>,
        %parallel_loop3A_383 = arith.addf %parallel_loop3A_379, %parallel_loop3A_382 : vector<16xf32>
        %parallel_loop3A_384 = arith.constant 0 : i32
        %parallel_loop3A_385 = arith.index_cast %parallel_loop3A_384 : i32 to index
        %parallel_loop3A_386 = arith.index_cast %parallel_loop3A_320 : i32 to index
        %parallel_loop3A_387 = arith.constant 112 : index
        %parallel_loop3A_388 = tpu.vector_load %arg10[%parallel_loop3A_385, %parallel_loop3A_386, %parallel_loop3A_387] {strides = array<i32>} : memref<4x200x128xf32, #tpu.memory_space<vmem>>, vector<16xf32>,
        %parallel_loop3A_389 = arith.index_cast %parallel_loop3A_320 : i32 to index
        %parallel_loop3A_390 = arith.constant 112 : index
        %parallel_loop3A_391 = tpu.vector_load %arg11[%parallel_loop3A_389, %parallel_loop3A_390] {strides = array<i32>} : memref<200x128xf32, #tpu.memory_space<vmem>>, vector<16xf32>,
        %parallel_loop3A_392 = arith.addf %parallel_loop3A_388, %parallel_loop3A_391 : vector<16xf32>
        %parallel_loop3A_393 = arith.addf %parallel_loop3A_329, %parallel_loop3A_338 : vector<16xf32>
        %parallel_loop3A_394 = arith.addf %parallel_loop3A_393, %parallel_loop3A_347 : vector<16xf32>
        %parallel_loop3A_395 = arith.addf %parallel_loop3A_394, %parallel_loop3A_356 : vector<16xf32>
        %parallel_loop3A_396 = arith.addf %parallel_loop3A_395, %parallel_loop3A_365 : vector<16xf32>
        %parallel_loop3A_397 = arith.addf %parallel_loop3A_396, %parallel_loop3A_374 : vector<16xf32>
        %parallel_loop3A_398 = arith.addf %parallel_loop3A_397, %parallel_loop3A_383 : vector<16xf32>
        %parallel_loop3A_399 = arith.addf %parallel_loop3A_398, %parallel_loop3A_392 : vector<16xf32>
        %parallel_loop3A_400 = arith.mulf %parallel_loop3A_329, %parallel_loop3A_329 : vector<16xf32>
        %parallel_loop3A_401 = arith.mulf %parallel_loop3A_338, %parallel_loop3A_338 : vector<16xf32>
        %parallel_loop3A_402 = arith.addf %parallel_loop3A_400, %parallel_loop3A_401 : vector<16xf32>
        %parallel_loop3A_403 = arith.mulf %parallel_loop3A_347, %parallel_loop3A_347 : vector<16xf32>
        %parallel_loop3A_404 = arith.addf %parallel_loop3A_402, %parallel_loop3A_403 : vector<16xf32>
        %parallel_loop3A_405 = arith.mulf %parallel_loop3A_356, %parallel_loop3A_356 : vector<16xf32>
        %parallel_loop3A_406 = arith.addf %parallel_loop3A_404, %parallel_loop3A_405 : vector<16xf32>
        %parallel_loop3A_407 = arith.mulf %parallel_loop3A_365, %parallel_loop3A_365 : vector<16xf32>
        %parallel_loop3A_408 = arith.addf %parallel_loop3A_406, %parallel_loop3A_407 : vector<16xf32>
        %parallel_loop3A_409 = arith.mulf %parallel_loop3A_374, %parallel_loop3A_374 : vector<16xf32>
        %parallel_loop3A_410 = arith.addf %parallel_loop3A_408, %parallel_loop3A_409 : vector<16xf32>
        %parallel_loop3A_411 = arith.mulf %parallel_loop3A_383, %parallel_loop3A_383 : vector<16xf32>
        %parallel_loop3A_412 = arith.addf %parallel_loop3A_410, %parallel_loop3A_411 : vector<16xf32>
        %parallel_loop3A_413 = arith.mulf %parallel_loop3A_392, %parallel_loop3A_392 : vector<16xf32>
        %parallel_loop3A_414 = arith.addf %parallel_loop3A_412, %parallel_loop3A_413 : vector<16xf32>
        %parallel_loop3A_415 = arith.constant true
        %parallel_loop3A_416 = vector.broadcast %parallel_loop3A_415 : i1 to vector<16xi1>
        %parallel_loop3A_417 = tpu.scan <sum>, %parallel_loop3A_399 masked %parallel_loop3A_416 : vector<16xf32>, vector<16xi1> -> vector<16xf32>
        %parallel_loop3A_418 = vector.extract_strided_slice %parallel_loop3A_417 {offsets = [15], sizes = [1], strides = [1]} : vector<16xf32> to vector<1xf32>
        %parallel_loop3A_419 = vector.extract %parallel_loop3A_418[0] : f32 from vector<1xf32>
        %parallel_loop3A_420 = arith.constant true
        %parallel_loop3A_421 = vector.broadcast %parallel_loop3A_420 : i1 to vector<16xi1>
        %parallel_loop3A_422 = tpu.scan <sum>, %parallel_loop3A_414 masked %parallel_loop3A_421 : vector<16xf32>, vector<16xi1> -> vector<16xf32>
        %parallel_loop3A_423 = vector.extract_strided_slice %parallel_loop3A_422 {offsets = [15], sizes = [1], strides = [1]} : vector<16xf32> to vector<1xf32>
        %parallel_loop3A_424 = vector.extract %parallel_loop3A_423[0] : f32 from vector<1xf32>
        %parallel_loop3A_425 = arith.constant 7.812500e-03 : f32
        %parallel_loop3A_426 = arith.mulf %parallel_loop3A_419, %parallel_loop3A_425 : f32
        %parallel_loop3A_427 = arith.constant 7.812500e-03 : f32
        %parallel_loop3A_428 = arith.mulf %parallel_loop3A_424, %parallel_loop3A_427 : f32
        %parallel_loop3A_429 = arith.mulf %parallel_loop3A_426, %parallel_loop3A_426 : f32
        %parallel_loop3A_430 = arith.subf %parallel_loop3A_428, %parallel_loop3A_429 : f32
        %parallel_loop3A_431 = arith.constant 9.99999996E-13 : f32
        %parallel_loop3A_432 = arith.addf %parallel_loop3A_430, %parallel_loop3A_431 : f32
        %parallel_loop3A_433 = arith.bitcast %parallel_loop3A_432 : f32 to i32
        %parallel_loop3A_434 = arith.constant 1 : i32
        %parallel_loop3A_435 = arith.shrsi %parallel_loop3A_433, %parallel_loop3A_434 : i32
        %parallel_loop3A_436 = arith.constant 1597463007 : i32
        %parallel_loop3A_437 = arith.subi %parallel_loop3A_436, %parallel_loop3A_435 : i32
        %parallel_loop3A_438 = arith.bitcast %parallel_loop3A_437 : i32 to f32
        %parallel_loop3A_439 = arith.constant 5.000000e-01 : f32
        %parallel_loop3A_440 = arith.mulf %parallel_loop3A_439, %parallel_loop3A_432 : f32
        %parallel_loop3A_441 = arith.mulf %parallel_loop3A_440, %parallel_loop3A_438 : f32
        %parallel_loop3A_442 = arith.mulf %parallel_loop3A_441, %parallel_loop3A_438 : f32
        %parallel_loop3A_443 = arith.constant 1.500000e+00 : f32
        %parallel_loop3A_444 = arith.subf %parallel_loop3A_443, %parallel_loop3A_442 : f32
        %parallel_loop3A_445 = arith.mulf %parallel_loop3A_438, %parallel_loop3A_444 : f32
        %parallel_loop3A_446 = arith.mulf %parallel_loop3A_440, %parallel_loop3A_445 : f32
        %parallel_loop3A_447 = arith.mulf %parallel_loop3A_446, %parallel_loop3A_445 : f32
        %parallel_loop3A_448 = arith.constant 1.500000e+00 : f32
        %parallel_loop3A_449 = arith.subf %parallel_loop3A_448, %parallel_loop3A_447 : f32
        %parallel_loop3A_450 = arith.mulf %parallel_loop3A_445, %parallel_loop3A_449 : f32
        %parallel_loop3A_451 = vector.broadcast %parallel_loop3A_426 : f32 to vector<16xf32>
        %parallel_loop3A_452 = arith.subf %parallel_loop3A_329, %parallel_loop3A_451 : vector<16xf32>
        %parallel_loop3A_453 = vector.broadcast %parallel_loop3A_450 : f32 to vector<16xf32>
        %parallel_loop3A_454 = arith.mulf %parallel_loop3A_452, %parallel_loop3A_453 : vector<16xf32>
        %parallel_loop3A_455 = arith.constant 0 : index
        %parallel_loop3A_456 = tpu.vector_load %arg12[%parallel_loop3A_455] {strides = array<i32>} : memref<128xf32, #tpu.memory_space<vmem>>, vector<16xf32>,
        %parallel_loop3A_457 = arith.mulf %parallel_loop3A_454, %parallel_loop3A_456 : vector<16xf32>
        %parallel_loop3A_458 = arith.constant 0 : index
        %parallel_loop3A_459 = tpu.vector_load %arg13[%parallel_loop3A_458] {strides = array<i32>} : memref<128xf32, #tpu.memory_space<vmem>>, vector<16xf32>,
        %parallel_loop3A_460 = arith.addf %parallel_loop3A_457, %parallel_loop3A_459 : vector<16xf32>
        %parallel_loop3A_461 = arith.constant 0 : i32
        %parallel_loop3A_462 = arith.index_cast %parallel_loop3A_461 : i32 to index
        %parallel_loop3A_463 = arith.index_cast %parallel_loop3A_320 : i32 to index
        %parallel_loop3A_464 = arith.constant 0 : index
        %parallel_loop3A_465 = tpu.vector_load %arg10[%parallel_loop3A_462, %parallel_loop3A_463, %parallel_loop3A_464] {strides = array<i32>} : memref<4x200x128xf32, #tpu.memory_space<vmem>>, vector<16xf32>,
        tpu.vector_store %arg10[%parallel_loop3A_462, %parallel_loop3A_463, %parallel_loop3A_464], %parallel_loop3A_460 {strides = array<i32>} : memref<4x200x128xf32, #tpu.memory_space<vmem>>, vector<16xf32>,
        %parallel_loop3A_466 = vector.broadcast %parallel_loop3A_426 : f32 to vector<16xf32>
        %parallel_loop3A_467 = arith.subf %parallel_loop3A_338, %parallel_loop3A_466 : vector<16xf32>
        %parallel_loop3A_468 = vector.broadcast %parallel_loop3A_450 : f32 to vector<16xf32>
        %parallel_loop3A_469 = arith.mulf %parallel_loop3A_467, %parallel_loop3A_468 : vector<16xf32>
        %parallel_loop3A_470 = arith.constant 16 : index
        %parallel_loop3A_471 = tpu.vector_load %arg12[%parallel_loop3A_470] {strides = array<i32>} : memref<128xf32, #tpu.memory_space<vmem>>, vector<16xf32>,
        %parallel_loop3A_472 = arith.mulf %parallel_loop3A_469, %parallel_loop3A_471 : vector<16xf32>
        %parallel_loop3A_473 = arith.constant 16 : index
        %parallel_loop3A_474 = tpu.vector_load %arg13[%parallel_loop3A_473] {strides = array<i32>} : memref<128xf32, #tpu.memory_space<vmem>>, vector<16xf32>,
        %parallel_loop3A_475 = arith.addf %parallel_loop3A_472, %parallel_loop3A_474 : vector<16xf32>
        %parallel_loop3A_476 = arith.constant 0 : i32
        %parallel_loop3A_477 = arith.index_cast %parallel_loop3A_476 : i32 to index
        %parallel_loop3A_478 = arith.index_cast %parallel_loop3A_320 : i32 to index
        %parallel_loop3A_479 = arith.constant 16 : index
        %parallel_loop3A_480 = tpu.vector_load %arg10[%parallel_loop3A_477, %parallel_loop3A_478, %parallel_loop3A_479] {strides = array<i32>} : memref<4x200x128xf32, #tpu.memory_space<vmem>>, vector<16xf32>,
        tpu.vector_store %arg10[%parallel_loop3A_477, %parallel_loop3A_478, %parallel_loop3A_479], %parallel_loop3A_475 {strides = array<i32>} : memref<4x200x128xf32, #tpu.memory_space<vmem>>, vector<16xf32>,
        %parallel_loop3A_481 = vector.broadcast %parallel_loop3A_426 : f32 to vector<16xf32>
        %parallel_loop3A_482 = arith.subf %parallel_loop3A_347, %parallel_loop3A_481 : vector<16xf32>
        %parallel_loop3A_483 = vector.broadcast %parallel_loop3A_450 : f32 to vector<16xf32>
        %parallel_loop3A_484 = arith.mulf %parallel_loop3A_482, %parallel_loop3A_483 : vector<16xf32>
        %parallel_loop3A_485 = arith.constant 32 : index
        %parallel_loop3A_486 = tpu.vector_load %arg12[%parallel_loop3A_485] {strides = array<i32>} : memref<128xf32, #tpu.memory_space<vmem>>, vector<16xf32>,
        %parallel_loop3A_487 = arith.mulf %parallel_loop3A_484, %parallel_loop3A_486 : vector<16xf32>
        %parallel_loop3A_488 = arith.constant 32 : index
        %parallel_loop3A_489 = tpu.vector_load %arg13[%parallel_loop3A_488] {strides = array<i32>} : memref<128xf32, #tpu.memory_space<vmem>>, vector<16xf32>,
        %parallel_loop3A_490 = arith.addf %parallel_loop3A_487, %parallel_loop3A_489 : vector<16xf32>
        %parallel_loop3A_491 = arith.constant 0 : i32
        %parallel_loop3A_492 = arith.index_cast %parallel_loop3A_491 : i32 to index
        %parallel_loop3A_493 = arith.index_cast %parallel_loop3A_320 : i32 to index
        %parallel_loop3A_494 = arith.constant 32 : index
        %parallel_loop3A_495 = tpu.vector_load %arg10[%parallel_loop3A_492, %parallel_loop3A_493, %parallel_loop3A_494] {strides = array<i32>} : memref<4x200x128xf32, #tpu.memory_space<vmem>>, vector<16xf32>,
        tpu.vector_store %arg10[%parallel_loop3A_492, %parallel_loop3A_493, %parallel_loop3A_494], %parallel_loop3A_490 {strides = array<i32>} : memref<4x200x128xf32, #tpu.memory_space<vmem>>, vector<16xf32>,
        %parallel_loop3A_496 = vector.broadcast %parallel_loop3A_426 : f32 to vector<16xf32>
        %parallel_loop3A_497 = arith.subf %parallel_loop3A_356, %parallel_loop3A_496 : vector<16xf32>
        %parallel_loop3A_498 = vector.broadcast %parallel_loop3A_450 : f32 to vector<16xf32>
        %parallel_loop3A_499 = arith.mulf %parallel_loop3A_497, %parallel_loop3A_498 : vector<16xf32>
        %parallel_loop3A_500 = arith.constant 48 : index
        %parallel_loop3A_501 = tpu.vector_load %arg12[%parallel_loop3A_500] {strides = array<i32>} : memref<128xf32, #tpu.memory_space<vmem>>, vector<16xf32>,
        %parallel_loop3A_502 = arith.mulf %parallel_loop3A_499, %parallel_loop3A_501 : vector<16xf32>
        %parallel_loop3A_503 = arith.constant 48 : index
        %parallel_loop3A_504 = tpu.vector_load %arg13[%parallel_loop3A_503] {strides = array<i32>} : memref<128xf32, #tpu.memory_space<vmem>>, vector<16xf32>,
        %parallel_loop3A_505 = arith.addf %parallel_loop3A_502, %parallel_loop3A_504 : vector<16xf32>
        %parallel_loop3A_506 = arith.constant 0 : i32
        %parallel_loop3A_507 = arith.index_cast %parallel_loop3A_506 : i32 to index
        %parallel_loop3A_508 = arith.index_cast %parallel_loop3A_320 : i32 to index
        %parallel_loop3A_509 = arith.constant 48 : index
        %parallel_loop3A_510 = tpu.vector_load %arg10[%parallel_loop3A_507, %parallel_loop3A_508, %parallel_loop3A_509] {strides = array<i32>} : memref<4x200x128xf32, #tpu.memory_space<vmem>>, vector<16xf32>,
        tpu.vector_store %arg10[%parallel_loop3A_507, %parallel_loop3A_508, %parallel_loop3A_509], %parallel_loop3A_505 {strides = array<i32>} : memref<4x200x128xf32, #tpu.memory_space<vmem>>, vector<16xf32>,
        %parallel_loop3A_511 = vector.broadcast %parallel_loop3A_426 : f32 to vector<16xf32>
        %parallel_loop3A_512 = arith.subf %parallel_loop3A_365, %parallel_loop3A_511 : vector<16xf32>
        %parallel_loop3A_513 = vector.broadcast %parallel_loop3A_450 : f32 to vector<16xf32>
        %parallel_loop3A_514 = arith.mulf %parallel_loop3A_512, %parallel_loop3A_513 : vector<16xf32>
        %parallel_loop3A_515 = arith.constant 64 : index
        %parallel_loop3A_516 = tpu.vector_load %arg12[%parallel_loop3A_515] {strides = array<i32>} : memref<128xf32, #tpu.memory_space<vmem>>, vector<16xf32>,
        %parallel_loop3A_517 = arith.mulf %parallel_loop3A_514, %parallel_loop3A_516 : vector<16xf32>
        %parallel_loop3A_518 = arith.constant 64 : index
        %parallel_loop3A_519 = tpu.vector_load %arg13[%parallel_loop3A_518] {strides = array<i32>} : memref<128xf32, #tpu.memory_space<vmem>>, vector<16xf32>,
        %parallel_loop3A_520 = arith.addf %parallel_loop3A_517, %parallel_loop3A_519 : vector<16xf32>
        %parallel_loop3A_521 = arith.constant 0 : i32
        %parallel_loop3A_522 = arith.index_cast %parallel_loop3A_521 : i32 to index
        %parallel_loop3A_523 = arith.index_cast %parallel_loop3A_320 : i32 to index
        %parallel_loop3A_524 = arith.constant 64 : index
        %parallel_loop3A_525 = tpu.vector_load %arg10[%parallel_loop3A_522, %parallel_loop3A_523, %parallel_loop3A_524] {strides = array<i32>} : memref<4x200x128xf32, #tpu.memory_space<vmem>>, vector<16xf32>,
        tpu.vector_store %arg10[%parallel_loop3A_522, %parallel_loop3A_523, %parallel_loop3A_524], %parallel_loop3A_520 {strides = array<i32>} : memref<4x200x128xf32, #tpu.memory_space<vmem>>, vector<16xf32>,
        %parallel_loop3A_526 = vector.broadcast %parallel_loop3A_426 : f32 to vector<16xf32>
        %parallel_loop3A_527 = arith.subf %parallel_loop3A_374, %parallel_loop3A_526 : vector<16xf32>
        %parallel_loop3A_528 = vector.broadcast %parallel_loop3A_450 : f32 to vector<16xf32>
        %parallel_loop3A_529 = arith.mulf %parallel_loop3A_527, %parallel_loop3A_528 : vector<16xf32>
        %parallel_loop3A_530 = arith.constant 80 : index
        %parallel_loop3A_531 = tpu.vector_load %arg12[%parallel_loop3A_530] {strides = array<i32>} : memref<128xf32, #tpu.memory_space<vmem>>, vector<16xf32>,
        %parallel_loop3A_532 = arith.mulf %parallel_loop3A_529, %parallel_loop3A_531 : vector<16xf32>
        %parallel_loop3A_533 = arith.constant 80 : index
        %parallel_loop3A_534 = tpu.vector_load %arg13[%parallel_loop3A_533] {strides = array<i32>} : memref<128xf32, #tpu.memory_space<vmem>>, vector<16xf32>,
        %parallel_loop3A_535 = arith.addf %parallel_loop3A_532, %parallel_loop3A_534 : vector<16xf32>
        %parallel_loop3A_536 = arith.constant 0 : i32
        %parallel_loop3A_537 = arith.index_cast %parallel_loop3A_536 : i32 to index
        %parallel_loop3A_538 = arith.index_cast %parallel_loop3A_320 : i32 to index
        %parallel_loop3A_539 = arith.constant 80 : index
        %parallel_loop3A_540 = tpu.vector_load %arg10[%parallel_loop3A_537, %parallel_loop3A_538, %parallel_loop3A_539] {strides = array<i32>} : memref<4x200x128xf32, #tpu.memory_space<vmem>>, vector<16xf32>,
        tpu.vector_store %arg10[%parallel_loop3A_537, %parallel_loop3A_538, %parallel_loop3A_539], %parallel_loop3A_535 {strides = array<i32>} : memref<4x200x128xf32, #tpu.memory_space<vmem>>, vector<16xf32>,
        %parallel_loop3A_541 = vector.broadcast %parallel_loop3A_426 : f32 to vector<16xf32>
        %parallel_loop3A_542 = arith.subf %parallel_loop3A_383, %parallel_loop3A_541 : vector<16xf32>
        %parallel_loop3A_543 = vector.broadcast %parallel_loop3A_450 : f32 to vector<16xf32>
        %parallel_loop3A_544 = arith.mulf %parallel_loop3A_542, %parallel_loop3A_543 : vector<16xf32>
        %parallel_loop3A_545 = arith.constant 96 : index
        %parallel_loop3A_546 = tpu.vector_load %arg12[%parallel_loop3A_545] {strides = array<i32>} : memref<128xf32, #tpu.memory_space<vmem>>, vector<16xf32>,
        %parallel_loop3A_547 = arith.mulf %parallel_loop3A_544, %parallel_loop3A_546 : vector<16xf32>
        %parallel_loop3A_548 = arith.constant 96 : index
        %parallel_loop3A_549 = tpu.vector_load %arg13[%parallel_loop3A_548] {strides = array<i32>} : memref<128xf32, #tpu.memory_space<vmem>>, vector<16xf32>,
        %parallel_loop3A_550 = arith.addf %parallel_loop3A_547, %parallel_loop3A_549 : vector<16xf32>
        %parallel_loop3A_551 = arith.constant 0 : i32
        %parallel_loop3A_552 = arith.index_cast %parallel_loop3A_551 : i32 to index
        %parallel_loop3A_553 = arith.index_cast %parallel_loop3A_320 : i32 to index
        %parallel_loop3A_554 = arith.constant 96 : index
        %parallel_loop3A_555 = tpu.vector_load %arg10[%parallel_loop3A_552, %parallel_loop3A_553, %parallel_loop3A_554] {strides = array<i32>} : memref<4x200x128xf32, #tpu.memory_space<vmem>>, vector<16xf32>,
        tpu.vector_store %arg10[%parallel_loop3A_552, %parallel_loop3A_553, %parallel_loop3A_554], %parallel_loop3A_550 {strides = array<i32>} : memref<4x200x128xf32, #tpu.memory_space<vmem>>, vector<16xf32>,
        %parallel_loop3A_556 = vector.broadcast %parallel_loop3A_426 : f32 to vector<16xf32>
        %parallel_loop3A_557 = arith.subf %parallel_loop3A_392, %parallel_loop3A_556 : vector<16xf32>
        %parallel_loop3A_558 = vector.broadcast %parallel_loop3A_450 : f32 to vector<16xf32>
        %parallel_loop3A_559 = arith.mulf %parallel_loop3A_557, %parallel_loop3A_558 : vector<16xf32>
        %parallel_loop3A_560 = arith.constant 112 : index
        %parallel_loop3A_561 = tpu.vector_load %arg12[%parallel_loop3A_560] {strides = array<i32>} : memref<128xf32, #tpu.memory_space<vmem>>, vector<16xf32>,
        %parallel_loop3A_562 = arith.mulf %parallel_loop3A_559, %parallel_loop3A_561 : vector<16xf32>
        %parallel_loop3A_563 = arith.constant 112 : index
        %parallel_loop3A_564 = tpu.vector_load %arg13[%parallel_loop3A_563] {strides = array<i32>} : memref<128xf32, #tpu.memory_space<vmem>>, vector<16xf32>,
        %parallel_loop3A_565 = arith.addf %parallel_loop3A_562, %parallel_loop3A_564 : vector<16xf32>
        %parallel_loop3A_566 = arith.constant 0 : i32
        %parallel_loop3A_567 = arith.index_cast %parallel_loop3A_566 : i32 to index
        %parallel_loop3A_568 = arith.index_cast %parallel_loop3A_320 : i32 to index
        %parallel_loop3A_569 = arith.constant 112 : index
        %parallel_loop3A_570 = tpu.vector_load %arg10[%parallel_loop3A_567, %parallel_loop3A_568, %parallel_loop3A_569] {strides = array<i32>} : memref<4x200x128xf32, #tpu.memory_space<vmem>>, vector<16xf32>,
        tpu.vector_store %arg10[%parallel_loop3A_567, %parallel_loop3A_568, %parallel_loop3A_569], %parallel_loop3A_565 {strides = array<i32>} : memref<4x200x128xf32, #tpu.memory_space<vmem>>, vector<16xf32>,
      } {sc.loop_unroll_factor = 3 : i64, sc.parallel_access}
      %mul3A_149 = arith.constant 200 : i32
      %mul3A_150 = arith.muli %add3A_119, %mul3A_149 : i32
      %dma_start3A_151 = arith.constant 0 : i32
      %dma_start3A_152 = arith.constant 0 : i32
      %dma_start3A_153 = arith.constant 0 : i32
      %dma_start3A_154 = tpu.memref_slice %arg10[%dma_start3A_151, %dma_start3A_152, %dma_start3A_153] : memref<4x200x128xf32, #tpu.memory_space<vmem>> -> memref<1x200x128xf32, #tpu.memory_space<vmem>>
      %dma_start3A_155 = tpu.memref_squeeze %dma_start3A_154 : memref<1x200x128xf32, #tpu.memory_space<vmem>> -> memref<200x128xf32, #tpu.memory_space<vmem>>
      %dma_start3A_156 = arith.constant 0 : i32
      %dma_start3A_157 = tpu.memref_slice %arg8[%mul3A_150, %dma_start3A_156] : memref<204800x128xf32, #tpu.memory_space<hbm>> -> memref<200x128xf32, #tpu.memory_space<hbm>>
      %dma_start3A_158 = arith.constant 0 : i32
      %dma_start3A_159 = tpu.memref_slice %arg8[%mul3A_150, %dma_start3A_158] : memref<204800x128xf32, #tpu.memory_space<hbm>> -> memref<200x128xf32, #tpu.memory_space<hbm>>
      %dma_start3A_160 = arith.constant 0 : i32
      %dma_start3A_161 = arith.constant 0 : i32
      %dma_start3A_162 = tpu.memref_slice %arg10[%dma_start3A_151, %dma_start3A_160, %dma_start3A_161] : memref<4x200x128xf32, #tpu.memory_space<vmem>> -> memref<1x200x128xf32, #tpu.memory_space<vmem>>
      %dma_start3A_163 = tpu.memref_squeeze %dma_start3A_162 : memref<1x200x128xf32, #tpu.memory_space<vmem>> -> memref<200x128xf32, #tpu.memory_space<vmem>>
      tpu.enqueue_dma source(%dma_start3A_163 : memref<200x128xf32, #tpu.memory_space<vmem>>) target(%dma_start3A_159 : memref<200x128xf32, #tpu.memory_space<hbm>>) target_semaphore(%arg19 : memref<!tpu.dma_semaphore, #tpu.memory_space<semaphore_mem>>)
      %mul3A_164 = arith.constant 4 : i32
      %mul3A_165 = arith.muli %scan3A_114, %mul3A_164 : i32
      %add3A_166 = arith.constant 1 : i32
      %add3A_167 = arith.addi %mul3A_165, %add3A_166 : i32
      %add3A_168 = arith.addi %mul3A_2, %add3A_167 : i32
      %add3A_169 = arith.constant 1 : i32
      %add3A_170 = arith.addi %add3A_167, %add3A_169 : i32
      %lt3A_171 = arith.constant 32 : i32
      %lt3A_172 = arith.cmpi slt, %add3A_170, %lt3A_171 : i32
      %convert_element_type3A_173 = arith.extui %lt3A_172 : i1 to i32
      %cond3A_174 = arith.constant 0 : i32
      %cond3A_175 = arith.cmpi ne, %convert_element_type3A_173, %cond3A_174 : i32
      scf.if %cond3A_175 {
        %add3A_320 = arith.constant 1 : i32
        %add3A_321 = arith.addi %add3A_167, %add3A_320 : i32
        %ge3A = arith.constant 4 : i32
        %ge3A_322 = arith.cmpi sge, %add3A_321, %ge3A : i32
        %convert_element_type3A_323 = arith.extui %ge3A_322 : i1 to i32
        %cond3A_324 = arith.constant 0 : i32
        %cond3A_325 = arith.cmpi ne, %convert_element_type3A_323, %cond3A_324 : i32
        scf.if %cond3A_325 {
          %dma_wait3A_372 = arith.constant 2 : i32
          %dma_wait3A_373 = arith.constant 0 : i32
          %dma_wait3A_374 = arith.constant 0 : i32
          %dma_wait3A_375 = tpu.memref_slice %arg10[%dma_wait3A_372, %dma_wait3A_373, %dma_wait3A_374] : memref<4x200x128xf32, #tpu.memory_space<vmem>> -> memref<1x200x128xf32, #tpu.memory_space<vmem>>
          %dma_wait3A_376 = tpu.memref_squeeze %dma_wait3A_375 : memref<1x200x128xf32, #tpu.memory_space<vmem>> -> memref<200x128xf32, #tpu.memory_space<vmem>>
          %dma_wait3A_377 = arith.constant 0 : i32
          %dma_wait3A_378 = arith.constant 0 : i32
          %dma_wait3A_379 = tpu.memref_slice %arg8[%dma_wait3A_377, %dma_wait3A_378] : memref<204800x128xf32, #tpu.memory_space<hbm>> -> memref<200x128xf32, #tpu.memory_space<hbm>>
          %dma_wait3A_380 = arith.constant 0 : i32
          %dma_wait3A_381 = arith.constant 0 : i32
          %dma_wait3A_382 = tpu.memref_slice %arg8[%dma_wait3A_380, %dma_wait3A_381] : memref<204800x128xf32, #tpu.memory_space<hbm>> -> memref<200x128xf32, #tpu.memory_space<hbm>>
          %dma_wait3A_383 = arith.constant 0 : i32
          %dma_wait3A_384 = arith.constant 0 : i32
          %dma_wait3A_385 = tpu.memref_slice %arg10[%dma_wait3A_372, %dma_wait3A_383, %dma_wait3A_384] : memref<4x200x128xf32, #tpu.memory_space<vmem>> -> memref<1x200x128xf32, #tpu.memory_space<vmem>>
          %dma_wait3A_386 = tpu.memref_squeeze %dma_wait3A_385 : memref<1x200x128xf32, #tpu.memory_space<vmem>> -> memref<200x128xf32, #tpu.memory_space<vmem>>
          tpu.wait_dma2 semaphore(%arg21 : memref<!tpu.dma_semaphore, #tpu.memory_space<semaphore_mem>>) src(%dma_wait3A_386 : memref<200x128xf32, #tpu.memory_space<vmem>>) dst(%dma_wait3A_382 : memref<200x128xf32, #tpu.memory_space<hbm>>)
        } else {
        }
        %dma_wait3A_326 = arith.constant 0 : i32
        %dma_wait3A_327 = arith.constant 2 : i32
        %dma_wait3A_328 = arith.constant 0 : i32
        %dma_wait3A_329 = arith.constant 0 : i32
        %dma_wait3A_330 = tpu.memref_slice %arg9[%dma_wait3A_327, %dma_wait3A_328, %dma_wait3A_329] : memref<4x2x100xi32, #tpu.memory_space<vmem>> -> memref<1x2x100xi32, #tpu.memory_space<vmem>>
        %dma_wait3A_331 = tpu.memref_squeeze %dma_wait3A_330 : memref<1x2x100xi32, #tpu.memory_space<vmem>> -> memref<2x100xi32, #tpu.memory_space<vmem>>
        %dma_wait3A_332 = arith.constant 0 : i32
        %dma_wait3A_333 = arith.constant 0 : i32
        %dma_wait3A_334 = tpu.memref_slice %arg2[%dma_wait3A_326, %dma_wait3A_332, %dma_wait3A_333] : memref<1024x2x100xi32, #tpu.memory_space<hbm>> -> memref<1x2x100xi32, #tpu.memory_space<hbm>>
        %dma_wait3A_335 = tpu.memref_squeeze %dma_wait3A_334 : memref<1x2x100xi32, #tpu.memory_space<hbm>> -> memref<2x100xi32, #tpu.memory_space<hbm>>
        %dma_wait3A_336 = arith.constant 0 : i32
        %dma_wait3A_337 = arith.constant 0 : i32
        %dma_wait3A_338 = tpu.memref_slice %arg9[%dma_wait3A_327, %dma_wait3A_336, %dma_wait3A_337] : memref<4x2x100xi32, #tpu.memory_space<vmem>> -> memref<1x2x100xi32, #tpu.memory_space<vmem>>
        %dma_wait3A_339 = tpu.memref_squeeze %dma_wait3A_338 : memref<1x2x100xi32, #tpu.memory_space<vmem>> -> memref<2x100xi32, #tpu.memory_space<vmem>>
        %dma_wait3A_340 = arith.constant 0 : i32
        %dma_wait3A_341 = arith.constant 0 : i32
        %dma_wait3A_342 = tpu.memref_slice %arg2[%dma_wait3A_326, %dma_wait3A_340, %dma_wait3A_341] : memref<1024x2x100xi32, #tpu.memory_space<hbm>> -> memref<1x2x100xi32, #tpu.memory_space<hbm>>
        %dma_wait3A_343 = tpu.memref_squeeze %dma_wait3A_342 : memref<1x2x100xi32, #tpu.memory_space<hbm>> -> memref<2x100xi32, #tpu.memory_space<hbm>>
        tpu.wait_dma2 semaphore(%arg25 : memref<!tpu.dma_semaphore, #tpu.memory_space<semaphore_mem>>) src(%dma_wait3A_343 : memref<2x100xi32, #tpu.memory_space<hbm>>) dst(%dma_wait3A_339 : memref<2x100xi32, #tpu.memory_space<vmem>>)
        %add3A_344 = arith.constant 1 : i32
        %add3A_345 = arith.addi %add3A_168, %add3A_344 : i32
        %dma_start3A_346 = arith.constant 2 : i32
        %dma_start3A_347 = arith.constant 0 : i32
        %dma_start3A_348 = arith.constant 2 : i32
        %dma_start3A_349 = arith.constant 0 : i32
        %dma_start3A_350 = arith.constant 0 : i32
        %dma_start3A_351 = tpu.memref_slice %arg10[%dma_start3A_348, %dma_start3A_349, %dma_start3A_350] : memref<4x200x128xf32, #tpu.memory_space<vmem>> -> memref<1x100x128xf32, #tpu.memory_space<vmem>>
        %dma_start3A_352 = tpu.memref_squeeze %dma_start3A_351 : memref<1x100x128xf32, #tpu.memory_space<vmem>> -> memref<100x128xf32, #tpu.memory_space<vmem>>
        %dma_start3A_353 = arith.constant 0 : i32
        %dma_start3A_354 = tpu.memref_slice %arg9[%dma_start3A_346, %dma_start3A_347, %dma_start3A_353] : memref<4x2x100xi32, #tpu.memory_space<vmem>> -> memref<1x1x100xi32, #tpu.memory_space<vmem>>
        %dma_start3A_355 = tpu.memref_squeeze %dma_start3A_354 : memref<1x1x100xi32, #tpu.memory_space<vmem>> -> memref<100xi32, #tpu.memory_space<vmem>>
        %dma_start3A_356 = arith.constant 0 : i32
        %dma_start3A_357 = arith.constant 0 : i32
        %dma_start3A_358 = tpu.memref_slice %arg3[%dma_start3A_356, %dma_start3A_357] : memref<100000x128xf32, #tpu.memory_space<hbm>> -> memref<100000x128xf32, #tpu.memory_space<hbm>>
        tpu.enqueue_indirect_dma source(%dma_start3A_358 : memref<100000x128xf32, #tpu.memory_space<hbm>>) target(%dma_start3A_352 : memref<100x128xf32, #tpu.memory_space<vmem>>) offsets(%dma_start3A_355 : memref<100xi32, #tpu.memory_space<vmem>>) semaphore(%arg17 : memref<!tpu.dma_semaphore, #tpu.memory_space<semaphore_mem>>)
        %dma_start3A_359 = arith.constant 2 : i32
        %dma_start3A_360 = arith.constant 1 : i32
        %dma_start3A_361 = arith.constant 2 : i32
        %dma_start3A_362 = arith.constant 100 : i32
        %dma_start3A_363 = arith.constant 0 : i32
        %dma_start3A_364 = tpu.memref_slice %arg10[%dma_start3A_361, %dma_start3A_362, %dma_start3A_363] : memref<4x200x128xf32, #tpu.memory_space<vmem>> -> memref<1x100x128xf32, #tpu.memory_space<vmem>>
        %dma_start3A_365 = tpu.memref_squeeze %dma_start3A_364 : memref<1x100x128xf32, #tpu.memory_space<vmem>> -> memref<100x128xf32, #tpu.memory_space<vmem>>
        %dma_start3A_366 = arith.constant 0 : i32
        %dma_start3A_367 = tpu.memref_slice %arg9[%dma_start3A_359, %dma_start3A_360, %dma_start3A_366] : memref<4x2x100xi32, #tpu.memory_space<vmem>> -> memref<1x1x100xi32, #tpu.memory_space<vmem>>
        %dma_start3A_368 = tpu.memref_squeeze %dma_start3A_367 : memref<1x1x100xi32, #tpu.memory_space<vmem>> -> memref<100xi32, #tpu.memory_space<vmem>>
        %dma_start3A_369 = arith.constant 0 : i32
        %dma_start3A_370 = arith.constant 0 : i32
        %dma_start3A_371 = tpu.memref_slice %arg3[%dma_start3A_369, %dma_start3A_370] : memref<100000x128xf32, #tpu.memory_space<hbm>> -> memref<100000x128xf32, #tpu.memory_space<hbm>>
        tpu.enqueue_indirect_dma source(%dma_start3A_371 : memref<100000x128xf32, #tpu.memory_space<hbm>>) target(%dma_start3A_365 : memref<100x128xf32, #tpu.memory_space<vmem>>) offsets(%dma_start3A_368 : memref<100xi32, #tpu.memory_space<vmem>>) semaphore(%arg17 : memref<!tpu.dma_semaphore, #tpu.memory_space<semaphore_mem>>)
      } else {
      }
      %add3A_176 = arith.constant 2 : i32
      %add3A_177 = arith.addi %add3A_167, %add3A_176 : i32
      %lt3A_178 = arith.constant 32 : i32
      %lt3A_179 = arith.cmpi slt, %add3A_177, %lt3A_178 : i32
      %convert_element_type3A_180 = arith.extui %lt3A_179 : i1 to i32
      %cond3A_181 = arith.constant 0 : i32
      %cond3A_182 = arith.cmpi ne, %convert_element_type3A_180, %cond3A_181 : i32
      scf.if %cond3A_182 {
        %add3A_320 = arith.constant 2 : i32
        %add3A_321 = arith.addi %add3A_168, %add3A_320 : i32
        %dma_start3A_322 = arith.constant 3 : i32
        %dma_start3A_323 = arith.constant 0 : i32
        %dma_start3A_324 = arith.constant 0 : i32
        %dma_start3A_325 = tpu.memref_slice %arg9[%dma_start3A_322, %dma_start3A_323, %dma_start3A_324] : memref<4x2x100xi32, #tpu.memory_space<vmem>> -> memref<1x2x100xi32, #tpu.memory_space<vmem>>
        %dma_start3A_326 = tpu.memref_squeeze %dma_start3A_325 : memref<1x2x100xi32, #tpu.memory_space<vmem>> -> memref<2x100xi32, #tpu.memory_space<vmem>>
        %dma_start3A_327 = arith.constant 0 : i32
        %dma_start3A_328 = arith.constant 0 : i32
        %dma_start3A_329 = tpu.memref_slice %arg2[%add3A_321, %dma_start3A_327, %dma_start3A_328] : memref<1024x2x100xi32, #tpu.memory_space<hbm>> -> memref<1x2x100xi32, #tpu.memory_space<hbm>>
        %dma_start3A_330 = tpu.memref_squeeze %dma_start3A_329 : memref<1x2x100xi32, #tpu.memory_space<hbm>> -> memref<2x100xi32, #tpu.memory_space<hbm>>
        %dma_start3A_331 = arith.constant 0 : i32
        %dma_start3A_332 = arith.constant 0 : i32
        %dma_start3A_333 = tpu.memref_slice %arg9[%dma_start3A_322, %dma_start3A_331, %dma_start3A_332] : memref<4x2x100xi32, #tpu.memory_space<vmem>> -> memref<1x2x100xi32, #tpu.memory_space<vmem>>
        %dma_start3A_334 = tpu.memref_squeeze %dma_start3A_333 : memref<1x2x100xi32, #tpu.memory_space<vmem>> -> memref<2x100xi32, #tpu.memory_space<vmem>>
        %dma_start3A_335 = arith.constant 0 : i32
        %dma_start3A_336 = arith.constant 0 : i32
        %dma_start3A_337 = tpu.memref_slice %arg2[%add3A_321, %dma_start3A_335, %dma_start3A_336] : memref<1024x2x100xi32, #tpu.memory_space<hbm>> -> memref<1x2x100xi32, #tpu.memory_space<hbm>>
        %dma_start3A_338 = tpu.memref_squeeze %dma_start3A_337 : memref<1x2x100xi32, #tpu.memory_space<hbm>> -> memref<2x100xi32, #tpu.memory_space<hbm>>
        tpu.enqueue_dma source(%dma_start3A_338 : memref<2x100xi32, #tpu.memory_space<hbm>>) target(%dma_start3A_334 : memref<2x100xi32, #tpu.memory_space<vmem>>) target_semaphore(%arg26 : memref<!tpu.dma_semaphore, #tpu.memory_space<semaphore_mem>>)
      } else {
      }
      %dma_wait3A_183 = arith.constant 1 : i32
      %dma_wait3A_184 = arith.constant 0 : i32
      %dma_wait3A_185 = arith.constant 0 : i32
      %dma_wait3A_186 = tpu.memref_slice %arg10[%dma_wait3A_183, %dma_wait3A_184, %dma_wait3A_185] : memref<4x200x128xf32, #tpu.memory_space<vmem>> -> memref<1x200x128xf32, #tpu.memory_space<vmem>>
      %dma_wait3A_187 = tpu.memref_squeeze %dma_wait3A_186 : memref<1x200x128xf32, #tpu.memory_space<vmem>> -> memref<200x128xf32, #tpu.memory_space<vmem>>
      %dma_wait3A_188 = arith.constant 0 : i32
      %dma_wait3A_189 = arith.constant 0 : i32
      %dma_wait3A_190 = tpu.memref_slice %arg3[%dma_wait3A_188, %dma_wait3A_189] : memref<100000x128xf32, #tpu.memory_space<hbm>> -> memref<200x128xf32, #tpu.memory_space<hbm>>
      %dma_wait3A_191 = arith.constant 0 : i32
      %dma_wait3A_192 = arith.constant 0 : i32
      %dma_wait3A_193 = tpu.memref_slice %arg10[%dma_wait3A_183, %dma_wait3A_191, %dma_wait3A_192] : memref<4x200x128xf32, #tpu.memory_space<vmem>> -> memref<1x200x128xf32, #tpu.memory_space<vmem>>
      %dma_wait3A_194 = tpu.memref_squeeze %dma_wait3A_193 : memref<1x200x128xf32, #tpu.memory_space<vmem>> -> memref<200x128xf32, #tpu.memory_space<vmem>>
      %dma_wait3A_195 = arith.constant 0 : i32
      %dma_wait3A_196 = arith.constant 0 : i32
      %dma_wait3A_197 = tpu.memref_slice %arg3[%dma_wait3A_195, %dma_wait3A_196] : memref<100000x128xf32, #tpu.memory_space<hbm>> -> memref<200x128xf32, #tpu.memory_space<hbm>>
      tpu.wait_dma2 semaphore(%arg16 : memref<!tpu.dma_semaphore, #tpu.memory_space<semaphore_mem>>) src(%dma_wait3A_197 : memref<200x128xf32, #tpu.memory_space<hbm>>) dst(%dma_wait3A_194 : memref<200x128xf32, #tpu.memory_space<vmem>>)
      %parallel_loop3A_198 = arith.constant 0 : i32
      %parallel_loop3A_199 = arith.constant 200 : i32
      %parallel_loop3A_200 = arith.constant 1 : i32
      scf.for %parallel_loop3A_320 = %parallel_loop3A_198 to %parallel_loop3A_199 step %parallel_loop3A_200  : i32 {
        %parallel_loop3A_321 = arith.constant 1 : i32
        %parallel_loop3A_322 = arith.index_cast %parallel_loop3A_321 : i32 to index
        %parallel_loop3A_323 = arith.index_cast %parallel_loop3A_320 : i32 to index
        %parallel_loop3A_324 = arith.constant 0 : index
        %parallel_loop3A_325 = tpu.vector_load %arg10[%parallel_loop3A_322, %parallel_loop3A_323, %parallel_loop3A_324] {strides = array<i32>} : memref<4x200x128xf32, #tpu.memory_space<vmem>>, vector<16xf32>,
        %parallel_loop3A_326 = arith.index_cast %parallel_loop3A_320 : i32 to index
        %parallel_loop3A_327 = arith.constant 0 : index
        %parallel_loop3A_328 = tpu.vector_load %arg11[%parallel_loop3A_326, %parallel_loop3A_327] {strides = array<i32>} : memref<200x128xf32, #tpu.memory_space<vmem>>, vector<16xf32>,
        %parallel_loop3A_329 = arith.addf %parallel_loop3A_325, %parallel_loop3A_328 : vector<16xf32>
        %parallel_loop3A_330 = arith.constant 1 : i32
        %parallel_loop3A_331 = arith.index_cast %parallel_loop3A_330 : i32 to index
        %parallel_loop3A_332 = arith.index_cast %parallel_loop3A_320 : i32 to index
        %parallel_loop3A_333 = arith.constant 16 : index
        %parallel_loop3A_334 = tpu.vector_load %arg10[%parallel_loop3A_331, %parallel_loop3A_332, %parallel_loop3A_333] {strides = array<i32>} : memref<4x200x128xf32, #tpu.memory_space<vmem>>, vector<16xf32>,
        %parallel_loop3A_335 = arith.index_cast %parallel_loop3A_320 : i32 to index
        %parallel_loop3A_336 = arith.constant 16 : index
        %parallel_loop3A_337 = tpu.vector_load %arg11[%parallel_loop3A_335, %parallel_loop3A_336] {strides = array<i32>} : memref<200x128xf32, #tpu.memory_space<vmem>>, vector<16xf32>,
        %parallel_loop3A_338 = arith.addf %parallel_loop3A_334, %parallel_loop3A_337 : vector<16xf32>
        %parallel_loop3A_339 = arith.constant 1 : i32
        %parallel_loop3A_340 = arith.index_cast %parallel_loop3A_339 : i32 to index
        %parallel_loop3A_341 = arith.index_cast %parallel_loop3A_320 : i32 to index
        %parallel_loop3A_342 = arith.constant 32 : index
        %parallel_loop3A_343 = tpu.vector_load %arg10[%parallel_loop3A_340, %parallel_loop3A_341, %parallel_loop3A_342] {strides = array<i32>} : memref<4x200x128xf32, #tpu.memory_space<vmem>>, vector<16xf32>,
        %parallel_loop3A_344 = arith.index_cast %parallel_loop3A_320 : i32 to index
        %parallel_loop3A_345 = arith.constant 32 : index
        %parallel_loop3A_346 = tpu.vector_load %arg11[%parallel_loop3A_344, %parallel_loop3A_345] {strides = array<i32>} : memref<200x128xf32, #tpu.memory_space<vmem>>, vector<16xf32>,
        %parallel_loop3A_347 = arith.addf %parallel_loop3A_343, %parallel_loop3A_346 : vector<16xf32>
        %parallel_loop3A_348 = arith.constant 1 : i32
        %parallel_loop3A_349 = arith.index_cast %parallel_loop3A_348 : i32 to index
        %parallel_loop3A_350 = arith.index_cast %parallel_loop3A_320 : i32 to index
        %parallel_loop3A_351 = arith.constant 48 : index
        %parallel_loop3A_352 = tpu.vector_load %arg10[%parallel_loop3A_349, %parallel_loop3A_350, %parallel_loop3A_351] {strides = array<i32>} : memref<4x200x128xf32, #tpu.memory_space<vmem>>, vector<16xf32>,
        %parallel_loop3A_353 = arith.index_cast %parallel_loop3A_320 : i32 to index
        %parallel_loop3A_354 = arith.constant 48 : index
        %parallel_loop3A_355 = tpu.vector_load %arg11[%parallel_loop3A_353, %parallel_loop3A_354] {strides = array<i32>} : memref<200x128xf32, #tpu.memory_space<vmem>>, vector<16xf32>,
        %parallel_loop3A_356 = arith.addf %parallel_loop3A_352, %parallel_loop3A_355 : vector<16xf32>
        %parallel_loop3A_357 = arith.constant 1 : i32
        %parallel_loop3A_358 = arith.index_cast %parallel_loop3A_357 : i32 to index
        %parallel_loop3A_359 = arith.index_cast %parallel_loop3A_320 : i32 to index
        %parallel_loop3A_360 = arith.constant 64 : index
        %parallel_loop3A_361 = tpu.vector_load %arg10[%parallel_loop3A_358, %parallel_loop3A_359, %parallel_loop3A_360] {strides = array<i32>} : memref<4x200x128xf32, #tpu.memory_space<vmem>>, vector<16xf32>,
        %parallel_loop3A_362 = arith.index_cast %parallel_loop3A_320 : i32 to index
        %parallel_loop3A_363 = arith.constant 64 : index
        %parallel_loop3A_364 = tpu.vector_load %arg11[%parallel_loop3A_362, %parallel_loop3A_363] {strides = array<i32>} : memref<200x128xf32, #tpu.memory_space<vmem>>, vector<16xf32>,
        %parallel_loop3A_365 = arith.addf %parallel_loop3A_361, %parallel_loop3A_364 : vector<16xf32>
        %parallel_loop3A_366 = arith.constant 1 : i32
        %parallel_loop3A_367 = arith.index_cast %parallel_loop3A_366 : i32 to index
        %parallel_loop3A_368 = arith.index_cast %parallel_loop3A_320 : i32 to index
        %parallel_loop3A_369 = arith.constant 80 : index
        %parallel_loop3A_370 = tpu.vector_load %arg10[%parallel_loop3A_367, %parallel_loop3A_368, %parallel_loop3A_369] {strides = array<i32>} : memref<4x200x128xf32, #tpu.memory_space<vmem>>, vector<16xf32>,
        %parallel_loop3A_371 = arith.index_cast %parallel_loop3A_320 : i32 to index
        %parallel_loop3A_372 = arith.constant 80 : index
        %parallel_loop3A_373 = tpu.vector_load %arg11[%parallel_loop3A_371, %parallel_loop3A_372] {strides = array<i32>} : memref<200x128xf32, #tpu.memory_space<vmem>>, vector<16xf32>,
        %parallel_loop3A_374 = arith.addf %parallel_loop3A_370, %parallel_loop3A_373 : vector<16xf32>
        %parallel_loop3A_375 = arith.constant 1 : i32
        %parallel_loop3A_376 = arith.index_cast %parallel_loop3A_375 : i32 to index
        %parallel_loop3A_377 = arith.index_cast %parallel_loop3A_320 : i32 to index
        %parallel_loop3A_378 = arith.constant 96 : index
        %parallel_loop3A_379 = tpu.vector_load %arg10[%parallel_loop3A_376, %parallel_loop3A_377, %parallel_loop3A_378] {strides = array<i32>} : memref<4x200x128xf32, #tpu.memory_space<vmem>>, vector<16xf32>,
        %parallel_loop3A_380 = arith.index_cast %parallel_loop3A_320 : i32 to index
        %parallel_loop3A_381 = arith.constant 96 : index
        %parallel_loop3A_382 = tpu.vector_load %arg11[%parallel_loop3A_380, %parallel_loop3A_381] {strides = array<i32>} : memref<200x128xf32, #tpu.memory_space<vmem>>, vector<16xf32>,
        %parallel_loop3A_383 = arith.addf %parallel_loop3A_379, %parallel_loop3A_382 : vector<16xf32>
        %parallel_loop3A_384 = arith.constant 1 : i32
        %parallel_loop3A_385 = arith.index_cast %parallel_loop3A_384 : i32 to index
        %parallel_loop3A_386 = arith.index_cast %parallel_loop3A_320 : i32 to index
        %parallel_loop3A_387 = arith.constant 112 : index
        %parallel_loop3A_388 = tpu.vector_load %arg10[%parallel_loop3A_385, %parallel_loop3A_386, %parallel_loop3A_387] {strides = array<i32>} : memref<4x200x128xf32, #tpu.memory_space<vmem>>, vector<16xf32>,
        %parallel_loop3A_389 = arith.index_cast %parallel_loop3A_320 : i32 to index
        %parallel_loop3A_390 = arith.constant 112 : index
        %parallel_loop3A_391 = tpu.vector_load %arg11[%parallel_loop3A_389, %parallel_loop3A_390] {strides = array<i32>} : memref<200x128xf32, #tpu.memory_space<vmem>>, vector<16xf32>,
        %parallel_loop3A_392 = arith.addf %parallel_loop3A_388, %parallel_loop3A_391 : vector<16xf32>
        %parallel_loop3A_393 = arith.addf %parallel_loop3A_329, %parallel_loop3A_338 : vector<16xf32>
        %parallel_loop3A_394 = arith.addf %parallel_loop3A_393, %parallel_loop3A_347 : vector<16xf32>
        %parallel_loop3A_395 = arith.addf %parallel_loop3A_394, %parallel_loop3A_356 : vector<16xf32>
        %parallel_loop3A_396 = arith.addf %parallel_loop3A_395, %parallel_loop3A_365 : vector<16xf32>
        %parallel_loop3A_397 = arith.addf %parallel_loop3A_396, %parallel_loop3A_374 : vector<16xf32>
        %parallel_loop3A_398 = arith.addf %parallel_loop3A_397, %parallel_loop3A_383 : vector<16xf32>
        %parallel_loop3A_399 = arith.addf %parallel_loop3A_398, %parallel_loop3A_392 : vector<16xf32>
        %parallel_loop3A_400 = arith.mulf %parallel_loop3A_329, %parallel_loop3A_329 : vector<16xf32>
        %parallel_loop3A_401 = arith.mulf %parallel_loop3A_338, %parallel_loop3A_338 : vector<16xf32>
        %parallel_loop3A_402 = arith.addf %parallel_loop3A_400, %parallel_loop3A_401 : vector<16xf32>
        %parallel_loop3A_403 = arith.mulf %parallel_loop3A_347, %parallel_loop3A_347 : vector<16xf32>
        %parallel_loop3A_404 = arith.addf %parallel_loop3A_402, %parallel_loop3A_403 : vector<16xf32>
        %parallel_loop3A_405 = arith.mulf %parallel_loop3A_356, %parallel_loop3A_356 : vector<16xf32>
        %parallel_loop3A_406 = arith.addf %parallel_loop3A_404, %parallel_loop3A_405 : vector<16xf32>
        %parallel_loop3A_407 = arith.mulf %parallel_loop3A_365, %parallel_loop3A_365 : vector<16xf32>
        %parallel_loop3A_408 = arith.addf %parallel_loop3A_406, %parallel_loop3A_407 : vector<16xf32>
        %parallel_loop3A_409 = arith.mulf %parallel_loop3A_374, %parallel_loop3A_374 : vector<16xf32>
        %parallel_loop3A_410 = arith.addf %parallel_loop3A_408, %parallel_loop3A_409 : vector<16xf32>
        %parallel_loop3A_411 = arith.mulf %parallel_loop3A_383, %parallel_loop3A_383 : vector<16xf32>
        %parallel_loop3A_412 = arith.addf %parallel_loop3A_410, %parallel_loop3A_411 : vector<16xf32>
        %parallel_loop3A_413 = arith.mulf %parallel_loop3A_392, %parallel_loop3A_392 : vector<16xf32>
        %parallel_loop3A_414 = arith.addf %parallel_loop3A_412, %parallel_loop3A_413 : vector<16xf32>
        %parallel_loop3A_415 = arith.constant true
        %parallel_loop3A_416 = vector.broadcast %parallel_loop3A_415 : i1 to vector<16xi1>
        %parallel_loop3A_417 = tpu.scan <sum>, %parallel_loop3A_399 masked %parallel_loop3A_416 : vector<16xf32>, vector<16xi1> -> vector<16xf32>
        %parallel_loop3A_418 = vector.extract_strided_slice %parallel_loop3A_417 {offsets = [15], sizes = [1], strides = [1]} : vector<16xf32> to vector<1xf32>
        %parallel_loop3A_419 = vector.extract %parallel_loop3A_418[0] : f32 from vector<1xf32>
        %parallel_loop3A_420 = arith.constant true
        %parallel_loop3A_421 = vector.broadcast %parallel_loop3A_420 : i1 to vector<16xi1>
        %parallel_loop3A_422 = tpu.scan <sum>, %parallel_loop3A_414 masked %parallel_loop3A_421 : vector<16xf32>, vector<16xi1> -> vector<16xf32>
        %parallel_loop3A_423 = vector.extract_strided_slice %parallel_loop3A_422 {offsets = [15], sizes = [1], strides = [1]} : vector<16xf32> to vector<1xf32>
        %parallel_loop3A_424 = vector.extract %parallel_loop3A_423[0] : f32 from vector<1xf32>
        %parallel_loop3A_425 = arith.constant 7.812500e-03 : f32
        %parallel_loop3A_426 = arith.mulf %parallel_loop3A_419, %parallel_loop3A_425 : f32
        %parallel_loop3A_427 = arith.constant 7.812500e-03 : f32
        %parallel_loop3A_428 = arith.mulf %parallel_loop3A_424, %parallel_loop3A_427 : f32
        %parallel_loop3A_429 = arith.mulf %parallel_loop3A_426, %parallel_loop3A_426 : f32
        %parallel_loop3A_430 = arith.subf %parallel_loop3A_428, %parallel_loop3A_429 : f32
        %parallel_loop3A_431 = arith.constant 9.99999996E-13 : f32
        %parallel_loop3A_432 = arith.addf %parallel_loop3A_430, %parallel_loop3A_431 : f32
        %parallel_loop3A_433 = arith.bitcast %parallel_loop3A_432 : f32 to i32
        %parallel_loop3A_434 = arith.constant 1 : i32
        %parallel_loop3A_435 = arith.shrsi %parallel_loop3A_433, %parallel_loop3A_434 : i32
        %parallel_loop3A_436 = arith.constant 1597463007 : i32
        %parallel_loop3A_437 = arith.subi %parallel_loop3A_436, %parallel_loop3A_435 : i32
        %parallel_loop3A_438 = arith.bitcast %parallel_loop3A_437 : i32 to f32
        %parallel_loop3A_439 = arith.constant 5.000000e-01 : f32
        %parallel_loop3A_440 = arith.mulf %parallel_loop3A_439, %parallel_loop3A_432 : f32
        %parallel_loop3A_441 = arith.mulf %parallel_loop3A_440, %parallel_loop3A_438 : f32
        %parallel_loop3A_442 = arith.mulf %parallel_loop3A_441, %parallel_loop3A_438 : f32
        %parallel_loop3A_443 = arith.constant 1.500000e+00 : f32
        %parallel_loop3A_444 = arith.subf %parallel_loop3A_443, %parallel_loop3A_442 : f32
        %parallel_loop3A_445 = arith.mulf %parallel_loop3A_438, %parallel_loop3A_444 : f32
        %parallel_loop3A_446 = arith.mulf %parallel_loop3A_440, %parallel_loop3A_445 : f32
        %parallel_loop3A_447 = arith.mulf %parallel_loop3A_446, %parallel_loop3A_445 : f32
        %parallel_loop3A_448 = arith.constant 1.500000e+00 : f32
        %parallel_loop3A_449 = arith.subf %parallel_loop3A_448, %parallel_loop3A_447 : f32
        %parallel_loop3A_450 = arith.mulf %parallel_loop3A_445, %parallel_loop3A_449 : f32
        %parallel_loop3A_451 = vector.broadcast %parallel_loop3A_426 : f32 to vector<16xf32>
        %parallel_loop3A_452 = arith.subf %parallel_loop3A_329, %parallel_loop3A_451 : vector<16xf32>
        %parallel_loop3A_453 = vector.broadcast %parallel_loop3A_450 : f32 to vector<16xf32>
        %parallel_loop3A_454 = arith.mulf %parallel_loop3A_452, %parallel_loop3A_453 : vector<16xf32>
        %parallel_loop3A_455 = arith.constant 0 : index
        %parallel_loop3A_456 = tpu.vector_load %arg12[%parallel_loop3A_455] {strides = array<i32>} : memref<128xf32, #tpu.memory_space<vmem>>, vector<16xf32>,
        %parallel_loop3A_457 = arith.mulf %parallel_loop3A_454, %parallel_loop3A_456 : vector<16xf32>
        %parallel_loop3A_458 = arith.constant 0 : index
        %parallel_loop3A_459 = tpu.vector_load %arg13[%parallel_loop3A_458] {strides = array<i32>} : memref<128xf32, #tpu.memory_space<vmem>>, vector<16xf32>,
        %parallel_loop3A_460 = arith.addf %parallel_loop3A_457, %parallel_loop3A_459 : vector<16xf32>
        %parallel_loop3A_461 = arith.constant 1 : i32
        %parallel_loop3A_462 = arith.index_cast %parallel_loop3A_461 : i32 to index
        %parallel_loop3A_463 = arith.index_cast %parallel_loop3A_320 : i32 to index
        %parallel_loop3A_464 = arith.constant 0 : index
        %parallel_loop3A_465 = tpu.vector_load %arg10[%parallel_loop3A_462, %parallel_loop3A_463, %parallel_loop3A_464] {strides = array<i32>} : memref<4x200x128xf32, #tpu.memory_space<vmem>>, vector<16xf32>,
        tpu.vector_store %arg10[%parallel_loop3A_462, %parallel_loop3A_463, %parallel_loop3A_464], %parallel_loop3A_460 {strides = array<i32>} : memref<4x200x128xf32, #tpu.memory_space<vmem>>, vector<16xf32>,
        %parallel_loop3A_466 = vector.broadcast %parallel_loop3A_426 : f32 to vector<16xf32>
        %parallel_loop3A_467 = arith.subf %parallel_loop3A_338, %parallel_loop3A_466 : vector<16xf32>
        %parallel_loop3A_468 = vector.broadcast %parallel_loop3A_450 : f32 to vector<16xf32>
        %parallel_loop3A_469 = arith.mulf %parallel_loop3A_467, %parallel_loop3A_468 : vector<16xf32>
        %parallel_loop3A_470 = arith.constant 16 : index
        %parallel_loop3A_471 = tpu.vector_load %arg12[%parallel_loop3A_470] {strides = array<i32>} : memref<128xf32, #tpu.memory_space<vmem>>, vector<16xf32>,
        %parallel_loop3A_472 = arith.mulf %parallel_loop3A_469, %parallel_loop3A_471 : vector<16xf32>
        %parallel_loop3A_473 = arith.constant 16 : index
        %parallel_loop3A_474 = tpu.vector_load %arg13[%parallel_loop3A_473] {strides = array<i32>} : memref<128xf32, #tpu.memory_space<vmem>>, vector<16xf32>,
        %parallel_loop3A_475 = arith.addf %parallel_loop3A_472, %parallel_loop3A_474 : vector<16xf32>
        %parallel_loop3A_476 = arith.constant 1 : i32
        %parallel_loop3A_477 = arith.index_cast %parallel_loop3A_476 : i32 to index
        %parallel_loop3A_478 = arith.index_cast %parallel_loop3A_320 : i32 to index
        %parallel_loop3A_479 = arith.constant 16 : index
        %parallel_loop3A_480 = tpu.vector_load %arg10[%parallel_loop3A_477, %parallel_loop3A_478, %parallel_loop3A_479] {strides = array<i32>} : memref<4x200x128xf32, #tpu.memory_space<vmem>>, vector<16xf32>,
        tpu.vector_store %arg10[%parallel_loop3A_477, %parallel_loop3A_478, %parallel_loop3A_479], %parallel_loop3A_475 {strides = array<i32>} : memref<4x200x128xf32, #tpu.memory_space<vmem>>, vector<16xf32>,
        %parallel_loop3A_481 = vector.broadcast %parallel_loop3A_426 : f32 to vector<16xf32>
        %parallel_loop3A_482 = arith.subf %parallel_loop3A_347, %parallel_loop3A_481 : vector<16xf32>
        %parallel_loop3A_483 = vector.broadcast %parallel_loop3A_450 : f32 to vector<16xf32>
        %parallel_loop3A_484 = arith.mulf %parallel_loop3A_482, %parallel_loop3A_483 : vector<16xf32>
        %parallel_loop3A_485 = arith.constant 32 : index
        %parallel_loop3A_486 = tpu.vector_load %arg12[%parallel_loop3A_485] {strides = array<i32>} : memref<128xf32, #tpu.memory_space<vmem>>, vector<16xf32>,
        %parallel_loop3A_487 = arith.mulf %parallel_loop3A_484, %parallel_loop3A_486 : vector<16xf32>
        %parallel_loop3A_488 = arith.constant 32 : index
        %parallel_loop3A_489 = tpu.vector_load %arg13[%parallel_loop3A_488] {strides = array<i32>} : memref<128xf32, #tpu.memory_space<vmem>>, vector<16xf32>,
        %parallel_loop3A_490 = arith.addf %parallel_loop3A_487, %parallel_loop3A_489 : vector<16xf32>
        %parallel_loop3A_491 = arith.constant 1 : i32
        %parallel_loop3A_492 = arith.index_cast %parallel_loop3A_491 : i32 to index
        %parallel_loop3A_493 = arith.index_cast %parallel_loop3A_320 : i32 to index
        %parallel_loop3A_494 = arith.constant 32 : index
        %parallel_loop3A_495 = tpu.vector_load %arg10[%parallel_loop3A_492, %parallel_loop3A_493, %parallel_loop3A_494] {strides = array<i32>} : memref<4x200x128xf32, #tpu.memory_space<vmem>>, vector<16xf32>,
        tpu.vector_store %arg10[%parallel_loop3A_492, %parallel_loop3A_493, %parallel_loop3A_494], %parallel_loop3A_490 {strides = array<i32>} : memref<4x200x128xf32, #tpu.memory_space<vmem>>, vector<16xf32>,
        %parallel_loop3A_496 = vector.broadcast %parallel_loop3A_426 : f32 to vector<16xf32>
        %parallel_loop3A_497 = arith.subf %parallel_loop3A_356, %parallel_loop3A_496 : vector<16xf32>
        %parallel_loop3A_498 = vector.broadcast %parallel_loop3A_450 : f32 to vector<16xf32>
        %parallel_loop3A_499 = arith.mulf %parallel_loop3A_497, %parallel_loop3A_498 : vector<16xf32>
        %parallel_loop3A_500 = arith.constant 48 : index
        %parallel_loop3A_501 = tpu.vector_load %arg12[%parallel_loop3A_500] {strides = array<i32>} : memref<128xf32, #tpu.memory_space<vmem>>, vector<16xf32>,
        %parallel_loop3A_502 = arith.mulf %parallel_loop3A_499, %parallel_loop3A_501 : vector<16xf32>
        %parallel_loop3A_503 = arith.constant 48 : index
        %parallel_loop3A_504 = tpu.vector_load %arg13[%parallel_loop3A_503] {strides = array<i32>} : memref<128xf32, #tpu.memory_space<vmem>>, vector<16xf32>,
        %parallel_loop3A_505 = arith.addf %parallel_loop3A_502, %parallel_loop3A_504 : vector<16xf32>
        %parallel_loop3A_506 = arith.constant 1 : i32
        %parallel_loop3A_507 = arith.index_cast %parallel_loop3A_506 : i32 to index
        %parallel_loop3A_508 = arith.index_cast %parallel_loop3A_320 : i32 to index
        %parallel_loop3A_509 = arith.constant 48 : index
        %parallel_loop3A_510 = tpu.vector_load %arg10[%parallel_loop3A_507, %parallel_loop3A_508, %parallel_loop3A_509] {strides = array<i32>} : memref<4x200x128xf32, #tpu.memory_space<vmem>>, vector<16xf32>,
        tpu.vector_store %arg10[%parallel_loop3A_507, %parallel_loop3A_508, %parallel_loop3A_509], %parallel_loop3A_505 {strides = array<i32>} : memref<4x200x128xf32, #tpu.memory_space<vmem>>, vector<16xf32>,
        %parallel_loop3A_511 = vector.broadcast %parallel_loop3A_426 : f32 to vector<16xf32>
        %parallel_loop3A_512 = arith.subf %parallel_loop3A_365, %parallel_loop3A_511 : vector<16xf32>
        %parallel_loop3A_513 = vector.broadcast %parallel_loop3A_450 : f32 to vector<16xf32>
        %parallel_loop3A_514 = arith.mulf %parallel_loop3A_512, %parallel_loop3A_513 : vector<16xf32>
        %parallel_loop3A_515 = arith.constant 64 : index
        %parallel_loop3A_516 = tpu.vector_load %arg12[%parallel_loop3A_515] {strides = array<i32>} : memref<128xf32, #tpu.memory_space<vmem>>, vector<16xf32>,
        %parallel_loop3A_517 = arith.mulf %parallel_loop3A_514, %parallel_loop3A_516 : vector<16xf32>
        %parallel_loop3A_518 = arith.constant 64 : index
        %parallel_loop3A_519 = tpu.vector_load %arg13[%parallel_loop3A_518] {strides = array<i32>} : memref<128xf32, #tpu.memory_space<vmem>>, vector<16xf32>,
        %parallel_loop3A_520 = arith.addf %parallel_loop3A_517, %parallel_loop3A_519 : vector<16xf32>
        %parallel_loop3A_521 = arith.constant 1 : i32
        %parallel_loop3A_522 = arith.index_cast %parallel_loop3A_521 : i32 to index
        %parallel_loop3A_523 = arith.index_cast %parallel_loop3A_320 : i32 to index
        %parallel_loop3A_524 = arith.constant 64 : index
        %parallel_loop3A_525 = tpu.vector_load %arg10[%parallel_loop3A_522, %parallel_loop3A_523, %parallel_loop3A_524] {strides = array<i32>} : memref<4x200x128xf32, #tpu.memory_space<vmem>>, vector<16xf32>,
        tpu.vector_store %arg10[%parallel_loop3A_522, %parallel_loop3A_523, %parallel_loop3A_524], %parallel_loop3A_520 {strides = array<i32>} : memref<4x200x128xf32, #tpu.memory_space<vmem>>, vector<16xf32>,
        %parallel_loop3A_526 = vector.broadcast %parallel_loop3A_426 : f32 to vector<16xf32>
        %parallel_loop3A_527 = arith.subf %parallel_loop3A_374, %parallel_loop3A_526 : vector<16xf32>
        %parallel_loop3A_528 = vector.broadcast %parallel_loop3A_450 : f32 to vector<16xf32>
        %parallel_loop3A_529 = arith.mulf %parallel_loop3A_527, %parallel_loop3A_528 : vector<16xf32>
        %parallel_loop3A_530 = arith.constant 80 : index
        %parallel_loop3A_531 = tpu.vector_load %arg12[%parallel_loop3A_530] {strides = array<i32>} : memref<128xf32, #tpu.memory_space<vmem>>, vector<16xf32>,
        %parallel_loop3A_532 = arith.mulf %parallel_loop3A_529, %parallel_loop3A_531 : vector<16xf32>
        %parallel_loop3A_533 = arith.constant 80 : index
        %parallel_loop3A_534 = tpu.vector_load %arg13[%parallel_loop3A_533] {strides = array<i32>} : memref<128xf32, #tpu.memory_space<vmem>>, vector<16xf32>,
        %parallel_loop3A_535 = arith.addf %parallel_loop3A_532, %parallel_loop3A_534 : vector<16xf32>
        %parallel_loop3A_536 = arith.constant 1 : i32
        %parallel_loop3A_537 = arith.index_cast %parallel_loop3A_536 : i32 to index
        %parallel_loop3A_538 = arith.index_cast %parallel_loop3A_320 : i32 to index
        %parallel_loop3A_539 = arith.constant 80 : index
        %parallel_loop3A_540 = tpu.vector_load %arg10[%parallel_loop3A_537, %parallel_loop3A_538, %parallel_loop3A_539] {strides = array<i32>} : memref<4x200x128xf32, #tpu.memory_space<vmem>>, vector<16xf32>,
        tpu.vector_store %arg10[%parallel_loop3A_537, %parallel_loop3A_538, %parallel_loop3A_539], %parallel_loop3A_535 {strides = array<i32>} : memref<4x200x128xf32, #tpu.memory_space<vmem>>, vector<16xf32>,
        %parallel_loop3A_541 = vector.broadcast %parallel_loop3A_426 : f32 to vector<16xf32>
        %parallel_loop3A_542 = arith.subf %parallel_loop3A_383, %parallel_loop3A_541 : vector<16xf32>
        %parallel_loop3A_543 = vector.broadcast %parallel_loop3A_450 : f32 to vector<16xf32>
        %parallel_loop3A_544 = arith.mulf %parallel_loop3A_542, %parallel_loop3A_543 : vector<16xf32>
        %parallel_loop3A_545 = arith.constant 96 : index
        %parallel_loop3A_546 = tpu.vector_load %arg12[%parallel_loop3A_545] {strides = array<i32>} : memref<128xf32, #tpu.memory_space<vmem>>, vector<16xf32>,
        %parallel_loop3A_547 = arith.mulf %parallel_loop3A_544, %parallel_loop3A_546 : vector<16xf32>
        %parallel_loop3A_548 = arith.constant 96 : index
        %parallel_loop3A_549 = tpu.vector_load %arg13[%parallel_loop3A_548] {strides = array<i32>} : memref<128xf32, #tpu.memory_space<vmem>>, vector<16xf32>,
        %parallel_loop3A_550 = arith.addf %parallel_loop3A_547, %parallel_loop3A_549 : vector<16xf32>
        %parallel_loop3A_551 = arith.constant 1 : i32
        %parallel_loop3A_552 = arith.index_cast %parallel_loop3A_551 : i32 to index
        %parallel_loop3A_553 = arith.index_cast %parallel_loop3A_320 : i32 to index
        %parallel_loop3A_554 = arith.constant 96 : index
        %parallel_loop3A_555 = tpu.vector_load %arg10[%parallel_loop3A_552, %parallel_loop3A_553, %parallel_loop3A_554] {strides = array<i32>} : memref<4x200x128xf32, #tpu.memory_space<vmem>>, vector<16xf32>,
        tpu.vector_store %arg10[%parallel_loop3A_552, %parallel_loop3A_553, %parallel_loop3A_554], %parallel_loop3A_550 {strides = array<i32>} : memref<4x200x128xf32, #tpu.memory_space<vmem>>, vector<16xf32>,
        %parallel_loop3A_556 = vector.broadcast %parallel_loop3A_426 : f32 to vector<16xf32>
        %parallel_loop3A_557 = arith.subf %parallel_loop3A_392, %parallel_loop3A_556 : vector<16xf32>
        %parallel_loop3A_558 = vector.broadcast %parallel_loop3A_450 : f32 to vector<16xf32>
        %parallel_loop3A_559 = arith.mulf %parallel_loop3A_557, %parallel_loop3A_558 : vector<16xf32>
        %parallel_loop3A_560 = arith.constant 112 : index
        %parallel_loop3A_561 = tpu.vector_load %arg12[%parallel_loop3A_560] {strides = array<i32>} : memref<128xf32, #tpu.memory_space<vmem>>, vector<16xf32>,
        %parallel_loop3A_562 = arith.mulf %parallel_loop3A_559, %parallel_loop3A_561 : vector<16xf32>
        %parallel_loop3A_563 = arith.constant 112 : index
        %parallel_loop3A_564 = tpu.vector_load %arg13[%parallel_loop3A_563] {strides = array<i32>} : memref<128xf32, #tpu.memory_space<vmem>>, vector<16xf32>,
        %parallel_loop3A_565 = arith.addf %parallel_loop3A_562, %parallel_loop3A_564 : vector<16xf32>
        %parallel_loop3A_566 = arith.constant 1 : i32
        %parallel_loop3A_567 = arith.index_cast %parallel_loop3A_566 : i32 to index
        %parallel_loop3A_568 = arith.index_cast %parallel_loop3A_320 : i32 to index
        %parallel_loop3A_569 = arith.constant 112 : index
        %parallel_loop3A_570 = tpu.vector_load %arg10[%parallel_loop3A_567, %parallel_loop3A_568, %parallel_loop3A_569] {strides = array<i32>} : memref<4x200x128xf32, #tpu.memory_space<vmem>>, vector<16xf32>,
        tpu.vector_store %arg10[%parallel_loop3A_567, %parallel_loop3A_568, %parallel_loop3A_569], %parallel_loop3A_565 {strides = array<i32>} : memref<4x200x128xf32, #tpu.memory_space<vmem>>, vector<16xf32>,
      } {sc.loop_unroll_factor = 3 : i64, sc.parallel_access}
      %mul3A_201 = arith.constant 200 : i32
      %mul3A_202 = arith.muli %add3A_168, %mul3A_201 : i32
      %dma_start3A_203 = arith.constant 1 : i32
      %dma_start3A_204 = arith.constant 0 : i32
      %dma_start3A_205 = arith.constant 0 : i32
      %dma_start3A_206 = tpu.memref_slice %arg10[%dma_start3A_203, %dma_start3A_204, %dma_start3A_205] : memref<4x200x128xf32, #tpu.memory_space<vmem>> -> memref<1x200x128xf32, #tpu.memory_space<vmem>>
      %dma_start3A_207 = tpu.memref_squeeze %dma_start3A_206 : memref<1x200x128xf32, #tpu.memory_space<vmem>> -> memref<200x128xf32, #tpu.memory_space<vmem>>
      %dma_start3A_208 = arith.constant 0 : i32
      %dma_start3A_209 = tpu.memref_slice %arg8[%mul3A_202, %dma_start3A_208] : memref<204800x128xf32, #tpu.memory_space<hbm>> -> memref<200x128xf32, #tpu.memory_space<hbm>>
      %dma_start3A_210 = arith.constant 0 : i32
      %dma_start3A_211 = tpu.memref_slice %arg8[%mul3A_202, %dma_start3A_210] : memref<204800x128xf32, #tpu.memory_space<hbm>> -> memref<200x128xf32, #tpu.memory_space<hbm>>
      %dma_start3A_212 = arith.constant 0 : i32
      %dma_start3A_213 = arith.constant 0 : i32
      %dma_start3A_214 = tpu.memref_slice %arg10[%dma_start3A_203, %dma_start3A_212, %dma_start3A_213] : memref<4x200x128xf32, #tpu.memory_space<vmem>> -> memref<1x200x128xf32, #tpu.memory_space<vmem>>
      %dma_start3A_215 = tpu.memref_squeeze %dma_start3A_214 : memref<1x200x128xf32, #tpu.memory_space<vmem>> -> memref<200x128xf32, #tpu.memory_space<vmem>>
      tpu.enqueue_dma source(%dma_start3A_215 : memref<200x128xf32, #tpu.memory_space<vmem>>) target(%dma_start3A_211 : memref<200x128xf32, #tpu.memory_space<hbm>>) target_semaphore(%arg20 : memref<!tpu.dma_semaphore, #tpu.memory_space<semaphore_mem>>)
      %mul3A_216 = arith.constant 4 : i32
      %mul3A_217 = arith.muli %scan3A_114, %mul3A_216 : i32
      %add3A_218 = arith.constant 2 : i32
      %add3A_219 = arith.addi %mul3A_217, %add3A_218 : i32
      %add3A_220 = arith.addi %mul3A_2, %add3A_219 : i32
      %add3A_221 = arith.constant 1 : i32
      %add3A_222 = arith.addi %add3A_219, %add3A_221 : i32
      %lt3A_223 = arith.constant 32 : i32
      %lt3A_224 = arith.cmpi slt, %add3A_222, %lt3A_223 : i32
      %convert_element_type3A_225 = arith.extui %lt3A_224 : i1 to i32
      %cond3A_226 = arith.constant 0 : i32
      %cond3A_227 = arith.cmpi ne, %convert_element_type3A_225, %cond3A_226 : i32
      scf.if %cond3A_227 {
        %add3A_320 = arith.constant 1 : i32
        %add3A_321 = arith.addi %add3A_219, %add3A_320 : i32
        %ge3A = arith.constant 4 : i32
        %ge3A_322 = arith.cmpi sge, %add3A_321, %ge3A : i32
        %convert_element_type3A_323 = arith.extui %ge3A_322 : i1 to i32
        %cond3A_324 = arith.constant 0 : i32
        %cond3A_325 = arith.cmpi ne, %convert_element_type3A_323, %cond3A_324 : i32
        scf.if %cond3A_325 {
          %dma_wait3A_372 = arith.constant 3 : i32
          %dma_wait3A_373 = arith.constant 0 : i32
          %dma_wait3A_374 = arith.constant 0 : i32
          %dma_wait3A_375 = tpu.memref_slice %arg10[%dma_wait3A_372, %dma_wait3A_373, %dma_wait3A_374] : memref<4x200x128xf32, #tpu.memory_space<vmem>> -> memref<1x200x128xf32, #tpu.memory_space<vmem>>
          %dma_wait3A_376 = tpu.memref_squeeze %dma_wait3A_375 : memref<1x200x128xf32, #tpu.memory_space<vmem>> -> memref<200x128xf32, #tpu.memory_space<vmem>>
          %dma_wait3A_377 = arith.constant 0 : i32
          %dma_wait3A_378 = arith.constant 0 : i32
          %dma_wait3A_379 = tpu.memref_slice %arg8[%dma_wait3A_377, %dma_wait3A_378] : memref<204800x128xf32, #tpu.memory_space<hbm>> -> memref<200x128xf32, #tpu.memory_space<hbm>>
          %dma_wait3A_380 = arith.constant 0 : i32
          %dma_wait3A_381 = arith.constant 0 : i32
          %dma_wait3A_382 = tpu.memref_slice %arg8[%dma_wait3A_380, %dma_wait3A_381] : memref<204800x128xf32, #tpu.memory_space<hbm>> -> memref<200x128xf32, #tpu.memory_space<hbm>>
          %dma_wait3A_383 = arith.constant 0 : i32
          %dma_wait3A_384 = arith.constant 0 : i32
          %dma_wait3A_385 = tpu.memref_slice %arg10[%dma_wait3A_372, %dma_wait3A_383, %dma_wait3A_384] : memref<4x200x128xf32, #tpu.memory_space<vmem>> -> memref<1x200x128xf32, #tpu.memory_space<vmem>>
          %dma_wait3A_386 = tpu.memref_squeeze %dma_wait3A_385 : memref<1x200x128xf32, #tpu.memory_space<vmem>> -> memref<200x128xf32, #tpu.memory_space<vmem>>
          tpu.wait_dma2 semaphore(%arg22 : memref<!tpu.dma_semaphore, #tpu.memory_space<semaphore_mem>>) src(%dma_wait3A_386 : memref<200x128xf32, #tpu.memory_space<vmem>>) dst(%dma_wait3A_382 : memref<200x128xf32, #tpu.memory_space<hbm>>)
        } else {
        }
        %dma_wait3A_326 = arith.constant 0 : i32
        %dma_wait3A_327 = arith.constant 3 : i32
        %dma_wait3A_328 = arith.constant 0 : i32
        %dma_wait3A_329 = arith.constant 0 : i32
        %dma_wait3A_330 = tpu.memref_slice %arg9[%dma_wait3A_327, %dma_wait3A_328, %dma_wait3A_329] : memref<4x2x100xi32, #tpu.memory_space<vmem>> -> memref<1x2x100xi32, #tpu.memory_space<vmem>>
        %dma_wait3A_331 = tpu.memref_squeeze %dma_wait3A_330 : memref<1x2x100xi32, #tpu.memory_space<vmem>> -> memref<2x100xi32, #tpu.memory_space<vmem>>
        %dma_wait3A_332 = arith.constant 0 : i32
        %dma_wait3A_333 = arith.constant 0 : i32
        %dma_wait3A_334 = tpu.memref_slice %arg2[%dma_wait3A_326, %dma_wait3A_332, %dma_wait3A_333] : memref<1024x2x100xi32, #tpu.memory_space<hbm>> -> memref<1x2x100xi32, #tpu.memory_space<hbm>>
        %dma_wait3A_335 = tpu.memref_squeeze %dma_wait3A_334 : memref<1x2x100xi32, #tpu.memory_space<hbm>> -> memref<2x100xi32, #tpu.memory_space<hbm>>
        %dma_wait3A_336 = arith.constant 0 : i32
        %dma_wait3A_337 = arith.constant 0 : i32
        %dma_wait3A_338 = tpu.memref_slice %arg9[%dma_wait3A_327, %dma_wait3A_336, %dma_wait3A_337] : memref<4x2x100xi32, #tpu.memory_space<vmem>> -> memref<1x2x100xi32, #tpu.memory_space<vmem>>
        %dma_wait3A_339 = tpu.memref_squeeze %dma_wait3A_338 : memref<1x2x100xi32, #tpu.memory_space<vmem>> -> memref<2x100xi32, #tpu.memory_space<vmem>>
        %dma_wait3A_340 = arith.constant 0 : i32
        %dma_wait3A_341 = arith.constant 0 : i32
        %dma_wait3A_342 = tpu.memref_slice %arg2[%dma_wait3A_326, %dma_wait3A_340, %dma_wait3A_341] : memref<1024x2x100xi32, #tpu.memory_space<hbm>> -> memref<1x2x100xi32, #tpu.memory_space<hbm>>
        %dma_wait3A_343 = tpu.memref_squeeze %dma_wait3A_342 : memref<1x2x100xi32, #tpu.memory_space<hbm>> -> memref<2x100xi32, #tpu.memory_space<hbm>>
        tpu.wait_dma2 semaphore(%arg26 : memref<!tpu.dma_semaphore, #tpu.memory_space<semaphore_mem>>) src(%dma_wait3A_343 : memref<2x100xi32, #tpu.memory_space<hbm>>) dst(%dma_wait3A_339 : memref<2x100xi32, #tpu.memory_space<vmem>>)
        %add3A_344 = arith.constant 1 : i32
        %add3A_345 = arith.addi %add3A_220, %add3A_344 : i32
        %dma_start3A_346 = arith.constant 3 : i32
        %dma_start3A_347 = arith.constant 0 : i32
        %dma_start3A_348 = arith.constant 3 : i32
        %dma_start3A_349 = arith.constant 0 : i32
        %dma_start3A_350 = arith.constant 0 : i32
        %dma_start3A_351 = tpu.memref_slice %arg10[%dma_start3A_348, %dma_start3A_349, %dma_start3A_350] : memref<4x200x128xf32, #tpu.memory_space<vmem>> -> memref<1x100x128xf32, #tpu.memory_space<vmem>>
        %dma_start3A_352 = tpu.memref_squeeze %dma_start3A_351 : memref<1x100x128xf32, #tpu.memory_space<vmem>> -> memref<100x128xf32, #tpu.memory_space<vmem>>
        %dma_start3A_353 = arith.constant 0 : i32
        %dma_start3A_354 = tpu.memref_slice %arg9[%dma_start3A_346, %dma_start3A_347, %dma_start3A_353] : memref<4x2x100xi32, #tpu.memory_space<vmem>> -> memref<1x1x100xi32, #tpu.memory_space<vmem>>
        %dma_start3A_355 = tpu.memref_squeeze %dma_start3A_354 : memref<1x1x100xi32, #tpu.memory_space<vmem>> -> memref<100xi32, #tpu.memory_space<vmem>>
        %dma_start3A_356 = arith.constant 0 : i32
        %dma_start3A_357 = arith.constant 0 : i32
        %dma_start3A_358 = tpu.memref_slice %arg3[%dma_start3A_356, %dma_start3A_357] : memref<100000x128xf32, #tpu.memory_space<hbm>> -> memref<100000x128xf32, #tpu.memory_space<hbm>>
        tpu.enqueue_indirect_dma source(%dma_start3A_358 : memref<100000x128xf32, #tpu.memory_space<hbm>>) target(%dma_start3A_352 : memref<100x128xf32, #tpu.memory_space<vmem>>) offsets(%dma_start3A_355 : memref<100xi32, #tpu.memory_space<vmem>>) semaphore(%arg18 : memref<!tpu.dma_semaphore, #tpu.memory_space<semaphore_mem>>)
        %dma_start3A_359 = arith.constant 3 : i32
        %dma_start3A_360 = arith.constant 1 : i32
        %dma_start3A_361 = arith.constant 3 : i32
        %dma_start3A_362 = arith.constant 100 : i32
        %dma_start3A_363 = arith.constant 0 : i32
        %dma_start3A_364 = tpu.memref_slice %arg10[%dma_start3A_361, %dma_start3A_362, %dma_start3A_363] : memref<4x200x128xf32, #tpu.memory_space<vmem>> -> memref<1x100x128xf32, #tpu.memory_space<vmem>>
        %dma_start3A_365 = tpu.memref_squeeze %dma_start3A_364 : memref<1x100x128xf32, #tpu.memory_space<vmem>> -> memref<100x128xf32, #tpu.memory_space<vmem>>
        %dma_start3A_366 = arith.constant 0 : i32
        %dma_start3A_367 = tpu.memref_slice %arg9[%dma_start3A_359, %dma_start3A_360, %dma_start3A_366] : memref<4x2x100xi32, #tpu.memory_space<vmem>> -> memref<1x1x100xi32, #tpu.memory_space<vmem>>
        %dma_start3A_368 = tpu.memref_squeeze %dma_start3A_367 : memref<1x1x100xi32, #tpu.memory_space<vmem>> -> memref<100xi32, #tpu.memory_space<vmem>>
        %dma_start3A_369 = arith.constant 0 : i32
        %dma_start3A_370 = arith.constant 0 : i32
        %dma_start3A_371 = tpu.memref_slice %arg3[%dma_start3A_369, %dma_start3A_370] : memref<100000x128xf32, #tpu.memory_space<hbm>> -> memref<100000x128xf32, #tpu.memory_space<hbm>>
        tpu.enqueue_indirect_dma source(%dma_start3A_371 : memref<100000x128xf32, #tpu.memory_space<hbm>>) target(%dma_start3A_365 : memref<100x128xf32, #tpu.memory_space<vmem>>) offsets(%dma_start3A_368 : memref<100xi32, #tpu.memory_space<vmem>>) semaphore(%arg18 : memref<!tpu.dma_semaphore, #tpu.memory_space<semaphore_mem>>)
      } else {
      }
      %add3A_228 = arith.constant 2 : i32
      %add3A_229 = arith.addi %add3A_219, %add3A_228 : i32
      %lt3A_230 = arith.constant 32 : i32
      %lt3A_231 = arith.cmpi slt, %add3A_229, %lt3A_230 : i32
      %convert_element_type3A_232 = arith.extui %lt3A_231 : i1 to i32
      %cond3A_233 = arith.constant 0 : i32
      %cond3A_234 = arith.cmpi ne, %convert_element_type3A_232, %cond3A_233 : i32
      scf.if %cond3A_234 {
        %add3A_320 = arith.constant 2 : i32
        %add3A_321 = arith.addi %add3A_220, %add3A_320 : i32
        %dma_start3A_322 = arith.constant 0 : i32
        %dma_start3A_323 = arith.constant 0 : i32
        %dma_start3A_324 = arith.constant 0 : i32
        %dma_start3A_325 = tpu.memref_slice %arg9[%dma_start3A_322, %dma_start3A_323, %dma_start3A_324] : memref<4x2x100xi32, #tpu.memory_space<vmem>> -> memref<1x2x100xi32, #tpu.memory_space<vmem>>
        %dma_start3A_326 = tpu.memref_squeeze %dma_start3A_325 : memref<1x2x100xi32, #tpu.memory_space<vmem>> -> memref<2x100xi32, #tpu.memory_space<vmem>>
        %dma_start3A_327 = arith.constant 0 : i32
        %dma_start3A_328 = arith.constant 0 : i32
        %dma_start3A_329 = tpu.memref_slice %arg2[%add3A_321, %dma_start3A_327, %dma_start3A_328] : memref<1024x2x100xi32, #tpu.memory_space<hbm>> -> memref<1x2x100xi32, #tpu.memory_space<hbm>>
        %dma_start3A_330 = tpu.memref_squeeze %dma_start3A_329 : memref<1x2x100xi32, #tpu.memory_space<hbm>> -> memref<2x100xi32, #tpu.memory_space<hbm>>
        %dma_start3A_331 = arith.constant 0 : i32
        %dma_start3A_332 = arith.constant 0 : i32
        %dma_start3A_333 = tpu.memref_slice %arg9[%dma_start3A_322, %dma_start3A_331, %dma_start3A_332] : memref<4x2x100xi32, #tpu.memory_space<vmem>> -> memref<1x2x100xi32, #tpu.memory_space<vmem>>
        %dma_start3A_334 = tpu.memref_squeeze %dma_start3A_333 : memref<1x2x100xi32, #tpu.memory_space<vmem>> -> memref<2x100xi32, #tpu.memory_space<vmem>>
        %dma_start3A_335 = arith.constant 0 : i32
        %dma_start3A_336 = arith.constant 0 : i32
        %dma_start3A_337 = tpu.memref_slice %arg2[%add3A_321, %dma_start3A_335, %dma_start3A_336] : memref<1024x2x100xi32, #tpu.memory_space<hbm>> -> memref<1x2x100xi32, #tpu.memory_space<hbm>>
        %dma_start3A_338 = tpu.memref_squeeze %dma_start3A_337 : memref<1x2x100xi32, #tpu.memory_space<hbm>> -> memref<2x100xi32, #tpu.memory_space<hbm>>
        tpu.enqueue_dma source(%dma_start3A_338 : memref<2x100xi32, #tpu.memory_space<hbm>>) target(%dma_start3A_334 : memref<2x100xi32, #tpu.memory_space<vmem>>) target_semaphore(%arg23 : memref<!tpu.dma_semaphore, #tpu.memory_space<semaphore_mem>>)
      } else {
      }
      %dma_wait3A_235 = arith.constant 2 : i32
      %dma_wait3A_236 = arith.constant 0 : i32
      %dma_wait3A_237 = arith.constant 0 : i32
      %dma_wait3A_238 = tpu.memref_slice %arg10[%dma_wait3A_235, %dma_wait3A_236, %dma_wait3A_237] : memref<4x200x128xf32, #tpu.memory_space<vmem>> -> memref<1x200x128xf32, #tpu.memory_space<vmem>>
      %dma_wait3A_239 = tpu.memref_squeeze %dma_wait3A_238 : memref<1x200x128xf32, #tpu.memory_space<vmem>> -> memref<200x128xf32, #tpu.memory_space<vmem>>
      %dma_wait3A_240 = arith.constant 0 : i32
      %dma_wait3A_241 = arith.constant 0 : i32
      %dma_wait3A_242 = tpu.memref_slice %arg3[%dma_wait3A_240, %dma_wait3A_241] : memref<100000x128xf32, #tpu.memory_space<hbm>> -> memref<200x128xf32, #tpu.memory_space<hbm>>
      %dma_wait3A_243 = arith.constant 0 : i32
      %dma_wait3A_244 = arith.constant 0 : i32
      %dma_wait3A_245 = tpu.memref_slice %arg10[%dma_wait3A_235, %dma_wait3A_243, %dma_wait3A_244] : memref<4x200x128xf32, #tpu.memory_space<vmem>> -> memref<1x200x128xf32, #tpu.memory_space<vmem>>
      %dma_wait3A_246 = tpu.memref_squeeze %dma_wait3A_245 : memref<1x200x128xf32, #tpu.memory_space<vmem>> -> memref<200x128xf32, #tpu.memory_space<vmem>>
      %dma_wait3A_247 = arith.constant 0 : i32
      %dma_wait3A_248 = arith.constant 0 : i32
      %dma_wait3A_249 = tpu.memref_slice %arg3[%dma_wait3A_247, %dma_wait3A_248] : memref<100000x128xf32, #tpu.memory_space<hbm>> -> memref<200x128xf32, #tpu.memory_space<hbm>>
      tpu.wait_dma2 semaphore(%arg17 : memref<!tpu.dma_semaphore, #tpu.memory_space<semaphore_mem>>) src(%dma_wait3A_249 : memref<200x128xf32, #tpu.memory_space<hbm>>) dst(%dma_wait3A_246 : memref<200x128xf32, #tpu.memory_space<vmem>>)
      %parallel_loop3A_250 = arith.constant 0 : i32
      %parallel_loop3A_251 = arith.constant 200 : i32
      %parallel_loop3A_252 = arith.constant 1 : i32
      scf.for %parallel_loop3A_320 = %parallel_loop3A_250 to %parallel_loop3A_251 step %parallel_loop3A_252  : i32 {
        %parallel_loop3A_321 = arith.constant 2 : i32
        %parallel_loop3A_322 = arith.index_cast %parallel_loop3A_321 : i32 to index
        %parallel_loop3A_323 = arith.index_cast %parallel_loop3A_320 : i32 to index
        %parallel_loop3A_324 = arith.constant 0 : index
        %parallel_loop3A_325 = tpu.vector_load %arg10[%parallel_loop3A_322, %parallel_loop3A_323, %parallel_loop3A_324] {strides = array<i32>} : memref<4x200x128xf32, #tpu.memory_space<vmem>>, vector<16xf32>,
        %parallel_loop3A_326 = arith.index_cast %parallel_loop3A_320 : i32 to index
        %parallel_loop3A_327 = arith.constant 0 : index
        %parallel_loop3A_328 = tpu.vector_load %arg11[%parallel_loop3A_326, %parallel_loop3A_327] {strides = array<i32>} : memref<200x128xf32, #tpu.memory_space<vmem>>, vector<16xf32>,
        %parallel_loop3A_329 = arith.addf %parallel_loop3A_325, %parallel_loop3A_328 : vector<16xf32>
        %parallel_loop3A_330 = arith.constant 2 : i32
        %parallel_loop3A_331 = arith.index_cast %parallel_loop3A_330 : i32 to index
        %parallel_loop3A_332 = arith.index_cast %parallel_loop3A_320 : i32 to index
        %parallel_loop3A_333 = arith.constant 16 : index
        %parallel_loop3A_334 = tpu.vector_load %arg10[%parallel_loop3A_331, %parallel_loop3A_332, %parallel_loop3A_333] {strides = array<i32>} : memref<4x200x128xf32, #tpu.memory_space<vmem>>, vector<16xf32>,
        %parallel_loop3A_335 = arith.index_cast %parallel_loop3A_320 : i32 to index
        %parallel_loop3A_336 = arith.constant 16 : index
        %parallel_loop3A_337 = tpu.vector_load %arg11[%parallel_loop3A_335, %parallel_loop3A_336] {strides = array<i32>} : memref<200x128xf32, #tpu.memory_space<vmem>>, vector<16xf32>,
        %parallel_loop3A_338 = arith.addf %parallel_loop3A_334, %parallel_loop3A_337 : vector<16xf32>
        %parallel_loop3A_339 = arith.constant 2 : i32
        %parallel_loop3A_340 = arith.index_cast %parallel_loop3A_339 : i32 to index
        %parallel_loop3A_341 = arith.index_cast %parallel_loop3A_320 : i32 to index
        %parallel_loop3A_342 = arith.constant 32 : index
        %parallel_loop3A_343 = tpu.vector_load %arg10[%parallel_loop3A_340, %parallel_loop3A_341, %parallel_loop3A_342] {strides = array<i32>} : memref<4x200x128xf32, #tpu.memory_space<vmem>>, vector<16xf32>,
        %parallel_loop3A_344 = arith.index_cast %parallel_loop3A_320 : i32 to index
        %parallel_loop3A_345 = arith.constant 32 : index
        %parallel_loop3A_346 = tpu.vector_load %arg11[%parallel_loop3A_344, %parallel_loop3A_345] {strides = array<i32>} : memref<200x128xf32, #tpu.memory_space<vmem>>, vector<16xf32>,
        %parallel_loop3A_347 = arith.addf %parallel_loop3A_343, %parallel_loop3A_346 : vector<16xf32>
        %parallel_loop3A_348 = arith.constant 2 : i32
        %parallel_loop3A_349 = arith.index_cast %parallel_loop3A_348 : i32 to index
        %parallel_loop3A_350 = arith.index_cast %parallel_loop3A_320 : i32 to index
        %parallel_loop3A_351 = arith.constant 48 : index
        %parallel_loop3A_352 = tpu.vector_load %arg10[%parallel_loop3A_349, %parallel_loop3A_350, %parallel_loop3A_351] {strides = array<i32>} : memref<4x200x128xf32, #tpu.memory_space<vmem>>, vector<16xf32>,
        %parallel_loop3A_353 = arith.index_cast %parallel_loop3A_320 : i32 to index
        %parallel_loop3A_354 = arith.constant 48 : index
        %parallel_loop3A_355 = tpu.vector_load %arg11[%parallel_loop3A_353, %parallel_loop3A_354] {strides = array<i32>} : memref<200x128xf32, #tpu.memory_space<vmem>>, vector<16xf32>,
        %parallel_loop3A_356 = arith.addf %parallel_loop3A_352, %parallel_loop3A_355 : vector<16xf32>
        %parallel_loop3A_357 = arith.constant 2 : i32
        %parallel_loop3A_358 = arith.index_cast %parallel_loop3A_357 : i32 to index
        %parallel_loop3A_359 = arith.index_cast %parallel_loop3A_320 : i32 to index
        %parallel_loop3A_360 = arith.constant 64 : index
        %parallel_loop3A_361 = tpu.vector_load %arg10[%parallel_loop3A_358, %parallel_loop3A_359, %parallel_loop3A_360] {strides = array<i32>} : memref<4x200x128xf32, #tpu.memory_space<vmem>>, vector<16xf32>,
        %parallel_loop3A_362 = arith.index_cast %parallel_loop3A_320 : i32 to index
        %parallel_loop3A_363 = arith.constant 64 : index
        %parallel_loop3A_364 = tpu.vector_load %arg11[%parallel_loop3A_362, %parallel_loop3A_363] {strides = array<i32>} : memref<200x128xf32, #tpu.memory_space<vmem>>, vector<16xf32>,
        %parallel_loop3A_365 = arith.addf %parallel_loop3A_361, %parallel_loop3A_364 : vector<16xf32>
        %parallel_loop3A_366 = arith.constant 2 : i32
        %parallel_loop3A_367 = arith.index_cast %parallel_loop3A_366 : i32 to index
        %parallel_loop3A_368 = arith.index_cast %parallel_loop3A_320 : i32 to index
        %parallel_loop3A_369 = arith.constant 80 : index
        %parallel_loop3A_370 = tpu.vector_load %arg10[%parallel_loop3A_367, %parallel_loop3A_368, %parallel_loop3A_369] {strides = array<i32>} : memref<4x200x128xf32, #tpu.memory_space<vmem>>, vector<16xf32>,
        %parallel_loop3A_371 = arith.index_cast %parallel_loop3A_320 : i32 to index
        %parallel_loop3A_372 = arith.constant 80 : index
        %parallel_loop3A_373 = tpu.vector_load %arg11[%parallel_loop3A_371, %parallel_loop3A_372] {strides = array<i32>} : memref<200x128xf32, #tpu.memory_space<vmem>>, vector<16xf32>,
        %parallel_loop3A_374 = arith.addf %parallel_loop3A_370, %parallel_loop3A_373 : vector<16xf32>
        %parallel_loop3A_375 = arith.constant 2 : i32
        %parallel_loop3A_376 = arith.index_cast %parallel_loop3A_375 : i32 to index
        %parallel_loop3A_377 = arith.index_cast %parallel_loop3A_320 : i32 to index
        %parallel_loop3A_378 = arith.constant 96 : index
        %parallel_loop3A_379 = tpu.vector_load %arg10[%parallel_loop3A_376, %parallel_loop3A_377, %parallel_loop3A_378] {strides = array<i32>} : memref<4x200x128xf32, #tpu.memory_space<vmem>>, vector<16xf32>,
        %parallel_loop3A_380 = arith.index_cast %parallel_loop3A_320 : i32 to index
        %parallel_loop3A_381 = arith.constant 96 : index
        %parallel_loop3A_382 = tpu.vector_load %arg11[%parallel_loop3A_380, %parallel_loop3A_381] {strides = array<i32>} : memref<200x128xf32, #tpu.memory_space<vmem>>, vector<16xf32>,
        %parallel_loop3A_383 = arith.addf %parallel_loop3A_379, %parallel_loop3A_382 : vector<16xf32>
        %parallel_loop3A_384 = arith.constant 2 : i32
        %parallel_loop3A_385 = arith.index_cast %parallel_loop3A_384 : i32 to index
        %parallel_loop3A_386 = arith.index_cast %parallel_loop3A_320 : i32 to index
        %parallel_loop3A_387 = arith.constant 112 : index
        %parallel_loop3A_388 = tpu.vector_load %arg10[%parallel_loop3A_385, %parallel_loop3A_386, %parallel_loop3A_387] {strides = array<i32>} : memref<4x200x128xf32, #tpu.memory_space<vmem>>, vector<16xf32>,
        %parallel_loop3A_389 = arith.index_cast %parallel_loop3A_320 : i32 to index
        %parallel_loop3A_390 = arith.constant 112 : index
        %parallel_loop3A_391 = tpu.vector_load %arg11[%parallel_loop3A_389, %parallel_loop3A_390] {strides = array<i32>} : memref<200x128xf32, #tpu.memory_space<vmem>>, vector<16xf32>,
        %parallel_loop3A_392 = arith.addf %parallel_loop3A_388, %parallel_loop3A_391 : vector<16xf32>
        %parallel_loop3A_393 = arith.addf %parallel_loop3A_329, %parallel_loop3A_338 : vector<16xf32>
        %parallel_loop3A_394 = arith.addf %parallel_loop3A_393, %parallel_loop3A_347 : vector<16xf32>
        %parallel_loop3A_395 = arith.addf %parallel_loop3A_394, %parallel_loop3A_356 : vector<16xf32>
        %parallel_loop3A_396 = arith.addf %parallel_loop3A_395, %parallel_loop3A_365 : vector<16xf32>
        %parallel_loop3A_397 = arith.addf %parallel_loop3A_396, %parallel_loop3A_374 : vector<16xf32>
        %parallel_loop3A_398 = arith.addf %parallel_loop3A_397, %parallel_loop3A_383 : vector<16xf32>
        %parallel_loop3A_399 = arith.addf %parallel_loop3A_398, %parallel_loop3A_392 : vector<16xf32>
        %parallel_loop3A_400 = arith.mulf %parallel_loop3A_329, %parallel_loop3A_329 : vector<16xf32>
        %parallel_loop3A_401 = arith.mulf %parallel_loop3A_338, %parallel_loop3A_338 : vector<16xf32>
        %parallel_loop3A_402 = arith.addf %parallel_loop3A_400, %parallel_loop3A_401 : vector<16xf32>
        %parallel_loop3A_403 = arith.mulf %parallel_loop3A_347, %parallel_loop3A_347 : vector<16xf32>
        %parallel_loop3A_404 = arith.addf %parallel_loop3A_402, %parallel_loop3A_403 : vector<16xf32>
        %parallel_loop3A_405 = arith.mulf %parallel_loop3A_356, %parallel_loop3A_356 : vector<16xf32>
        %parallel_loop3A_406 = arith.addf %parallel_loop3A_404, %parallel_loop3A_405 : vector<16xf32>
        %parallel_loop3A_407 = arith.mulf %parallel_loop3A_365, %parallel_loop3A_365 : vector<16xf32>
        %parallel_loop3A_408 = arith.addf %parallel_loop3A_406, %parallel_loop3A_407 : vector<16xf32>
        %parallel_loop3A_409 = arith.mulf %parallel_loop3A_374, %parallel_loop3A_374 : vector<16xf32>
        %parallel_loop3A_410 = arith.addf %parallel_loop3A_408, %parallel_loop3A_409 : vector<16xf32>
        %parallel_loop3A_411 = arith.mulf %parallel_loop3A_383, %parallel_loop3A_383 : vector<16xf32>
        %parallel_loop3A_412 = arith.addf %parallel_loop3A_410, %parallel_loop3A_411 : vector<16xf32>
        %parallel_loop3A_413 = arith.mulf %parallel_loop3A_392, %parallel_loop3A_392 : vector<16xf32>
        %parallel_loop3A_414 = arith.addf %parallel_loop3A_412, %parallel_loop3A_413 : vector<16xf32>
        %parallel_loop3A_415 = arith.constant true
        %parallel_loop3A_416 = vector.broadcast %parallel_loop3A_415 : i1 to vector<16xi1>
        %parallel_loop3A_417 = tpu.scan <sum>, %parallel_loop3A_399 masked %parallel_loop3A_416 : vector<16xf32>, vector<16xi1> -> vector<16xf32>
        %parallel_loop3A_418 = vector.extract_strided_slice %parallel_loop3A_417 {offsets = [15], sizes = [1], strides = [1]} : vector<16xf32> to vector<1xf32>
        %parallel_loop3A_419 = vector.extract %parallel_loop3A_418[0] : f32 from vector<1xf32>
        %parallel_loop3A_420 = arith.constant true
        %parallel_loop3A_421 = vector.broadcast %parallel_loop3A_420 : i1 to vector<16xi1>
        %parallel_loop3A_422 = tpu.scan <sum>, %parallel_loop3A_414 masked %parallel_loop3A_421 : vector<16xf32>, vector<16xi1> -> vector<16xf32>
        %parallel_loop3A_423 = vector.extract_strided_slice %parallel_loop3A_422 {offsets = [15], sizes = [1], strides = [1]} : vector<16xf32> to vector<1xf32>
        %parallel_loop3A_424 = vector.extract %parallel_loop3A_423[0] : f32 from vector<1xf32>
        %parallel_loop3A_425 = arith.constant 7.812500e-03 : f32
        %parallel_loop3A_426 = arith.mulf %parallel_loop3A_419, %parallel_loop3A_425 : f32
        %parallel_loop3A_427 = arith.constant 7.812500e-03 : f32
        %parallel_loop3A_428 = arith.mulf %parallel_loop3A_424, %parallel_loop3A_427 : f32
        %parallel_loop3A_429 = arith.mulf %parallel_loop3A_426, %parallel_loop3A_426 : f32
        %parallel_loop3A_430 = arith.subf %parallel_loop3A_428, %parallel_loop3A_429 : f32
        %parallel_loop3A_431 = arith.constant 9.99999996E-13 : f32
        %parallel_loop3A_432 = arith.addf %parallel_loop3A_430, %parallel_loop3A_431 : f32
        %parallel_loop3A_433 = arith.bitcast %parallel_loop3A_432 : f32 to i32
        %parallel_loop3A_434 = arith.constant 1 : i32
        %parallel_loop3A_435 = arith.shrsi %parallel_loop3A_433, %parallel_loop3A_434 : i32
        %parallel_loop3A_436 = arith.constant 1597463007 : i32
        %parallel_loop3A_437 = arith.subi %parallel_loop3A_436, %parallel_loop3A_435 : i32
        %parallel_loop3A_438 = arith.bitcast %parallel_loop3A_437 : i32 to f32
        %parallel_loop3A_439 = arith.constant 5.000000e-01 : f32
        %parallel_loop3A_440 = arith.mulf %parallel_loop3A_439, %parallel_loop3A_432 : f32
        %parallel_loop3A_441 = arith.mulf %parallel_loop3A_440, %parallel_loop3A_438 : f32
        %parallel_loop3A_442 = arith.mulf %parallel_loop3A_441, %parallel_loop3A_438 : f32
        %parallel_loop3A_443 = arith.constant 1.500000e+00 : f32
        %parallel_loop3A_444 = arith.subf %parallel_loop3A_443, %parallel_loop3A_442 : f32
        %parallel_loop3A_445 = arith.mulf %parallel_loop3A_438, %parallel_loop3A_444 : f32
        %parallel_loop3A_446 = arith.mulf %parallel_loop3A_440, %parallel_loop3A_445 : f32
        %parallel_loop3A_447 = arith.mulf %parallel_loop3A_446, %parallel_loop3A_445 : f32
        %parallel_loop3A_448 = arith.constant 1.500000e+00 : f32
        %parallel_loop3A_449 = arith.subf %parallel_loop3A_448, %parallel_loop3A_447 : f32
        %parallel_loop3A_450 = arith.mulf %parallel_loop3A_445, %parallel_loop3A_449 : f32
        %parallel_loop3A_451 = vector.broadcast %parallel_loop3A_426 : f32 to vector<16xf32>
        %parallel_loop3A_452 = arith.subf %parallel_loop3A_329, %parallel_loop3A_451 : vector<16xf32>
        %parallel_loop3A_453 = vector.broadcast %parallel_loop3A_450 : f32 to vector<16xf32>
        %parallel_loop3A_454 = arith.mulf %parallel_loop3A_452, %parallel_loop3A_453 : vector<16xf32>
        %parallel_loop3A_455 = arith.constant 0 : index
        %parallel_loop3A_456 = tpu.vector_load %arg12[%parallel_loop3A_455] {strides = array<i32>} : memref<128xf32, #tpu.memory_space<vmem>>, vector<16xf32>,
        %parallel_loop3A_457 = arith.mulf %parallel_loop3A_454, %parallel_loop3A_456 : vector<16xf32>
        %parallel_loop3A_458 = arith.constant 0 : index
        %parallel_loop3A_459 = tpu.vector_load %arg13[%parallel_loop3A_458] {strides = array<i32>} : memref<128xf32, #tpu.memory_space<vmem>>, vector<16xf32>,
        %parallel_loop3A_460 = arith.addf %parallel_loop3A_457, %parallel_loop3A_459 : vector<16xf32>
        %parallel_loop3A_461 = arith.constant 2 : i32
        %parallel_loop3A_462 = arith.index_cast %parallel_loop3A_461 : i32 to index
        %parallel_loop3A_463 = arith.index_cast %parallel_loop3A_320 : i32 to index
        %parallel_loop3A_464 = arith.constant 0 : index
        %parallel_loop3A_465 = tpu.vector_load %arg10[%parallel_loop3A_462, %parallel_loop3A_463, %parallel_loop3A_464] {strides = array<i32>} : memref<4x200x128xf32, #tpu.memory_space<vmem>>, vector<16xf32>,
        tpu.vector_store %arg10[%parallel_loop3A_462, %parallel_loop3A_463, %parallel_loop3A_464], %parallel_loop3A_460 {strides = array<i32>} : memref<4x200x128xf32, #tpu.memory_space<vmem>>, vector<16xf32>,
        %parallel_loop3A_466 = vector.broadcast %parallel_loop3A_426 : f32 to vector<16xf32>
        %parallel_loop3A_467 = arith.subf %parallel_loop3A_338, %parallel_loop3A_466 : vector<16xf32>
        %parallel_loop3A_468 = vector.broadcast %parallel_loop3A_450 : f32 to vector<16xf32>
        %parallel_loop3A_469 = arith.mulf %parallel_loop3A_467, %parallel_loop3A_468 : vector<16xf32>
        %parallel_loop3A_470 = arith.constant 16 : index
        %parallel_loop3A_471 = tpu.vector_load %arg12[%parallel_loop3A_470] {strides = array<i32>} : memref<128xf32, #tpu.memory_space<vmem>>, vector<16xf32>,
        %parallel_loop3A_472 = arith.mulf %parallel_loop3A_469, %parallel_loop3A_471 : vector<16xf32>
        %parallel_loop3A_473 = arith.constant 16 : index
        %parallel_loop3A_474 = tpu.vector_load %arg13[%parallel_loop3A_473] {strides = array<i32>} : memref<128xf32, #tpu.memory_space<vmem>>, vector<16xf32>,
        %parallel_loop3A_475 = arith.addf %parallel_loop3A_472, %parallel_loop3A_474 : vector<16xf32>
        %parallel_loop3A_476 = arith.constant 2 : i32
        %parallel_loop3A_477 = arith.index_cast %parallel_loop3A_476 : i32 to index
        %parallel_loop3A_478 = arith.index_cast %parallel_loop3A_320 : i32 to index
        %parallel_loop3A_479 = arith.constant 16 : index
        %parallel_loop3A_480 = tpu.vector_load %arg10[%parallel_loop3A_477, %parallel_loop3A_478, %parallel_loop3A_479] {strides = array<i32>} : memref<4x200x128xf32, #tpu.memory_space<vmem>>, vector<16xf32>,
        tpu.vector_store %arg10[%parallel_loop3A_477, %parallel_loop3A_478, %parallel_loop3A_479], %parallel_loop3A_475 {strides = array<i32>} : memref<4x200x128xf32, #tpu.memory_space<vmem>>, vector<16xf32>,
        %parallel_loop3A_481 = vector.broadcast %parallel_loop3A_426 : f32 to vector<16xf32>
        %parallel_loop3A_482 = arith.subf %parallel_loop3A_347, %parallel_loop3A_481 : vector<16xf32>
        %parallel_loop3A_483 = vector.broadcast %parallel_loop3A_450 : f32 to vector<16xf32>
        %parallel_loop3A_484 = arith.mulf %parallel_loop3A_482, %parallel_loop3A_483 : vector<16xf32>
        %parallel_loop3A_485 = arith.constant 32 : index
        %parallel_loop3A_486 = tpu.vector_load %arg12[%parallel_loop3A_485] {strides = array<i32>} : memref<128xf32, #tpu.memory_space<vmem>>, vector<16xf32>,
        %parallel_loop3A_487 = arith.mulf %parallel_loop3A_484, %parallel_loop3A_486 : vector<16xf32>
        %parallel_loop3A_488 = arith.constant 32 : index
        %parallel_loop3A_489 = tpu.vector_load %arg13[%parallel_loop3A_488] {strides = array<i32>} : memref<128xf32, #tpu.memory_space<vmem>>, vector<16xf32>,
        %parallel_loop3A_490 = arith.addf %parallel_loop3A_487, %parallel_loop3A_489 : vector<16xf32>
        %parallel_loop3A_491 = arith.constant 2 : i32
        %parallel_loop3A_492 = arith.index_cast %parallel_loop3A_491 : i32 to index
        %parallel_loop3A_493 = arith.index_cast %parallel_loop3A_320 : i32 to index
        %parallel_loop3A_494 = arith.constant 32 : index
        %parallel_loop3A_495 = tpu.vector_load %arg10[%parallel_loop3A_492, %parallel_loop3A_493, %parallel_loop3A_494] {strides = array<i32>} : memref<4x200x128xf32, #tpu.memory_space<vmem>>, vector<16xf32>,
        tpu.vector_store %arg10[%parallel_loop3A_492, %parallel_loop3A_493, %parallel_loop3A_494], %parallel_loop3A_490 {strides = array<i32>} : memref<4x200x128xf32, #tpu.memory_space<vmem>>, vector<16xf32>,
        %parallel_loop3A_496 = vector.broadcast %parallel_loop3A_426 : f32 to vector<16xf32>
        %parallel_loop3A_497 = arith.subf %parallel_loop3A_356, %parallel_loop3A_496 : vector<16xf32>
        %parallel_loop3A_498 = vector.broadcast %parallel_loop3A_450 : f32 to vector<16xf32>
        %parallel_loop3A_499 = arith.mulf %parallel_loop3A_497, %parallel_loop3A_498 : vector<16xf32>
        %parallel_loop3A_500 = arith.constant 48 : index
        %parallel_loop3A_501 = tpu.vector_load %arg12[%parallel_loop3A_500] {strides = array<i32>} : memref<128xf32, #tpu.memory_space<vmem>>, vector<16xf32>,
        %parallel_loop3A_502 = arith.mulf %parallel_loop3A_499, %parallel_loop3A_501 : vector<16xf32>
        %parallel_loop3A_503 = arith.constant 48 : index
        %parallel_loop3A_504 = tpu.vector_load %arg13[%parallel_loop3A_503] {strides = array<i32>} : memref<128xf32, #tpu.memory_space<vmem>>, vector<16xf32>,
        %parallel_loop3A_505 = arith.addf %parallel_loop3A_502, %parallel_loop3A_504 : vector<16xf32>
        %parallel_loop3A_506 = arith.constant 2 : i32
        %parallel_loop3A_507 = arith.index_cast %parallel_loop3A_506 : i32 to index
        %parallel_loop3A_508 = arith.index_cast %parallel_loop3A_320 : i32 to index
        %parallel_loop3A_509 = arith.constant 48 : index
        %parallel_loop3A_510 = tpu.vector_load %arg10[%parallel_loop3A_507, %parallel_loop3A_508, %parallel_loop3A_509] {strides = array<i32>} : memref<4x200x128xf32, #tpu.memory_space<vmem>>, vector<16xf32>,
        tpu.vector_store %arg10[%parallel_loop3A_507, %parallel_loop3A_508, %parallel_loop3A_509], %parallel_loop3A_505 {strides = array<i32>} : memref<4x200x128xf32, #tpu.memory_space<vmem>>, vector<16xf32>,
        %parallel_loop3A_511 = vector.broadcast %parallel_loop3A_426 : f32 to vector<16xf32>
        %parallel_loop3A_512 = arith.subf %parallel_loop3A_365, %parallel_loop3A_511 : vector<16xf32>
        %parallel_loop3A_513 = vector.broadcast %parallel_loop3A_450 : f32 to vector<16xf32>
        %parallel_loop3A_514 = arith.mulf %parallel_loop3A_512, %parallel_loop3A_513 : vector<16xf32>
        %parallel_loop3A_515 = arith.constant 64 : index
        %parallel_loop3A_516 = tpu.vector_load %arg12[%parallel_loop3A_515] {strides = array<i32>} : memref<128xf32, #tpu.memory_space<vmem>>, vector<16xf32>,
        %parallel_loop3A_517 = arith.mulf %parallel_loop3A_514, %parallel_loop3A_516 : vector<16xf32>
        %parallel_loop3A_518 = arith.constant 64 : index
        %parallel_loop3A_519 = tpu.vector_load %arg13[%parallel_loop3A_518] {strides = array<i32>} : memref<128xf32, #tpu.memory_space<vmem>>, vector<16xf32>,
        %parallel_loop3A_520 = arith.addf %parallel_loop3A_517, %parallel_loop3A_519 : vector<16xf32>
        %parallel_loop3A_521 = arith.constant 2 : i32
        %parallel_loop3A_522 = arith.index_cast %parallel_loop3A_521 : i32 to index
        %parallel_loop3A_523 = arith.index_cast %parallel_loop3A_320 : i32 to index
        %parallel_loop3A_524 = arith.constant 64 : index
        %parallel_loop3A_525 = tpu.vector_load %arg10[%parallel_loop3A_522, %parallel_loop3A_523, %parallel_loop3A_524] {strides = array<i32>} : memref<4x200x128xf32, #tpu.memory_space<vmem>>, vector<16xf32>,
        tpu.vector_store %arg10[%parallel_loop3A_522, %parallel_loop3A_523, %parallel_loop3A_524], %parallel_loop3A_520 {strides = array<i32>} : memref<4x200x128xf32, #tpu.memory_space<vmem>>, vector<16xf32>,
        %parallel_loop3A_526 = vector.broadcast %parallel_loop3A_426 : f32 to vector<16xf32>
        %parallel_loop3A_527 = arith.subf %parallel_loop3A_374, %parallel_loop3A_526 : vector<16xf32>
        %parallel_loop3A_528 = vector.broadcast %parallel_loop3A_450 : f32 to vector<16xf32>
        %parallel_loop3A_529 = arith.mulf %parallel_loop3A_527, %parallel_loop3A_528 : vector<16xf32>
        %parallel_loop3A_530 = arith.constant 80 : index
        %parallel_loop3A_531 = tpu.vector_load %arg12[%parallel_loop3A_530] {strides = array<i32>} : memref<128xf32, #tpu.memory_space<vmem>>, vector<16xf32>,
        %parallel_loop3A_532 = arith.mulf %parallel_loop3A_529, %parallel_loop3A_531 : vector<16xf32>
        %parallel_loop3A_533 = arith.constant 80 : index
        %parallel_loop3A_534 = tpu.vector_load %arg13[%parallel_loop3A_533] {strides = array<i32>} : memref<128xf32, #tpu.memory_space<vmem>>, vector<16xf32>,
        %parallel_loop3A_535 = arith.addf %parallel_loop3A_532, %parallel_loop3A_534 : vector<16xf32>
        %parallel_loop3A_536 = arith.constant 2 : i32
        %parallel_loop3A_537 = arith.index_cast %parallel_loop3A_536 : i32 to index
        %parallel_loop3A_538 = arith.index_cast %parallel_loop3A_320 : i32 to index
        %parallel_loop3A_539 = arith.constant 80 : index
        %parallel_loop3A_540 = tpu.vector_load %arg10[%parallel_loop3A_537, %parallel_loop3A_538, %parallel_loop3A_539] {strides = array<i32>} : memref<4x200x128xf32, #tpu.memory_space<vmem>>, vector<16xf32>,
        tpu.vector_store %arg10[%parallel_loop3A_537, %parallel_loop3A_538, %parallel_loop3A_539], %parallel_loop3A_535 {strides = array<i32>} : memref<4x200x128xf32, #tpu.memory_space<vmem>>, vector<16xf32>,
        %parallel_loop3A_541 = vector.broadcast %parallel_loop3A_426 : f32 to vector<16xf32>
        %parallel_loop3A_542 = arith.subf %parallel_loop3A_383, %parallel_loop3A_541 : vector<16xf32>
        %parallel_loop3A_543 = vector.broadcast %parallel_loop3A_450 : f32 to vector<16xf32>
        %parallel_loop3A_544 = arith.mulf %parallel_loop3A_542, %parallel_loop3A_543 : vector<16xf32>
        %parallel_loop3A_545 = arith.constant 96 : index
        %parallel_loop3A_546 = tpu.vector_load %arg12[%parallel_loop3A_545] {strides = array<i32>} : memref<128xf32, #tpu.memory_space<vmem>>, vector<16xf32>,
        %parallel_loop3A_547 = arith.mulf %parallel_loop3A_544, %parallel_loop3A_546 : vector<16xf32>
        %parallel_loop3A_548 = arith.constant 96 : index
        %parallel_loop3A_549 = tpu.vector_load %arg13[%parallel_loop3A_548] {strides = array<i32>} : memref<128xf32, #tpu.memory_space<vmem>>, vector<16xf32>,
        %parallel_loop3A_550 = arith.addf %parallel_loop3A_547, %parallel_loop3A_549 : vector<16xf32>
        %parallel_loop3A_551 = arith.constant 2 : i32
        %parallel_loop3A_552 = arith.index_cast %parallel_loop3A_551 : i32 to index
        %parallel_loop3A_553 = arith.index_cast %parallel_loop3A_320 : i32 to index
        %parallel_loop3A_554 = arith.constant 96 : index
        %parallel_loop3A_555 = tpu.vector_load %arg10[%parallel_loop3A_552, %parallel_loop3A_553, %parallel_loop3A_554] {strides = array<i32>} : memref<4x200x128xf32, #tpu.memory_space<vmem>>, vector<16xf32>,
        tpu.vector_store %arg10[%parallel_loop3A_552, %parallel_loop3A_553, %parallel_loop3A_554], %parallel_loop3A_550 {strides = array<i32>} : memref<4x200x128xf32, #tpu.memory_space<vmem>>, vector<16xf32>,
        %parallel_loop3A_556 = vector.broadcast %parallel_loop3A_426 : f32 to vector<16xf32>
        %parallel_loop3A_557 = arith.subf %parallel_loop3A_392, %parallel_loop3A_556 : vector<16xf32>
        %parallel_loop3A_558 = vector.broadcast %parallel_loop3A_450 : f32 to vector<16xf32>
        %parallel_loop3A_559 = arith.mulf %parallel_loop3A_557, %parallel_loop3A_558 : vector<16xf32>
        %parallel_loop3A_560 = arith.constant 112 : index
        %parallel_loop3A_561 = tpu.vector_load %arg12[%parallel_loop3A_560] {strides = array<i32>} : memref<128xf32, #tpu.memory_space<vmem>>, vector<16xf32>,
        %parallel_loop3A_562 = arith.mulf %parallel_loop3A_559, %parallel_loop3A_561 : vector<16xf32>
        %parallel_loop3A_563 = arith.constant 112 : index
        %parallel_loop3A_564 = tpu.vector_load %arg13[%parallel_loop3A_563] {strides = array<i32>} : memref<128xf32, #tpu.memory_space<vmem>>, vector<16xf32>,
        %parallel_loop3A_565 = arith.addf %parallel_loop3A_562, %parallel_loop3A_564 : vector<16xf32>
        %parallel_loop3A_566 = arith.constant 2 : i32
        %parallel_loop3A_567 = arith.index_cast %parallel_loop3A_566 : i32 to index
        %parallel_loop3A_568 = arith.index_cast %parallel_loop3A_320 : i32 to index
        %parallel_loop3A_569 = arith.constant 112 : index
        %parallel_loop3A_570 = tpu.vector_load %arg10[%parallel_loop3A_567, %parallel_loop3A_568, %parallel_loop3A_569] {strides = array<i32>} : memref<4x200x128xf32, #tpu.memory_space<vmem>>, vector<16xf32>,
        tpu.vector_store %arg10[%parallel_loop3A_567, %parallel_loop3A_568, %parallel_loop3A_569], %parallel_loop3A_565 {strides = array<i32>} : memref<4x200x128xf32, #tpu.memory_space<vmem>>, vector<16xf32>,
      } {sc.loop_unroll_factor = 3 : i64, sc.parallel_access}
      %mul3A_253 = arith.constant 200 : i32
      %mul3A_254 = arith.muli %add3A_220, %mul3A_253 : i32
      %dma_start3A_255 = arith.constant 2 : i32
      %dma_start3A_256 = arith.constant 0 : i32
      %dma_start3A_257 = arith.constant 0 : i32
      %dma_start3A_258 = tpu.memref_slice %arg10[%dma_start3A_255, %dma_start3A_256, %dma_start3A_257] : memref<4x200x128xf32, #tpu.memory_space<vmem>> -> memref<1x200x128xf32, #tpu.memory_space<vmem>>
      %dma_start3A_259 = tpu.memref_squeeze %dma_start3A_258 : memref<1x200x128xf32, #tpu.memory_space<vmem>> -> memref<200x128xf32, #tpu.memory_space<vmem>>
      %dma_start3A_260 = arith.constant 0 : i32
      %dma_start3A_261 = tpu.memref_slice %arg8[%mul3A_254, %dma_start3A_260] : memref<204800x128xf32, #tpu.memory_space<hbm>> -> memref<200x128xf32, #tpu.memory_space<hbm>>
      %dma_start3A_262 = arith.constant 0 : i32
      %dma_start3A_263 = tpu.memref_slice %arg8[%mul3A_254, %dma_start3A_262] : memref<204800x128xf32, #tpu.memory_space<hbm>> -> memref<200x128xf32, #tpu.memory_space<hbm>>
      %dma_start3A_264 = arith.constant 0 : i32
      %dma_start3A_265 = arith.constant 0 : i32
      %dma_start3A_266 = tpu.memref_slice %arg10[%dma_start3A_255, %dma_start3A_264, %dma_start3A_265] : memref<4x200x128xf32, #tpu.memory_space<vmem>> -> memref<1x200x128xf32, #tpu.memory_space<vmem>>
      %dma_start3A_267 = tpu.memref_squeeze %dma_start3A_266 : memref<1x200x128xf32, #tpu.memory_space<vmem>> -> memref<200x128xf32, #tpu.memory_space<vmem>>
      tpu.enqueue_dma source(%dma_start3A_267 : memref<200x128xf32, #tpu.memory_space<vmem>>) target(%dma_start3A_263 : memref<200x128xf32, #tpu.memory_space<hbm>>) target_semaphore(%arg21 : memref<!tpu.dma_semaphore, #tpu.memory_space<semaphore_mem>>)
      %mul3A_268 = arith.constant 4 : i32
      %mul3A_269 = arith.muli %scan3A_114, %mul3A_268 : i32
      %add3A_270 = arith.constant 3 : i32
      %add3A_271 = arith.addi %mul3A_269, %add3A_270 : i32
      %add3A_272 = arith.addi %mul3A_2, %add3A_271 : i32
      %add3A_273 = arith.constant 1 : i32
      %add3A_274 = arith.addi %add3A_271, %add3A_273 : i32
      %lt3A_275 = arith.constant 32 : i32
      %lt3A_276 = arith.cmpi slt, %add3A_274, %lt3A_275 : i32
      %convert_element_type3A_277 = arith.extui %lt3A_276 : i1 to i32
      %cond3A_278 = arith.constant 0 : i32
      %cond3A_279 = arith.cmpi ne, %convert_element_type3A_277, %cond3A_278 : i32
      scf.if %cond3A_279 {
        %add3A_320 = arith.constant 1 : i32
        %add3A_321 = arith.addi %add3A_271, %add3A_320 : i32
        %ge3A = arith.constant 4 : i32
        %ge3A_322 = arith.cmpi sge, %add3A_321, %ge3A : i32
        %convert_element_type3A_323 = arith.extui %ge3A_322 : i1 to i32
        %cond3A_324 = arith.constant 0 : i32
        %cond3A_325 = arith.cmpi ne, %convert_element_type3A_323, %cond3A_324 : i32
        scf.if %cond3A_325 {
          %dma_wait3A_372 = arith.constant 0 : i32
          %dma_wait3A_373 = arith.constant 0 : i32
          %dma_wait3A_374 = arith.constant 0 : i32
          %dma_wait3A_375 = tpu.memref_slice %arg10[%dma_wait3A_372, %dma_wait3A_373, %dma_wait3A_374] : memref<4x200x128xf32, #tpu.memory_space<vmem>> -> memref<1x200x128xf32, #tpu.memory_space<vmem>>
          %dma_wait3A_376 = tpu.memref_squeeze %dma_wait3A_375 : memref<1x200x128xf32, #tpu.memory_space<vmem>> -> memref<200x128xf32, #tpu.memory_space<vmem>>
          %dma_wait3A_377 = arith.constant 0 : i32
          %dma_wait3A_378 = arith.constant 0 : i32
          %dma_wait3A_379 = tpu.memref_slice %arg8[%dma_wait3A_377, %dma_wait3A_378] : memref<204800x128xf32, #tpu.memory_space<hbm>> -> memref<200x128xf32, #tpu.memory_space<hbm>>
          %dma_wait3A_380 = arith.constant 0 : i32
          %dma_wait3A_381 = arith.constant 0 : i32
          %dma_wait3A_382 = tpu.memref_slice %arg8[%dma_wait3A_380, %dma_wait3A_381] : memref<204800x128xf32, #tpu.memory_space<hbm>> -> memref<200x128xf32, #tpu.memory_space<hbm>>
          %dma_wait3A_383 = arith.constant 0 : i32
          %dma_wait3A_384 = arith.constant 0 : i32
          %dma_wait3A_385 = tpu.memref_slice %arg10[%dma_wait3A_372, %dma_wait3A_383, %dma_wait3A_384] : memref<4x200x128xf32, #tpu.memory_space<vmem>> -> memref<1x200x128xf32, #tpu.memory_space<vmem>>
          %dma_wait3A_386 = tpu.memref_squeeze %dma_wait3A_385 : memref<1x200x128xf32, #tpu.memory_space<vmem>> -> memref<200x128xf32, #tpu.memory_space<vmem>>
          tpu.wait_dma2 semaphore(%arg19 : memref<!tpu.dma_semaphore, #tpu.memory_space<semaphore_mem>>) src(%dma_wait3A_386 : memref<200x128xf32, #tpu.memory_space<vmem>>) dst(%dma_wait3A_382 : memref<200x128xf32, #tpu.memory_space<hbm>>)
        } else {
        }
        %dma_wait3A_326 = arith.constant 0 : i32
        %dma_wait3A_327 = arith.constant 0 : i32
        %dma_wait3A_328 = arith.constant 0 : i32
        %dma_wait3A_329 = arith.constant 0 : i32
        %dma_wait3A_330 = tpu.memref_slice %arg9[%dma_wait3A_327, %dma_wait3A_328, %dma_wait3A_329] : memref<4x2x100xi32, #tpu.memory_space<vmem>> -> memref<1x2x100xi32, #tpu.memory_space<vmem>>
        %dma_wait3A_331 = tpu.memref_squeeze %dma_wait3A_330 : memref<1x2x100xi32, #tpu.memory_space<vmem>> -> memref<2x100xi32, #tpu.memory_space<vmem>>
        %dma_wait3A_332 = arith.constant 0 : i32
        %dma_wait3A_333 = arith.constant 0 : i32
        %dma_wait3A_334 = tpu.memref_slice %arg2[%dma_wait3A_326, %dma_wait3A_332, %dma_wait3A_333] : memref<1024x2x100xi32, #tpu.memory_space<hbm>> -> memref<1x2x100xi32, #tpu.memory_space<hbm>>
        %dma_wait3A_335 = tpu.memref_squeeze %dma_wait3A_334 : memref<1x2x100xi32, #tpu.memory_space<hbm>> -> memref<2x100xi32, #tpu.memory_space<hbm>>
        %dma_wait3A_336 = arith.constant 0 : i32
        %dma_wait3A_337 = arith.constant 0 : i32
        %dma_wait3A_338 = tpu.memref_slice %arg9[%dma_wait3A_327, %dma_wait3A_336, %dma_wait3A_337] : memref<4x2x100xi32, #tpu.memory_space<vmem>> -> memref<1x2x100xi32, #tpu.memory_space<vmem>>
        %dma_wait3A_339 = tpu.memref_squeeze %dma_wait3A_338 : memref<1x2x100xi32, #tpu.memory_space<vmem>> -> memref<2x100xi32, #tpu.memory_space<vmem>>
        %dma_wait3A_340 = arith.constant 0 : i32
        %dma_wait3A_341 = arith.constant 0 : i32
        %dma_wait3A_342 = tpu.memref_slice %arg2[%dma_wait3A_326, %dma_wait3A_340, %dma_wait3A_341] : memref<1024x2x100xi32, #tpu.memory_space<hbm>> -> memref<1x2x100xi32, #tpu.memory_space<hbm>>
        %dma_wait3A_343 = tpu.memref_squeeze %dma_wait3A_342 : memref<1x2x100xi32, #tpu.memory_space<hbm>> -> memref<2x100xi32, #tpu.memory_space<hbm>>
        tpu.wait_dma2 semaphore(%arg23 : memref<!tpu.dma_semaphore, #tpu.memory_space<semaphore_mem>>) src(%dma_wait3A_343 : memref<2x100xi32, #tpu.memory_space<hbm>>) dst(%dma_wait3A_339 : memref<2x100xi32, #tpu.memory_space<vmem>>)
        %add3A_344 = arith.constant 1 : i32
        %add3A_345 = arith.addi %add3A_272, %add3A_344 : i32
        %dma_start3A_346 = arith.constant 0 : i32
        %dma_start3A_347 = arith.constant 0 : i32
        %dma_start3A_348 = arith.constant 0 : i32
        %dma_start3A_349 = arith.constant 0 : i32
        %dma_start3A_350 = arith.constant 0 : i32
        %dma_start3A_351 = tpu.memref_slice %arg10[%dma_start3A_348, %dma_start3A_349, %dma_start3A_350] : memref<4x200x128xf32, #tpu.memory_space<vmem>> -> memref<1x100x128xf32, #tpu.memory_space<vmem>>
        %dma_start3A_352 = tpu.memref_squeeze %dma_start3A_351 : memref<1x100x128xf32, #tpu.memory_space<vmem>> -> memref<100x128xf32, #tpu.memory_space<vmem>>
        %dma_start3A_353 = arith.constant 0 : i32
        %dma_start3A_354 = tpu.memref_slice %arg9[%dma_start3A_346, %dma_start3A_347, %dma_start3A_353] : memref<4x2x100xi32, #tpu.memory_space<vmem>> -> memref<1x1x100xi32, #tpu.memory_space<vmem>>
        %dma_start3A_355 = tpu.memref_squeeze %dma_start3A_354 : memref<1x1x100xi32, #tpu.memory_space<vmem>> -> memref<100xi32, #tpu.memory_space<vmem>>
        %dma_start3A_356 = arith.constant 0 : i32
        %dma_start3A_357 = arith.constant 0 : i32
        %dma_start3A_358 = tpu.memref_slice %arg3[%dma_start3A_356, %dma_start3A_357] : memref<100000x128xf32, #tpu.memory_space<hbm>> -> memref<100000x128xf32, #tpu.memory_space<hbm>>
        tpu.enqueue_indirect_dma source(%dma_start3A_358 : memref<100000x128xf32, #tpu.memory_space<hbm>>) target(%dma_start3A_352 : memref<100x128xf32, #tpu.memory_space<vmem>>) offsets(%dma_start3A_355 : memref<100xi32, #tpu.memory_space<vmem>>) semaphore(%arg15 : memref<!tpu.dma_semaphore, #tpu.memory_space<semaphore_mem>>)
        %dma_start3A_359 = arith.constant 0 : i32
        %dma_start3A_360 = arith.constant 1 : i32
        %dma_start3A_361 = arith.constant 0 : i32
        %dma_start3A_362 = arith.constant 100 : i32
        %dma_start3A_363 = arith.constant 0 : i32
        %dma_start3A_364 = tpu.memref_slice %arg10[%dma_start3A_361, %dma_start3A_362, %dma_start3A_363] : memref<4x200x128xf32, #tpu.memory_space<vmem>> -> memref<1x100x128xf32, #tpu.memory_space<vmem>>
        %dma_start3A_365 = tpu.memref_squeeze %dma_start3A_364 : memref<1x100x128xf32, #tpu.memory_space<vmem>> -> memref<100x128xf32, #tpu.memory_space<vmem>>
        %dma_start3A_366 = arith.constant 0 : i32
        %dma_start3A_367 = tpu.memref_slice %arg9[%dma_start3A_359, %dma_start3A_360, %dma_start3A_366] : memref<4x2x100xi32, #tpu.memory_space<vmem>> -> memref<1x1x100xi32, #tpu.memory_space<vmem>>
        %dma_start3A_368 = tpu.memref_squeeze %dma_start3A_367 : memref<1x1x100xi32, #tpu.memory_space<vmem>> -> memref<100xi32, #tpu.memory_space<vmem>>
        %dma_start3A_369 = arith.constant 0 : i32
        %dma_start3A_370 = arith.constant 0 : i32
        %dma_start3A_371 = tpu.memref_slice %arg3[%dma_start3A_369, %dma_start3A_370] : memref<100000x128xf32, #tpu.memory_space<hbm>> -> memref<100000x128xf32, #tpu.memory_space<hbm>>
        tpu.enqueue_indirect_dma source(%dma_start3A_371 : memref<100000x128xf32, #tpu.memory_space<hbm>>) target(%dma_start3A_365 : memref<100x128xf32, #tpu.memory_space<vmem>>) offsets(%dma_start3A_368 : memref<100xi32, #tpu.memory_space<vmem>>) semaphore(%arg15 : memref<!tpu.dma_semaphore, #tpu.memory_space<semaphore_mem>>)
      } else {
      }
      %add3A_280 = arith.constant 2 : i32
      %add3A_281 = arith.addi %add3A_271, %add3A_280 : i32
      %lt3A_282 = arith.constant 32 : i32
      %lt3A_283 = arith.cmpi slt, %add3A_281, %lt3A_282 : i32
      %convert_element_type3A_284 = arith.extui %lt3A_283 : i1 to i32
      %cond3A_285 = arith.constant 0 : i32
      %cond3A_286 = arith.cmpi ne, %convert_element_type3A_284, %cond3A_285 : i32
      scf.if %cond3A_286 {
        %add3A_320 = arith.constant 2 : i32
        %add3A_321 = arith.addi %add3A_272, %add3A_320 : i32
        %dma_start3A_322 = arith.constant 1 : i32
        %dma_start3A_323 = arith.constant 0 : i32
        %dma_start3A_324 = arith.constant 0 : i32
        %dma_start3A_325 = tpu.memref_slice %arg9[%dma_start3A_322, %dma_start3A_323, %dma_start3A_324] : memref<4x2x100xi32, #tpu.memory_space<vmem>> -> memref<1x2x100xi32, #tpu.memory_space<vmem>>
        %dma_start3A_326 = tpu.memref_squeeze %dma_start3A_325 : memref<1x2x100xi32, #tpu.memory_space<vmem>> -> memref<2x100xi32, #tpu.memory_space<vmem>>
        %dma_start3A_327 = arith.constant 0 : i32
        %dma_start3A_328 = arith.constant 0 : i32
        %dma_start3A_329 = tpu.memref_slice %arg2[%add3A_321, %dma_start3A_327, %dma_start3A_328] : memref<1024x2x100xi32, #tpu.memory_space<hbm>> -> memref<1x2x100xi32, #tpu.memory_space<hbm>>
        %dma_start3A_330 = tpu.memref_squeeze %dma_start3A_329 : memref<1x2x100xi32, #tpu.memory_space<hbm>> -> memref<2x100xi32, #tpu.memory_space<hbm>>
        %dma_start3A_331 = arith.constant 0 : i32
        %dma_start3A_332 = arith.constant 0 : i32
        %dma_start3A_333 = tpu.memref_slice %arg9[%dma_start3A_322, %dma_start3A_331, %dma_start3A_332] : memref<4x2x100xi32, #tpu.memory_space<vmem>> -> memref<1x2x100xi32, #tpu.memory_space<vmem>>
        %dma_start3A_334 = tpu.memref_squeeze %dma_start3A_333 : memref<1x2x100xi32, #tpu.memory_space<vmem>> -> memref<2x100xi32, #tpu.memory_space<vmem>>
        %dma_start3A_335 = arith.constant 0 : i32
        %dma_start3A_336 = arith.constant 0 : i32
        %dma_start3A_337 = tpu.memref_slice %arg2[%add3A_321, %dma_start3A_335, %dma_start3A_336] : memref<1024x2x100xi32, #tpu.memory_space<hbm>> -> memref<1x2x100xi32, #tpu.memory_space<hbm>>
        %dma_start3A_338 = tpu.memref_squeeze %dma_start3A_337 : memref<1x2x100xi32, #tpu.memory_space<hbm>> -> memref<2x100xi32, #tpu.memory_space<hbm>>
        tpu.enqueue_dma source(%dma_start3A_338 : memref<2x100xi32, #tpu.memory_space<hbm>>) target(%dma_start3A_334 : memref<2x100xi32, #tpu.memory_space<vmem>>) target_semaphore(%arg24 : memref<!tpu.dma_semaphore, #tpu.memory_space<semaphore_mem>>)
      } else {
      }
      %dma_wait3A_287 = arith.constant 3 : i32
      %dma_wait3A_288 = arith.constant 0 : i32
      %dma_wait3A_289 = arith.constant 0 : i32
      %dma_wait3A_290 = tpu.memref_slice %arg10[%dma_wait3A_287, %dma_wait3A_288, %dma_wait3A_289] : memref<4x200x128xf32, #tpu.memory_space<vmem>> -> memref<1x200x128xf32, #tpu.memory_space<vmem>>
      %dma_wait3A_291 = tpu.memref_squeeze %dma_wait3A_290 : memref<1x200x128xf32, #tpu.memory_space<vmem>> -> memref<200x128xf32, #tpu.memory_space<vmem>>
      %dma_wait3A_292 = arith.constant 0 : i32
      %dma_wait3A_293 = arith.constant 0 : i32
      %dma_wait3A_294 = tpu.memref_slice %arg3[%dma_wait3A_292, %dma_wait3A_293] : memref<100000x128xf32, #tpu.memory_space<hbm>> -> memref<200x128xf32, #tpu.memory_space<hbm>>
      %dma_wait3A_295 = arith.constant 0 : i32
      %dma_wait3A_296 = arith.constant 0 : i32
      %dma_wait3A_297 = tpu.memref_slice %arg10[%dma_wait3A_287, %dma_wait3A_295, %dma_wait3A_296] : memref<4x200x128xf32, #tpu.memory_space<vmem>> -> memref<1x200x128xf32, #tpu.memory_space<vmem>>
      %dma_wait3A_298 = tpu.memref_squeeze %dma_wait3A_297 : memref<1x200x128xf32, #tpu.memory_space<vmem>> -> memref<200x128xf32, #tpu.memory_space<vmem>>
      %dma_wait3A_299 = arith.constant 0 : i32
      %dma_wait3A_300 = arith.constant 0 : i32
      %dma_wait3A_301 = tpu.memref_slice %arg3[%dma_wait3A_299, %dma_wait3A_300] : memref<100000x128xf32, #tpu.memory_space<hbm>> -> memref<200x128xf32, #tpu.memory_space<hbm>>
      tpu.wait_dma2 semaphore(%arg18 : memref<!tpu.dma_semaphore, #tpu.memory_space<semaphore_mem>>) src(%dma_wait3A_301 : memref<200x128xf32, #tpu.memory_space<hbm>>) dst(%dma_wait3A_298 : memref<200x128xf32, #tpu.memory_space<vmem>>)
      %parallel_loop3A_302 = arith.constant 0 : i32
      %parallel_loop3A_303 = arith.constant 200 : i32
      %parallel_loop3A_304 = arith.constant 1 : i32
      scf.for %parallel_loop3A_320 = %parallel_loop3A_302 to %parallel_loop3A_303 step %parallel_loop3A_304  : i32 {
        %parallel_loop3A_321 = arith.constant 3 : i32
        %parallel_loop3A_322 = arith.index_cast %parallel_loop3A_321 : i32 to index
        %parallel_loop3A_323 = arith.index_cast %parallel_loop3A_320 : i32 to index
        %parallel_loop3A_324 = arith.constant 0 : index
        %parallel_loop3A_325 = tpu.vector_load %arg10[%parallel_loop3A_322, %parallel_loop3A_323, %parallel_loop3A_324] {strides = array<i32>} : memref<4x200x128xf32, #tpu.memory_space<vmem>>, vector<16xf32>,
        %parallel_loop3A_326 = arith.index_cast %parallel_loop3A_320 : i32 to index
        %parallel_loop3A_327 = arith.constant 0 : index
        %parallel_loop3A_328 = tpu.vector_load %arg11[%parallel_loop3A_326, %parallel_loop3A_327] {strides = array<i32>} : memref<200x128xf32, #tpu.memory_space<vmem>>, vector<16xf32>,
        %parallel_loop3A_329 = arith.addf %parallel_loop3A_325, %parallel_loop3A_328 : vector<16xf32>
        %parallel_loop3A_330 = arith.constant 3 : i32
        %parallel_loop3A_331 = arith.index_cast %parallel_loop3A_330 : i32 to index
        %parallel_loop3A_332 = arith.index_cast %parallel_loop3A_320 : i32 to index
        %parallel_loop3A_333 = arith.constant 16 : index
        %parallel_loop3A_334 = tpu.vector_load %arg10[%parallel_loop3A_331, %parallel_loop3A_332, %parallel_loop3A_333] {strides = array<i32>} : memref<4x200x128xf32, #tpu.memory_space<vmem>>, vector<16xf32>,
        %parallel_loop3A_335 = arith.index_cast %parallel_loop3A_320 : i32 to index
        %parallel_loop3A_336 = arith.constant 16 : index
        %parallel_loop3A_337 = tpu.vector_load %arg11[%parallel_loop3A_335, %parallel_loop3A_336] {strides = array<i32>} : memref<200x128xf32, #tpu.memory_space<vmem>>, vector<16xf32>,
        %parallel_loop3A_338 = arith.addf %parallel_loop3A_334, %parallel_loop3A_337 : vector<16xf32>
        %parallel_loop3A_339 = arith.constant 3 : i32
        %parallel_loop3A_340 = arith.index_cast %parallel_loop3A_339 : i32 to index
        %parallel_loop3A_341 = arith.index_cast %parallel_loop3A_320 : i32 to index
        %parallel_loop3A_342 = arith.constant 32 : index
        %parallel_loop3A_343 = tpu.vector_load %arg10[%parallel_loop3A_340, %parallel_loop3A_341, %parallel_loop3A_342] {strides = array<i32>} : memref<4x200x128xf32, #tpu.memory_space<vmem>>, vector<16xf32>,
        %parallel_loop3A_344 = arith.index_cast %parallel_loop3A_320 : i32 to index
        %parallel_loop3A_345 = arith.constant 32 : index
        %parallel_loop3A_346 = tpu.vector_load %arg11[%parallel_loop3A_344, %parallel_loop3A_345] {strides = array<i32>} : memref<200x128xf32, #tpu.memory_space<vmem>>, vector<16xf32>,
        %parallel_loop3A_347 = arith.addf %parallel_loop3A_343, %parallel_loop3A_346 : vector<16xf32>
        %parallel_loop3A_348 = arith.constant 3 : i32
        %parallel_loop3A_349 = arith.index_cast %parallel_loop3A_348 : i32 to index
        %parallel_loop3A_350 = arith.index_cast %parallel_loop3A_320 : i32 to index
        %parallel_loop3A_351 = arith.constant 48 : index
        %parallel_loop3A_352 = tpu.vector_load %arg10[%parallel_loop3A_349, %parallel_loop3A_350, %parallel_loop3A_351] {strides = array<i32>} : memref<4x200x128xf32, #tpu.memory_space<vmem>>, vector<16xf32>,
        %parallel_loop3A_353 = arith.index_cast %parallel_loop3A_320 : i32 to index
        %parallel_loop3A_354 = arith.constant 48 : index
        %parallel_loop3A_355 = tpu.vector_load %arg11[%parallel_loop3A_353, %parallel_loop3A_354] {strides = array<i32>} : memref<200x128xf32, #tpu.memory_space<vmem>>, vector<16xf32>,
        %parallel_loop3A_356 = arith.addf %parallel_loop3A_352, %parallel_loop3A_355 : vector<16xf32>
        %parallel_loop3A_357 = arith.constant 3 : i32
        %parallel_loop3A_358 = arith.index_cast %parallel_loop3A_357 : i32 to index
        %parallel_loop3A_359 = arith.index_cast %parallel_loop3A_320 : i32 to index
        %parallel_loop3A_360 = arith.constant 64 : index
        %parallel_loop3A_361 = tpu.vector_load %arg10[%parallel_loop3A_358, %parallel_loop3A_359, %parallel_loop3A_360] {strides = array<i32>} : memref<4x200x128xf32, #tpu.memory_space<vmem>>, vector<16xf32>,
        %parallel_loop3A_362 = arith.index_cast %parallel_loop3A_320 : i32 to index
        %parallel_loop3A_363 = arith.constant 64 : index
        %parallel_loop3A_364 = tpu.vector_load %arg11[%parallel_loop3A_362, %parallel_loop3A_363] {strides = array<i32>} : memref<200x128xf32, #tpu.memory_space<vmem>>, vector<16xf32>,
        %parallel_loop3A_365 = arith.addf %parallel_loop3A_361, %parallel_loop3A_364 : vector<16xf32>
        %parallel_loop3A_366 = arith.constant 3 : i32
        %parallel_loop3A_367 = arith.index_cast %parallel_loop3A_366 : i32 to index
        %parallel_loop3A_368 = arith.index_cast %parallel_loop3A_320 : i32 to index
        %parallel_loop3A_369 = arith.constant 80 : index
        %parallel_loop3A_370 = tpu.vector_load %arg10[%parallel_loop3A_367, %parallel_loop3A_368, %parallel_loop3A_369] {strides = array<i32>} : memref<4x200x128xf32, #tpu.memory_space<vmem>>, vector<16xf32>,
        %parallel_loop3A_371 = arith.index_cast %parallel_loop3A_320 : i32 to index
        %parallel_loop3A_372 = arith.constant 80 : index
        %parallel_loop3A_373 = tpu.vector_load %arg11[%parallel_loop3A_371, %parallel_loop3A_372] {strides = array<i32>} : memref<200x128xf32, #tpu.memory_space<vmem>>, vector<16xf32>,
        %parallel_loop3A_374 = arith.addf %parallel_loop3A_370, %parallel_loop3A_373 : vector<16xf32>
        %parallel_loop3A_375 = arith.constant 3 : i32
        %parallel_loop3A_376 = arith.index_cast %parallel_loop3A_375 : i32 to index
        %parallel_loop3A_377 = arith.index_cast %parallel_loop3A_320 : i32 to index
        %parallel_loop3A_378 = arith.constant 96 : index
        %parallel_loop3A_379 = tpu.vector_load %arg10[%parallel_loop3A_376, %parallel_loop3A_377, %parallel_loop3A_378] {strides = array<i32>} : memref<4x200x128xf32, #tpu.memory_space<vmem>>, vector<16xf32>,
        %parallel_loop3A_380 = arith.index_cast %parallel_loop3A_320 : i32 to index
        %parallel_loop3A_381 = arith.constant 96 : index
        %parallel_loop3A_382 = tpu.vector_load %arg11[%parallel_loop3A_380, %parallel_loop3A_381] {strides = array<i32>} : memref<200x128xf32, #tpu.memory_space<vmem>>, vector<16xf32>,
        %parallel_loop3A_383 = arith.addf %parallel_loop3A_379, %parallel_loop3A_382 : vector<16xf32>
        %parallel_loop3A_384 = arith.constant 3 : i32
        %parallel_loop3A_385 = arith.index_cast %parallel_loop3A_384 : i32 to index
        %parallel_loop3A_386 = arith.index_cast %parallel_loop3A_320 : i32 to index
        %parallel_loop3A_387 = arith.constant 112 : index
        %parallel_loop3A_388 = tpu.vector_load %arg10[%parallel_loop3A_385, %parallel_loop3A_386, %parallel_loop3A_387] {strides = array<i32>} : memref<4x200x128xf32, #tpu.memory_space<vmem>>, vector<16xf32>,
        %parallel_loop3A_389 = arith.index_cast %parallel_loop3A_320 : i32 to index
        %parallel_loop3A_390 = arith.constant 112 : index
        %parallel_loop3A_391 = tpu.vector_load %arg11[%parallel_loop3A_389, %parallel_loop3A_390] {strides = array<i32>} : memref<200x128xf32, #tpu.memory_space<vmem>>, vector<16xf32>,
        %parallel_loop3A_392 = arith.addf %parallel_loop3A_388, %parallel_loop3A_391 : vector<16xf32>
        %parallel_loop3A_393 = arith.addf %parallel_loop3A_329, %parallel_loop3A_338 : vector<16xf32>
        %parallel_loop3A_394 = arith.addf %parallel_loop3A_393, %parallel_loop3A_347 : vector<16xf32>
        %parallel_loop3A_395 = arith.addf %parallel_loop3A_394, %parallel_loop3A_356 : vector<16xf32>
        %parallel_loop3A_396 = arith.addf %parallel_loop3A_395, %parallel_loop3A_365 : vector<16xf32>
        %parallel_loop3A_397 = arith.addf %parallel_loop3A_396, %parallel_loop3A_374 : vector<16xf32>
        %parallel_loop3A_398 = arith.addf %parallel_loop3A_397, %parallel_loop3A_383 : vector<16xf32>
        %parallel_loop3A_399 = arith.addf %parallel_loop3A_398, %parallel_loop3A_392 : vector<16xf32>
        %parallel_loop3A_400 = arith.mulf %parallel_loop3A_329, %parallel_loop3A_329 : vector<16xf32>
        %parallel_loop3A_401 = arith.mulf %parallel_loop3A_338, %parallel_loop3A_338 : vector<16xf32>
        %parallel_loop3A_402 = arith.addf %parallel_loop3A_400, %parallel_loop3A_401 : vector<16xf32>
        %parallel_loop3A_403 = arith.mulf %parallel_loop3A_347, %parallel_loop3A_347 : vector<16xf32>
        %parallel_loop3A_404 = arith.addf %parallel_loop3A_402, %parallel_loop3A_403 : vector<16xf32>
        %parallel_loop3A_405 = arith.mulf %parallel_loop3A_356, %parallel_loop3A_356 : vector<16xf32>
        %parallel_loop3A_406 = arith.addf %parallel_loop3A_404, %parallel_loop3A_405 : vector<16xf32>
        %parallel_loop3A_407 = arith.mulf %parallel_loop3A_365, %parallel_loop3A_365 : vector<16xf32>
        %parallel_loop3A_408 = arith.addf %parallel_loop3A_406, %parallel_loop3A_407 : vector<16xf32>
        %parallel_loop3A_409 = arith.mulf %parallel_loop3A_374, %parallel_loop3A_374 : vector<16xf32>
        %parallel_loop3A_410 = arith.addf %parallel_loop3A_408, %parallel_loop3A_409 : vector<16xf32>
        %parallel_loop3A_411 = arith.mulf %parallel_loop3A_383, %parallel_loop3A_383 : vector<16xf32>
        %parallel_loop3A_412 = arith.addf %parallel_loop3A_410, %parallel_loop3A_411 : vector<16xf32>
        %parallel_loop3A_413 = arith.mulf %parallel_loop3A_392, %parallel_loop3A_392 : vector<16xf32>
        %parallel_loop3A_414 = arith.addf %parallel_loop3A_412, %parallel_loop3A_413 : vector<16xf32>
        %parallel_loop3A_415 = arith.constant true
        %parallel_loop3A_416 = vector.broadcast %parallel_loop3A_415 : i1 to vector<16xi1>
        %parallel_loop3A_417 = tpu.scan <sum>, %parallel_loop3A_399 masked %parallel_loop3A_416 : vector<16xf32>, vector<16xi1> -> vector<16xf32>
        %parallel_loop3A_418 = vector.extract_strided_slice %parallel_loop3A_417 {offsets = [15], sizes = [1], strides = [1]} : vector<16xf32> to vector<1xf32>
        %parallel_loop3A_419 = vector.extract %parallel_loop3A_418[0] : f32 from vector<1xf32>
        %parallel_loop3A_420 = arith.constant true
        %parallel_loop3A_421 = vector.broadcast %parallel_loop3A_420 : i1 to vector<16xi1>
        %parallel_loop3A_422 = tpu.scan <sum>, %parallel_loop3A_414 masked %parallel_loop3A_421 : vector<16xf32>, vector<16xi1> -> vector<16xf32>
        %parallel_loop3A_423 = vector.extract_strided_slice %parallel_loop3A_422 {offsets = [15], sizes = [1], strides = [1]} : vector<16xf32> to vector<1xf32>
        %parallel_loop3A_424 = vector.extract %parallel_loop3A_423[0] : f32 from vector<1xf32>
        %parallel_loop3A_425 = arith.constant 7.812500e-03 : f32
        %parallel_loop3A_426 = arith.mulf %parallel_loop3A_419, %parallel_loop3A_425 : f32
        %parallel_loop3A_427 = arith.constant 7.812500e-03 : f32
        %parallel_loop3A_428 = arith.mulf %parallel_loop3A_424, %parallel_loop3A_427 : f32
        %parallel_loop3A_429 = arith.mulf %parallel_loop3A_426, %parallel_loop3A_426 : f32
        %parallel_loop3A_430 = arith.subf %parallel_loop3A_428, %parallel_loop3A_429 : f32
        %parallel_loop3A_431 = arith.constant 9.99999996E-13 : f32
        %parallel_loop3A_432 = arith.addf %parallel_loop3A_430, %parallel_loop3A_431 : f32
        %parallel_loop3A_433 = arith.bitcast %parallel_loop3A_432 : f32 to i32
        %parallel_loop3A_434 = arith.constant 1 : i32
        %parallel_loop3A_435 = arith.shrsi %parallel_loop3A_433, %parallel_loop3A_434 : i32
        %parallel_loop3A_436 = arith.constant 1597463007 : i32
        %parallel_loop3A_437 = arith.subi %parallel_loop3A_436, %parallel_loop3A_435 : i32
        %parallel_loop3A_438 = arith.bitcast %parallel_loop3A_437 : i32 to f32
        %parallel_loop3A_439 = arith.constant 5.000000e-01 : f32
        %parallel_loop3A_440 = arith.mulf %parallel_loop3A_439, %parallel_loop3A_432 : f32
        %parallel_loop3A_441 = arith.mulf %parallel_loop3A_440, %parallel_loop3A_438 : f32
        %parallel_loop3A_442 = arith.mulf %parallel_loop3A_441, %parallel_loop3A_438 : f32
        %parallel_loop3A_443 = arith.constant 1.500000e+00 : f32
        %parallel_loop3A_444 = arith.subf %parallel_loop3A_443, %parallel_loop3A_442 : f32
        %parallel_loop3A_445 = arith.mulf %parallel_loop3A_438, %parallel_loop3A_444 : f32
        %parallel_loop3A_446 = arith.mulf %parallel_loop3A_440, %parallel_loop3A_445 : f32
        %parallel_loop3A_447 = arith.mulf %parallel_loop3A_446, %parallel_loop3A_445 : f32
        %parallel_loop3A_448 = arith.constant 1.500000e+00 : f32
        %parallel_loop3A_449 = arith.subf %parallel_loop3A_448, %parallel_loop3A_447 : f32
        %parallel_loop3A_450 = arith.mulf %parallel_loop3A_445, %parallel_loop3A_449 : f32
        %parallel_loop3A_451 = vector.broadcast %parallel_loop3A_426 : f32 to vector<16xf32>
        %parallel_loop3A_452 = arith.subf %parallel_loop3A_329, %parallel_loop3A_451 : vector<16xf32>
        %parallel_loop3A_453 = vector.broadcast %parallel_loop3A_450 : f32 to vector<16xf32>
        %parallel_loop3A_454 = arith.mulf %parallel_loop3A_452, %parallel_loop3A_453 : vector<16xf32>
        %parallel_loop3A_455 = arith.constant 0 : index
        %parallel_loop3A_456 = tpu.vector_load %arg12[%parallel_loop3A_455] {strides = array<i32>} : memref<128xf32, #tpu.memory_space<vmem>>, vector<16xf32>,
        %parallel_loop3A_457 = arith.mulf %parallel_loop3A_454, %parallel_loop3A_456 : vector<16xf32>
        %parallel_loop3A_458 = arith.constant 0 : index
        %parallel_loop3A_459 = tpu.vector_load %arg13[%parallel_loop3A_458] {strides = array<i32>} : memref<128xf32, #tpu.memory_space<vmem>>, vector<16xf32>,
        %parallel_loop3A_460 = arith.addf %parallel_loop3A_457, %parallel_loop3A_459 : vector<16xf32>
        %parallel_loop3A_461 = arith.constant 3 : i32
        %parallel_loop3A_462 = arith.index_cast %parallel_loop3A_461 : i32 to index
        %parallel_loop3A_463 = arith.index_cast %parallel_loop3A_320 : i32 to index
        %parallel_loop3A_464 = arith.constant 0 : index
        %parallel_loop3A_465 = tpu.vector_load %arg10[%parallel_loop3A_462, %parallel_loop3A_463, %parallel_loop3A_464] {strides = array<i32>} : memref<4x200x128xf32, #tpu.memory_space<vmem>>, vector<16xf32>,
        tpu.vector_store %arg10[%parallel_loop3A_462, %parallel_loop3A_463, %parallel_loop3A_464], %parallel_loop3A_460 {strides = array<i32>} : memref<4x200x128xf32, #tpu.memory_space<vmem>>, vector<16xf32>,
        %parallel_loop3A_466 = vector.broadcast %parallel_loop3A_426 : f32 to vector<16xf32>
        %parallel_loop3A_467 = arith.subf %parallel_loop3A_338, %parallel_loop3A_466 : vector<16xf32>
        %parallel_loop3A_468 = vector.broadcast %parallel_loop3A_450 : f32 to vector<16xf32>
        %parallel_loop3A_469 = arith.mulf %parallel_loop3A_467, %parallel_loop3A_468 : vector<16xf32>
        %parallel_loop3A_470 = arith.constant 16 : index
        %parallel_loop3A_471 = tpu.vector_load %arg12[%parallel_loop3A_470] {strides = array<i32>} : memref<128xf32, #tpu.memory_space<vmem>>, vector<16xf32>,
        %parallel_loop3A_472 = arith.mulf %parallel_loop3A_469, %parallel_loop3A_471 : vector<16xf32>
        %parallel_loop3A_473 = arith.constant 16 : index
        %parallel_loop3A_474 = tpu.vector_load %arg13[%parallel_loop3A_473] {strides = array<i32>} : memref<128xf32, #tpu.memory_space<vmem>>, vector<16xf32>,
        %parallel_loop3A_475 = arith.addf %parallel_loop3A_472, %parallel_loop3A_474 : vector<16xf32>
        %parallel_loop3A_476 = arith.constant 3 : i32
        %parallel_loop3A_477 = arith.index_cast %parallel_loop3A_476 : i32 to index
        %parallel_loop3A_478 = arith.index_cast %parallel_loop3A_320 : i32 to index
        %parallel_loop3A_479 = arith.constant 16 : index
        %parallel_loop3A_480 = tpu.vector_load %arg10[%parallel_loop3A_477, %parallel_loop3A_478, %parallel_loop3A_479] {strides = array<i32>} : memref<4x200x128xf32, #tpu.memory_space<vmem>>, vector<16xf32>,
        tpu.vector_store %arg10[%parallel_loop3A_477, %parallel_loop3A_478, %parallel_loop3A_479], %parallel_loop3A_475 {strides = array<i32>} : memref<4x200x128xf32, #tpu.memory_space<vmem>>, vector<16xf32>,
        %parallel_loop3A_481 = vector.broadcast %parallel_loop3A_426 : f32 to vector<16xf32>
        %parallel_loop3A_482 = arith.subf %parallel_loop3A_347, %parallel_loop3A_481 : vector<16xf32>
        %parallel_loop3A_483 = vector.broadcast %parallel_loop3A_450 : f32 to vector<16xf32>
        %parallel_loop3A_484 = arith.mulf %parallel_loop3A_482, %parallel_loop3A_483 : vector<16xf32>
        %parallel_loop3A_485 = arith.constant 32 : index
        %parallel_loop3A_486 = tpu.vector_load %arg12[%parallel_loop3A_485] {strides = array<i32>} : memref<128xf32, #tpu.memory_space<vmem>>, vector<16xf32>,
        %parallel_loop3A_487 = arith.mulf %parallel_loop3A_484, %parallel_loop3A_486 : vector<16xf32>
        %parallel_loop3A_488 = arith.constant 32 : index
        %parallel_loop3A_489 = tpu.vector_load %arg13[%parallel_loop3A_488] {strides = array<i32>} : memref<128xf32, #tpu.memory_space<vmem>>, vector<16xf32>,
        %parallel_loop3A_490 = arith.addf %parallel_loop3A_487, %parallel_loop3A_489 : vector<16xf32>
        %parallel_loop3A_491 = arith.constant 3 : i32
        %parallel_loop3A_492 = arith.index_cast %parallel_loop3A_491 : i32 to index
        %parallel_loop3A_493 = arith.index_cast %parallel_loop3A_320 : i32 to index
        %parallel_loop3A_494 = arith.constant 32 : index
        %parallel_loop3A_495 = tpu.vector_load %arg10[%parallel_loop3A_492, %parallel_loop3A_493, %parallel_loop3A_494] {strides = array<i32>} : memref<4x200x128xf32, #tpu.memory_space<vmem>>, vector<16xf32>,
        tpu.vector_store %arg10[%parallel_loop3A_492, %parallel_loop3A_493, %parallel_loop3A_494], %parallel_loop3A_490 {strides = array<i32>} : memref<4x200x128xf32, #tpu.memory_space<vmem>>, vector<16xf32>,
        %parallel_loop3A_496 = vector.broadcast %parallel_loop3A_426 : f32 to vector<16xf32>
        %parallel_loop3A_497 = arith.subf %parallel_loop3A_356, %parallel_loop3A_496 : vector<16xf32>
        %parallel_loop3A_498 = vector.broadcast %parallel_loop3A_450 : f32 to vector<16xf32>
        %parallel_loop3A_499 = arith.mulf %parallel_loop3A_497, %parallel_loop3A_498 : vector<16xf32>
        %parallel_loop3A_500 = arith.constant 48 : index
        %parallel_loop3A_501 = tpu.vector_load %arg12[%parallel_loop3A_500] {strides = array<i32>} : memref<128xf32, #tpu.memory_space<vmem>>, vector<16xf32>,
        %parallel_loop3A_502 = arith.mulf %parallel_loop3A_499, %parallel_loop3A_501 : vector<16xf32>
        %parallel_loop3A_503 = arith.constant 48 : index
        %parallel_loop3A_504 = tpu.vector_load %arg13[%parallel_loop3A_503] {strides = array<i32>} : memref<128xf32, #tpu.memory_space<vmem>>, vector<16xf32>,
        %parallel_loop3A_505 = arith.addf %parallel_loop3A_502, %parallel_loop3A_504 : vector<16xf32>
        %parallel_loop3A_506 = arith.constant 3 : i32
        %parallel_loop3A_507 = arith.index_cast %parallel_loop3A_506 : i32 to index
        %parallel_loop3A_508 = arith.index_cast %parallel_loop3A_320 : i32 to index
        %parallel_loop3A_509 = arith.constant 48 : index
        %parallel_loop3A_510 = tpu.vector_load %arg10[%parallel_loop3A_507, %parallel_loop3A_508, %parallel_loop3A_509] {strides = array<i32>} : memref<4x200x128xf32, #tpu.memory_space<vmem>>, vector<16xf32>,
        tpu.vector_store %arg10[%parallel_loop3A_507, %parallel_loop3A_508, %parallel_loop3A_509], %parallel_loop3A_505 {strides = array<i32>} : memref<4x200x128xf32, #tpu.memory_space<vmem>>, vector<16xf32>,
        %parallel_loop3A_511 = vector.broadcast %parallel_loop3A_426 : f32 to vector<16xf32>
        %parallel_loop3A_512 = arith.subf %parallel_loop3A_365, %parallel_loop3A_511 : vector<16xf32>
        %parallel_loop3A_513 = vector.broadcast %parallel_loop3A_450 : f32 to vector<16xf32>
        %parallel_loop3A_514 = arith.mulf %parallel_loop3A_512, %parallel_loop3A_513 : vector<16xf32>
        %parallel_loop3A_515 = arith.constant 64 : index
        %parallel_loop3A_516 = tpu.vector_load %arg12[%parallel_loop3A_515] {strides = array<i32>} : memref<128xf32, #tpu.memory_space<vmem>>, vector<16xf32>,
        %parallel_loop3A_517 = arith.mulf %parallel_loop3A_514, %parallel_loop3A_516 : vector<16xf32>
        %parallel_loop3A_518 = arith.constant 64 : index
        %parallel_loop3A_519 = tpu.vector_load %arg13[%parallel_loop3A_518] {strides = array<i32>} : memref<128xf32, #tpu.memory_space<vmem>>, vector<16xf32>,
        %parallel_loop3A_520 = arith.addf %parallel_loop3A_517, %parallel_loop3A_519 : vector<16xf32>
        %parallel_loop3A_521 = arith.constant 3 : i32
        %parallel_loop3A_522 = arith.index_cast %parallel_loop3A_521 : i32 to index
        %parallel_loop3A_523 = arith.index_cast %parallel_loop3A_320 : i32 to index
        %parallel_loop3A_524 = arith.constant 64 : index
        %parallel_loop3A_525 = tpu.vector_load %arg10[%parallel_loop3A_522, %parallel_loop3A_523, %parallel_loop3A_524] {strides = array<i32>} : memref<4x200x128xf32, #tpu.memory_space<vmem>>, vector<16xf32>,
        tpu.vector_store %arg10[%parallel_loop3A_522, %parallel_loop3A_523, %parallel_loop3A_524], %parallel_loop3A_520 {strides = array<i32>} : memref<4x200x128xf32, #tpu.memory_space<vmem>>, vector<16xf32>,
        %parallel_loop3A_526 = vector.broadcast %parallel_loop3A_426 : f32 to vector<16xf32>
        %parallel_loop3A_527 = arith.subf %parallel_loop3A_374, %parallel_loop3A_526 : vector<16xf32>
        %parallel_loop3A_528 = vector.broadcast %parallel_loop3A_450 : f32 to vector<16xf32>
        %parallel_loop3A_529 = arith.mulf %parallel_loop3A_527, %parallel_loop3A_528 : vector<16xf32>
        %parallel_loop3A_530 = arith.constant 80 : index
        %parallel_loop3A_531 = tpu.vector_load %arg12[%parallel_loop3A_530] {strides = array<i32>} : memref<128xf32, #tpu.memory_space<vmem>>, vector<16xf32>,
        %parallel_loop3A_532 = arith.mulf %parallel_loop3A_529, %parallel_loop3A_531 : vector<16xf32>
        %parallel_loop3A_533 = arith.constant 80 : index
        %parallel_loop3A_534 = tpu.vector_load %arg13[%parallel_loop3A_533] {strides = array<i32>} : memref<128xf32, #tpu.memory_space<vmem>>, vector<16xf32>,
        %parallel_loop3A_535 = arith.addf %parallel_loop3A_532, %parallel_loop3A_534 : vector<16xf32>
        %parallel_loop3A_536 = arith.constant 3 : i32
        %parallel_loop3A_537 = arith.index_cast %parallel_loop3A_536 : i32 to index
        %parallel_loop3A_538 = arith.index_cast %parallel_loop3A_320 : i32 to index
        %parallel_loop3A_539 = arith.constant 80 : index
        %parallel_loop3A_540 = tpu.vector_load %arg10[%parallel_loop3A_537, %parallel_loop3A_538, %parallel_loop3A_539] {strides = array<i32>} : memref<4x200x128xf32, #tpu.memory_space<vmem>>, vector<16xf32>,
        tpu.vector_store %arg10[%parallel_loop3A_537, %parallel_loop3A_538, %parallel_loop3A_539], %parallel_loop3A_535 {strides = array<i32>} : memref<4x200x128xf32, #tpu.memory_space<vmem>>, vector<16xf32>,
        %parallel_loop3A_541 = vector.broadcast %parallel_loop3A_426 : f32 to vector<16xf32>
        %parallel_loop3A_542 = arith.subf %parallel_loop3A_383, %parallel_loop3A_541 : vector<16xf32>
        %parallel_loop3A_543 = vector.broadcast %parallel_loop3A_450 : f32 to vector<16xf32>
        %parallel_loop3A_544 = arith.mulf %parallel_loop3A_542, %parallel_loop3A_543 : vector<16xf32>
        %parallel_loop3A_545 = arith.constant 96 : index
        %parallel_loop3A_546 = tpu.vector_load %arg12[%parallel_loop3A_545] {strides = array<i32>} : memref<128xf32, #tpu.memory_space<vmem>>, vector<16xf32>,
        %parallel_loop3A_547 = arith.mulf %parallel_loop3A_544, %parallel_loop3A_546 : vector<16xf32>
        %parallel_loop3A_548 = arith.constant 96 : index
        %parallel_loop3A_549 = tpu.vector_load %arg13[%parallel_loop3A_548] {strides = array<i32>} : memref<128xf32, #tpu.memory_space<vmem>>, vector<16xf32>,
        %parallel_loop3A_550 = arith.addf %parallel_loop3A_547, %parallel_loop3A_549 : vector<16xf32>
        %parallel_loop3A_551 = arith.constant 3 : i32
        %parallel_loop3A_552 = arith.index_cast %parallel_loop3A_551 : i32 to index
        %parallel_loop3A_553 = arith.index_cast %parallel_loop3A_320 : i32 to index
        %parallel_loop3A_554 = arith.constant 96 : index
        %parallel_loop3A_555 = tpu.vector_load %arg10[%parallel_loop3A_552, %parallel_loop3A_553, %parallel_loop3A_554] {strides = array<i32>} : memref<4x200x128xf32, #tpu.memory_space<vmem>>, vector<16xf32>,
        tpu.vector_store %arg10[%parallel_loop3A_552, %parallel_loop3A_553, %parallel_loop3A_554], %parallel_loop3A_550 {strides = array<i32>} : memref<4x200x128xf32, #tpu.memory_space<vmem>>, vector<16xf32>,
        %parallel_loop3A_556 = vector.broadcast %parallel_loop3A_426 : f32 to vector<16xf32>
        %parallel_loop3A_557 = arith.subf %parallel_loop3A_392, %parallel_loop3A_556 : vector<16xf32>
        %parallel_loop3A_558 = vector.broadcast %parallel_loop3A_450 : f32 to vector<16xf32>
        %parallel_loop3A_559 = arith.mulf %parallel_loop3A_557, %parallel_loop3A_558 : vector<16xf32>
        %parallel_loop3A_560 = arith.constant 112 : index
        %parallel_loop3A_561 = tpu.vector_load %arg12[%parallel_loop3A_560] {strides = array<i32>} : memref<128xf32, #tpu.memory_space<vmem>>, vector<16xf32>,
        %parallel_loop3A_562 = arith.mulf %parallel_loop3A_559, %parallel_loop3A_561 : vector<16xf32>
        %parallel_loop3A_563 = arith.constant 112 : index
        %parallel_loop3A_564 = tpu.vector_load %arg13[%parallel_loop3A_563] {strides = array<i32>} : memref<128xf32, #tpu.memory_space<vmem>>, vector<16xf32>,
        %parallel_loop3A_565 = arith.addf %parallel_loop3A_562, %parallel_loop3A_564 : vector<16xf32>
        %parallel_loop3A_566 = arith.constant 3 : i32
        %parallel_loop3A_567 = arith.index_cast %parallel_loop3A_566 : i32 to index
        %parallel_loop3A_568 = arith.index_cast %parallel_loop3A_320 : i32 to index
        %parallel_loop3A_569 = arith.constant 112 : index
        %parallel_loop3A_570 = tpu.vector_load %arg10[%parallel_loop3A_567, %parallel_loop3A_568, %parallel_loop3A_569] {strides = array<i32>} : memref<4x200x128xf32, #tpu.memory_space<vmem>>, vector<16xf32>,
        tpu.vector_store %arg10[%parallel_loop3A_567, %parallel_loop3A_568, %parallel_loop3A_569], %parallel_loop3A_565 {strides = array<i32>} : memref<4x200x128xf32, #tpu.memory_space<vmem>>, vector<16xf32>,
      } {sc.loop_unroll_factor = 3 : i64, sc.parallel_access}
      %mul3A_305 = arith.constant 200 : i32
      %mul3A_306 = arith.muli %add3A_272, %mul3A_305 : i32
      %dma_start3A_307 = arith.constant 3 : i32
      %dma_start3A_308 = arith.constant 0 : i32
      %dma_start3A_309 = arith.constant 0 : i32
      %dma_start3A_310 = tpu.memref_slice %arg10[%dma_start3A_307, %dma_start3A_308, %dma_start3A_309] : memref<4x200x128xf32, #tpu.memory_space<vmem>> -> memref<1x200x128xf32, #tpu.memory_space<vmem>>
      %dma_start3A_311 = tpu.memref_squeeze %dma_start3A_310 : memref<1x200x128xf32, #tpu.memory_space<vmem>> -> memref<200x128xf32, #tpu.memory_space<vmem>>
      %dma_start3A_312 = arith.constant 0 : i32
      %dma_start3A_313 = tpu.memref_slice %arg8[%mul3A_306, %dma_start3A_312] : memref<204800x128xf32, #tpu.memory_space<hbm>> -> memref<200x128xf32, #tpu.memory_space<hbm>>
      %dma_start3A_314 = arith.constant 0 : i32
      %dma_start3A_315 = tpu.memref_slice %arg8[%mul3A_306, %dma_start3A_314] : memref<204800x128xf32, #tpu.memory_space<hbm>> -> memref<200x128xf32, #tpu.memory_space<hbm>>
      %dma_start3A_316 = arith.constant 0 : i32
      %dma_start3A_317 = arith.constant 0 : i32
      %dma_start3A_318 = tpu.memref_slice %arg10[%dma_start3A_307, %dma_start3A_316, %dma_start3A_317] : memref<4x200x128xf32, #tpu.memory_space<vmem>> -> memref<1x200x128xf32, #tpu.memory_space<vmem>>
      %dma_start3A_319 = tpu.memref_squeeze %dma_start3A_318 : memref<1x200x128xf32, #tpu.memory_space<vmem>> -> memref<200x128xf32, #tpu.memory_space<vmem>>
      tpu.enqueue_dma source(%dma_start3A_319 : memref<200x128xf32, #tpu.memory_space<vmem>>) target(%dma_start3A_315 : memref<200x128xf32, #tpu.memory_space<hbm>>) target_semaphore(%arg22 : memref<!tpu.dma_semaphore, #tpu.memory_space<semaphore_mem>>)
    }
    %scan3A_54 = arith.constant 8 : i32
    %dma_wait3A = arith.constant 0 : i32
    %dma_wait3A_55 = arith.constant 0 : i32
    %dma_wait3A_56 = arith.constant 0 : i32
    %dma_wait3A_57 = tpu.memref_slice %arg10[%dma_wait3A, %dma_wait3A_55, %dma_wait3A_56] : memref<4x200x128xf32, #tpu.memory_space<vmem>> -> memref<1x200x128xf32, #tpu.memory_space<vmem>>
    %dma_wait3A_58 = tpu.memref_squeeze %dma_wait3A_57 : memref<1x200x128xf32, #tpu.memory_space<vmem>> -> memref<200x128xf32, #tpu.memory_space<vmem>>
    %dma_wait3A_59 = arith.constant 0 : i32
    %dma_wait3A_60 = arith.constant 0 : i32
    %dma_wait3A_61 = tpu.memref_slice %arg8[%dma_wait3A_59, %dma_wait3A_60] : memref<204800x128xf32, #tpu.memory_space<hbm>> -> memref<200x128xf32, #tpu.memory_space<hbm>>
    %dma_wait3A_62 = arith.constant 0 : i32
    %dma_wait3A_63 = arith.constant 0 : i32
    %dma_wait3A_64 = tpu.memref_slice %arg8[%dma_wait3A_62, %dma_wait3A_63] : memref<204800x128xf32, #tpu.memory_space<hbm>> -> memref<200x128xf32, #tpu.memory_space<hbm>>
    %dma_wait3A_65 = arith.constant 0 : i32
    %dma_wait3A_66 = arith.constant 0 : i32
    %dma_wait3A_67 = tpu.memref_slice %arg10[%dma_wait3A, %dma_wait3A_65, %dma_wait3A_66] : memref<4x200x128xf32, #tpu.memory_space<vmem>> -> memref<1x200x128xf32, #tpu.memory_space<vmem>>
    %dma_wait3A_68 = tpu.memref_squeeze %dma_wait3A_67 : memref<1x200x128xf32, #tpu.memory_space<vmem>> -> memref<200x128xf32, #tpu.memory_space<vmem>>
    tpu.wait_dma2 semaphore(%arg19 : memref<!tpu.dma_semaphore, #tpu.memory_space<semaphore_mem>>) src(%dma_wait3A_68 : memref<200x128xf32, #tpu.memory_space<vmem>>) dst(%dma_wait3A_64 : memref<200x128xf32, #tpu.memory_space<hbm>>)
    %dma_wait3A_69 = arith.constant 1 : i32
    %dma_wait3A_70 = arith.constant 0 : i32
    %dma_wait3A_71 = arith.constant 0 : i32
    %dma_wait3A_72 = tpu.memref_slice %arg10[%dma_wait3A_69, %dma_wait3A_70, %dma_wait3A_71] : memref<4x200x128xf32, #tpu.memory_space<vmem>> -> memref<1x200x128xf32, #tpu.memory_space<vmem>>
    %dma_wait3A_73 = tpu.memref_squeeze %dma_wait3A_72 : memref<1x200x128xf32, #tpu.memory_space<vmem>> -> memref<200x128xf32, #tpu.memory_space<vmem>>
    %dma_wait3A_74 = arith.constant 0 : i32
    %dma_wait3A_75 = arith.constant 0 : i32
    %dma_wait3A_76 = tpu.memref_slice %arg8[%dma_wait3A_74, %dma_wait3A_75] : memref<204800x128xf32, #tpu.memory_space<hbm>> -> memref<200x128xf32, #tpu.memory_space<hbm>>
    %dma_wait3A_77 = arith.constant 0 : i32
    %dma_wait3A_78 = arith.constant 0 : i32
    %dma_wait3A_79 = tpu.memref_slice %arg8[%dma_wait3A_77, %dma_wait3A_78] : memref<204800x128xf32, #tpu.memory_space<hbm>> -> memref<200x128xf32, #tpu.memory_space<hbm>>
    %dma_wait3A_80 = arith.constant 0 : i32
    %dma_wait3A_81 = arith.constant 0 : i32
    %dma_wait3A_82 = tpu.memref_slice %arg10[%dma_wait3A_69, %dma_wait3A_80, %dma_wait3A_81] : memref<4x200x128xf32, #tpu.memory_space<vmem>> -> memref<1x200x128xf32, #tpu.memory_space<vmem>>
    %dma_wait3A_83 = tpu.memref_squeeze %dma_wait3A_82 : memref<1x200x128xf32, #tpu.memory_space<vmem>> -> memref<200x128xf32, #tpu.memory_space<vmem>>
    tpu.wait_dma2 semaphore(%arg20 : memref<!tpu.dma_semaphore, #tpu.memory_space<semaphore_mem>>) src(%dma_wait3A_83 : memref<200x128xf32, #tpu.memory_space<vmem>>) dst(%dma_wait3A_79 : memref<200x128xf32, #tpu.memory_space<hbm>>)
    %dma_wait3A_84 = arith.constant 2 : i32
    %dma_wait3A_85 = arith.constant 0 : i32
    %dma_wait3A_86 = arith.constant 0 : i32
    %dma_wait3A_87 = tpu.memref_slice %arg10[%dma_wait3A_84, %dma_wait3A_85, %dma_wait3A_86] : memref<4x200x128xf32, #tpu.memory_space<vmem>> -> memref<1x200x128xf32, #tpu.memory_space<vmem>>
    %dma_wait3A_88 = tpu.memref_squeeze %dma_wait3A_87 : memref<1x200x128xf32, #tpu.memory_space<vmem>> -> memref<200x128xf32, #tpu.memory_space<vmem>>
    %dma_wait3A_89 = arith.constant 0 : i32
    %dma_wait3A_90 = arith.constant 0 : i32
    %dma_wait3A_91 = tpu.memref_slice %arg8[%dma_wait3A_89, %dma_wait3A_90] : memref<204800x128xf32, #tpu.memory_space<hbm>> -> memref<200x128xf32, #tpu.memory_space<hbm>>
    %dma_wait3A_92 = arith.constant 0 : i32
    %dma_wait3A_93 = arith.constant 0 : i32
    %dma_wait3A_94 = tpu.memref_slice %arg8[%dma_wait3A_92, %dma_wait3A_93] : memref<204800x128xf32, #tpu.memory_space<hbm>> -> memref<200x128xf32, #tpu.memory_space<hbm>>
    %dma_wait3A_95 = arith.constant 0 : i32
    %dma_wait3A_96 = arith.constant 0 : i32
    %dma_wait3A_97 = tpu.memref_slice %arg10[%dma_wait3A_84, %dma_wait3A_95, %dma_wait3A_96] : memref<4x200x128xf32, #tpu.memory_space<vmem>> -> memref<1x200x128xf32, #tpu.memory_space<vmem>>
    %dma_wait3A_98 = tpu.memref_squeeze %dma_wait3A_97 : memref<1x200x128xf32, #tpu.memory_space<vmem>> -> memref<200x128xf32, #tpu.memory_space<vmem>>
    tpu.wait_dma2 semaphore(%arg21 : memref<!tpu.dma_semaphore, #tpu.memory_space<semaphore_mem>>) src(%dma_wait3A_98 : memref<200x128xf32, #tpu.memory_space<vmem>>) dst(%dma_wait3A_94 : memref<200x128xf32, #tpu.memory_space<hbm>>)
    %dma_wait3A_99 = arith.constant 3 : i32
    %dma_wait3A_100 = arith.constant 0 : i32
    %dma_wait3A_101 = arith.constant 0 : i32
    %dma_wait3A_102 = tpu.memref_slice %arg10[%dma_wait3A_99, %dma_wait3A_100, %dma_wait3A_101] : memref<4x200x128xf32, #tpu.memory_space<vmem>> -> memref<1x200x128xf32, #tpu.memory_space<vmem>>
    %dma_wait3A_103 = tpu.memref_squeeze %dma_wait3A_102 : memref<1x200x128xf32, #tpu.memory_space<vmem>> -> memref<200x128xf32, #tpu.memory_space<vmem>>
    %dma_wait3A_104 = arith.constant 0 : i32
    %dma_wait3A_105 = arith.constant 0 : i32
    %dma_wait3A_106 = tpu.memref_slice %arg8[%dma_wait3A_104, %dma_wait3A_105] : memref<204800x128xf32, #tpu.memory_space<hbm>> -> memref<200x128xf32, #tpu.memory_space<hbm>>
    %dma_wait3A_107 = arith.constant 0 : i32
    %dma_wait3A_108 = arith.constant 0 : i32
    %dma_wait3A_109 = tpu.memref_slice %arg8[%dma_wait3A_107, %dma_wait3A_108] : memref<204800x128xf32, #tpu.memory_space<hbm>> -> memref<200x128xf32, #tpu.memory_space<hbm>>
    %dma_wait3A_110 = arith.constant 0 : i32
    %dma_wait3A_111 = arith.constant 0 : i32
    %dma_wait3A_112 = tpu.memref_slice %arg10[%dma_wait3A_99, %dma_wait3A_110, %dma_wait3A_111] : memref<4x200x128xf32, #tpu.memory_space<vmem>> -> memref<1x200x128xf32, #tpu.memory_space<vmem>>
    %dma_wait3A_113 = tpu.memref_squeeze %dma_wait3A_112 : memref<1x200x128xf32, #tpu.memory_space<vmem>> -> memref<200x128xf32, #tpu.memory_space<vmem>>
    tpu.wait_dma2 semaphore(%arg22 : memref<!tpu.dma_semaphore, #tpu.memory_space<semaphore_mem>>) src(%dma_wait3A_113 : memref<200x128xf32, #tpu.memory_space<vmem>>) dst(%dma_wait3A_109 : memref<200x128xf32, #tpu.memory_space<hbm>>)
    return
  }
}

</mosaic_0001>

<sc_bundles>
// kernel: kernel.3.cloned.1.call-start
scs
__scs_entry_jumppad:
0x0: {  	(pc) =	sbr.rel $0x88, $3  }
0x1: {  	(tag) =	ssettag $0x0;
	lr =	simm.s32 $0x1  }
0x2: {  	[smem:$0x3F9B] =	sst lr;
	_ =	strace $0xD0000000  }
0x3: {  	_ = 	snop  }
0x4: {  	_ = 	snop  }
0x5: {  	_ = 	snop  }
0x6: {  	_ = 	snop  }
0x7: {  	_ = 	snop  }
__scs_overlays_trampoline_lowered:
0x8: {  	[smem:$0x3FAA] =	sst s0  }
0x9: {  	[smem:$0x3FAB] =	sst s1  }
0xa: {  	[smem:$0x3FAC] =	sst s2  }
0xb: {  	[smem:$0x3FAD] =	sst s3  }
0xc: {  	[smem:$0x3FAE] =	sst s4  }
0xd: {  	[smem:$0x3FAF] =	sst s5  }
0xe: {  	[smem:$0x3FB0] =	sst s6  }
0xf: {  	[smem:$0x3FB1] =	sst s7  }
0x10: {  	[smem:$0x3FB2] =	sst s8  }
0x11: {  	[smem:$0x3FB3] =	sst s9;
	s0 =	simm.s32 @!p0 $0x0  }
0x12: {  	s1 =	sld [smem:$0x3F99];
	s0 =	simm.s32 @p0 $0x1  }
0x13: {  	[smem:$0x3FB4] =	sst s0;
	s0 =	simm.s32 @!p1 $0x0  }
0x14: {  	s2 =	sld [smem:$0x3F98];
	s0 =	simm.s32 @p1 $0x1  }
0x15: {  	[smem:$0x3FB5] =	sst s0;
	s0 =	simm.s32 @!p2 $0x0  }
0x16: {  	s3 =	sld [smem:$0x3FDB];
	s0 =	simm.s32 @p2 $0x1  }
0x17: {  	s4 =	simm.s32 $0x1BF5;
	[smem:$0x3FB7] =	sst s0  }
0x18: {  	s0 =	sld [smem:$0x3F9A];
	_ =	swait.ge [sflag:s4], $0x0  }
0x19: {  	s7 =	sld [smem:$0x3F9B]  }
0x1a: {  	s8 =	sadd.s32 $0xFFFFE003, lr  }
0x1b: {  	s9 =	sadd.s32 $0xFFFFFEF7, lr;
	s5 =	simm.s32 $0xFFFFFFFF;
	p2 =	slt.u32 s8, $0xFFFFF086  }
0x1c: {  	p1 =	slt.u32 s9, $0xF7A;
	s5 =	simm.s32 @!p2 $0x0  }
0x1d: {  	s5 =	simm.s32 @p1 $0x1;
	p0 =	seq.s32 s7, s2  }
0x1e: {  	s7 =	smul.u32 @!p0 $0xF7A, s2;
	p2 =	seq.s32 @!p0 s5, $0x0  }
0x1f: {  	s9 =	smul.u32 $0xF7A, s1;
	s8 =	simm.s32 @!p0 $0x1BF5;
	p2 =	por !p2, p0  }
0x20: {  	[sflag:s8] =	ssyncset.s32 @!p0 $0xFFFFF086;
	s6 =	sadd.s32 @!p0 s3, s7;
	s7 =	simm.s32 @!p0 $0x108  }
0x21: {  	s3 =	sadd.s32 s3, s9;
	s6 =	sadd.s32 @!p0 $0x88, s6;
	s7 =	simm.s32 @p2 $0x1082  }
0x22: {  	[simem:s7], [sflag:s8] =	dma.local @!p0 [hbm:s6], $0xF7A  }
0x23: {  	s9 =	sor.u32 $0xD0000000, s2;
	s6 =	simm.s32 $0x108;
	_ =	swait.ge @!p0 [sflag:s8], $0x0  }
0x24: {  	s3 =	sadd.s32 $0x88, s3;
	s6 =	simm.s32 @!p1 $0x1082;
	[sflag:s4] =	ssyncset.s32 $0xFFFFF086  }
0x25: {  	[simem:s6], [sflag:s4] =	dma.local [hbm:s3], $0xF7A  }
0x26: {  	[smem:$0x3F9B] =	sst s1;
	(tag) =	ssettag s2;
	_ =	strace s9  }
0x27: {  	s1 =	sld [smem:$0x3FAB]  }
0x28: {  	s2 =	sld [smem:$0x3FAC]  }
0x29: {  	s4 =	sld [smem:$0x3FAE]  }
0x2a: {  	p0 =	seq.s32 s5, $0x0;
	s5 =	sld [smem:$0x3FAF]  }
0x2b: {  	s6 =	sld [smem:$0x3FB0]  }
0x2c: {  	s7 =	sld [smem:$0x3FB1]  }
0x2d: {  	s3 =	simm.s32 $0x108;
	s8 =	sld [smem:$0x3FB2]  }
0x2e: {  	s3 =	simm.s32 @!p0 $0x1082;
	s9 =	sld [smem:$0x3FB3]  }
0x2f: {  	lr =	sadd.s32 s0, s3;
	s0 =	sld [smem:$0x3FAA]  }
0x30: {  	s3 =	sld [smem:$0x3FAD]  }
0x31: {  	[smem:$0x3FB6] =	sst s10  }
0x32: {  	s10 =	sld [smem:$0x3FB4];
	_ =	sdelay $0x3  }
0x33: {  	p0 =	seq.s32 s10, $0x1;
	s10 =	sld [smem:$0x3FB6];
	_ =	sdelay $0x3  }
0x34: {  	[smem:$0x3FB6] =	sst s10  }
0x35: {  	s10 =	sld [smem:$0x3FB5];
	_ =	sdelay $0x3  }
0x36: {  	p1 =	seq.s32 s10, $0x1;
	s10 =	sld [smem:$0x3FB6];
	_ =	sdelay $0x3  }
0x37: {  	[smem:$0x3FB6] =	sst s10  }
0x38: {  	s10 =	sld [smem:$0x3FB7]  }
0x39: {  	_ = 	snop;
	(pc) =	sbr.ind lr, $3  }
0x3a: {  	_ = 	snop  }
0x3b: {  	_ = 	snop  }
0x3c: {  	p2 =	seq.s32 s10, $0x1;
	s10 =	sld [smem:$0x3FB6]  }
0x3d: {  	_ =	shalt  }
0x3e: {  	_ =	shalt  }
0x3f: {  	_ =	shalt  }
0x40: {  	_ =	shalt  }
0x41: {  	_ =	shalt  }
0x42: {  	_ =	shalt  }
0x43: {  	_ =	shalt  }
0x44: {  	_ =	shalt  }
0x45: {  	_ =	shalt  }
0x46: {  	_ =	shalt  }
0x47: {  	_ =	shalt  }
0x48: {  	_ =	shalt  }
0x49: {  	_ =	shalt  }
0x4a: {  	_ =	shalt  }
0x4b: {  	_ =	shalt  }
0x4c: {  	_ =	shalt  }
0x4d: {  	_ =	shalt  }
0x4e: {  	_ =	shalt  }
0x4f: {  	_ =	shalt  }
0x50: {  	_ =	shalt  }
0x51: {  	_ =	shalt  }
0x52: {  	_ =	shalt  }
0x53: {  	_ =	shalt  }
0x54: {  	_ =	shalt  }
0x55: {  	_ =	shalt  }
0x56: {  	_ =	shalt  }
0x57: {  	_ =	shalt  }
0x58: {  	_ =	shalt  }
0x59: {  	_ =	shalt  }
0x5a: {  	_ =	shalt  }
0x5b: {  	_ =	shalt  }
0x5c: {  	_ =	shalt  }
0x5d: {  	_ =	shalt  }
0x5e: {  	_ =	shalt  }
0x5f: {  	_ =	shalt  }
0x60: {  	_ =	shalt  }
0x61: {  	_ =	shalt  }
0x62: {  	_ =	shalt  }
0x63: {  	_ =	shalt  }
0x64: {  	_ =	shalt  }
0x65: {  	_ =	shalt  }
0x66: {  	_ =	shalt  }
0x67: {  	_ =	shalt  }
0x68: {  	_ =	shalt  }
0x69: {  	_ =	shalt  }
0x6a: {  	_ =	shalt  }
0x6b: {  	_ =	shalt  }
0x6c: {  	_ =	shalt  }
0x6d: {  	_ =	shalt  }
0x6e: {  	_ =	shalt  }
0x6f: {  	_ =	shalt  }
0x70: {  	_ =	shalt  }
0x71: {  	_ =	shalt  }
0x72: {  	_ =	shalt  }
0x73: {  	_ =	shalt  }
0x74: {  	_ =	shalt  }
0x75: {  	_ =	shalt  }
0x76: {  	_ =	shalt  }
0x77: {  	_ =	shalt  }
0x78: {  	_ =	shalt  }
0x79: {  	_ =	shalt  }
0x7a: {  	_ =	shalt  }
0x7b: {  	_ =	shalt  }
0x7c: {  	_ =	shalt  }
0x7d: {  	_ =	shalt  }
0x7e: {  	_ =	shalt  }
0x7f: {  	_ =	shalt  }
0x80: {  	_ =	shalt  }
0x81: {  	_ =	shalt  }
0x82: {  	_ =	shalt  }
0x83: {  	_ =	shalt  }
0x84: {  	_ =	shalt  }
0x85: {  	_ =	shalt  }
0x86: {  	_ =	shalt  }
0x87: {  	_ =	shalt  }
.Lfunc_end0:
.L_simem_size_0:
called_computation_lowered:
.L_overlay_start_0:
0x88: {  	s2 =	sld [smem:$0x3FD9]  }
0x89: {  	s3 =	sld [smem:$0x3FFE];
	_ =	sdelay $0x1  }
0x8a: {  	s1 =	srdreg.scid  }
0x8b: {  	s0 =	sand.u32 $0x1, s1  }
0x8c: {  	s17 =	sshll.u32 s0, $0xA;
	s2 =	sadd.s32 s3, s2  }
0x8d: {  	s2 =	sadd.s32 s2, s17  }
0x8e: {  	[smem:$0x3FC2] =	sst s2  }
0x8f: {  	_ = 	snop  }
0x90: {  	s2 =	sld [smem:$0x3FC8]  }
0x91: {  	s18 =	sld [smem:$0x3FC7]  }
0x92: {  	s4 =	sld [smem:$0x3FC6]  }
0x93: {  	s5 =	sld [smem:$0x3FC5]  }
0x94: {  	s6 =	sld [smem:$0x3FC4]  }
0x95: {  	s7 =	sld [smem:$0x3FD0];
	(tm) =	ssettm $0x1  }
0x96: {  	s8 =	sld [smem:$0x3FFB];
	_ =	sdelay $0x3  }
0x97: {  	_ =	strace s8  }
0x98: {  	s8 =	sld [smem:$0x3FFC];
	_ =	sdelay $0x3  }
0x99: {  	_ =	strace s8  }
0x9a: {  	s8 =	sld [smem:$0x3FFD];
	_ =	sdelay $0x3  }
0x9b: {  	_ =	strace s8  }
0x9c: {  	_ =	strace $0x8FFFFFFF  }
0x9d: {  	s19 =	sld [smem:$0x3FDB];
	_ =	sdelay $0x1  }
0x9e: {  	s9 =	simm.s32 $_scs_section_size  }
0x9f: {  	s10 =	simm.s32 $_size__tile_overlayer_lowered;
	s11 =	simm.s32 $_tile_overlayer_lowered  }
0xa0: {  	s22 =	simm.s32 $0x1BFF;
	s21 =	sshll.u32 s11, $0x1;
	s8 =	sadd.s32 s9, s19  }
0xa1: {  	s12 =	simm.s32 $0x0;
	s20 =	sshll.u32 s10, $0x1;
	s10 =	sadd.s32 s21, s8  }
0xa2: {  	[timem:s12], [sflag:s22] =	dma.local [hbm:s10], s20  }
0xa3: {  	_ =	swait.ge [sflag:s22], s20  }
0xa4: {  	s9 =	ssub.s32 $0x0, s20;
	[sflag:s22] =	ssyncset.done $0x0  }
0xa5: {  	[sflag:s22] =	ssyncadd.s32 s9;
	_ =	sdelay $0x1  }
0xa6: {  	s23 =	simm.s32 $0x1B8B  }
0xa7: {  	_ =	swait.ge [sflag:s23], $0x1  }
0xa8: {  	[sflag:s23] =	ssyncset.done $0x0  }
0xa9: {  	s25 =	simm.s32 $0x1B8E;
	s24 =	sld [smem:$0x3FFE];
	[sflag:s23] =	ssyncadd.s32 $0xFFFFFFFF  }
0xaa: {  	s26 =	simm.s32 $execute0_lowered;
	[smem:$0x3FD2] =	sst s25  }
0xab: {  	s10 =	sshll.u32 s26, $0x1;
	_ =	strace $0x80000046;
	[dreg:$0x1] =	wrdreg $0xFFFFFFFF  }
0xac: {  	s28 =	simm.s32 $_size_execute0_lowered;
	s8 =	sadd.s32 s8, s10;
	[dreg:$0x0] =	wrdreg $0x0  }
0xad: {  	s10 =	sshll.u32 s28, $0x1;
	[dreg:$0x2] =	wrdreg s8  }
0xae: {  	[dreg:$0x3] =	wrdreg s10  }
0xaf: {  	[dreg:$0x4] =	wrdreg $0xC0  }
0xb0: {  	_ =	task [dreg:s12], $0x5FFFF  }
0xb1: {  	[dreg:$0x1] =	wrdreg $0xFFFFFFFF  }
0xb2: {  	[dreg:$0x0] =	wrdreg $0x60  }
0xb3: {  	[dreg:$0x2] =	wrdreg s24  }
0xb4: {  	[dreg:$0x3] =	wrdreg s2  }
0xb5: {  	[dreg:$0x4] =	wrdreg s18  }
0xb6: {  	[dreg:$0x5] =	wrdreg s4  }
0xb7: {  	[dreg:$0x6] =	wrdreg s5  }
0xb8: {  	[dreg:$0x7] =	wrdreg s6  }
0xb9: {  	[dreg:$0x8] =	wrdreg s7  }
0xba: {  	[dreg:$0x9] =	wrdreg $0x9  }
0xbb: {  	_ =	task.clear_ibuf [dreg:s12], $0xAFFFF;
	_ =	strace $0x90000046  }
0xbc: {  	s29 =	simm.s32 $0x9;
	_ =	strace $0x80000048  }
0xbd: {  	_ =	swait.ge [sflag:s29], $0x1  }
0xbe: {  	[sflag:s29] =	ssyncadd.s32 $0xFFFFFFFF  }
0xbf: {  	_ =	strace $0x90000048  }
0xc0: {  	_ =	sfence  }
0xc1: {  	s30 =	sld [smem:$0x0];
	_ =	sdelay $0x2  }
0xc2: {  	s31 =	sshll.u32 s1, $0xD;
	s1 =	sshrl.u32 s1, $0x2  }
0xc3: {  	s3 =	sand.u32 $0x4000, s31;
	s1 =	sadd.s32 s1, s30  }
0xc4: {  	s0 =	sor.u32 s3, s0;
	s1 =	sshll.u32 s1, $0x11  }
0xc5: {  	s0 =	sor.u32 s1, s0  }
0xc6: {  	s0 =	sadd.s32 $0x8F2B, s0  }
0xc7: {  	[sflag:s0] =	ssyncadd.remote.s32 $0x1  }
0xc8: {  	_ =	sfence.sel $0xFFFF  }
0xc9: {  	[dreg:$0x0] =	wrdreg $0xFFFFFFFF;
	(pc) =	sbr.abs _section_cstart, $3  }
0xca: {  	[dreg:$0x1] =	wrdreg $0xFFFFFFFF  }
0xcb: {  	_ =	task.clear_ibuf [dreg:s12], $0x2FFFF;
	_ =	strace $0x9FFFFFFF  }
0xcc: {  	(tm) =	ssettm $0x7FFFFFFF  }
0xcd: {  	_ =	shalt  }
tec
execute0_lowered:
.L_overlay_start_1:
0x0: {  	(tag) =	ssettag $0x1  }
0x1: {  	s1 =	rddreg [dreg:$0x0]  }
0x2: {  	s0 =	rddreg [dreg:$0x1];
	s2 =	srdreg.scid  }
0x3: {  	s3 =	stileid.u32;
	s7 =	rddreg [dreg:$0x6];
	s9 =	simm.s32 $0x0  }
0x4: {  	s19 =	simm.s32 $0x64;
	s24 =	simm.s32 $0xA;
	s29 =	simm.s32 $0x6800  }
0x5: {  	s30 =	simm.s32 $0x1;
	s31 =	simm.s32 $0xB;
	s6 =	simm.s32 $0xC  }
0x6: {  	s18 =	simm.s32 $0x3;
	s21 =	simm.s32 $0x4;
	s2 =	sand.u32 $0x1, s2  }
0x7: {  	s3 =	sshll.u32 s3, $0x6;
	s4 =	sshll.u32 s2, $0x5;
	s2 =	ssub.s32 $0x2, s2  }
0x8: {  	s5 =	simm.s32 $0x0;
	s3 =	sor.u32 s4, s3;
	s25 =	sshrl.u32 s2, $0x1  }
0x9: {  	s14 =	smov.u32 s3;
	s3 =	sshll.u32 s3, $0x5;
	s2 =	ssub.s32 s2, s25  }
0xa: {  	[smem:$0x7FF] =	sst s9;
	s3 =	sadd.s32 s3, s1;
	s28 =	smax.u32 s2, $0x1  }
0xb: {  	_ =	strace $0x80000047;
	s26 =	sadd.s32 $0x400, s3;
	[dreg:$0xa] =	wrdreg s28  }
0xc: {  	s12 =	sadd.s32 $0x440, s1;
	s3 =	sadd.s32 $0x420, s3;
	[dreg:$0x8] =	wrdreg s26  }
0xd: {  	s4 =	simm.s32 $0x2;
	[dreg:$0x9] =	wrdreg s3;
	s3 =	simm.s32 $0xD  }
.LBB2_1:
0xe: {  	[dreg:$0xb] =	wrdreg s5  }
0xf: {  	s1 =	rddreg [dreg:$0x2];
	s2 =	simm.s32 $0x19400  }
0x10: {  	[tilespmem:s2], [sflag:$0xD] =	stream.linear.gather [hbm4b:s1+s9], $0x6400, $0x38;
	[tilespmem:$0x1F980] =	vst v63  }
0x11: {  	_ =	swait.ge [sflag:s3], $0x6400  }
0x12: {  	[sflag:s3] =	ssyncset.done $0x0  }
0x13: {  	[sflag:s3] =	ssyncadd.s32 $0xFFFF9C00  }
0x14: {  	s22 =	simm.s32 $0x1F900;
	s20 =	rddreg [dreg:$0x3]  }
0x15: {  	[tilespmem:s22], [sflag:$0xD] =	stream.linear.gather [hbm4b:s20+s9], $0x80, $0x38;
	[tilespmem:$0x1F980] =	vst v63  }
0x16: {  	_ =	swait.ge [sflag:s3], $0x80  }
0x17: {  	[sflag:s3] =	ssyncset.done $0x0  }
0x18: {  	[sflag:s3] =	ssyncadd.s32 $0xFFFFFF80  }
0x19: {  	s25 =	simm.s32 $0x1F800;
	s23 =	rddreg [dreg:$0x4]  }
0x1a: {  	[tilespmem:s25], [sflag:$0xD] =	stream.linear.gather [hbm4b:s23+s9], $0x80, $0x38;
	[tilespmem:$0x1F980] =	vst v63  }
0x1b: {  	_ =	swait.ge [sflag:s3], $0x80  }
0x1c: {  	[sflag:s3] =	ssyncset.done $0x0  }
0x1d: {  	[sflag:s3] =	ssyncadd.s32 $0xFFFFFF80  }
0x1e: {  	s28 =	simm.s32 $0x1F880;
	s26 =	rddreg [dreg:$0x5]  }
0x1f: {  	[tilespmem:s28], [sflag:$0xD] =	stream.linear.gather [hbm4b:s26+s9], $0x80, $0x38;
	[tilespmem:$0x1F980] =	vst v63  }
0x20: {  	_ =	swait.ge [sflag:s3], $0x80  }
0x21: {  	[sflag:s3] =	ssyncset.done $0x0  }
0x22: {  	[sflag:s3] =	ssyncadd.s32 $0xFFFFFF80  }
0x23: {  	s1 =	simm.s32 $0x0;
	v0 =	vld [tilespmem:$0x1F900]  }
0x24: {  	v1 =	vld [tilespmem:s1+$0x19400];
	_ =	sdelay $0x4  }
0x25: {  	v0 =	vadd.f32 v0, v1;
	_ =	sdelay $0x1  }
0x26: {  	[tilespmem:s1+$0x19400] =	vst v0;
	v0 =	vld [tilespmem:s1+$0x19410]  }
0x27: {  	v1 =	vld [tilespmem:$0x1F910];
	_ =	sdelay $0x4  }
0x28: {  	s2 =	simm.s32 $0x80;
	v2 =	vld [tilespmem:$0x1F900];
	v0 =	vadd.f32 v1, v0  }
0x29: {  	v1 =	vld [tilespmem:s2+$0x19400]  }
0x2a: {  	[tilespmem:s1+$0x19410] =	vst v0;
	v0 =	vld [tilespmem:s1+$0x19420]  }
0x2b: {  	v3 =	vld [tilespmem:$0x1F920];
	_ =	sdelay $0x2  }
0x2c: {  	v1 =	vadd.f32 v2, v1;
	_ =	sdelay $0x1  }
0x2d: {  	[tilespmem:s2+$0x19400] =	vst v1;
	v1 =	vld [tilespmem:s2+$0x19410];
	v0 =	vadd.f32 v3, v0  }
0x2e: {  	v3 =	vld [tilespmem:$0x1F910]  }
0x2f: {  	v2 =	vld [tilespmem:s1+$0x19430];
	[tilespmem:s1+$0x19420] =	vst v0  }
0x30: {  	v0 =	vld [tilespmem:$0x1F930];
	_ =	sdelay $0x2  }
0x31: {  	s10 =	simm.s32 $0x100;
	v4 =	vld [tilespmem:$0x1F900];
	v1 =	vadd.f32 v3, v1  }
0x32: {  	v3 =	vld [tilespmem:s10+$0x19400]  }
0x33: {  	[tilespmem:s2+$0x19410] =	vst v1;
	v1 =	vld [tilespmem:s2+$0x19420];
	v0 =	vadd.f32 v0, v2  }
0x34: {  	v2 =	vld [tilespmem:s1+$0x19440]  }
0x35: {  	[tilespmem:s1+$0x19430] =	vst v0;
	v0 =	vld [tilespmem:$0x1F920]  }
0x36: {  	v5 =	vld [tilespmem:$0x1F940]  }
0x37: {  	v3 =	vadd.f32 v4, v3;
	_ =	sdelay $0x1  }
0x38: {  	[tilespmem:s10+$0x19400] =	vst v3;
	v3 =	vld [tilespmem:s10+$0x19410]  }
0x39: {  	v0 =	vadd.f32 v0, v1;
	v1 =	vld [tilespmem:$0x1F910]  }
0x3a: {  	v4 =	vld [tilespmem:s2+$0x19430];
	v2 =	vadd.f32 v5, v2  }
0x3b: {  	v5 =	vld [tilespmem:s1+$0x19450];
	[tilespmem:s2+$0x19420] =	vst v0  }
0x3c: {  	v6 =	vld [tilespmem:$0x1F930];
	[tilespmem:s1+$0x19440] =	vst v2  }
0x3d: {  	v7 =	vld [tilespmem:$0x1F950]  }
0x3e: {  	v0 =	vld [tilespmem:s1+$0x19460];
	v1 =	vadd.f32 v1, v3  }
0x3f: {  	v2 =	vld [tilespmem:$0x1F900]  }
0x40: {  	[tilespmem:s10+$0x19410] =	vst v1;
	v1 =	vld [tilespmem:s2+$0x19440]  }
0x41: {  	s11 =	simm.s32 $0x180;
	v3 =	vadd.f32 v6, v4;
	v4 =	vld [tilespmem:s10+$0x19420]  }
0x42: {  	v6 =	vld [tilespmem:s11+$0x19400];
	v7 =	vadd.f32 v7, v5  }
0x43: {  	v5 =	vld [tilespmem:$0x1F920];
	[tilespmem:s2+$0x19430] =	vst v3  }
0x44: {  	s13 =	simm.s32 $0x800;
	[tilespmem:s1+$0x19450] =	vst v7;
	v3 =	vld [tilespmem:$0x1F940]  }
.LBB2_2:
0x45: {  	p0 =	sne.s32 s13, $0x18E00;
	v7 =	vld [tilespmem:$0x1F960];
	s15 =	smov.u32 s10;
	s10 =	smov.u32 s11  }
0x46: {  	v8 =	vld [tilespmem:s1+$0x19470]  }
0x47: {  	v2 =	vadd.f32 v2, v6;
	v6 =	vld [tilespmem:s2+$0x19450]  }
0x48: {  	v4 =	vadd.f32 v5, v4;
	v5 =	vld [tilespmem:s15+$0x19430]  }
0x49: {  	[tilespmem:s10+$0x19400] =	vst v2;
	v9 =	vld [tilespmem:s10+$0x19410];
	v1 =	vadd.f32 v3, v1  }
0x4a: {  	v3 =	vld [tilespmem:$0x1F910];
	[tilespmem:s15+$0x19420] =	vst v4;
	v0 =	vadd.f32 v7, v0  }
0x4b: {  	v4 =	vld [tilespmem:$0x1F930];
	[tilespmem:s2+$0x19440] =	vst v1  }
0x4c: {  	v7 =	vld [tilespmem:$0x1F950];
	[tilespmem:s1+$0x19460] =	vst v0  }
0x4d: {  	v10 =	vld [tilespmem:$0x1F970]  }
0x4e: {  	v2 =	vld [tilespmem:$0x1F900]  }
0x4f: {  	v3 =	vadd.f32 v3, v9;
	v0 =	vld [tilespmem:s2+$0x19460]  }
.Ltmp0:
0x50: {  	v5 =	vadd.f32 v4, v5;
	v1 =	vld [tilespmem:s15+$0x19440];
	(pc) =	sbr.rel @p0 .LBB2_2-.Ltmp0, $4  }
0x51: {  	s11 =	sshra.s32 s13, $0x2;
	[tilespmem:s10+$0x19410] =	vst v3;
	v4 =	vld [tilespmem:s10+$0x19420];
	v3 =	vadd.f32 v7, v6  }
0x52: {  	v6 =	vld [tilespmem:s11+$0x19400];
	[tilespmem:s15+$0x19430] =	vst v5;
	v7 =	vadd.f32 v10, v8  }
0x53: {  	v5 =	vld [tilespmem:$0x1F920];
	[tilespmem:s2+$0x19450] =	vst v3  }
0x54: {  	s13 =	sadd.s32 $0x200, s13;
	v3 =	vld [tilespmem:$0x1F940];
	[tilespmem:s1+$0x19470] =	vst v7;
	s1 =	smov.u32 s2;
	s2 =	smov.u32 s15  }
0x55: {  	_ =	sdelay $0x1  }
0x56: {  	v2 =	vadd.f32 v2, v6;
	_ =	sdelay $0x1  }
0x57: {  	v42 =	vld [tilespmem:s11+$0x19410];
	[tilespmem:s11+$0x19400] =	vst v2  }
0x58: {  	v43 =	vld [tilespmem:$0x1F910];
	_ =	sdelay $0x4  }
0x59: {  	v2 =	vadd.f32 v43, v42;
	_ =	sdelay $0x1  }
0x5a: {  	v44 =	vld [tilespmem:s11+$0x19420];
	[tilespmem:s11+$0x19410] =	vst v2  }
0x5b: {  	v45 =	vld [tilespmem:$0x1F920];
	_ =	sdelay $0x3  }
0x5c: {  	v4 =	vadd.f32 v5, v4  }
0x5d: {  	v46 =	vld [tilespmem:s10+$0x19430];
	v2 =	vadd.f32 v45, v44  }
0x5e: {  	v47 =	vld [tilespmem:s11+$0x19430];
	[tilespmem:s10+$0x19420] =	vst v4  }
0x5f: {  	v48 =	vld [tilespmem:$0x1F930];
	[tilespmem:s11+$0x19420] =	vst v2  }
0x60: {  	v2 =	vld [tilespmem:$0x1F930];
	_ =	sdelay $0x3  }
0x61: {  	v5 =	vadd.f32 v48, v46  }
0x62: {  	v49 =	vld [tilespmem:s10+$0x19440];
	v2 =	vadd.f32 v2, v47  }
0x63: {  	v50 =	vld [tilespmem:s11+$0x19440];
	[tilespmem:s10+$0x19430] =	vst v5  }
0x64: {  	v5 =	vld [tilespmem:$0x1F940];
	[tilespmem:s11+$0x19430] =	vst v2  }
0x65: {  	v2 =	vld [tilespmem:$0x1F940];
	_ =	sdelay $0x2  }
0x66: {  	v51 =	vld [tilespmem:s2+$0x19450];
	v1 =	vadd.f32 v3, v1  }
0x67: {  	v52 =	vld [tilespmem:s10+$0x19450];
	v5 =	vadd.f32 v5, v49  }
0x68: {  	v53 =	vld [tilespmem:s11+$0x19450];
	[tilespmem:s2+$0x19440] =	vst v1;
	v2 =	vadd.f32 v2, v50  }
0x69: {  	v1 =	vld [tilespmem:$0x1F950];
	[tilespmem:s10+$0x19440] =	vst v5  }
0x6a: {  	v5 =	vld [tilespmem:$0x1F950];
	[tilespmem:s11+$0x19440] =	vst v2  }
0x6b: {  	v2 =	vld [tilespmem:$0x1F950];
	_ =	sdelay $0x1  }
0x6c: {  	v54 =	vld [tilespmem:s2+$0x19460]  }
0x6d: {  	v7 =	vld [tilespmem:$0x1F960];
	v1 =	vadd.f32 v1, v51  }
0x6e: {  	v55 =	vld [tilespmem:s10+$0x19460];
	v5 =	vadd.f32 v5, v52  }
0x6f: {  	v56 =	vld [tilespmem:s11+$0x19460];
	[tilespmem:s2+$0x19450] =	vst v1;
	v2 =	vadd.f32 v2, v53  }
0x70: {  	v1 =	vld [tilespmem:$0x1F960];
	[tilespmem:s10+$0x19450] =	vst v5  }
0x71: {  	v5 =	vld [tilespmem:$0x1F960];
	[tilespmem:s11+$0x19450] =	vst v2  }
0x72: {  	v2 =	vld [tilespmem:$0x1F960]  }
0x73: {  	v57 =	vld [tilespmem:s1+$0x19470]  }
0x74: {  	v58 =	vld [tilespmem:s2+$0x19470];
	v0 =	vadd.f32 v7, v0  }
0x75: {  	v60 =	vld [tilespmem:s10+$0x19470];
	v1 =	vadd.f32 v1, v54  }
0x76: {  	v61 =	vld [tilespmem:s11+$0x19470];
	[tilespmem:s1+$0x19460] =	vst v0;
	v5 =	vadd.f32 v5, v55  }
0x77: {  	v59 =	vld [tilespmem:$0x1F970];
	[tilespmem:s2+$0x19460] =	vst v1;
	v2 =	vadd.f32 v2, v56  }
0x78: {  	v1 =	vld [tilespmem:$0x1F970];
	[tilespmem:s10+$0x19460] =	vst v5  }
0x79: {  	v5 =	vld [tilespmem:$0x1F970];
	[tilespmem:s11+$0x19460] =	vst v2  }
0x7a: {  	v2 =	vld [tilespmem:$0x1F970];
	_ =	sdelay $0x1  }
0x7b: {  	v3 =	vadd.f32 v59, v57  }
0x7c: {  	v0 =	vadd.f32 v1, v58  }
0x7d: {  	[tilespmem:s1+$0x19470] =	vst v3;
	v62 =	vadd.f32 v5, v60  }
0x7e: {  	[tilespmem:s2+$0x19470] =	vst v0;
	v63 =	vadd.f32 v2, v61  }
0x7f: {  	[tilespmem:s10+$0x19470] =	vst v62  }
0x80: {  	[tilespmem:s11+$0x19470] =	vst v63  }
0x81: {  	s10 =	simm.s32 $0x0;
	s1 =	rddreg [dreg:$0x8]  }
0x82: {  	[tilespmem:s10], [sflag:$0xD] =	stream.linear.gather [hbm4b:s1+s10], $0x100, $0x38;
	[tilespmem:$0x1F980] =	vst v63  }
0x83: {  	_ =	swait.ge [sflag:s3], $0x100  }
0x84: {  	[sflag:s3] =	ssyncset.done $0x0  }
0x85: {  	s22 =	simm.s32 $0x400;
	[sflag:s3] =	ssyncadd.s32 $0xFFFFFF00  }
0x86: {  	[tilespmem:s22], [sflag:$0x1] =	stream.indirect.gather [hbm4b:s0+s19], $0x80, s10, s19, $0xb8;
	[tilespmem:$0x1F980] =	vst v63  }
0x87: {  	s23 =	simm.s32 $0x80;
	s25 =	simm.s32 $0x3600  }
0x88: {  	[tilespmem:s25], [sflag:$0x1] =	stream.indirect.gather [hbm4b:s0+s19], $0x80, s23, s19, $0xb8;
	[tilespmem:$0x1F980] =	vst v63  }
0x89: {  	s28 =	simm.s32 $0x100;
	s26 =	rddreg [dreg:$0x9]  }
0x8a: {  	[tilespmem:s28], [sflag:$0xA] =	stream.linear.gather [hbm4b:s26+s10], $0x100, $0x38;
	[tilespmem:$0x1F980] =	vst v63  }
.LBB2_4:
0x8b: {  	p0 =	seq.s32 s10, $0x0  }
0x8c: {  	s1 =	simm.s32 @!p0 $0x6  }
0x8d: {  	_ =	swait.ge @!p0 [sflag:s1], $0x6400  }
0x8e: {  	[sflag:s1] =	ssyncset.done @!p0 $0x0  }
0x8f: {  	[sflag:s1] =	ssyncadd.s32 @!p0 $0xFFFF9C00  }
0x90: {  	_ =	swait.ge [sflag:s24], $0x100  }
0x91: {  	s25 =	sshll.u32 s10, $0x2;
	[sflag:s24] =	ssyncset.done $0x0  }
0x92: {  	s2 =	simm.s32 $0x100;
	s11 =	sor.u32 s14, s25;
	[sflag:s24] =	ssyncadd.s32 $0xFFFFFF00  }
0x93: {  	[tilespmem:s29], [sflag:$0x2] =	stream.indirect.gather [hbm4b:s0+s19], $0x80, s2, s19, $0xb8;
	[tilespmem:$0x1F980] =	vst v63  }
0x94: {  	s26 =	simm.s32 $0x180;
	s3 =	sshll.u32 s11, $0x5;
	s29 =	simm.s32 $0x9A00  }
0x95: {  	[tilespmem:s29], [sflag:$0x2] =	stream.indirect.gather [hbm4b:s0+s19], $0x80, s26, s19, $0xb8;
	[tilespmem:$0x1F980] =	vst v63  }
0x96: {  	s5 =	simm.s32 $0x200;
	s1 =	sadd.s32 s3, s12  }
0x97: {  	[tilespmem:s5], [sflag:$0xB] =	stream.linear.gather [hbm4b:s1+s9], $0x100, $0x38;
	[tilespmem:$0x1F980] =	vst v63  }
0x98: {  	_ =	swait.ge [sflag:s30], $0x6400  }
0x99: {  	[sflag:s30] =	ssyncset.done $0x0  }
0x9a: {  	s13 =	simm.s32 $0x4C0;
	[sflag:s30] =	ssyncadd.s32 $0xFFFF9C00  }
0x9b: {  	s8 =	simm.s32 $0x194C0;
	v0 =	vld [tilespmem:s13+$0x40]  }
0x9c: {  	v1 =	vld [tilespmem:s8+$0x40]  }
0x9d: {  	v2 =	vld [tilespmem:s13+$0x50]  }
0x9e: {  	v4 =	vld [tilespmem:s8+$0x50]  }
0x9f: {  	v5 =	vld [tilespmem:s13+$0x60]  }
0xa0: {  	v6 =	vld [tilespmem:s8+$0x60]  }
0xa1: {  	v7 =	vld [tilespmem:s13+$0x70]  }
0xa2: {  	v8 =	vld [tilespmem:s8+$0x70]  }
0xa3: {  	v3 =	vadd.f32 v1, v0;
	v1 =	vadd.f32 v4, v2;
	v0 =	vld [tilespmem:s13+$0x80]  }
0xa4: {  	v2 =	vld [tilespmem:s8+$0x80]  }
0xa5: {  	v11 =	vld [tilespmem:s8+$0x90];
	v9 =	vadd.f32 v6, v5;
	v5 =	vmul.f32 v3, v3;
	v6 =	vmul.f32 v1, v1  }
0xa6: {  	v4 =	vld [tilespmem:s13+$0x90];
	v10 =	vadd.f32 v1, v3  }
0xa7: {  	v12 =	vld [tilespmem:s8+$0xA0];
	v25 =	vadd.f32 v8, v7;
	v8 =	vmul.f32 v9, v9;
	v6 =	vadd.f32 v6, v5  }
0xa8: {  	v7 =	vld [tilespmem:s13+$0xA0];
	v10 =	vadd.f32 v9, v10  }
0xa9: {  	v13 =	vld [tilespmem:s13+$0xB0];
	v5 =	vadd.f32 v2, v0;
	v0 =	vadd.f32 v8, v6;
	v6 =	vmul.f32 v25, v25  }
0xaa: {  	v8 =	vadd.f32 v25, v10;
	v10 =	vld [tilespmem:s8+$0xB0]  }
0xab: {  	v2 =	vadd.f32 v11, v4;
	v4 =	vadd.f32 v6, v0;
	v6 =	vmul.f32 v5, v5  }
0xac: {  	v8 =	vadd.f32 v5, v8  }
0xad: {  	v0 =	vadd.f32 v12, v7;
	v7 =	vmul.f32 v2, v2;
	v4 =	vadd.f32 v6, v4  }
0xae: {  	v8 =	vadd.f32 v2, v8  }
0xaf: {  	v6 =	vadd.f32 v10, v13;
	v4 =	vadd.f32 v7, v4;
	v7 =	vmul.f32 v0, v0  }
0xb0: {  	v8 =	vadd.f32 v0, v8  }
0xb1: {  	v4 =	vadd.f32 v7, v4;
	v7 =	vmul.f32 v6, v6  }
0xb2: {  	v8 =	vadd.f32 v6, v8  }
0xb3: {  	v4 =	vadd.f32 v7, v4  }
0xb4: {  	(xrf2) =	vadd.scan.msk.f32 $0xffff, v8  }
0xb5: {  	(xrf2) =	vadd.scan.msk.f32 $0xffff, v4;
	_ =	sdelay $0x8  }
0xb6: {  	v4, _, _ =	vpop (xrf2)  }
0xb7: {  	(v2sf) =	vpush v4, $0xF;
	v4, _, _ =	vpop (xrf2)  }
0xb8: {  	(v2sf) =	vpush v4, $0xF;
	_ =	sdelay $0x1  }
0xb9: {  	v14 =	vld [tilespmem:s13+$0xFFFFFF40]  }
0xba: {  	v15 =	vld [tilespmem:s13+$0xFFFFFF60]  }
0xbb: {  	v16 =	vld [tilespmem:s8+$0xFFFFFF60]  }
0xbc: {  	v17 =	vld [tilespmem:s13+$0xFFFFFFE0]  }
0xbd: {  	v18 =	vld [tilespmem:s8+$0xFFFFFFE0]  }
0xbe: {  	v19 =	vld [tilespmem:s13+$0xFFFFFF70]  }
0xbf: {  	v11 =	vld [tilespmem:s8+$0xFFFFFFC0]  }
0xc0: {  	v12 =	vld [tilespmem:s13+$0xFFFFFFD0]  }
0xc1: {  	v10 =	vld [tilespmem:s13+$0xFFFFFFC0]  }
0xc2: {  	v13 =	vld [tilespmem:s8+$0xFFFFFFD0]  }
0xc3: {  	v7 =	vld [tilespmem:s13+$0xFFFFFF50]  }
0xc4: {  	v8 =	vld [tilespmem:s8+$0xFFFFFF50]  }
0xc5: {  	v4 =	vld [tilespmem:s8+$0xFFFFFF40];
	s16 =	spop (v2sf)  }
0xc6: {  	v20 =	vld [tilespmem:s8+$0xFFFFFF70];
	s2 =	smul.f32 $7.812500000e-03, s16;
	s15 =	spop (v2sf)  }
0xc7: {  	v21 =	vld [tilespmem:s13+$0xFFFFFFF0];
	s15 =	smul.f32 $7.812500000e-03, s15  }
0xc8: {  	v31 =	vld [tilespmem:s8+$0x20];
	v29 =	vadd.f32 v16, v15;
	s16 =	smul.f32 s2, s2  }
0xc9: {  	v15 =	vld [tilespmem:s8+$0x0];
	v23 =	vadd.f32 v11, v10;
	v22 =	vadd.f32 v13, v12  }
0xca: {  	v10 =	vld [tilespmem:s13+$0xFFFFFF80];
	v24 =	vadd.f32 v8, v7;
	v26 =	vadd.f32 v4, v14;
	s15 =	ssub.f32 s15, s16  }
0xcb: {  	v11 =	vmul.f32 v23, v23;
	v12 =	vmul.f32 v22, v22;
	v8 =	vld [tilespmem:s8+$0xFFFFFFF0]  }
0xcc: {  	v13 =	vld [tilespmem:s13+$0x0];
	v7 =	vmul.f32 v24, v24;
	v27 =	vmul.f32 v26, v26;
	s15 =	sadd.f32 $9.999999960e-13, s15  }
0xcd: {  	v11 =	vadd.f32 v12, v11;
	v4 =	vld [tilespmem:s8+$0xFFFFFF80];
	v16 =	vadd.f32 v24, v26  }
0xce: {  	v12 =	vld [tilespmem:s13+$0xFFFFFF90];
	v28 =	vadd.f32 v7, v27;
	v27 =	vadd.f32 v18, v17;
	s17 =	sshra.s32 s15, $0x1;
	s15 =	smul.f32 $5.000000000e-01, s15  }
0xcf: {  	v30 =	vmul.f32 v29, v29;
	v14 =	vadd.f32 v22, v23;
	v17 =	vld [tilespmem:s8+$0xFFFFFF90];
	v7 =	vadd.f32 v20, v19;
	s16 =	ssub.s32 $0x5F3759DF, s17  }
0xd0: {  	v33 =	vld [tilespmem:s13+$0xFFFFFFB0];
	v8 =	vadd.f32 v8, v21;
	v16 =	vadd.f32 v29, v16;
	v19 =	vmul.f32 v27, v27;
	s17 =	smul.f32 s16, s15  }
0xd1: {  	v18 =	vld [tilespmem:s13+$0x10];
	v14 =	vadd.f32 v27, v14;
	v20 =	vadd.f32 v30, v28;
	v30 =	vmul.f32 v7, v7  }
0xd2: {  	v28 =	vld [tilespmem:s8+$0x10];
	v19 =	vadd.f32 v19, v11;
	v11 =	vadd.f32 v4, v10;
	s17 =	smul.f32 s16, s17  }
0xd3: {  	v34 =	vld [tilespmem:s8+$0xFFFFFFB0];
	v16 =	vadd.f32 v7, v16;
	v20 =	vadd.f32 v30, v20;
	v30 =	vmul.f32 v8, v8  }
0xd4: {  	v21 =	vld [tilespmem:s13+$0xFFFFFFA0];
	v10 =	vadd.f32 v15, v13;
	v12 =	vadd.f32 v17, v12;
	v15 =	vmul.f32 v11, v11;
	s17 =	ssub.f32 $1.500000000e+00, s17  }
0xd5: {  	v4 =	vld [tilespmem:s8+$0xFFFFFFA0];
	v14 =	vadd.f32 v8, v14;
	v17 =	vadd.f32 v30, v19  }
0xd6: {  	v13 =	vld [tilespmem:s13+$0x20];
	v16 =	vadd.f32 v11, v16;
	v15 =	vadd.f32 v15, v20;
	v20 =	vmul.f32 v12, v12;
	s16 =	smul.f32 s16, s17  }
0xd7: {  	v19 =	vmul.f32 v10, v10;
	v30 =	vadd.f32 v10, v14;
	v14 =	vadd.f32 v28, v18;
	v28 =	vld [tilespmem:s13+$0x30]  }
0xd8: {  	v20 =	vadd.f32 v20, v15;
	v15 =	vld [tilespmem:s8+$0x30];
	s15 =	smul.f32 s16, s15  }
0xd9: {  	v35 =	vadd.f32 v19, v17;
	v16 =	vadd.f32 v12, v16;
	v18 =	vmul.f32 v14, v14  }
0xda: {  	v36 =	vadd.f32 v14, v30;
	v17 =	vadd.f32 v4, v21;
	s15 =	smul.f32 s15, s16  }
0xdb: {  	v4 =	vadd.f32 v18, v35;
	v18 =	vadd.f32 v31, v13  }
0xdc: {  	v13 =	vadd.f32 v17, v16;
	v16 =	vadd.f32 v34, v33;
	s20 =	ssub.f32 $1.500000000e+00, s15  }
0xdd: {  	v32 =	vld [tilespmem:$0x1F800];
	v19 =	vmov s2;
	v31 =	vadd.f32 v18, v36;
	v15 =	vadd.f32 v15, v28  }
0xde: {  	v3 =	vsub.f32 v3, v19;
	v21 =	vmul.f32 v17, v17;
	v13 =	vadd.f32 v16, v13;
	s2 =	smul.f32 s20, s16  }
0xdf: {  	v30 =	vld [tilespmem:$0x1F880];
	v31 =	vadd.f32 v15, v31  }
0xe0: {  	v20 =	vadd.f32 v21, v20;
	v21 =	vmul.f32 v16, v16;
	(xrf2) =	vadd.scan.msk.f32 $0xffff, v13;
	s17 =	simm.s32 $0x19640;
	v3 =	vmul.f32 s2, v3  }
0xe1: {  	(xrf2) =	vadd.scan.msk.f32 $0xffff, v31;
	v31 =	vld [tilespmem:s17+$0x50]  }
0xe2: {  	v28 =	vmul.f32 v18, v18;
	v13 =	vadd.f32 v21, v20;
	v62 =	vld [tilespmem:s17+$0x60];
	v3 =	vmul.f32 v3, v32  }
0xe3: {  	v42 =	vld [tilespmem:s17+$0x70]  }
0xe4: {  	v4 =	vadd.f32 v28, v4;
	v20 =	vmul.f32 v15, v15;
	(xrf2) =	vadd.scan.msk.f32 $0xffff, v13;
	v39 =	vld [tilespmem:s17+$0x90];
	v3 =	vadd.f32 v3, v30  }
0xe5: {  	v49 =	vld [tilespmem:s17+$0xA0];
	s15 =	simm.s32 $0x640  }
0xe6: {  	v21 =	vld [tilespmem:s15+$0x50];
	[tilespmem:s13+$0x40] =	vst v3;
	v3 =	vadd.f32 v20, v4  }
0xe7: {  	v4 =	vld [tilespmem:s17+$0x40]  }
0xe8: {  	(xrf2) =	vadd.scan.msk.f32 $0xffff, v3;
	v3 =	vld [tilespmem:s15+$0x40]  }
0xe9: {  	v61 =	vld [tilespmem:s15+$0x60]  }
0xea: {  	v28, _, _ =	vpop (xrf2);
	v13 =	vld [tilespmem:$0x1F810]  }
0xeb: {  	v1 =	vsub.f32 v1, v19;
	(v2sf) =	vpush v28, $0xF;
	v63 =	vld [tilespmem:s15+$0x70];
	v28, _, _ =	vpop (xrf2)  }
0xec: {  	(v2sf) =	vpush v28, $0xF;
	v20 =	vld [tilespmem:$0x1F890]  }
0xed: {  	v1 =	vmul.f32 s2, v1;
	v28 =	vadd.f32 v4, v3;
	v4 =	vadd.f32 v31, v21;
	v21 =	vld [tilespmem:s15+$0x80]  }
0xee: {  	v37, _, _ =	vpop (xrf2);
	v31 =	vld [tilespmem:s17+$0x80]  }
0xef: {  	v44 =	vld [tilespmem:s15+$0x90];
	(v2sf) =	vpush v37, $0xF;
	v13 =	vmul.f32 v1, v13;
	v3 =	vadd.f32 v62, v61  }
0xf0: {  	v47 =	vld [tilespmem:s15+$0xA0];
	v45 =	vmul.f32 v28, v28;
	v38 =	vmul.f32 v4, v4;
	v46 =	vadd.f32 v4, v28  }
0xf1: {  	v1 =	vadd.f32 v42, v63;
	v13 =	vadd.f32 v13, v20  }
0xf2: {  	v48 =	vmul.f32 v3, v3;
	v34 =	vadd.f32 v38, v45;
	v20 =	vadd.f32 v3, v46;
	v43, _, _ =	vpop (xrf2)  }
0xf3: {  	v40 =	vld [tilespmem:s17+$0xB0];
	v21 =	vadd.f32 v31, v21;
	(v2sf) =	vpush v43, $0xF  }
0xf4: {  	v50 =	vld [tilespmem:s15+$0xB0];
	v51 =	vmul.f32 v1, v1;
	v31 =	vadd.f32 v48, v34;
	v52 =	vadd.f32 v1, v20  }
0xf5: {  	[tilespmem:s13+$0x50] =	vst v13;
	v13 =	vadd.f32 v49, v47;
	v20 =	vadd.f32 v39, v44  }
0xf6: {  	v54 =	vld [tilespmem:$0x1F820];
	v53 =	vmul.f32 v21, v21;
	v31 =	vadd.f32 v51, v31;
	v36 =	vadd.f32 v21, v52  }
0xf7: {  	v9 =	vsub.f32 v9, v19;
	[tilespmem:$0x1FFE0] =	vst v13  }
0xf8: {  	v56 =	vld [tilespmem:$0x1F8A0];
	v55 =	vmul.f32 v20, v20;
	v31 =	vadd.f32 v53, v31;
	v36 =	vadd.f32 v20, v36  }
0xf9: {  	v57 =	vmul.f32 s2, v9;
	v9 =	vadd.f32 v40, v50  }
0xfa: {  	v58 =	vmul.f32 v13, v13;
	v31 =	vadd.f32 v55, v31;
	v36 =	vadd.f32 v13, v36  }
0xfb: {  	s22 =	spop (v2sf);
	v34 =	vmul.f32 v57, v54  }
0xfc: {  	v59 =	vmul.f32 v9, v9;
	s1 =	smul.f32 $7.812500000e-03, s22;
	[tilespmem:$0x1FFF0] =	vst v9;
	v31 =	vadd.f32 v58, v31;
	v36 =	vadd.f32 v9, v36  }
0xfd: {  	s23 =	spop (v2sf);
	v61 =	vld [tilespmem:s15+$0xFFFFFF50];
	v34 =	vadd.f32 v34, v56  }
0xfe: {  	s20 =	smul.f32 s1, s1;
	s22 =	spop (v2sf);
	v62 =	vld [tilespmem:s17+$0xFFFFFF50];
	v31 =	vadd.f32 v59, v31;
	(xrf2) =	vadd.scan.msk.f32 $0xffff, v36  }
0xff: {  	s22 =	smul.f32 $7.812500000e-03, s22;
	v63 =	vld [tilespmem:s17+$0xFFFFFFC0];
	[tilespmem:s13+$0x60] =	vst v34  }
0x100: {  	s16 =	smul.f32 $7.812500000e-03, s23;
	(xrf2) =	vadd.scan.msk.f32 $0xffff, v31;
	v31 =	vld [tilespmem:$0x1F830]  }
0x101: {  	v25 =	vsub.f32 v25, v19;
	s20 =	ssub.f32 s22, s20;
	v41 =	vld [tilespmem:s15+$0xFFFFFF60]  }
0x102: {  	s23 =	smul.f32 s16, s16;
	v60 =	vld [tilespmem:$0x1F8B0]  }
0x103: {  	v25 =	vmul.f32 s2, v25;
	s20 =	sadd.f32 $9.999999960e-13, s20;
	v42 =	vld [tilespmem:s17+$0xFFFFFF60];
	s25 =	spop (v2sf)  }
0x104: {  	v43 =	vld [tilespmem:s15+$0xFFFFFFE0];
	s22 =	smul.f32 $7.812500000e-03, s25  }
0x105: {  	v38 =	vld [tilespmem:s17+$0xFFFFFFE0];
	s26 =	sshra.s32 s20, $0x1;
	s20 =	smul.f32 $5.000000000e-01, s20;
	v25 =	vmul.f32 v25, v31  }
0x106: {  	v44 =	vld [tilespmem:s15+$0xFFFFFF70];
	s22 =	ssub.f32 s22, s23;
	s23 =	ssub.s32 $0x5F3759DF, s26  }
0x107: {  	v45 =	vld [tilespmem:s17+$0xFFFFFF70];
	s26 =	smul.f32 s23, s20;
	v25 =	vadd.f32 v25, v60  }
0x108: {  	v46 =	vld [tilespmem:s15+$0xFFFFFFF0];
	s22 =	sadd.f32 $9.999999960e-13, s22;
	v57, _, _ =	vpop (xrf2)  }
0x109: {  	v50 =	vld [tilespmem:s17+$0xFFFFFFF0];
	s26 =	smul.f32 s23, s26;
	[tilespmem:s13+$0x70] =	vst v25;
	(v2sf) =	vpush v57, $0xF  }
0x10a: {  	s28 =	sshra.s32 s22, $0x1;
	s22 =	smul.f32 $5.000000000e-01, s22;
	v59 =	vld [tilespmem:$0x1F840]  }
0x10b: {  	v5 =	vsub.f32 v5, v19;
	v37 =	vld [tilespmem:s17+$0xFFFFFF80];
	s28 =	ssub.s32 $0x5F3759DF, s28;
	v25, _, _ =	vpop (xrf2);
	s26 =	ssub.f32 $1.500000000e+00, s26  }
0x10c: {  	s8 =	smul.f32 s28, s22;
	(v2sf) =	vpush v25, $0xF;
	v25 =	vld [tilespmem:$0x1F8C0]  }
0x10d: {  	v5 =	vmul.f32 s2, v5;
	v35 =	vld [tilespmem:s15+$0x0];
	s23 =	smul.f32 s23, s26  }
0x10e: {  	v56 =	vld [tilespmem:s15+$0xFFFFFFD0];
	s8 =	smul.f32 s28, s8  }
0x10f: {  	v31 =	vld [tilespmem:s15+$0xFFFFFFC0];
	s20 =	smul.f32 s23, s20;
	v5 =	vmul.f32 v5, v59  }
0x110: {  	v58 =	vld [tilespmem:s17+$0xFFFFFFD0];
	s8 =	ssub.f32 $1.500000000e+00, s8  }
0x111: {  	v2 =	vsub.f32 v2, v19;
	v40 =	vld [tilespmem:s17+$0x0];
	s20 =	smul.f32 s20, s23;
	v5 =	vadd.f32 v5, v25  }
0x112: {  	v0 =	vsub.f32 v0, v19;
	v33 =	vadd.f32 v38, v43;
	v34 =	vld [tilespmem:s17+$0xFFFFFF40];
	v25 =	vmov s1;
	s8 =	smul.f32 s28, s8  }
0x113: {  	v60 =	vld [tilespmem:s15+$0xFFFFFF40];
	v48 =	vsub.f32 v26, v25;
	v26 =	vmov s16;
	s20 =	ssub.f32 $1.500000000e+00, s20;
	[tilespmem:s13+$0x80] =	vst v5;
	v5 =	vsub.f32 v29, v25  }
0x114: {  	v55 =	vld [tilespmem:s15+$0xFFFFFF90];
	v29 =	vsub.f32 v23, v26;
	v23 =	vadd.f32 v63, v31;
	s22 =	smul.f32 s8, s22  }
0x115: {  	v43 =	vld [tilespmem:s17+$0x10];
	v52 =	vsub.f32 v22, v26;
	v22 =	vadd.f32 v58, v56;
	s16 =	smul.f32 s20, s23  }
0x116: {  	v49 =	vsub.f32 v24, v25;
	v24 =	vadd.f32 v62, v61;
	v47 =	vld [tilespmem:$0x1F850];
	v63 =	vmul.f32 v23, v23;
	s29 =	smul.f32 s22, s8  }
0x117: {  	v36 =	vld [tilespmem:s15+$0xFFFFFF80];
	v53 =	vmul.f32 v22, v22;
	v61 =	vmul.f32 s16, v48;
	v48 =	vsub.f32 v27, v26  }
0x118: {  	v2 =	vmul.f32 s2, v2;
	v59 =	vld [tilespmem:s17+$0x30];
	v27 =	vadd.f32 v34, v60;
	v60 =	vadd.f32 v22, v23;
	s1 =	ssub.f32 $1.500000000e+00, s29;
	s3 =	spop (v2sf)  }
0x119: {  	v51 =	vld [tilespmem:$0x1F8D0];
	v62 =	vmul.f32 v24, v24;
	v39 =	vadd.f32 v53, v63;
	v34 =	vadd.f32 v50, v46;
	s5 =	smul.f32 $7.812500000e-03, s3  }
0x11a: {  	v46 =	vld [tilespmem:s17+$0x20];
	v31 =	vmul.f32 v61, v32;
	v56 =	vadd.f32 v24, v27;
	v57 =	vmul.f32 v27, v27;
	s1 =	smul.f32 s1, s8  }
0x11b: {  	v50 =	vld [tilespmem:s15+$0xFFFFFFB0];
	v63 =	vadd.f32 v33, v60;
	v60 =	vmul.f32 v33, v33;
	v2 =	vmul.f32 v2, v47;
	s23 =	spop (v2sf);
	s25 =	smul.f32 s5, s5  }
0x11c: {  	v47 =	vld [tilespmem:s15+$0x20];
	v54 =	vadd.f32 v31, v30;
	v31 =	vadd.f32 v42, v41;
	s8 =	smul.f32 $7.812500000e-03, s23;
	v29 =	vmul.f32 s1, v29  }
0x11d: {  	v42 =	vld [tilespmem:s17+$0xFFFFFF90];
	v53 =	vadd.f32 v62, v57;
	v41 =	vadd.f32 v45, v44  }
0x11e: {  	v45 =	vld [tilespmem:s17+$0xFFFFFFA0];
	v39 =	vadd.f32 v60, v39;
	v62 =	vadd.f32 v31, v56;
	v29 =	vmul.f32 v29, v32;
	s8 =	ssub.f32 s8, s25  }
0x11f: {  	v2 =	vadd.f32 v2, v51;
	v44 =	vadd.f32 v37, v36;
	v61 =	vmul.f32 v31, v31;
	[tilespmem:s13+$0xFFFFFF40] =	vst v54;
	v32 =	vld [tilespmem:s15+$0x10]  }
0x120: {  	v36 =	vld [tilespmem:$0x1F810];
	v38 =	vadd.f32 v41, v62;
	v62 =	vmul.f32 v34, v34;
	v29 =	vadd.f32 v29, v30;
	s8 =	sadd.f32 $9.999999960e-13, s8  }
0x121: {  	v37 =	vadd.f32 v40, v35;
	v54 =	vld [tilespmem:$0x1F890];
	v53 =	vadd.f32 v61, v53;
	v61 =	vmul.f32 v41, v41  }
0x122: {  	v49 =	vmul.f32 s16, v49;
	v63 =	vadd.f32 v34, v63;
	v30 =	vld [tilespmem:s15+$0xFFFFFFA0];
	v40 =	vadd.f32 v62, v39;
	s26 =	sshra.s32 s8, $0x1;
	s8 =	smul.f32 $5.000000000e-01, s8;
	[tilespmem:s13+$0xFFFFFFC0] =	vst v29  }
0x123: {  	v62 =	vmul.f32 v37, v37;
	v29 =	vadd.f32 v61, v53;
	v61 =	vadd.f32 v44, v38;
	s22 =	ssub.s32 $0x5F3759DF, s26;
	v35 =	vld [tilespmem:$0x1F810]  }
0x124: {  	v60 =	vmul.f32 v44, v44;
	v53 =	vadd.f32 v37, v63;
	v38 =	vadd.f32 v42, v55;
	v63 =	vld [tilespmem:s17+$0xFFFFFFB0];
	s29 =	smul.f32 s22, s8  }
0x125: {  	v58 =	vld [tilespmem:$0x1F890];
	v39 =	vadd.f32 v43, v32;
	v51 =	vadd.f32 v62, v40;
	v36 =	vmul.f32 v49, v36  }
0x126: {  	v52 =	vmul.f32 s1, v52;
	v43 =	vld [tilespmem:s15+$0x30];
	v29 =	vadd.f32 v60, v29;
	v57 =	vadd.f32 v38, v61;
	s23 =	smul.f32 s22, s29  }
0x127: {  	[tilespmem:s13+$0x90] =	vst v2;
	v60 =	vmul.f32 v38, v38;
	v42 =	vadd.f32 v45, v30;
	v2 =	vadd.f32 v36, v54  }
0x128: {  	v40 =	vadd.f32 v46, v47;
	v53 =	vadd.f32 v39, v53;
	v30 =	vld [tilespmem:$0x1F860];
	s23 =	ssub.f32 $1.500000000e+00, s23;
	v35 =	vmul.f32 v52, v35  }
0x129: {  	v0 =	vmul.f32 s2, v0;
	v62 =	vadd.f32 v42, v57;
	[tilespmem:s13+$0xFFFFFF50] =	vst v2;
	v2 =	vadd.f32 v60, v29  }
0x12a: {  	v29 =	vmul.f32 v42, v42;
	s22 =	smul.f32 s22, s23;
	v61 =	vadd.f32 v35, v58;
	v35 =	vadd.f32 v63, v50  }
0x12b: {  	v56 =	vld [tilespmem:$0x1F820];
	v36 =	vadd.f32 v59, v43;
	v59 =	vmul.f32 v39, v39;
	v63 =	vadd.f32 v40, v53  }
0x12c: {  	v2 =	vadd.f32 v29, v2;
	s8 =	smul.f32 s22, s8;
	v57 =	vadd.f32 v35, v62;
	v50 =	vmul.f32 v35, v35  }
0x12d: {  	v5 =	vmul.f32 s16, v5;
	v0 =	vmul.f32 v0, v30;
	v32 =	vadd.f32 v36, v63  }
0x12e: {  	v30 =	vadd.f32 v59, v51;
	v62 =	vmul.f32 v40, v40;
	s8 =	smul.f32 s8, s22;
	(xrf2) =	vadd.scan.msk.f32 $0xffff, v57;
	v2 =	vadd.f32 v50, v2  }
0x12f: {  	v60 =	vld [tilespmem:$0x1F8A0];
	(xrf2) =	vadd.scan.msk.f32 $0xffff, v32  }
0x130: {  	v46 =	vld [tilespmem:$0x1F8E0];
	s8 =	ssub.f32 $1.500000000e+00, s8;
	(xrf2) =	vadd.scan.msk.f32 $0xffff, v2;
	v2 =	vmul.f32 v5, v56;
	v5 =	vadd.f32 v62, v30;
	v30 =	vmul.f32 v36, v36  }
0x131: {  	v43 =	vmov s5;
	v29 =	vld [tilespmem:$0x1F800];
	[tilespmem:s13+$0xFFFFFFD0] =	vst v61  }
0x132: {  	v61 =	vsub.f32 v28, v43;
	v58 =	vld [tilespmem:$0x1F820];
	s17 =	smul.f32 s8, s22;
	v5 =	vadd.f32 v30, v5  }
0x133: {  	v28 =	vld [tilespmem:$0x1F880]  }
0x134: {  	v63 =	vld [tilespmem:$0x1F8A0];
	v2 =	vadd.f32 v2, v60;
	v54 =	vmul.f32 s17, v61;
	(xrf2) =	vadd.scan.msk.f32 $0xffff, v5  }
0x135: {  	v48 =	vmul.f32 s1, v48;
	v0 =	vadd.f32 v0, v46  }
0x136: {  	s26 =	simm.s32 $0x197C0;
	v55 =	vmul.f32 v54, v29  }
0x137: {  	v59 =	vld [tilespmem:s26+$0x50];
	[tilespmem:s13+$0xA0] =	vst v0;
	v0 =	vmul.f32 v48, v58  }
0x138: {  	v57 =	vld [tilespmem:s26+$0x40];
	[tilespmem:s13+$0xFFFFFF60] =	vst v2;
	v56 =	vadd.f32 v55, v28;
	v2, _, _ =	vpop (xrf2)  }
0x139: {  	v47 =	vld [tilespmem:$0x1F870];
	v0 =	vadd.f32 v0, v63;
	(v2sf) =	vpush v2, $0xF;
	v5, _, _ =	vpop (xrf2)  }
0x13a: {  	v30 =	vld [tilespmem:$0x1F8F0];
	[tilespmem:s15+$0x40] =	vst v56;
	(v2sf) =	vpush v5, $0xF  }
0x13b: {  	[tilespmem:s13+$0xFFFFFFE0] =	vst v0;
	v5, _, _ =	vpop (xrf2);
	v0 =	vld [tilespmem:$0x1F810]  }
0x13c: {  	v4 =	vsub.f32 v4, v43;
	v60 =	vld [tilespmem:s26+$0x60];
	(v2sf) =	vpush v5, $0xF  }
0x13d: {  	v2 =	vld [tilespmem:$0x1F890]  }
0x13e: {  	s22 =	simm.s32 $0x7C0;
	v48 =	vld [tilespmem:s26+$0x80];
	v4 =	vmul.f32 s17, v4;
	v58, _, _ =	vpop (xrf2)  }
0x13f: {  	v32 =	vld [tilespmem:s22+$0x70];
	(v2sf) =	vpush v58, $0xF  }
0x140: {  	v49 =	vld [tilespmem:s22+$0x90];
	v0 =	vmul.f32 v4, v0  }
0x141: {  	v61 =	vld [tilespmem:s26+$0x70]  }
0x142: {  	v50 =	vld [tilespmem:$0x1F830];
	v0 =	vadd.f32 v0, v2  }
0x143: {  	v4 =	vld [tilespmem:s22+$0x40]  }
0x144: {  	v2 =	vld [tilespmem:s22+$0x50];
	[tilespmem:s15+$0x50] =	vst v0  }
0x145: {  	v0 =	vld [tilespmem:$0x1F820]  }
0x146: {  	v3 =	vsub.f32 v3, v43;
	v5 =	vld [tilespmem:s22+$0x60]  }
0x147: {  	v53 =	vld [tilespmem:$0x1F8A0]  }
0x148: {  	v3 =	vmul.f32 s17, v3;
	v51 =	vld [tilespmem:$0x1F8B0];
	s3 =	spop (v2sf)  }
0x149: {  	v52 =	vld [tilespmem:$0x1F830];
	v46 =	vadd.f32 v57, v4;
	v45 =	vadd.f32 v59, v2;
	s23 =	smul.f32 $7.812500000e-03, s3;
	s5 =	spop (v2sf)  }
0x14a: {  	v2 =	vld [tilespmem:s22+$0x80];
	v0 =	vmul.f32 v3, v0;
	s20 =	smul.f32 $7.812500000e-03, s5  }
0x14b: {  	v58 =	vld [tilespmem:s22+$0xB0];
	v5 =	vadd.f32 v60, v5;
	v62 =	vmul.f32 v46, v46;
	v63 =	vmul.f32 v45, v45;
	s25 =	spop (v2sf);
	s28 =	smul.f32 s23, s23  }
0x14c: {  	v57 =	vld [tilespmem:s26+$0x90];
	v3 =	vadd.f32 v45, v46;
	s25 =	smul.f32 $7.812500000e-03, s25;
	v0 =	vadd.f32 v0, v53  }
0x14d: {  	v4 =	vadd.f32 v61, v32;
	v32 =	vld [tilespmem:s22+$0xA0];
	v61 =	vmul.f32 v5, v5;
	v60 =	vadd.f32 v63, v62;
	s3 =	smul.f32 s20, s20  }
0x14e: {  	v63 =	vld [tilespmem:s26+$0xA0];
	v62 =	vadd.f32 v5, v3;
	s29 =	ssub.f32 s25, s28;
	[tilespmem:s15+$0x60] =	vst v0;
	s28 =	spop (v2sf)  }
0x14f: {  	v3 =	vadd.f32 v48, v2;
	v59 =	vadd.f32 v61, v60;
	v60 =	vmul.f32 v4, v4;
	v55 =	vld [tilespmem:$0x1F830];
	s28 =	smul.f32 $7.812500000e-03, s28  }
0x150: {  	v53 =	vld [tilespmem:s26+$0xB0];
	v0 =	vadd.f32 v4, v62;
	v62 =	vsub.f32 v1, v43;
	s8 =	sadd.f32 $9.999999960e-13, s29  }
0x151: {  	v2 =	vadd.f32 v57, v49;
	v61 =	vmul.f32 v3, v3;
	v48 =	vadd.f32 v60, v59;
	v59 =	vld [tilespmem:$0x1F8B0];
	s25 =	ssub.f32 s28, s3  }
0x152: {  	v54 =	vld [tilespmem:$0x1F8B0];
	v0 =	vadd.f32 v3, v0;
	v49 =	vmul.f32 s17, v62;
	s5 =	sshra.s32 s8, $0x1;
	s8 =	smul.f32 $5.000000000e-01, s8  }
0x153: {  	v56 =	vld [tilespmem:s26+$0xFFFFFF40];
	v1 =	vadd.f32 v63, v32;
	v32 =	vadd.f32 v61, v48;
	v48 =	vmul.f32 v2, v2;
	s28 =	ssub.s32 $0x5F3759DF, s5;
	s25 =	sadd.f32 $9.999999960e-13, s25  }
0x154: {  	v6 =	vsub.f32 v6, v19;
	v60 =	vld [tilespmem:s22+$0xFFFFFF50];
	v57 =	vadd.f32 v2, v0;
	s29 =	smul.f32 s28, s8;
	v49 =	vmul.f32 v49, v55  }
0x155: {  	v0 =	vadd.f32 v53, v58;
	v63 =	vmul.f32 v1, v1;
	v53 =	vld [tilespmem:s26+$0xFFFFFF50];
	v32 =	vadd.f32 v48, v32;
	s5 =	sshra.s32 s25, $0x1;
	s25 =	smul.f32 $5.000000000e-01, s25  }
0x156: {  	v58 =	vld [tilespmem:s26+$0xFFFFFFC0];
	v61 =	vadd.f32 v1, v57;
	s29 =	smul.f32 s28, s29;
	v49 =	vadd.f32 v49, v59;
	s5 =	ssub.s32 $0x5F3759DF, s5  }
0x157: {  	v48 =	vsub.f32 v10, v26;
	v10 =	vld [tilespmem:s22+$0xFFFFFF60];
	v62 =	vmul.f32 v0, v0;
	v32 =	vadd.f32 v63, v32;
	s3 =	smul.f32 s5, s25  }
0x158: {  	v7 =	vsub.f32 v7, v25;
	v57 =	vld [tilespmem:s22+$0xFFFFFFC0];
	v55 =	vadd.f32 v0, v61;
	s29 =	ssub.f32 $1.500000000e+00, s29;
	[tilespmem:s15+$0x70] =	vst v49  }
0x159: {  	v9 =	vsub.f32 v18, v26;
	v32 =	vadd.f32 v62, v32;
	v62 =	vmul.f32 s2, v6;
	v19 =	vld [tilespmem:$0x1F840];
	s2 =	smul.f32 s5, s3  }
0x15a: {  	v13 =	vsub.f32 v15, v26;
	v21 =	vsub.f32 v21, v43;
	v59 =	vld [tilespmem:s22+$0xFFFFFFD0];
	(xrf2) =	vadd.scan.msk.f32 $0xffff, v55;
	s28 =	smul.f32 s28, s29  }
0x15b: {  	v7 =	vmul.f32 s16, v7;
	(xrf2) =	vadd.scan.msk.f32 $0xffff, v32;
	v32 =	vsub.f32 v11, v25;
	v11 =	vsub.f32 v8, v26;
	v63 =	vld [tilespmem:$0x1F8C0];
	s2 =	ssub.f32 $1.500000000e+00, s2  }
0x15c: {  	v20 =	vsub.f32 v20, v43;
	v21 =	vmul.f32 s17, v21;
	v61 =	vld [tilespmem:s26+$0xFFFFFFD0];
	v49 =	vsub.f32 v12, v25;
	s8 =	smul.f32 s28, s8  }
0x15d: {  	v6 =	vld [tilespmem:s22+$0xFFFFFFE0];
	v12 =	vsub.f32 v14, v26;
	v14 =	vsub.f32 v16, v25;
	v11 =	vmul.f32 s1, v11;
	s2 =	smul.f32 s5, s2  }
0x15e: {  	v55 =	vld [tilespmem:s22+$0xFFFFFF40];
	v16 =	vmul.f32 v62, v47;
	v47 =	vmov s20;
	s8 =	smul.f32 s8, s28;
	v18 =	vmul.f32 v21, v19  }
0x15f: {  	v8 =	vsub.f32 v17, v25;
	v17 =	vld [tilespmem:s26+$0xFFFFFF60];
	v23 =	vsub.f32 v23, v47;
	v15 =	vmul.f32 v11, v52;
	s3 =	smul.f32 s2, s25  }
0x160: {  	v11 =	vmov s23;
	v19 =	vmul.f32 v7, v50;
	v21 =	vld [tilespmem:s26+$0xFFFFFFE0];
	s29 =	ssub.f32 $1.500000000e+00, s8;
	v18 =	vadd.f32 v18, v63  }
0x161: {  	v25 =	vld [tilespmem:s22+$0xFFFFFF70];
	v50 =	vadd.f32 v16, v30;
	v27 =	vsub.f32 v27, v11;
	s23 =	smul.f32 s3, s2  }
0x162: {  	v26 =	vld [tilespmem:s26+$0xFFFFFF70];
	v16 =	vadd.f32 v19, v51;
	v51 =	vadd.f32 v15, v54;
	s28 =	smul.f32 s29, s28;
	[tilespmem:s15+$0x80] =	vst v18  }
0x163: {  	v20 =	vmul.f32 s17, v20;
	v15 =	vadd.f32 v53, v60;
	v54 =	vsub.f32 v24, v11;
	v52 =	vld [tilespmem:$0x1F850];
	s5 =	ssub.f32 $1.500000000e+00, s23  }
0x164: {  	v30 =	vld [tilespmem:s22+$0xFFFFFFF0];
	v19 =	vadd.f32 v58, v57;
	v58 =	vmul.f32 s28, v27;
	v27 =	vadd.f32 v56, v55;
	v18, _, _ =	vpop (xrf2)  }
0x165: {  	v53 =	vld [tilespmem:s26+$0xFFFFFFF0];
	v24 =	vmul.f32 v15, v15;
	v21 =	vadd.f32 v21, v6;
	(v2sf) =	vpush v18, $0xF;
	v18, _, _ =	vpop (xrf2);
	s20 =	smul.f32 s5, s2  }
0x166: {  	v57 =	vld [tilespmem:$0x1F8D0];
	v56 =	vmul.f32 v58, v29;
	v62 =	vmul.f32 v27, v27;
	(v2sf) =	vpush v18, $0xF  }
0x167: {  	v60 =	vld [tilespmem:s22+$0xFFFFFF80];
	v18 =	vadd.f32 v61, v59;
	v59 =	vmul.f32 v19, v19;
	v63 =	vmul.f32 s20, v23  }
0x168: {  	v55 =	vld [tilespmem:s26+$0xFFFFFF80];
	v24 =	vadd.f32 v24, v62;
	v52 =	vmul.f32 v20, v52;
	v20 =	vadd.f32 v17, v10  }
0x169: {  	v6 =	vld [tilespmem:s26+$0xFFFFFF90];
	v62 =	vadd.f32 v15, v27;
	v23 =	vadd.f32 v26, v25;
	v17 =	vmul.f32 v18, v18  }
0x16a: {  	v58 =	vld [tilespmem:s22+$0x0];
	v26 =	vadd.f32 v53, v30;
	v29 =	vmul.f32 v63, v29;
	v25 =	vmul.f32 v20, v20  }
0x16b: {  	v30 =	vld [tilespmem:s26+$0x10];
	v52 =	vadd.f32 v52, v57;
	v17 =	vadd.f32 v17, v59;
	v59 =	vmul.f32 v21, v21  }
0x16c: {  	v10 =	vld [tilespmem:s26+$0x0];
	v53 =	vadd.f32 v20, v62;
	v24 =	vadd.f32 v25, v24;
	v25 =	vmul.f32 v23, v23  }
0x16d: {  	v57 =	vld [tilespmem:s22+$0xFFFFFF90];
	v62 =	vadd.f32 v29, v28;
	v29 =	vadd.f32 v55, v60  }
0x16e: {  	v55 =	vld [tilespmem:s26+$0xFFFFFFA0];
	v17 =	vadd.f32 v59, v17;
	v25 =	vadd.f32 v25, v24;
	v24 =	vmul.f32 v26, v26  }
0x16f: {  	[tilespmem:s15+$0x90] =	vst v52;
	v59 =	vld [tilespmem:s22+$0xFFFFFFA0]  }
0x170: {  	v17 =	vadd.f32 v24, v17;
	v24 =	vld [tilespmem:$0x1FFE0]  }
0x171: {  	v56 =	vadd.f32 v56, v28;
	v52 =	vld [tilespmem:s22+$0x10]  }
0x172: {  	v63 =	vld [tilespmem:$0x1F860];
	v28 =	vadd.f32 v10, v58;
	v58 =	vmul.f32 v29, v29  }
0x173: {  	v61 =	vadd.f32 v18, v19;
	v53 =	vadd.f32 v23, v53;
	v10 =	vld [tilespmem:s22+$0xFFFFFFB0];
	[tilespmem:s15+$0xFFFFFF40] =	vst v56  }
0x174: {  	v58 =	vadd.f32 v58, v25;
	v25 =	vadd.f32 v55, v59;
	v55 =	vld [tilespmem:$0x1F810]  }
0x175: {  	v60 =	vsub.f32 v24, v43;
	v24 =	vadd.f32 v6, v57;
	v6 =	vld [tilespmem:s26+$0xFFFFFFB0]  }
0x176: {  	v7 =	vld [tilespmem:$0x1F8E0];
	v57 =	vsub.f32 v22, v47;
	v22 =	vadd.f32 v29, v53  }
0x177: {  	v54 =	vmul.f32 s28, v54;
	v56 =	vadd.f32 v21, v61;
	v61 =	vld [tilespmem:s26+$0x20]  }
0x178: {  	[tilespmem:s15+$0xFFFFFFC0] =	vst v62;
	v59 =	vmul.f32 v28, v28;
	v53 =	vld [tilespmem:s22+$0x20];
	v60 =	vmul.f32 s17, v60;
	v22 =	vadd.f32 v24, v22  }
0x179: {  	[tilespmem:s13+$0xFFFFFFF0] =	vst v51;
	v30 =	vadd.f32 v30, v52;
	v52 =	vld [tilespmem:$0x1F810];
	v54 =	vmul.f32 v54, v55;
	v62 =	vmul.f32 v24, v24  }
0x17a: {  	v55 =	vld [tilespmem:$0x1F840];
	v60 =	vmul.f32 v60, v63;
	v63 =	vadd.f32 v25, v22;
	v22 =	vadd.f32 v6, v10  }
0x17b: {  	v51 =	vmul.f32 s16, v32;
	v56 =	vadd.f32 v26, v56;
	v58 =	vadd.f32 v62, v58;
	v10 =	vld [tilespmem:$0x1F890]  }
0x17c: {  	[tilespmem:s13+$0xFFFFFF70] =	vst v16;
	v16 =	vmul.f32 v30, v30;
	v6 =	vadd.f32 v59, v17;
	v17 =	vld [tilespmem:$0x1F890];
	v59 =	vadd.f32 v22, v63  }
0x17d: {  	v57 =	vmul.f32 s20, v57;
	v62 =	vld [tilespmem:s22+$0x30];
	v32 =	vadd.f32 v61, v53;
	v7 =	vadd.f32 v60, v7  }
0x17e: {  	v60 =	vld [tilespmem:$0x1F840];
	v16 =	vadd.f32 v16, v6;
	v6 =	vmul.f32 s16, v14;
	(xrf2) =	vadd.scan.msk.f32 $0xffff, v59;
	v59 =	vmul.f32 s16, v49  }
0x17f: {  	v14 =	vadd.f32 v28, v56;
	v49 =	vmul.f32 s16, v8;
	v8 =	vmul.f32 v57, v52;
	v52 =	vld [tilespmem:s26+$0x30]  }
0x180: {  	s25 =	spop (v2sf);
	v53 =	vld [tilespmem:$0x1F8C0];
	v10 =	vadd.f32 v54, v10  }
0x181: {  	s2 =	smul.f32 $7.812500000e-03, s25;
	s29 =	spop (v2sf);
	v63 =	vld [tilespmem:$0x1F8C0];
	v61 =	vmul.f32 v32, v32;
	[tilespmem:s15+$0xA0] =	vst v7;
	v14 =	vadd.f32 v30, v14;
	v17 =	vadd.f32 v8, v17  }
0x182: {  	s5 =	smul.f32 $7.812500000e-03, s29;
	v7 =	vsub.f32 v31, v11;
	v31 =	vmul.f32 v25, v25;
	v8 =	vmul.f32 s1, v48;
	[tilespmem:s15+$0xFFFFFF50] =	vst v10  }
0x183: {  	s3 =	smul.f32 s2, s2;
	v16 =	vadd.f32 v61, v16;
	v48 =	vmul.f32 v51, v60;
	v14 =	vadd.f32 v32, v14;
	[tilespmem:s15+$0xFFFFFFD0] =	vst v17;
	v17 =	vld [tilespmem:$0x1F820]  }
0x184: {  	v60 =	vadd.f32 v31, v58;
	v57 =	vmul.f32 v8, v55;
	v31 =	vadd.f32 v52, v62  }
0x185: {  	s5 =	ssub.f32 s5, s3;
	v7 =	vmul.f32 s28, v7;
	v48 =	vadd.f32 v48, v53;
	v54 =	vld [tilespmem:$0x1F8A0];
	v62 =	vmul.f32 v22, v22  }
0x186: {  	v51 =	vadd.f32 v57, v63;
	v14 =	vadd.f32 v31, v14;
	v63 =	vmul.f32 v31, v31  }
0x187: {  	s5 =	sadd.f32 $9.999999960e-13, s5;
	v8 =	vmul.f32 s1, v9;
	v9 =	vsub.f32 v44, v11;
	[tilespmem:s13+$0xFFFFFF80] =	vst v48;
	v44 =	vadd.f32 v62, v60  }
0x188: {  	v61 =	vld [tilespmem:$0x1F850];
	v16 =	vadd.f32 v63, v16;
	(xrf2) =	vadd.scan.msk.f32 $0xffff, v14;
	v7 =	vmul.f32 v7, v17  }
0x189: {  	s23 =	sshra.s32 s5, $0x1;
	s5 =	smul.f32 $5.000000000e-01, s5;
	(xrf2) =	vadd.scan.msk.f32 $0xffff, v44  }
0x18a: {  	s8 =	ssub.s32 $0x5F3759DF, s23;
	v60, _, _ =	vpop (xrf2);
	(xrf2) =	vadd.scan.msk.f32 $0xffff, v16;
	v16 =	vadd.f32 v7, v54  }
0x18b: {  	s25 =	smul.f32 s8, s5;
	[tilespmem:s13+$0x0] =	vst v51  }
0x18c: {  	[tilespmem:s15+$0xFFFFFF60] =	vst v16  }
0x18d: {  	s29 =	smul.f32 s8, s25;
	v16 =	vmul.f32 v59, v61;
	v61 =	vld [tilespmem:$0x1FFF0];
	_ =	sdelay $0x1  }
0x18e: {  	s16 =	ssub.f32 $1.500000000e+00, s29  }
0x18f: {  	v56 =	vsub.f32 v37, v47;
	v37 =	vld [tilespmem:$0x1F800]  }
0x190: {  	v10 =	vld [tilespmem:$0x1F870];
	s8 =	smul.f32 s8, s16  }
0x191: {  	v53 =	vld [tilespmem:$0x1F820];
	v43 =	vsub.f32 v61, v43  }
0x192: {  	v33 =	vsub.f32 v33, v47;
	s5 =	smul.f32 s8, s5;
	v62 =	vld [tilespmem:$0x1F850]  }
0x193: {  	v48 =	vld [tilespmem:$0x1F8A0];
	v43 =	vmul.f32 s17, v43  }
0x194: {  	v33 =	vmul.f32 s20, v33;
	v44 =	vld [tilespmem:$0x1F8F0];
	s5 =	smul.f32 s5, s8;
	(v2sf) =	vpush v60, $0xF  }
0x195: {  	v12 =	vmul.f32 s1, v12;
	v63 =	vld [tilespmem:$0x1F8D0];
	v10 =	vmul.f32 v43, v10  }
0x196: {  	v34 =	vsub.f32 v34, v47;
	v41 =	vsub.f32 v41, v11;
	v14 =	vmul.f32 v33, v53;
	v60 =	vld [tilespmem:$0x1F8D0];
	s5 =	ssub.f32 $1.500000000e+00, s5;
	v61, _, _ =	vpop (xrf2)  }
0x197: {  	v17 =	vmov s2;
	v12 =	vmul.f32 v12, v62;
	v62 =	vld [tilespmem:$0x1F830];
	(v2sf) =	vpush v61, $0xF  }
0x198: {  	v7 =	vmul.f32 s1, v13;
	v13 =	vadd.f32 v14, v48;
	v14 =	vsub.f32 v46, v17;
	s2 =	smul.f32 s5, s8  }
0x199: {  	v57 =	vsub.f32 v38, v11;
	v38 =	vld [tilespmem:$0x1F880];
	v44 =	vadd.f32 v10, v44;
	v10, _, _ =	vpop (xrf2)  }
0x19a: {  	v41 =	vmul.f32 s28, v41;
	[tilespmem:s15+$0xFFFFFFE0] =	vst v13;
	v13 =	vmul.f32 s2, v14;
	(v2sf) =	vpush v10, $0xF  }
0x19b: {  	v39 =	vsub.f32 v39, v47;
	v48 =	vld [tilespmem:$0x1F830];
	v14 =	vmul.f32 s28, v9;
	v9 =	vadd.f32 v16, v63  }
0x19c: {  	v51 =	vld [tilespmem:$0x1F8B0];
	v33 =	vadd.f32 v12, v60;
	v13 =	vmul.f32 v13, v37;
	v41 =	vmul.f32 v41, v62;
	v62, _, _ =	vpop (xrf2)  }
0x19d: {  	v40 =	vsub.f32 v40, v47;
	v58 =	vld [tilespmem:$0x1F8B0];
	[tilespmem:s13+$0xFFFFFF90] =	vst v9;
	(v2sf) =	vpush v62, $0xF  }
0x19e: {  	v36 =	vsub.f32 v36, v47;
	v34 =	vmul.f32 s20, v34;
	[tilespmem:s13+$0x10] =	vst v33;
	v60 =	vld [tilespmem:$0x1F860];
	v59 =	vadd.f32 v13, v38  }
0x19f: {  	v42 =	vsub.f32 v42, v11;
	v12 =	vmul.f32 s28, v57;
	v63 =	vsub.f32 v35, v11;
	v35 =	vld [tilespmem:$0x1F860]  }
0x1a0: {  	v45 =	vsub.f32 v45, v17;
	v34 =	vmul.f32 v34, v48;
	v13 =	vmul.f32 s20, v39;
	v39 =	vld [tilespmem:$0x1F8E0];
	[tilespmem:s22+$0x40] =	vst v59  }
0x1a1: {  	[tilespmem:s13+$0xB0] =	vst v50;
	v16 =	vmul.f32 s20, v56;
	v9 =	vmul.f32 s28, v63;
	v63 =	vadd.f32 v41, v51;
	v43 =	vld [tilespmem:$0x1F810]  }
0x1a2: {  	v11 =	vmul.f32 s28, v42;
	v33 =	vmul.f32 s20, v40;
	v41 =	vadd.f32 v34, v58;
	[tilespmem:s15+$0xB0] =	vst v44;
	v44 =	vld [tilespmem:$0x1F890]  }
0x1a3: {  	s1 =	simm.s32 $0x940;
	s28 =	simm.s32 $0x6;
	[tilespmem:s15+$0xFFFFFF70] =	vst v63;
	v34 =	vmul.f32 v49, v60;
	s16 =	spop (v2sf);
	v10 =	vmul.f32 s20, v36;
	v36 =	vld [tilespmem:$0x1F8E0]  }
.LBB2_5:
0x1a4: {  	v42 =	vld [tilespmem:s1+$0xB0];
	s5 =	smul.f32 $7.812500000e-03, s16;
	v40 =	vmul.f32 s2, v45;
	[tilespmem:s15+$0xFFFFFFF0] =	vst v41;
	v45 =	vmul.f32 v8, v35;
	v8 =	vmov v33  }
0x1a5: {  	v46 =	vld [tilespmem:s1+$0x70];
	v33 =	vadd.f32 v34, v39  }
0x1a6: {  	v47 =	vld [tilespmem:s1+$0x60];
	s8 =	smul.f32 s5, s5;
	v48 =	vmov s5;
	v34 =	vmul.f32 v40, v43;
	s5 =	spop (v2sf)  }
0x1a7: {  	s26 =	sadd.s32 $0x180, s26;
	v35 =	vld [tilespmem:s1+$0x40];
	v41 =	vsub.f32 v27, v48;
	v27 =	vsub.f32 v15, v48;
	s5 =	smul.f32 $7.812500000e-03, s5;
	[tilespmem:s13+$0xFFFFFFA0] =	vst v33  }
0x1a8: {  	v39 =	vsub.f32 v20, v48;
	v15 =	vld [tilespmem:s26+$0x40];
	v33 =	vadd.f32 v34, v44  }
0x1a9: {  	v23 =	vsub.f32 v23, v48;
	v29 =	vsub.f32 v29, v48;
	v34 =	vld [tilespmem:s1+$0x50];
	s16 =	smul.f32 s5, s5;
	v43 =	vmov s5;
	s5 =	spop (v2sf)  }
0x1aa: {  	v44 =	vld [tilespmem:s26+$0x50];
	s5 =	smul.f32 $7.812500000e-03, s5;
	v20 =	vsub.f32 v19, v43;
	v40 =	vsub.f32 v18, v43;
	[tilespmem:s22+$0x50] =	vst v33  }
0x1ab: {  	v21 =	vsub.f32 v21, v43;
	v26 =	vsub.f32 v26, v43;
	v18 =	vld [tilespmem:$0x1F820]  }
0x1ac: {  	s28 =	sadd.s32 $0x3, s28;
	v5 =	vsub.f32 v5, v17;
	v28 =	vsub.f32 v28, v43;
	v19 =	vld [tilespmem:s26+$0x60];
	s5 =	ssub.f32 s5, s8;
	s8 =	spop (v2sf)  }
0x1ad: {  	p1 =	slt.u32 s28, $0xC3;
	v33 =	vsub.f32 v24, v48;
	v30 =	vsub.f32 v30, v43;
	s8 =	smul.f32 $7.812500000e-03, s8;
	v49 =	vld [tilespmem:$0x1F8A0]  }
0x1ae: {  	v5 =	vmul.f32 s2, v5;
	v25 =	vsub.f32 v25, v48;
	v24 =	vsub.f32 v32, v43;
	v50 =	vld [tilespmem:s26+$0x70];
	s5 =	sadd.f32 $9.999999960e-13, s5  }
0x1af: {  	v35 =	vadd.f32 v15, v35;
	v34 =	vadd.f32 v44, v34;
	v15 =	vld [tilespmem:s1+$0x80];
	s8 =	ssub.f32 s8, s16  }
0x1b0: {  	v22 =	vsub.f32 v22, v48;
	v36 =	vadd.f32 v45, v36;
	v32 =	vld [tilespmem:s26+$0x80];
	s17 =	sshra.s32 s5, $0x1;
	s16 =	smul.f32 $5.000000000e-01, s5;
	v18 =	vmul.f32 v5, v18  }
0x1b1: {  	v5 =	vadd.f32 v19, v47;
	v19 =	vld [tilespmem:s1+$0x90];
	v44 =	vadd.f32 v34, v35;
	s5 =	ssub.s32 $0x5F3759DF, s17;
	s8 =	sadd.f32 $9.999999960e-13, s8  }
0x1b2: {  	v47 =	vmul.f32 v35, v35;
	v48 =	vmul.f32 v34, v34;
	v45 =	vld [tilespmem:s26+$0x90];
	s17 =	smul.f32 s5, s16;
	v18 =	vadd.f32 v18, v49;
	[tilespmem:s13+$0x20] =	vst v36  }
0x1b3: {  	v36 =	vadd.f32 v50, v46;
	v46 =	vld [tilespmem:s1+$0xA0];
	v44 =	vadd.f32 v5, v44;
	s20 =	sshra.s32 s8, $0x1;
	s8 =	smul.f32 $5.000000000e-01, s8  }
0x1b4: {  	v31 =	vsub.f32 v31, v43;
	v47 =	vadd.f32 v48, v47;
	v48 =	vmul.f32 v5, v5;
	v49 =	vld [tilespmem:s26+$0xA0];
	s17 =	smul.f32 s5, s17;
	s20 =	ssub.s32 $0x5F3759DF, s20;
	[tilespmem:s22+$0x60] =	vst v18  }
0x1b5: {  	v18 =	vadd.f32 v32, v15;
	v15 =	vadd.f32 v36, v44;
	s23 =	smul.f32 s20, s8;
	v43 =	vld [tilespmem:$0x1F830]  }
0x1b6: {  	v32 =	vadd.f32 v48, v47;
	v47 =	vmul.f32 v36, v36;
	v48 =	vsub.f32 v4, v17;
	v4 =	vmovc v36;
	v44 =	vld [tilespmem:s26+$0xB0];
	s17 =	ssub.f32 $1.500000000e+00, s17  }
0x1b7: {  	v36 =	vadd.f32 v45, v19;
	v15 =	vadd.f32 v18, v15;
	s23 =	smul.f32 s20, s23;
	v19 =	vld [tilespmem:$0x1F8B0]  }
0x1b8: {  	v47 =	vadd.f32 v47, v32;
	v50 =	vmul.f32 v18, v18;
	v48 =	vmul.f32 s2, v48;
	v45 =	vld [tilespmem:s26+$0xFFFFFF40];
	s5 =	smul.f32 s5, s17  }
0x1b9: {  	v51 =	vld [tilespmem:s1+$0xFFFFFF50];
	v32 =	vadd.f32 v49, v46;
	v15 =	vadd.f32 v36, v15;
	s17 =	ssub.f32 $1.500000000e+00, s23  }
0x1ba: {  	v47 =	vadd.f32 v50, v47;
	v49 =	vmul.f32 v36, v36;
	v46 =	vld [tilespmem:s26+$0xFFFFFF50];
	s16 =	smul.f32 s5, s16;
	v43 =	vmul.f32 v48, v43  }
0x1bb: {  	v48 =	vld [tilespmem:s1+$0xFFFFFFC0];
	v42 =	vadd.f32 v44, v42;
	v15 =	vadd.f32 v32, v15;
	s17 =	smul.f32 s20, s17  }
0x1bc: {  	v47 =	vadd.f32 v49, v47;
	v49 =	vmul.f32 v32, v32;
	v44 =	vld [tilespmem:s26+$0xFFFFFFC0];
	s16 =	smul.f32 s16, s5;
	v19 =	vadd.f32 v43, v19  }
0x1bd: {  	v43 =	vld [tilespmem:s1+$0xFFFFFFD0];
	v50 =	vadd.f32 v42, v15;
	s8 =	smul.f32 s17, s8  }
0x1be: {  	v47 =	vadd.f32 v49, v47;
	v49 =	vmul.f32 v42, v42;
	v52 =	vld [tilespmem:s26+$0xFFFFFFD0];
	s16 =	ssub.f32 $1.500000000e+00, s16;
	[tilespmem:s22+$0x70] =	vst v19  }
0x1bf: {  	v15 =	vadd.f32 v46, v51;
	(xrf2) =	vadd.scan.msk.f32 $0xffff, v50;
	s8 =	smul.f32 s8, s17;
	v46 =	vld [tilespmem:$0x1F840]  }
0x1c0: {  	v47 =	vadd.f32 v49, v47;
	v49 =	vsub.f32 v3, v17;
	v3 =	vmov v18;
	v50 =	vld [tilespmem:s1+$0xFFFFFF40];
	s16 =	smul.f32 s16, s5  }
0x1c1: {  	v51 =	vmul.f32 v15, v15;
	v19 =	vadd.f32 v44, v48;
	s5 =	ssub.f32 $1.500000000e+00, s8;
	v44 =	vld [tilespmem:$0x1F8C0]  }
0x1c2: {  	v48 =	vld [tilespmem:s1+$0xFFFFFF60];
	(xrf2) =	vadd.scan.msk.f32 $0xffff, v47;
	v41 =	vmul.f32 s16, v41;
	v47 =	vmul.f32 s2, v49  }
0x1c3: {  	v49 =	vld [tilespmem:s26+$0xFFFFFF60];
	v18 =	vadd.f32 v52, v43;
	v52 =	vmul.f32 v19, v19;
	v43 =	vmul.f32 s16, v27;
	s17 =	smul.f32 s5, s17  }
0x1c4: {  	v53 =	vld [tilespmem:s1+$0xFFFFFFE0];
	v41 =	vmul.f32 v41, v37;
	v46 =	vmul.f32 v47, v46  }
0x1c5: {  	v27 =	vadd.f32 v45, v50;
	v47 =	vld [tilespmem:s26+$0xFFFFFFE0];
	v50 =	vadd.f32 v18, v19;
	v45 =	vmul.f32 v18, v18  }
0x1c6: {  	v55 =	vmul.f32 s17, v20;
	v54 =	vld [tilespmem:s1+$0xFFFFFF70];
	v41 =	vadd.f32 v41, v38;
	v58 =	vadd.f32 v46, v44  }
0x1c7: {  	v46 =	vld [tilespmem:s26+$0xFFFFFF70];
	v56 =	vadd.f32 v15, v27;
	v57 =	vmul.f32 v27, v27;
	v52 =	vadd.f32 v45, v52  }
0x1c8: {  	v45 =	vmul.f32 s17, v40;
	v20 =	vadd.f32 v49, v48;
	v48 =	vld [tilespmem:s1+$0xFFFFFFF0];
	v49 =	vmul.f32 v55, v37;
	[tilespmem:s22+$0x80] =	vst v58  }
0x1c9: {  	v37 =	vmul.f32 s17, v21;
	v40 =	vadd.f32 v51, v57;
	v44, _, _ =	vpop (xrf2);
	[tilespmem:s22+$0xFFFFFF40] =	vst v41;
	v41 =	vmul.f32 s16, v39;
	v51 =	vld [tilespmem:$0x1F850]  }
0x1ca: {  	v39 =	vmul.f32 v20, v20;
	v21 =	vadd.f32 v47, v53;
	v47 =	vld [tilespmem:s26+$0xFFFFFFF0];
	v53 =	vsub.f32 v2, v17;
	v2 =	vmovc v36  }
0x1cb: {  	v55 =	vadd.f32 v20, v56;
	v36 =	vmul.f32 s16, v23;
	v38 =	vadd.f32 v49, v38;
	v49 =	vld [tilespmem:$0x1F8D0]  }
0x1cc: {  	v56 =	vld [tilespmem:s1+$0xFFFFFF80];
	v50 =	vadd.f32 v21, v50;
	(v2sf) =	vpush v44, $0xF;
	v44, _, _ =	vpop (xrf2);
	v53 =	vmul.f32 s2, v53  }
0x1cd: {  	v23 =	vadd.f32 v46, v54;
	v54 =	vmul.f32 v21, v21;
	v46 =	vld [tilespmem:s26+$0xFFFFFF80];
	(v2sf) =	vpush v44, $0xF;
	[tilespmem:s22+$0xFFFFFFC0] =	vst v38  }
0x1ce: {  	v38 =	vadd.f32 v39, v40;
	v39 =	vmul.f32 s17, v26;
	v57 =	vld [tilespmem:s1+$0x0];
	v40 =	vmul.f32 v53, v51  }
0x1cf: {  	v51 =	vadd.f32 v23, v55;
	v44 =	vmul.f32 v23, v23;
	v26 =	vadd.f32 v47, v48;
	v47 =	vld [tilespmem:s26+$0x0]  }
0x1d0: {  	v52 =	vadd.f32 v54, v52;
	v53 =	vmul.f32 s16, v29;
	v48 =	vld [tilespmem:s1+$0xFFFFFF90];
	v40 =	vadd.f32 v40, v49  }
0x1d1: {  	v54 =	vadd.f32 v44, v38;
	v49 =	vld [tilespmem:s26+$0xFFFFFF90];
	v50 =	vadd.f32 v26, v50;
	v44 =	vmul.f32 v26, v26  }
0x1d2: {  	v55 =	vmul.f32 s17, v28;
	v38 =	vmul.f32 s16, v33;
	v29 =	vadd.f32 v46, v56;
	v46 =	vld [tilespmem:s1+$0x10];
	[tilespmem:s22+$0x90] =	vst v40  }
0x1d3: {  	v40 =	vmul.f32 s16, v25;
	v52 =	vadd.f32 v44, v52;
	v44 =	vmul.f32 s17, v30;
	v25 =	vld [tilespmem:$0x1F860]  }
0x1d4: {  	v56 =	vsub.f32 v1, v17;
	v1 =	vmovc v32;
	v30 =	vmul.f32 v29, v29;
	v28 =	vadd.f32 v47, v57;
	v47 =	vld [tilespmem:s26+$0x10]  }
0x1d5: {  	v33 =	vmul.f32 s17, v24;
	v32 =	vadd.f32 v29, v51;
	v51 =	vmul.f32 s16, v22;
	v22 =	vld [tilespmem:$0x1F8E0]  }
0x1d6: {  	v56 =	vmul.f32 s2, v56;
	v57 =	vld [tilespmem:s1+$0xFFFFFFA0];
	v50 =	vadd.f32 v28, v50;
	v58 =	vmul.f32 v28, v28  }
0x1d7: {  	v24 =	vadd.f32 v49, v48;
	v49 =	vadd.f32 v30, v54;
	v54 =	vmul.f32 s17, v31;
	v48 =	vld [tilespmem:s26+$0xFFFFFFA0]  }
0x1d8: {  	v31 =	vld [tilespmem:s1+$0x20];
	v52 =	vadd.f32 v58, v52;
	v25 =	vmul.f32 v56, v25  }
0x1d9: {  	v56 =	vadd.f32 v24, v32;
	v32 =	vmul.f32 v24, v24;
	v30 =	vadd.f32 v47, v46;
	v46 =	vld [tilespmem:s26+$0x20]  }
0x1da: {  	v47 =	vld [tilespmem:s1+$0xFFFFFFB0];
	v22 =	vadd.f32 v25, v22  }
0x1db: {  	v49 =	vadd.f32 v32, v49;
	v58 =	vld [tilespmem:s26+$0xFFFFFFB0];
	v50 =	vadd.f32 v30, v50;
	v32 =	vmul.f32 v30, v30;
	s5 =	spop (v2sf)  }
0x1dc: {  	v25 =	vadd.f32 v48, v57;
	v48 =	vld [tilespmem:s1+$0x30];
	s16 =	smul.f32 $7.812500000e-03, s5;
	s5 =	spop (v2sf);
	[tilespmem:s22+$0xA0] =	vst v22  }
0x1dd: {  	v52 =	vadd.f32 v32, v52;
	s5 =	smul.f32 $7.812500000e-03, s5;
	v57 =	vld [tilespmem:$0x1F870]  }
0x1de: {  	v17 =	vsub.f32 v0, v17;
	v0 =	vmovc v42;
	v59 =	vmul.f32 v25, v25;
	v32 =	vadd.f32 v46, v31;
	v31 =	vld [tilespmem:s26+$0x30];
	s8 =	smul.f32 s16, s16  }
0x1df: {  	v42 =	vadd.f32 v25, v56;
	v46 =	vld [tilespmem:$0x1F8F0]  }
0x1e0: {  	v17 =	vmul.f32 s2, v17;
	v50 =	vadd.f32 v32, v50;
	v56 =	vmul.f32 v32, v32;
	s5 =	ssub.f32 s5, s8;
	v60 =	vld [tilespmem:$0x1F810]  }
0x1e1: {  	v22 =	vadd.f32 v58, v47;
	v47 =	vadd.f32 v59, v49;
	v49 =	vld [tilespmem:$0x1F810]  }
0x1e2: {  	v52 =	vadd.f32 v56, v52;
	s2 =	sadd.f32 $9.999999960e-13, s5;
	v56 =	vld [tilespmem:$0x1F890];
	v17 =	vmul.f32 v17, v57  }
0x1e3: {  	v42 =	vadd.f32 v22, v42;
	v57 =	vmul.f32 v22, v22;
	v31 =	vadd.f32 v31, v48;
	v48 =	vld [tilespmem:$0x1F890]  }
0x1e4: {  	s5 =	sshra.s32 s2, $0x1;
	s2 =	smul.f32 $5.000000000e-01, s2;
	v17 =	vadd.f32 v17, v46;
	v46 =	vld [tilespmem:$0x1F840]  }
0x1e5: {  	v47 =	vadd.f32 v57, v47;
	v50 =	vadd.f32 v31, v50;
	v57 =	vmul.f32 v31, v31;
	s5 =	ssub.s32 $0x5F3759DF, s5;
	(xrf2) =	vadd.scan.msk.f32 $0xffff, v42;
	v42 =	vld [tilespmem:$0x1F840]  }
0x1e6: {  	v43 =	vmul.f32 v43, v60;
	s8 =	smul.f32 s5, s2;
	v45 =	vmul.f32 v45, v49;
	[tilespmem:s22+$0xB0] =	vst v17;
	v17 =	vld [tilespmem:$0x1F8C0]  }
0x1e7: {  	v49 =	vadd.f32 v57, v52;
	v52 =	vld [tilespmem:$0x1F8C0]  }
0x1e8: {  	v43 =	vadd.f32 v43, v56;
	s8 =	smul.f32 s5, s8;
	(xrf2) =	vadd.scan.msk.f32 $0xffff, v50;
	v45 =	vadd.f32 v45, v48;
	v48 =	vld [tilespmem:$0x1F870]  }
0x1e9: {  	v46 =	vmul.f32 v14, v46;
	v50 =	vld [tilespmem:$0x1F870];
	v14 =	vmov v53  }
0x1ea: {  	s8 =	ssub.f32 $1.500000000e+00, s8;
	[tilespmem:s22+$0xFFFFFF50] =	vst v43;
	v42 =	vmul.f32 v16, v42;
	v43 =	vld [tilespmem:$0x1F8F0];
	v16 =	vmov v55  }
0x1eb: {  	(xrf2) =	vadd.scan.msk.f32 $0xffff, v47;
	v47 =	vld [tilespmem:$0x1F820];
	[tilespmem:s22+$0xFFFFFFD0] =	vst v45;
	v17 =	vadd.f32 v46, v17  }
0x1ec: {  	s5 =	smul.f32 s5, s8;
	v45 =	vld [tilespmem:$0x1F820];
	v42 =	vadd.f32 v42, v52  }
0x1ed: {  	v46 =	vld [tilespmem:$0x1F8A0];
	[tilespmem:s15+$0xFFFFFF80] =	vst v17;
	v17 =	vmul.f32 v6, v48;
	v6 =	vmov v9;
	v9 =	vmov v51  }
0x1ee: {  	s2 =	smul.f32 s5, s2;
	(xrf2) =	vadd.scan.msk.f32 $0xffff, v49;
	v48 =	vld [tilespmem:$0x1F8A0];
	[tilespmem:s15+$0x0] =	vst v42;
	v42 =	vmul.f32 v7, v50;
	v7 =	vmovc v10;
	v10 =	vmov v54  }
0x1ef: {  	v49, _, _ =	vpop (xrf2);
	v50 =	vld [tilespmem:$0x1F850];
	v17 =	vadd.f32 v17, v43  }
0x1f0: {  	s2 =	smul.f32 s2, s5;
	(v2sf) =	vpush v49, $0xF;
	v41 =	vmul.f32 v41, v47;
	v43 =	vld [tilespmem:$0x1F850]  }
0x1f1: {  	v45 =	vmul.f32 v37, v45;
	v47 =	vld [tilespmem:$0x1F8D0];
	[tilespmem:s13+$0xFFFFFFB0] =	vst v17  }
0x1f2: {  	s2 =	ssub.f32 $1.500000000e+00, s2;
	v49, _, _ =	vpop (xrf2);
	v41 =	vadd.f32 v41, v46;
	v46 =	vld [tilespmem:$0x1F8D0]  }
0x1f3: {  	v17 =	vmov s16;
	v37 =	vld [tilespmem:$0x1F800];
	(v2sf) =	vpush v49, $0xF;
	v45 =	vadd.f32 v45, v48  }
0x1f4: {  	v35 =	vsub.f32 v35, v17;
	s2 =	smul.f32 s2, s5;
	[tilespmem:s22+$0xFFFFFF60] =	vst v41;
	v41 =	vmul.f32 v12, v50;
	v48 =	vld [tilespmem:$0x1F8F0];
	v12 =	vmov v38  }
0x1f5: {  	v38 =	vld [tilespmem:$0x1F880];
	v49, _, _ =	vpop (xrf2);
	[tilespmem:s22+$0xFFFFFFE0] =	vst v45;
	v43 =	vmul.f32 v13, v43;
	v13 =	vmov v44  }
0x1f6: {  	v35 =	vmul.f32 s2, v35;
	(v2sf) =	vpush v49, $0xF;
	v44 =	vld [tilespmem:$0x1F830];
	v41 =	vadd.f32 v41, v47  }
0x1f7: {  	v45 =	vld [tilespmem:$0x1F830];
	v43 =	vadd.f32 v43, v46  }
0x1f8: {  	v35 =	vmul.f32 v35, v37;
	v46, _, _ =	vpop (xrf2);
	v47 =	vld [tilespmem:$0x1F8B0];
	[tilespmem:s15+$0xFFFFFF90] =	vst v41  }
0x1f9: {  	(v2sf) =	vpush v46, $0xF;
	v41 =	vld [tilespmem:$0x1F8B0];
	[tilespmem:s15+$0x10] =	vst v43;
	v42 =	vadd.f32 v42, v48  }
0x1fa: {  	v43 =	vadd.f32 v35, v38;
	v46 =	vld [tilespmem:$0x1F860]  }
.Ltmp1:
0x1fb: {  	v36 =	vmul.f32 v36, v44;
	v35 =	vld [tilespmem:$0x1F860];
	[tilespmem:s13+$0x30] =	vst v42;
	s13 =	smov.u32 s15;
	s15 =	smov.u32 s22;
	(pc) =	sbr.rel @p1 .LBB2_5-.Ltmp1, $4  }
0x1fc: {  	s22 =	smov.u32 s1;
	[tilespmem:s1+$0x40] =	vst v43;
	v42 =	vmul.f32 v39, v45;
	v39 =	vld [tilespmem:$0x1F8E0]  }
0x1fd: {  	v43 =	vld [tilespmem:$0x1F810];
	v47 =	vadd.f32 v36, v47  }
0x1fe: {  	v45 =	vsub.f32 v34, v17;
	v41 =	vadd.f32 v42, v41;
	v36 =	vld [tilespmem:$0x1F8E0]  }
0x1ff: {  	s1 =	sadd.s32 $0x180, s1;
	v44 =	vld [tilespmem:$0x1F890];
	s16 =	spop (v2sf);
	[tilespmem:s15+$0xFFFFFF70] =	vst v47;
	v34 =	vmul.f32 v11, v46;
	v11 =	vmov v40  }
0x200: {  	_ =	sdelay $0x3  }
0x201: {  	s1 =	smul.f32 $7.812500000e-03, s16;
	s5 =	spop (v2sf)  }
0x202: {  	s5 =	smul.f32 $7.812500000e-03, s5  }
0x203: {  	s8 =	smul.f32 s1, s1  }
0x204: {  	s23 =	smul.f32 s5, s5;
	s17 =	spop (v2sf)  }
0x205: {  	s17 =	smul.f32 $7.812500000e-03, s17;
	s20 =	spop (v2sf)  }
0x206: {  	s20 =	smul.f32 $7.812500000e-03, s20  }
0x207: {  	s8 =	ssub.f32 s17, s8  }
0x208: {  	s16 =	ssub.f32 s20, s23  }
0x209: {  	s8 =	sadd.f32 $9.999999960e-13, s8  }
0x20a: {  	s16 =	sadd.f32 $9.999999960e-13, s16  }
0x20b: {  	s25 =	sshra.s32 s8, $0x1;
	s8 =	smul.f32 $5.000000000e-01, s8  }
0x20c: {  	s17 =	ssub.s32 $0x5F3759DF, s25;
	s26 =	sshra.s32 s16, $0x1;
	s16 =	smul.f32 $5.000000000e-01, s16  }
0x20d: {  	s23 =	smul.f32 s17, s8;
	s20 =	ssub.s32 $0x5F3759DF, s26  }
0x20e: {  	v40 =	vmul.f32 s2, v45;
	s25 =	smul.f32 s20, s16  }
0x20f: {  	s23 =	smul.f32 s17, s23  }
0x210: {  	v40 =	vmul.f32 v40, v43;
	s25 =	smul.f32 s20, s25  }
0x211: {  	s23 =	ssub.f32 $1.500000000e+00, s23  }
0x212: {  	v40 =	vadd.f32 v40, v44;
	s25 =	ssub.f32 $1.500000000e+00, s25  }
0x213: {  	s17 =	smul.f32 s17, s23  }
0x214: {  	[tilespmem:s22+$0x50] =	vst v40;
	s20 =	smul.f32 s20, s25  }
0x215: {  	v40 =	vld [tilespmem:$0x1F820];
	s8 =	smul.f32 s17, s8  }
0x216: {  	v5 =	vsub.f32 v5, v17;
	s16 =	smul.f32 s20, s16  }
0x217: {  	v42 =	vld [tilespmem:$0x1F8A0];
	s8 =	smul.f32 s8, s17  }
0x218: {  	v5 =	vmul.f32 s2, v5;
	s16 =	smul.f32 s16, s20  }
0x219: {  	s8 =	ssub.f32 $1.500000000e+00, s8  }
0x21a: {  	v40 =	vmul.f32 v5, v40;
	v5 =	vmov s1;
	s28 =	ssub.f32 $1.500000000e+00, s16  }
0x21b: {  	v63 =	vsub.f32 v27, v5;
	v27 =	vmov s5;
	s29 =	smul.f32 s8, s17  }
0x21c: {  	v40 =	vadd.f32 v40, v42;
	v19 =	vsub.f32 v19, v27;
	s1 =	smul.f32 s28, s20  }
0x21d: {  	v45 =	vmul.f32 s29, v63  }
0x21e: {  	[tilespmem:s22+$0x60] =	vst v40;
	v19 =	vmul.f32 s1, v19  }
0x21f: {  	v46 =	vld [tilespmem:$0x1F830];
	v40 =	vmul.f32 v45, v37  }
0x220: {  	v4 =	vsub.f32 v4, v17;
	v19 =	vmul.f32 v19, v37  }
0x221: {  	v47 =	vld [tilespmem:$0x1F8B0];
	v48 =	vadd.f32 v40, v38  }
0x222: {  	v4 =	vmul.f32 s2, v4;
	v19 =	vadd.f32 v19, v38  }
0x223: {  	[tilespmem:s22+$0xFFFFFF40] =	vst v48  }
0x224: {  	v4 =	vmul.f32 v4, v46;
	v49 =	vld [tilespmem:$0x1F810];
	[tilespmem:s22+$0xFFFFFFC0] =	vst v19  }
0x225: {  	v15 =	vsub.f32 v15, v5;
	v50 =	vld [tilespmem:$0x1F810]  }
0x226: {  	v18 =	vsub.f32 v18, v27;
	v4 =	vadd.f32 v4, v47;
	v51 =	vld [tilespmem:$0x1F890]  }
0x227: {  	v52 =	vmul.f32 s29, v15;
	v53 =	vld [tilespmem:$0x1F890]  }
0x228: {  	[tilespmem:s22+$0x70] =	vst v4;
	v18 =	vmul.f32 s1, v18  }
0x229: {  	v54 =	vld [tilespmem:$0x1F840];
	v4 =	vmul.f32 v52, v49  }
0x22a: {  	v3 =	vsub.f32 v3, v17;
	v18 =	vmul.f32 v18, v50  }
0x22b: {  	v55 =	vld [tilespmem:$0x1F8C0];
	v4 =	vadd.f32 v4, v51  }
0x22c: {  	v3 =	vmul.f32 s2, v3;
	v15 =	vadd.f32 v18, v53  }
0x22d: {  	[tilespmem:s22+$0xFFFFFF50] =	vst v4  }
0x22e: {  	v3 =	vmul.f32 v3, v54;
	v4 =	vld [tilespmem:$0x1F820];
	[tilespmem:s22+$0xFFFFFFD0] =	vst v15  }
0x22f: {  	v56 =	vsub.f32 v20, v5;
	v57 =	vld [tilespmem:$0x1F820]  }
0x230: {  	v58 =	vsub.f32 v21, v27;
	v3 =	vadd.f32 v3, v55;
	v59 =	vld [tilespmem:$0x1F8A0]  }
0x231: {  	v60 =	vmul.f32 s29, v56;
	v61 =	vld [tilespmem:$0x1F8A0]  }
0x232: {  	[tilespmem:s22+$0x80] =	vst v3;
	v19 =	vmul.f32 s1, v58  }
0x233: {  	v62 =	vld [tilespmem:$0x1F850];
	v3 =	vmul.f32 v60, v4  }
0x234: {  	v2 =	vsub.f32 v2, v17;
	v18 =	vmul.f32 v19, v57  }
0x235: {  	v63 =	vld [tilespmem:$0x1F8D0];
	v3 =	vadd.f32 v3, v59  }
0x236: {  	v2 =	vmul.f32 s2, v2;
	v15 =	vadd.f32 v18, v61  }
0x237: {  	[tilespmem:s22+$0xFFFFFF60] =	vst v3  }
0x238: {  	v2 =	vmul.f32 v2, v62;
	v3 =	vld [tilespmem:$0x1F830];
	[tilespmem:s22+$0xFFFFFFE0] =	vst v15  }
0x239: {  	v23 =	vsub.f32 v23, v5;
	v37 =	vld [tilespmem:$0x1F830]  }
0x23a: {  	v38 =	vsub.f32 v26, v27;
	v2 =	vadd.f32 v2, v63;
	v40 =	vld [tilespmem:$0x1F8B0]  }
0x23b: {  	v15 =	vmul.f32 s29, v23;
	v42 =	vld [tilespmem:$0x1F8B0]  }
0x23c: {  	v45 =	vld [tilespmem:$0x1F840];
	[tilespmem:s22+$0x90] =	vst v2;
	v18 =	vmul.f32 s1, v38  }
0x23d: {  	v43 =	vld [tilespmem:$0x1F860];
	v3 =	vmul.f32 v15, v3  }
0x23e: {  	v1 =	vsub.f32 v1, v17;
	v47 =	vld [tilespmem:$0x1F8C0];
	v4 =	vmul.f32 v18, v37  }
0x23f: {  	[tilespmem:s15+$0xFFFFFFF0] =	vst v41;
	v44 =	vld [tilespmem:$0x1F8E0];
	v3 =	vadd.f32 v3, v40  }
0x240: {  	v1 =	vmul.f32 s2, v1;
	v46 =	vld [tilespmem:$0x1F840];
	v2 =	vadd.f32 v4, v42  }
0x241: {  	v48 =	vld [tilespmem:$0x1F8C0];
	v14 =	vmul.f32 v14, v45;
	[tilespmem:s22+$0xFFFFFF70] =	vst v3  }
0x242: {  	v1 =	vmul.f32 v1, v43;
	v49 =	vld [tilespmem:$0x1F840];
	[tilespmem:s22+$0xFFFFFFF0] =	vst v2  }
0x243: {  	v54 =	vadd.f32 v14, v47;
	v50 =	vsub.f32 v29, v5;
	v51 =	vld [tilespmem:$0x1F840]  }
0x244: {  	v52 =	vsub.f32 v28, v27;
	v1 =	vadd.f32 v1, v44;
	v53 =	vld [tilespmem:$0x1F8C0]  }
0x245: {  	v16 =	vmul.f32 v16, v46;
	[tilespmem:s15+$0xFFFFFF80] =	vst v54;
	v3 =	vmul.f32 s29, v50;
	v55 =	vld [tilespmem:$0x1F8C0]  }
0x246: {  	v56 =	vmul.f32 s1, v52;
	v59 =	vld [tilespmem:$0x1F850];
	[tilespmem:s22+$0xA0] =	vst v1  }
0x247: {  	v57 =	vld [tilespmem:$0x1F870];
	v4 =	vadd.f32 v16, v48;
	v58 =	vmul.f32 v3, v49  }
0x248: {  	v61 =	vld [tilespmem:$0x1F8D0];
	v60 =	vmul.f32 v56, v51  }
0x249: {  	v16 =	vld [tilespmem:$0x1F8F0];
	[tilespmem:s15+$0x0] =	vst v4;
	v1 =	vadd.f32 v58, v53  }
0x24a: {  	v4 =	vld [tilespmem:$0x1F850];
	v3 =	vadd.f32 v60, v55  }
0x24b: {  	v62 =	vld [tilespmem:$0x1F8D0];
	[tilespmem:s22+$0xFFFFFF80] =	vst v1  }
0x24c: {  	v2 =	vmul.f32 v12, v59;
	v21 =	vld [tilespmem:$0x1F850];
	[tilespmem:s22+$0x0] =	vst v3  }
0x24d: {  	v24 =	vsub.f32 v24, v5;
	v23 =	vadd.f32 v34, v39;
	v26 =	vld [tilespmem:$0x1F850]  }
0x24e: {  	v28 =	vsub.f32 v30, v27;
	v63 =	vmul.f32 v8, v35;
	v2 =	vadd.f32 v2, v61;
	v29 =	vld [tilespmem:$0x1F8D0]  }
0x24f: {  	v30 =	vmul.f32 s29, v24;
	[tilespmem:s13+$0xFFFFFFA0] =	vst v23;
	v4 =	vmul.f32 v13, v4;
	v34 =	vld [tilespmem:$0x1F8D0]  }
0x250: {  	v35 =	vmul.f32 s1, v28;
	v48 =	vld [tilespmem:$0x1F8F0];
	[tilespmem:s15+$0xFFFFFF90] =	vst v2;
	v1 =	vadd.f32 v63, v36  }
0x251: {  	v39 =	vld [tilespmem:$0x1F860];
	v4 =	vadd.f32 v4, v62;
	v38 =	vmul.f32 v30, v21  }
0x252: {  	v40 =	vld [tilespmem:$0x1F8E0];
	[tilespmem:s13+$0x20] =	vst v1;
	v1 =	vmul.f32 v35, v26  }
0x253: {  	v36 =	vld [tilespmem:$0x1F870];
	[tilespmem:s15+$0x10] =	vst v4;
	v2 =	vadd.f32 v38, v29  }
0x254: {  	v4 =	vld [tilespmem:$0x1F860];
	v1 =	vadd.f32 v1, v34  }
0x255: {  	v41 =	vld [tilespmem:$0x1F8E0];
	[tilespmem:s22+$0xFFFFFF90] =	vst v2  }
0x256: {  	v42 =	vld [tilespmem:$0x1F860];
	[tilespmem:s22+$0x10] =	vst v1  }
0x257: {  	v43 =	vsub.f32 v25, v5;
	v3 =	vmul.f32 v11, v39;
	v44 =	vld [tilespmem:$0x1F860]  }
0x258: {  	v45 =	vsub.f32 v32, v27;
	v46 =	vld [tilespmem:$0x1F8E0]  }
0x259: {  	v3 =	vadd.f32 v3, v40;
	v4 =	vmul.f32 v33, v4;
	v2 =	vmul.f32 s29, v43;
	v47 =	vld [tilespmem:$0x1F8E0]  }
0x25a: {  	v13 =	vmul.f32 s1, v45;
	v37 =	vld [tilespmem:$0x1F870]  }
0x25b: {  	v49 =	vld [tilespmem:$0x1F8F0];
	[tilespmem:s15+$0xFFFFFFA0] =	vst v3;
	v4 =	vadd.f32 v4, v41;
	v1 =	vmul.f32 v2, v42  }
0x25c: {  	v0 =	vsub.f32 v0, v17;
	v50 =	vld [tilespmem:$0x1F870];
	v51 =	vmul.f32 v13, v44  }
0x25d: {  	v52 =	vld [tilespmem:$0x1F8F0];
	[tilespmem:s15+$0x20] =	vst v4;
	v1 =	vadd.f32 v1, v46  }
0x25e: {  	v0 =	vmul.f32 s2, v0;
	v4 =	vld [tilespmem:$0x1F870];
	v3 =	vadd.f32 v51, v47  }
0x25f: {  	v53 =	vld [tilespmem:$0x1F8F0];
	[tilespmem:s22+$0xFFFFFFA0] =	vst v1  }
0x260: {  	v0 =	vmul.f32 v0, v57;
	v1 =	vld [tilespmem:$0x1F870];
	[tilespmem:s22+$0x20] =	vst v3  }
0x261: {  	v54 =	vsub.f32 v22, v5;
	v55 =	vmul.f32 v6, v36;
	v56 =	vld [tilespmem:$0x1F870]  }
0x262: {  	v57 =	vsub.f32 v31, v27;
	v0 =	vadd.f32 v0, v16;
	v7 =	vmul.f32 v7, v37;
	v58 =	vld [tilespmem:$0x1F8F0]  }
0x263: {  	v5 =	vadd.f32 v55, v48;
	v2 =	vmul.f32 v9, v50;
	v3 =	vmul.f32 s29, v54;
	v59 =	vld [tilespmem:$0x1F8F0]  }
0x264: {  	[tilespmem:s22+$0xB0] =	vst v0;
	v60 =	vadd.f32 v7, v49;
	v13 =	vmul.f32 s1, v57;
	v4 =	vmul.f32 v10, v4  }
0x265: {  	[tilespmem:s13+$0xFFFFFFB0] =	vst v5;
	v2 =	vadd.f32 v2, v52;
	v1 =	vmul.f32 v3, v1  }
0x266: {  	[tilespmem:s13+$0x30] =	vst v60;
	v61 =	vadd.f32 v4, v53;
	v62 =	vmul.f32 v13, v56  }
0x267: {  	[tilespmem:s15+$0xFFFFFFB0] =	vst v2;
	v1 =	vadd.f32 v1, v58  }
0x268: {  	[tilespmem:s15+$0x30] =	vst v61;
	v63 =	vadd.f32 v62, v59  }
0x269: {  	[tilespmem:s22+$0xFFFFFFB0] =	vst v1  }
0x26a: {  	s1 =	simm.s32 $0x0;
	[tilespmem:s22+$0x30] =	vst v63  }
.LBB2_7:
0x26b: {  	s2 =	sshra.s32 s1, $0x2  }
0x26c: {  	v0 =	vld [tilespmem:s2+$0x6700]  }
0x26d: {  	v1 =	vld [tilespmem:s2+$0x1F700]  }
0x26e: {  	v2 =	vld [tilespmem:s2+$0x6710]  }
0x26f: {  	v3 =	vld [tilespmem:s2+$0x1F710]  }
0x270: {  	v4 =	vld [tilespmem:s2+$0x6720]  }
0x271: {  	v5 =	vld [tilespmem:s2+$0x1F720]  }
0x272: {  	v6 =	vld [tilespmem:s2+$0x6730]  }
0x273: {  	v7 =	vld [tilespmem:s2+$0x1F730]  }
0x274: {  	v34 =	vld [tilespmem:s2+$0x6740];
	v0 =	vadd.f32 v1, v0;
	v33 =	vadd.f32 v3, v2  }
0x275: {  	v35 =	vld [tilespmem:s2+$0x1F740]  }
0x276: {  	v36 =	vld [tilespmem:s2+$0x6750];
	v4 =	vadd.f32 v5, v4;
	v8 =	vmul.f32 v0, v0;
	v9 =	vmul.f32 v33, v33  }
0x277: {  	v10 =	vld [tilespmem:s2+$0x1F750];
	v11 =	vadd.f32 v33, v0  }
0x278: {  	v37 =	vld [tilespmem:s2+$0x6760];
	v6 =	vadd.f32 v7, v6;
	v38 =	vmul.f32 v4, v4;
	v8 =	vadd.f32 v9, v8  }
0x279: {  	v12 =	vld [tilespmem:s2+$0x1F760];
	v11 =	vadd.f32 v4, v11  }
0x27a: {  	v39 =	vld [tilespmem:s2+$0x6770];
	v2 =	vadd.f32 v35, v34;
	v40 =	vmul.f32 v6, v6;
	v8 =	vadd.f32 v38, v8  }
0x27b: {  	v13 =	vld [tilespmem:s2+$0x1F770];
	v11 =	vadd.f32 v6, v11  }
0x27c: {  	v5 =	vadd.f32 v10, v36;
	v41 =	vmul.f32 v2, v2;
	v8 =	vadd.f32 v40, v8  }
0x27d: {  	v42 =	vadd.f32 v2, v11  }
0x27e: {  	v7 =	vadd.f32 v12, v37;
	v43 =	vmul.f32 v5, v5;
	v8 =	vadd.f32 v41, v8  }
0x27f: {  	v10 =	vadd.f32 v5, v42  }
0x280: {  	v3 =	vadd.f32 v13, v39;
	v44 =	vmul.f32 v7, v7;
	v8 =	vadd.f32 v43, v8  }
0x281: {  	v10 =	vadd.f32 v7, v10  }
0x282: {  	v45 =	vmul.f32 v3, v3;
	v8 =	vadd.f32 v44, v8  }
0x283: {  	v10 =	vadd.f32 v3, v10  }
0x284: {  	v8 =	vadd.f32 v45, v8  }
0x285: {  	(xrf2) =	vadd.scan.msk.f32 $0xffff, v10  }
0x286: {  	(xrf2) =	vadd.scan.msk.f32 $0xffff, v8;
	_ =	sdelay $0x8  }
0x287: {  	v46, _, _ =	vpop (xrf2)  }
0x288: {  	(v2sf) =	vpush v46, $0xF;
	v47, _, _ =	vpop (xrf2)  }
0x289: {  	(v2sf) =	vpush v47, $0xF;
	_ =	sdelay $0xd  }
0x28a: {  	s5 =	spop (v2sf)  }
0x28b: {  	s5 =	smul.f32 $7.812500000e-03, s5;
	s8 =	spop (v2sf)  }
0x28c: {  	s8 =	smul.f32 $7.812500000e-03, s8  }
0x28d: {  	s13 =	smul.f32 s5, s5;
	_ =	sdelay $0x1  }
0x28e: {  	s8 =	ssub.f32 s8, s13;
	_ =	sdelay $0x1  }
0x28f: {  	s8 =	sadd.f32 $9.999999960e-13, s8;
	_ =	sdelay $0x1  }
0x290: {  	s28 =	sshra.s32 s8, $0x1;
	s8 =	smul.f32 $5.000000000e-01, s8  }
0x291: {  	s13 =	ssub.s32 $0x5F3759DF, s28  }
0x292: {  	s15 =	smul.f32 s13, s8;
	_ =	sdelay $0x1  }
0x293: {  	s15 =	smul.f32 s13, s15;
	_ =	sdelay $0x1  }
0x294: {  	s15 =	ssub.f32 $1.500000000e+00, s15;
	_ =	sdelay $0x1  }
0x295: {  	s13 =	smul.f32 s13, s15;
	_ =	sdelay $0x1  }
0x296: {  	s8 =	smul.f32 s13, s8;
	_ =	sdelay $0x1  }
0x297: {  	s8 =	smul.f32 s8, s13;
	_ =	sdelay $0x1  }
0x298: {  	s8 =	ssub.f32 $1.500000000e+00, s8  }
0x299: {  	v49 =	vld [tilespmem:$0x1F800];
	v48 =	vmov s5  }
0x29a: {  	v0 =	vsub.f32 v0, v48;
	s29 =	smul.f32 s8, s13  }
0x29b: {  	v50 =	vld [tilespmem:$0x1F880]  }
0x29c: {  	v0 =	vmul.f32 s29, v0;
	_ =	sdelay $0x1  }
0x29d: {  	v0 =	vmul.f32 v0, v49;
	_ =	sdelay $0x1  }
0x29e: {  	v0 =	vadd.f32 v0, v50;
	_ =	sdelay $0x1  }
0x29f: {  	[tilespmem:s2+$0x6700] =	vst v0  }
0x2a0: {  	v0 =	vld [tilespmem:$0x1F810]  }
0x2a1: {  	v1 =	vsub.f32 v33, v48  }
0x2a2: {  	v51 =	vld [tilespmem:$0x1F890]  }
0x2a3: {  	v1 =	vmul.f32 s29, v1;
	_ =	sdelay $0x1  }
0x2a4: {  	v0 =	vmul.f32 v1, v0;
	_ =	sdelay $0x1  }
0x2a5: {  	v0 =	vadd.f32 v0, v51;
	_ =	sdelay $0x1  }
0x2a6: {  	[tilespmem:s2+$0x6710] =	vst v0  }
0x2a7: {  	v0 =	vld [tilespmem:$0x1F820]  }
0x2a8: {  	v52 =	vsub.f32 v4, v48  }
0x2a9: {  	v53 =	vld [tilespmem:$0x1F8A0]  }
0x2aa: {  	v1 =	vmul.f32 s29, v52;
	_ =	sdelay $0x1  }
0x2ab: {  	v0 =	vmul.f32 v1, v0;
	_ =	sdelay $0x1  }
0x2ac: {  	v0 =	vadd.f32 v0, v53;
	_ =	sdelay $0x1  }
0x2ad: {  	[tilespmem:s2+$0x6720] =	vst v0  }
0x2ae: {  	v0 =	vld [tilespmem:$0x1F830]  }
0x2af: {  	v54 =	vsub.f32 v6, v48  }
0x2b0: {  	v55 =	vld [tilespmem:$0x1F8B0]  }
0x2b1: {  	v1 =	vmul.f32 s29, v54;
	_ =	sdelay $0x1  }
0x2b2: {  	v0 =	vmul.f32 v1, v0;
	_ =	sdelay $0x1  }
0x2b3: {  	v0 =	vadd.f32 v0, v55;
	_ =	sdelay $0x1  }
0x2b4: {  	[tilespmem:s2+$0x6730] =	vst v0  }
0x2b5: {  	v0 =	vld [tilespmem:$0x1F840]  }
0x2b6: {  	v56 =	vsub.f32 v2, v48  }
0x2b7: {  	v57 =	vld [tilespmem:$0x1F8C0]  }
0x2b8: {  	v1 =	vmul.f32 s29, v56;
	_ =	sdelay $0x1  }
0x2b9: {  	v0 =	vmul.f32 v1, v0;
	_ =	sdelay $0x1  }
0x2ba: {  	v0 =	vadd.f32 v0, v57;
	_ =	sdelay $0x1  }
0x2bb: {  	[tilespmem:s2+$0x6740] =	vst v0  }
0x2bc: {  	v0 =	vld [tilespmem:$0x1F850]  }
0x2bd: {  	v58 =	vsub.f32 v5, v48  }
0x2be: {  	v59 =	vld [tilespmem:$0x1F8D0]  }
0x2bf: {  	v1 =	vmul.f32 s29, v58;
	_ =	sdelay $0x1  }
0x2c0: {  	v0 =	vmul.f32 v1, v0;
	_ =	sdelay $0x1  }
0x2c1: {  	v0 =	vadd.f32 v0, v59;
	_ =	sdelay $0x1  }
0x2c2: {  	[tilespmem:s2+$0x6750] =	vst v0  }
0x2c3: {  	v0 =	vld [tilespmem:$0x1F860]  }
0x2c4: {  	v60 =	vsub.f32 v7, v48  }
0x2c5: {  	v61 =	vld [tilespmem:$0x1F8E0]  }
0x2c6: {  	v1 =	vmul.f32 s29, v60;
	_ =	sdelay $0x1  }
0x2c7: {  	v0 =	vmul.f32 v1, v0;
	_ =	sdelay $0x1  }
0x2c8: {  	v0 =	vadd.f32 v0, v61;
	_ =	sdelay $0x1  }
0x2c9: {  	[tilespmem:s2+$0x6760] =	vst v0  }
0x2ca: {  	v0 =	vld [tilespmem:$0x1F870]  }
0x2cb: {  	v62 =	vsub.f32 v3, v48  }
0x2cc: {  	v63 =	vld [tilespmem:$0x1F8F0]  }
0x2cd: {  	v1 =	vmul.f32 s29, v62  }
0x2ce: {  	p1 =	sne.s32 s1, $0x200  }
.Ltmp2:
0x2cf: {  	v0 =	vmul.f32 v1, v0;
	(pc) =	sbr.rel @p1 .LBB2_7-.Ltmp2, $3  }
0x2d0: {  	_ = 	snop  }
0x2d1: {  	v0 =	vadd.f32 v0, v63;
	_ =	sdelay $0x1  }
0x2d2: {  	s1 =	sadd.s32 $0x200, s1;
	[tilespmem:s2+$0x6770] =	vst v0  }
0x2d3: {  	s1 =	smul.u32 $0xC80, s11;
	_ =	sdelay $0x1  }
0x2d4: {  	s2 =	simm.s32 $0x400;
	s1 =	sadd.s32 s7, s1  }
0x2d5: {  	[hbm4b:s1+s9] =	stream.linear.scatter [tilespmem:s2], [sflag:$0x5], $0x6400, $0x38;
	[tilespmem:$0x1F980] =	vst v63  }
0x2d6: {  	s1 =	simm.s32 @!p0 $0x7  }
0x2d7: {  	_ =	swait.ge @!p0 [sflag:s1], $0x6400  }
0x2d8: {  	[sflag:s1] =	ssyncset.done @!p0 $0x0  }
0x2d9: {  	[sflag:s1] =	ssyncadd.s32 @!p0 $0xFFFF9C00  }
0x2da: {  	_ =	swait.ge [sflag:s31], $0x100  }
0x2db: {  	s23 =	simm.s32 $0x200;
	[sflag:s31] =	ssyncset.done $0x0  }
0x2dc: {  	s25 =	simm.s32 $0xCC00;
	s13 =	sor.u32 $0x1, s11;
	[sflag:s31] =	ssyncadd.s32 $0xFFFFFF00  }
0x2dd: {  	[tilespmem:s25], [sflag:$0x3] =	stream.indirect.gather [hbm4b:s0+s19], $0x80, s23, s19, $0xb8;
	[tilespmem:$0x1F980] =	vst v63  }
0x2de: {  	s26 =	simm.s32 $0x280;
	s29 =	simm.s32 $0xFE00;
	s2 =	sshll.u32 s13, $0x5  }
0x2df: {  	[tilespmem:s29], [sflag:$0x3] =	stream.indirect.gather [hbm4b:s0+s19], $0x80, s26, s19, $0xb8;
	[tilespmem:$0x1F980] =	vst v63  }
0x2e0: {  	s22 =	simm.s32 $0x0;
	s3 =	simm.s32 $0x300;
	s1 =	sadd.s32 s2, s12  }
0x2e1: {  	[tilespmem:s3], [sflag:$0xC] =	stream.linear.gather [hbm4b:s1+s22], $0x100, $0x38;
	[tilespmem:$0x1F980] =	vst v63  }
0x2e2: {  	_ =	swait.ge [sflag:s4], $0x6400  }
0x2e3: {  	[sflag:s4] =	ssyncset.done $0x0  }
0x2e4: {  	s15 =	simm.s32 $0x0;
	[sflag:s4] =	ssyncadd.s32 $0xFFFF9C00  }
0x2e5: {  	v0 =	vld [tilespmem:s15+$0x6900]  }
0x2e6: {  	v1 =	vld [tilespmem:s15+$0x19500]  }
0x2e7: {  	v3 =	vld [tilespmem:s15+$0x6910]  }
0x2e8: {  	v4 =	vld [tilespmem:s15+$0x19510]  }
0x2e9: {  	v5 =	vld [tilespmem:s15+$0x6920]  }
0x2ea: {  	v6 =	vld [tilespmem:s15+$0x19520]  }
0x2eb: {  	v8 =	vld [tilespmem:s15+$0x6930]  }
0x2ec: {  	v9 =	vld [tilespmem:s15+$0x19530]  }
0x2ed: {  	v2 =	vadd.f32 v1, v0;
	v1 =	vadd.f32 v4, v3;
	v0 =	vld [tilespmem:s15+$0x6940]  }
0x2ee: {  	v3 =	vld [tilespmem:s15+$0x19540]  }
0x2ef: {  	v11 =	vld [tilespmem:s15+$0x19550];
	v7 =	vadd.f32 v6, v5;
	v5 =	vmul.f32 v2, v2;
	v6 =	vmul.f32 v1, v1  }
0x2f0: {  	v4 =	vld [tilespmem:s15+$0x6950];
	v10 =	vadd.f32 v1, v2  }
0x2f1: {  	v12 =	vld [tilespmem:s15+$0x19560];
	v26 =	vadd.f32 v9, v8;
	v9 =	vmul.f32 v7, v7;
	v6 =	vadd.f32 v6, v5  }
0x2f2: {  	v8 =	vld [tilespmem:s15+$0x6960];
	v10 =	vadd.f32 v7, v10  }
0x2f3: {  	v13 =	vld [tilespmem:s15+$0x6970];
	v5 =	vadd.f32 v3, v0;
	v3 =	vmul.f32 v26, v26;
	v0 =	vadd.f32 v9, v6  }
0x2f4: {  	v6 =	vadd.f32 v26, v10;
	v9 =	vld [tilespmem:s15+$0x19570]  }
0x2f5: {  	v4 =	vadd.f32 v11, v4;
	v10 =	vmul.f32 v5, v5;
	v3 =	vadd.f32 v3, v0  }
0x2f6: {  	v6 =	vadd.f32 v5, v6  }
0x2f7: {  	v0 =	vadd.f32 v12, v8;
	v8 =	vmul.f32 v4, v4;
	v3 =	vadd.f32 v10, v3  }
0x2f8: {  	v10 =	vadd.f32 v4, v6  }
0x2f9: {  	v6 =	vadd.f32 v9, v13;
	v3 =	vadd.f32 v8, v3;
	v8 =	vmul.f32 v0, v0  }
0x2fa: {  	v9 =	vadd.f32 v0, v10  }
0x2fb: {  	v3 =	vadd.f32 v8, v3;
	v8 =	vmul.f32 v6, v6  }
0x2fc: {  	v9 =	vadd.f32 v6, v9  }
0x2fd: {  	v3 =	vadd.f32 v8, v3  }
0x2fe: {  	(xrf2) =	vadd.scan.msk.f32 $0xffff, v9  }
0x2ff: {  	(xrf2) =	vadd.scan.msk.f32 $0xffff, v3;
	_ =	sdelay $0x8  }
0x300: {  	v3, _, _ =	vpop (xrf2)  }
0x301: {  	(v2sf) =	vpush v3, $0xF;
	v3, _, _ =	vpop (xrf2)  }
0x302: {  	(v2sf) =	vpush v3, $0xF;
	_ =	sdelay $0x5  }
0x303: {  	v14 =	vld [tilespmem:s15+$0x19490]  }
0x304: {  	v15 =	vld [tilespmem:s15+$0x6820]  }
0x305: {  	v16 =	vld [tilespmem:s15+$0x19420]  }
0x306: {  	v17 =	vld [tilespmem:s15+$0x68A0]  }
0x307: {  	v18 =	vld [tilespmem:s15+$0x194A0]  }
0x308: {  	v19 =	vld [tilespmem:s15+$0x6830]  }
0x309: {  	v20 =	vld [tilespmem:s15+$0x19430]  }
0x30a: {  	v11 =	vld [tilespmem:s15+$0x6880]  }
0x30b: {  	v12 =	vld [tilespmem:s15+$0x19480];
	s5 =	spop (v2sf)  }
0x30c: {  	v13 =	vld [tilespmem:s15+$0x6890];
	s1 =	smul.f32 $7.812500000e-03, s5;
	s8 =	spop (v2sf)  }
0x30d: {  	v10 =	vld [tilespmem:s15+$0x19410];
	s2 =	smul.f32 $7.812500000e-03, s8  }
0x30e: {  	v8 =	vld [tilespmem:s15+$0x19400];
	s5 =	smul.f32 s1, s1  }
0x30f: {  	v9 =	vld [tilespmem:s15+$0x6810]  }
0x310: {  	v3 =	vld [tilespmem:s15+$0x6800];
	s2 =	ssub.f32 s2, s5  }
0x311: {  	v21 =	vld [tilespmem:s15+$0x68B0]  }
0x312: {  	v28 =	vld [tilespmem:s15+$0x194B0];
	s2 =	sadd.f32 $9.999999960e-13, s2  }
0x313: {  	v31 =	vld [tilespmem:s15+$0x6860];
	v29 =	vadd.f32 v16, v15  }
0x314: {  	v32 =	vld [tilespmem:s15+$0x19460];
	v23 =	vadd.f32 v12, v11;
	v22 =	vadd.f32 v14, v13;
	s16 =	sshra.s32 s2, $0x1;
	s2 =	smul.f32 $5.000000000e-01, s2  }
0x315: {  	v33 =	vld [tilespmem:s15+$0x6870];
	v25 =	vadd.f32 v10, v9;
	v27 =	vadd.f32 v8, v3;
	s5 =	ssub.s32 $0x5F3759DF, s16  }
0x316: {  	v24 =	vadd.f32 v18, v17;
	v12 =	vld [tilespmem:s15+$0x68C0];
	v13 =	vmul.f32 v23, v23;
	v15 =	vmul.f32 v22, v22;
	s8 =	smul.f32 s5, s2  }
0x317: {  	v17 =	vadd.f32 v22, v23;
	v10 =	vld [tilespmem:s15+$0x19440];
	v9 =	vmul.f32 v25, v25;
	v8 =	vmul.f32 v27, v27  }
0x318: {  	v13 =	vadd.f32 v15, v13;
	v3 =	vld [tilespmem:s15+$0x6840];
	v11 =	vadd.f32 v25, v27;
	s8 =	smul.f32 s5, s8  }
0x319: {  	v18 =	vmul.f32 v29, v29;
	v14 =	vld [tilespmem:s15+$0x194C0];
	v8 =	vadd.f32 v9, v8;
	v9 =	vadd.f32 v20, v19  }
0x31a: {  	v16 =	vld [tilespmem:s15+$0x6850];
	v15 =	vmul.f32 v24, v24;
	v17 =	vadd.f32 v24, v17;
	v11 =	vadd.f32 v29, v11;
	s8 =	ssub.f32 $1.500000000e+00, s8  }
0x31b: {  	v19 =	vld [tilespmem:s15+$0x19450];
	v18 =	vadd.f32 v18, v8;
	v30 =	vmul.f32 v9, v9;
	v8 =	vadd.f32 v28, v21  }
0x31c: {  	v13 =	vadd.f32 v15, v13;
	v20 =	vld [tilespmem:s15+$0x68D0];
	v28 =	vadd.f32 v9, v11;
	s5 =	smul.f32 s5, s8  }
0x31d: {  	v21 =	vld [tilespmem:s15+$0x194D0];
	v11 =	vadd.f32 v10, v3;
	v15 =	vadd.f32 v30, v18;
	v18 =	vmul.f32 v8, v8  }
0x31e: {  	v35 =	vld [tilespmem:s15+$0x19470];
	v10 =	vadd.f32 v14, v12;
	v12 =	vadd.f32 v8, v17;
	s2 =	smul.f32 s5, s2  }
0x31f: {  	v3 =	vld [tilespmem:s15+$0x68E0];
	v17 =	vmul.f32 v11, v11;
	v13 =	vadd.f32 v18, v13;
	v18 =	vadd.f32 v11, v28  }
0x320: {  	v14 =	vld [tilespmem:s15+$0x194E0];
	v34 =	vadd.f32 v10, v12;
	v12 =	vadd.f32 v19, v16;
	s2 =	smul.f32 s2, s5  }
0x321: {  	v30 =	vld [tilespmem:$0x1F800];
	v28 =	vmul.f32 v10, v10;
	v15 =	vadd.f32 v17, v15;
	v19 =	vmov s1  }
0x322: {  	v16 =	vadd.f32 v21, v20;
	v20 =	vld [tilespmem:s15+$0x194F0];
	v17 =	vadd.f32 v12, v18;
	v18 =	vmul.f32 v12, v12;
	s2 =	ssub.f32 $1.500000000e+00, s2  }
0x323: {  	v13 =	vadd.f32 v28, v13;
	v28 =	vld [tilespmem:s15+$0x68F0];
	v2 =	vsub.f32 v2, v19  }
0x324: {  	v21 =	vadd.f32 v18, v15;
	v18 =	vadd.f32 v32, v31;
	s1 =	smul.f32 s2, s5  }
0x325: {  	v14 =	vadd.f32 v14, v3;
	v31 =	vld [tilespmem:$0x1F880];
	v15 =	vadd.f32 v16, v34  }
0x326: {  	v3 =	vadd.f32 v18, v17;
	v17 =	vadd.f32 v35, v33;
	v2 =	vmul.f32 s1, v2  }
0x327: {  	v45 =	vmul.f32 v16, v16;
	v46 =	vadd.f32 v14, v15;
	v47 =	vmul.f32 v18, v18  }
0x328: {  	v15 =	vadd.f32 v20, v28;
	v3 =	vadd.f32 v17, v3;
	v2 =	vmul.f32 v2, v30  }
0x329: {  	v13 =	vadd.f32 v45, v13;
	v21 =	vadd.f32 v47, v21;
	v28 =	vmul.f32 v17, v17  }
0x32a: {  	v20 =	vmul.f32 v14, v14;
	v48 =	vadd.f32 v15, v46;
	(xrf2) =	vadd.scan.msk.f32 $0xffff, v3;
	v2 =	vadd.f32 v2, v31  }
0x32b: {  	s26 =	simm.s32 $0x180;
	v3 =	vadd.f32 v28, v21  }
0x32c: {  	v50 =	vld [tilespmem:s26+$0x6920];
	(xrf2) =	vadd.scan.msk.f32 $0xffff, v48;
	[tilespmem:s15+$0x6900] =	vst v2;
	v2 =	vadd.f32 v20, v13;
	v13 =	vmul.f32 v15, v15  }
0x32d: {  	v51 =	vld [tilespmem:s26+$0x19520]  }
0x32e: {  	v21 =	vld [tilespmem:s26+$0x19510];
	(xrf2) =	vadd.scan.msk.f32 $0xffff, v3;
	v2 =	vadd.f32 v13, v2  }
0x32f: {  	v3 =	vld [tilespmem:s26+$0x6900]  }
0x330: {  	v13 =	vld [tilespmem:s26+$0x19500];
	(xrf2) =	vadd.scan.msk.f32 $0xffff, v2  }
0x331: {  	v2 =	vld [tilespmem:s26+$0x6910]  }
0x332: {  	v52 =	vld [tilespmem:s26+$0x6930]  }
0x333: {  	v36 =	vld [tilespmem:s26+$0x19530]  }
0x334: {  	v54 =	vld [tilespmem:s26+$0x6950];
	v28, _, _ =	vpop (xrf2)  }
0x335: {  	(v2sf) =	vpush v28, $0xF;
	v20 =	vld [tilespmem:$0x1F810]  }
0x336: {  	v37, _, _ =	vpop (xrf2);
	v28 =	vadd.f32 v13, v3;
	v13 =	vld [tilespmem:s26+$0x6940];
	v3 =	vadd.f32 v21, v2  }
0x337: {  	v1 =	vsub.f32 v1, v19;
	(v2sf) =	vpush v37, $0xF;
	v21 =	vld [tilespmem:s26+$0x19540]  }
0x338: {  	v53, _, _ =	vpop (xrf2);
	v49 =	vld [tilespmem:$0x1F890];
	v2 =	vadd.f32 v51, v50;
	v55 =	vmul.f32 v28, v28;
	v38 =	vmul.f32 v3, v3  }
0x339: {  	v40 =	vld [tilespmem:s26+$0x19550];
	(v2sf) =	vpush v53, $0xF;
	v56 =	vmul.f32 s1, v1;
	v39 =	vadd.f32 v3, v28  }
0x33a: {  	v57 =	vld [tilespmem:s26+$0x6960];
	v1 =	vadd.f32 v36, v52;
	v58 =	vmul.f32 v2, v2;
	v34 =	vadd.f32 v38, v55;
	v41, _, _ =	vpop (xrf2)  }
0x33b: {  	v60 =	vld [tilespmem:s26+$0x19560];
	v20 =	vmul.f32 v56, v20;
	v59 =	vadd.f32 v2, v39;
	(v2sf) =	vpush v41, $0xF  }
0x33c: {  	v61 =	vld [tilespmem:s26+$0x6970];
	v62 =	vmul.f32 v1, v1;
	v21 =	vadd.f32 v21, v13;
	v13 =	vadd.f32 v58, v34  }
0x33d: {  	v32 =	vadd.f32 v20, v49;
	v63 =	vadd.f32 v1, v59;
	v41 =	vld [tilespmem:s26+$0x19570]  }
0x33e: {  	v20 =	vadd.f32 v40, v54;
	v43 =	vmul.f32 v21, v21;
	v42 =	vadd.f32 v62, v13  }
0x33f: {  	v44 =	vadd.f32 v21, v63  }
0x340: {  	[tilespmem:s15+$0x6910] =	vst v32;
	v46 =	vmul.f32 v20, v20;
	v13 =	vadd.f32 v60, v57;
	v33 =	vadd.f32 v43, v42  }
0x341: {  	v47 =	vsub.f32 v7, v19;
	v45 =	vld [tilespmem:$0x1F820];
	v32 =	vadd.f32 v20, v44  }
0x342: {  	v49 =	vmul.f32 v13, v13;
	v7 =	vadd.f32 v41, v61;
	v33 =	vadd.f32 v46, v33  }
0x343: {  	v48 =	vld [tilespmem:$0x1F8A0];
	v32 =	vadd.f32 v13, v32  }
0x344: {  	v35 =	vmul.f32 s1, v47;
	v50 =	vmul.f32 v7, v7;
	v33 =	vadd.f32 v49, v33  }
0x345: {  	s17 =	spop (v2sf);
	v32 =	vadd.f32 v7, v32  }
0x346: {  	s16 =	smul.f32 $7.812500000e-03, s17;
	s20 =	spop (v2sf);
	v35 =	vmul.f32 v35, v45;
	v33 =	vadd.f32 v50, v33  }
0x347: {  	s2 =	smul.f32 $7.812500000e-03, s20;
	(xrf2) =	vadd.scan.msk.f32 $0xffff, v32  }
0x348: {  	s17 =	spop (v2sf);
	s23 =	smul.f32 s16, s16;
	v51 =	vadd.f32 v35, v48;
	(xrf2) =	vadd.scan.msk.f32 $0xffff, v33  }
0x349: {  	s17 =	smul.f32 $7.812500000e-03, s17;
	[tilespmem:$0x1FFD0] =	vst v7  }
0x34a: {  	s25 =	smul.f32 s2, s2;
	[tilespmem:s15+$0x6920] =	vst v51;
	s20 =	spop (v2sf)  }
0x34b: {  	v52 =	vld [tilespmem:$0x1F830];
	s20 =	smul.f32 $7.812500000e-03, s20  }
0x34c: {  	v26 =	vsub.f32 v26, v19;
	s5 =	ssub.f32 s17, s23;
	v34 =	vld [tilespmem:s26+$0x6800]  }
0x34d: {  	v53 =	vld [tilespmem:$0x1F8B0];
	s8 =	ssub.f32 s20, s25  }
0x34e: {  	v26 =	vmul.f32 s1, v26;
	s5 =	sadd.f32 $9.999999960e-13, s5;
	v54 =	vld [tilespmem:s26+$0x19400]  }
0x34f: {  	v59 =	vld [tilespmem:s26+$0x6810];
	s8 =	sadd.f32 $9.999999960e-13, s8  }
0x350: {  	s29 =	sshra.s32 s5, $0x1;
	s5 =	smul.f32 $5.000000000e-01, s5;
	v60 =	vld [tilespmem:s26+$0x19410];
	v26 =	vmul.f32 v26, v52  }
0x351: {  	s17 =	ssub.s32 $0x5F3759DF, s29;
	v61 =	vld [tilespmem:s26+$0x6880];
	v62, _, _ =	vpop (xrf2);
	s3 =	sshra.s32 s8, $0x1;
	s8 =	smul.f32 $5.000000000e-01, s8  }
0x352: {  	s23 =	smul.f32 s17, s5;
	v63 =	vld [tilespmem:s26+$0x19480];
	v26 =	vadd.f32 v26, v53;
	(v2sf) =	vpush v62, $0xF;
	v55, _, _ =	vpop (xrf2);
	s20 =	ssub.s32 $0x5F3759DF, s3  }
0x353: {  	v56 =	vld [tilespmem:s26+$0x6890];
	(v2sf) =	vpush v55, $0xF;
	s25 =	smul.f32 s20, s8  }
0x354: {  	s23 =	smul.f32 s17, s23;
	v57 =	vld [tilespmem:s26+$0x19490];
	[tilespmem:s15+$0x6930] =	vst v26  }
0x355: {  	v26 =	vld [tilespmem:$0x1F840];
	s25 =	smul.f32 s20, s25  }
0x356: {  	v5 =	vsub.f32 v5, v19;
	s23 =	ssub.f32 $1.500000000e+00, s23;
	v41 =	vld [tilespmem:s26+$0x6820]  }
0x357: {  	v58 =	vld [tilespmem:$0x1F8C0];
	s25 =	ssub.f32 $1.500000000e+00, s25  }
0x358: {  	v5 =	vmul.f32 s1, v5;
	s17 =	smul.f32 s17, s23;
	v42 =	vld [tilespmem:s26+$0x19420]  }
0x359: {  	v43 =	vld [tilespmem:s26+$0x68A0];
	s20 =	smul.f32 s20, s25  }
0x35a: {  	v44 =	vld [tilespmem:s26+$0x194A0];
	s5 =	smul.f32 s17, s5;
	v5 =	vmul.f32 v5, v26  }
0x35b: {  	v45 =	vld [tilespmem:s26+$0x6830];
	s8 =	smul.f32 s20, s8  }
0x35c: {  	v40 =	vld [tilespmem:s26+$0x19430];
	s5 =	smul.f32 s5, s17;
	v5 =	vadd.f32 v5, v58  }
0x35d: {  	v4 =	vsub.f32 v4, v19;
	v46 =	vld [tilespmem:s26+$0x68B0];
	s8 =	smul.f32 s8, s20  }
0x35e: {  	v0 =	vsub.f32 v0, v19;
	v6 =	vsub.f32 v6, v19;
	v48 =	vld [tilespmem:s26+$0x194B0];
	s5 =	ssub.f32 $1.500000000e+00, s5;
	[tilespmem:s15+$0x6940] =	vst v5  }
0x35f: {  	v37 =	vadd.f32 v42, v41;
	v32 =	vadd.f32 v44, v43;
	v26 =	vmov s16;
	v5 =	vld [tilespmem:$0x1F850];
	s8 =	ssub.f32 $1.500000000e+00, s8  }
0x360: {  	v35 =	vld [tilespmem:s26+$0x19440];
	s16 =	smul.f32 s5, s17;
	v47 =	vsub.f32 v27, v26;
	v49 =	vsub.f32 v25, v26;
	v27 =	vmov s2  }
0x361: {  	v25 =	vadd.f32 v54, v34;
	v51 =	vsub.f32 v23, v27;
	v50 =	vld [tilespmem:$0x1F8D0];
	s2 =	smul.f32 s8, s20;
	s20 =	spop (v2sf)  }
0x362: {  	v4 =	vmul.f32 s1, v4;
	v36 =	vld [tilespmem:s26+$0x68C0];
	v52 =	vsub.f32 v22, v27;
	v22 =	vadd.f32 v60, v59;
	s17 =	smul.f32 $7.812500000e-03, s20;
	s23 =	spop (v2sf)  }
0x363: {  	v39 =	vld [tilespmem:s26+$0x6850];
	v23 =	vadd.f32 v63, v61;
	v59 =	vmul.f32 v25, v25;
	v61 =	vmul.f32 s16, v47;
	s5 =	smul.f32 $7.812500000e-03, s23  }
0x364: {  	v34 =	vld [tilespmem:s26+$0x6840];
	v4 =	vmul.f32 v4, v5;
	v5 =	vsub.f32 v24, v27;
	v24 =	vadd.f32 v57, v56;
	s25 =	smul.f32 s17, s17  }
0x365: {  	v43 =	vld [tilespmem:s26+$0x194D0];
	v38 =	vadd.f32 v40, v45;
	v62 =	vmul.f32 v22, v22;
	v53 =	vmul.f32 v23, v23  }
0x366: {  	v54 =	vld [tilespmem:s26+$0x19450];
	v60 =	vmul.f32 v61, v30;
	v4 =	vadd.f32 v4, v50;
	v61 =	vmul.f32 v24, v24;
	s5 =	ssub.f32 s5, s25  }
0x367: {  	v29 =	vsub.f32 v29, v26;
	v58 =	vmul.f32 v32, v32;
	v47 =	vld [tilespmem:s26+$0x194C0];
	v55 =	vadd.f32 v62, v59  }
0x368: {  	v57 =	vld [tilespmem:s26+$0x68D0];
	v56 =	vadd.f32 v24, v23;
	[tilespmem:s15+$0x6950] =	vst v4;
	v62 =	vadd.f32 v61, v53;
	v63 =	vmul.f32 s2, v51;
	s5 =	sadd.f32 $9.999999960e-13, s5  }
0x369: {  	v33 =	vadd.f32 v22, v25;
	v35 =	vadd.f32 v35, v34;
	v41 =	vld [tilespmem:$0x1F860]  }
0x36a: {  	v56 =	vadd.f32 v32, v56;
	v40 =	vld [tilespmem:$0x1F8E0];
	v42 =	vadd.f32 v58, v62;
	v4 =	vmul.f32 v63, v30;
	s29 =	sshra.s32 s5, $0x1;
	s5 =	smul.f32 $5.000000000e-01, s5  }
0x36b: {  	v51 =	vld [tilespmem:s26+$0x6860];
	v30 =	vadd.f32 v60, v31;
	v63 =	vadd.f32 v37, v33;
	s8 =	ssub.s32 $0x5F3759DF, s29  }
0x36c: {  	v0 =	vmul.f32 s1, v0;
	v58 =	vld [tilespmem:s26+$0x6870];
	v33 =	vadd.f32 v48, v46;
	v4 =	vadd.f32 v4, v31;
	s3 =	smul.f32 s8, s5  }
0x36d: {  	v34 =	vadd.f32 v47, v36;
	v36 =	vadd.f32 v54, v39;
	v46 =	vld [tilespmem:s26+$0x19460];
	v31 =	vmul.f32 v37, v37;
	[tilespmem:s15+$0x6800] =	vst v30  }
0x36e: {  	v61 =	vmul.f32 v35, v35;
	v48 =	vmul.f32 s16, v49;
	v45 =	vadd.f32 v33, v56;
	v59 =	vld [tilespmem:$0x1F810];
	[tilespmem:s15+$0x6880] =	vst v4;
	s20 =	smul.f32 s8, s3  }
0x36f: {  	v0 =	vmul.f32 v0, v41;
	v30 =	vadd.f32 v31, v55;
	v31 =	vmul.f32 v38, v38;
	v49 =	vld [tilespmem:$0x1F810]  }
0x370: {  	v60 =	vmul.f32 s2, v52;
	v47 =	vld [tilespmem:$0x1F890];
	v4 =	vadd.f32 v38, v63;
	v45 =	vadd.f32 v34, v45;
	s20 =	ssub.f32 $1.500000000e+00, s20  }
0x371: {  	v55 =	vld [tilespmem:s26+$0x68E0];
	v0 =	vadd.f32 v0, v40;
	v30 =	vadd.f32 v31, v30;
	v31 =	vmul.f32 v33, v33  }
0x372: {  	v63 =	vmul.f32 v34, v34;
	v62 =	vld [tilespmem:$0x1F890];
	v41 =	vadd.f32 v46, v51;
	v4 =	vadd.f32 v35, v4;
	s8 =	smul.f32 s8, s20  }
0x373: {  	v31 =	vadd.f32 v31, v42;
	v44 =	vmul.f32 v48, v59;
	v30 =	vadd.f32 v61, v30;
	v59 =	vld [tilespmem:s26+$0x19470]  }
0x374: {  	v4 =	vadd.f32 v36, v4;
	v61 =	vmul.f32 v36, v36;
	v49 =	vmul.f32 v60, v49;
	v60 =	vld [tilespmem:s26+$0x194E0];
	s5 =	smul.f32 s8, s5  }
0x375: {  	v53 =	vld [tilespmem:s26+$0x68F0];
	v42 =	vadd.f32 v43, v57;
	v31 =	vadd.f32 v63, v31  }
0x376: {  	v44 =	vadd.f32 v44, v47;
	v63 =	vld [tilespmem:s26+$0x194F0];
	v56 =	vadd.f32 v61, v30;
	s5 =	smul.f32 s5, s8  }
0x377: {  	v45 =	vadd.f32 v42, v45;
	v30 =	vmul.f32 v42, v42;
	v4 =	vadd.f32 v41, v4  }
0x378: {  	v62 =	vadd.f32 v49, v62;
	v39 =	vadd.f32 v59, v58;
	s5 =	ssub.f32 $1.500000000e+00, s5  }
0x379: {  	v46 =	vmov s17;
	v31 =	vadd.f32 v30, v31;
	v30 =	vld [tilespmem:$0x1F800];
	v43 =	vadd.f32 v60, v55  }
0x37a: {  	v61 =	vsub.f32 v28, v46;
	v28 =	vld [tilespmem:$0x1F880];
	[tilespmem:s15+$0x6810] =	vst v44;
	v59 =	vmul.f32 v41, v41;
	v4 =	vadd.f32 v39, v4;
	s17 =	smul.f32 s5, s8  }
0x37b: {  	v57 =	vld [tilespmem:$0x1F820];
	[tilespmem:s15+$0x6890] =	vst v62;
	v40 =	vadd.f32 v63, v53;
	v45 =	vadd.f32 v43, v45  }
0x37c: {  	v58 =	vld [tilespmem:$0x1F820];
	v44 =	vadd.f32 v59, v56;
	v63 =	vmul.f32 v39, v39;
	v51 =	vmul.f32 s17, v61  }
0x37d: {  	v29 =	vmul.f32 s16, v29;
	v62 =	vmul.f32 v43, v43;
	(xrf2) =	vadd.scan.msk.f32 $0xffff, v4;
	v45 =	vadd.f32 v40, v45  }
0x37e: {  	s28 =	simm.s32 $0x300;
	v5 =	vmul.f32 s2, v5;
	v4 =	vld [tilespmem:$0x1F8A0];
	v44 =	vadd.f32 v63, v44;
	v54 =	vmul.f32 v51, v30  }
0x37f: {  	v50 =	vld [tilespmem:s28+$0x6930];
	[tilespmem:s15+$0x6960] =	vst v0;
	v55 =	vmul.f32 v40, v40;
	v0 =	vadd.f32 v62, v31;
	(xrf2) =	vadd.scan.msk.f32 $0xffff, v45  }
0x380: {  	v19 =	vsub.f32 v21, v46;
	v21 =	vld [tilespmem:s28+$0x6820];
	v29 =	vmul.f32 v29, v57;
	(xrf2) =	vadd.scan.msk.f32 $0xffff, v44;
	v57 =	vadd.f32 v54, v28  }
0x381: {  	v60 =	vld [tilespmem:$0x1F8A0];
	v5 =	vmul.f32 v5, v58;
	v0 =	vadd.f32 v55, v0  }
0x382: {  	v59 =	vld [tilespmem:s28+$0x19500];
	[tilespmem:s26+$0x6900] =	vst v57  }
0x383: {  	v3 =	vsub.f32 v3, v46;
	v4 =	vadd.f32 v5, v4;
	(xrf2) =	vadd.scan.msk.f32 $0xffff, v0;
	v0 =	vld [tilespmem:$0x1F810]  }
0x384: {  	v31 =	vld [tilespmem:$0x1F870]  }
0x385: {  	v3 =	vmul.f32 s17, v3;
	[tilespmem:s15+$0x68A0] =	vst v4;
	v4 =	vld [tilespmem:$0x1F890]  }
0x386: {  	v56 =	vadd.f32 v29, v60;
	v29 =	vld [tilespmem:$0x1F8F0]  }
0x387: {  	v58 =	vld [tilespmem:s28+$0x6900];
	v5, _, _ =	vpop (xrf2)  }
0x388: {  	v55 =	vld [tilespmem:s28+$0x19570];
	(v2sf) =	vpush v5, $0xF;
	v0 =	vmul.f32 v3, v0  }
0x389: {  	v61 =	vld [tilespmem:s28+$0x19530];
	v3, _, _ =	vpop (xrf2)  }
0x38a: {  	v49 =	vld [tilespmem:$0x1F830];
	(v2sf) =	vpush v3, $0xF;
	v3, _, _ =	vpop (xrf2);
	v0 =	vadd.f32 v0, v4  }
0x38b: {  	v5 =	vld [tilespmem:s28+$0x6920];
	(v2sf) =	vpush v3, $0xF  }
0x38c: {  	v3 =	vld [tilespmem:s28+$0x6910]  }
0x38d: {  	v4 =	vld [tilespmem:s28+$0x19510];
	[tilespmem:s26+$0x6910] =	vst v0  }
0x38e: {  	v60 =	vld [tilespmem:$0x1F820];
	v0, _, _ =	vpop (xrf2)  }
0x38f: {  	(v2sf) =	vpush v0, $0xF;
	v0 =	vld [tilespmem:s28+$0x19520]  }
0x390: {  	v2 =	vsub.f32 v2, v46;
	v54 =	vld [tilespmem:s28+$0x19540]  }
0x391: {  	v45 =	vadd.f32 v59, v58;
	v52 =	vld [tilespmem:$0x1F8A0]  }
0x392: {  	v2 =	vmul.f32 s17, v2;
	v57 =	vld [tilespmem:s28+$0x19550];
	v44 =	vadd.f32 v4, v3  }
0x393: {  	v62 =	vmul.f32 v45, v45;
	v3 =	vld [tilespmem:s28+$0x6940];
	v4 =	vadd.f32 v61, v50  }
0x394: {  	v50 =	vld [tilespmem:s28+$0x6960];
	v63 =	vmul.f32 v44, v44;
	v2 =	vmul.f32 v2, v60;
	v5 =	vadd.f32 v0, v5  }
0x395: {  	v60 =	vadd.f32 v44, v45;
	v0 =	vld [tilespmem:s28+$0x6950]  }
0x396: {  	v61 =	vadd.f32 v63, v62;
	v63 =	vld [tilespmem:s28+$0x19560];
	v2 =	vadd.f32 v2, v52;
	v62 =	vmul.f32 v5, v5  }
0x397: {  	v8 =	vsub.f32 v8, v27;
	[tilespmem:s15+$0x6820] =	vst v56;
	v56 =	vld [tilespmem:s28+$0x6970];
	s23 =	spop (v2sf);
	v51 =	vadd.f32 v5, v60  }
0x398: {  	v48 =	vld [tilespmem:$0x1F830];
	s23 =	smul.f32 $7.812500000e-03, s23;
	v3 =	vadd.f32 v54, v3;
	v60 =	vmul.f32 v4, v4;
	[tilespmem:s26+$0x6920] =	vst v2;
	v53 =	vadd.f32 v62, v61  }
0x399: {  	v8 =	vmul.f32 s2, v8;
	v58 =	vld [tilespmem:$0x1F830];
	v51 =	vadd.f32 v4, v51;
	s25 =	spop (v2sf);
	v62 =	vsub.f32 v1, v46  }
0x39a: {  	v47 =	vld [tilespmem:$0x1F8B0];
	s5 =	smul.f32 s23, s23;
	v61 =	vmul.f32 v3, v3;
	v2 =	vadd.f32 v57, v0;
	s29 =	spop (v2sf);
	v0 =	vadd.f32 v60, v53  }
0x39b: {  	v8 =	vmul.f32 v8, v49;
	v59 =	vld [tilespmem:$0x1F8B0];
	v1 =	vadd.f32 v63, v50;
	v51 =	vadd.f32 v3, v51;
	s8 =	smul.f32 $7.812500000e-03, s29  }
0x39c: {  	v49 =	vld [tilespmem:s28+$0x194B0];
	s20 =	smul.f32 $7.812500000e-03, s25;
	v57 =	vmul.f32 s17, v62;
	v52 =	vmul.f32 v2, v2;
	v50 =	vadd.f32 v61, v0  }
0x39d: {  	v54 =	vld [tilespmem:$0x1F8B0];
	v63 =	vmul.f32 v1, v1;
	v51 =	vadd.f32 v2, v51;
	s5 =	ssub.f32 s8, s5  }
0x39e: {  	v53 =	vld [tilespmem:s28+$0x6800];
	s3 =	smul.f32 s20, s20;
	v0 =	vadd.f32 v55, v56;
	v61 =	vmul.f32 v57, v58;
	s29 =	spop (v2sf);
	v50 =	vadd.f32 v52, v50  }
0x39f: {  	v60 =	vld [tilespmem:s28+$0x19400];
	v51 =	vadd.f32 v1, v51;
	s5 =	sadd.f32 $9.999999960e-13, s5;
	s8 =	smul.f32 $7.812500000e-03, s29  }
0x3a0: {  	v55 =	vld [tilespmem:s28+$0x6810];
	v62 =	vmul.f32 v0, v0;
	v56 =	vadd.f32 v61, v59;
	v50 =	vadd.f32 v63, v50  }
0x3a1: {  	v57 =	vld [tilespmem:s28+$0x19410];
	v51 =	vadd.f32 v0, v51;
	s8 =	ssub.f32 s8, s3;
	s3 =	sshra.s32 s5, $0x1;
	s5 =	smul.f32 $5.000000000e-01, s5  }
0x3a2: {  	v58 =	vld [tilespmem:s28+$0x6880];
	[tilespmem:s26+$0x6930] =	vst v56;
	v50 =	vadd.f32 v62, v50;
	s25 =	ssub.s32 $0x5F3759DF, s3  }
0x3a3: {  	(xrf2) =	vadd.scan.msk.f32 $0xffff, v51;
	v51 =	vld [tilespmem:$0x1F840];
	s29 =	smul.f32 s25, s5  }
0x3a4: {  	v59 =	vld [tilespmem:s28+$0x19480];
	s8 =	sadd.f32 $9.999999960e-13, s8;
	(xrf2) =	vadd.scan.msk.f32 $0xffff, v50  }
0x3a5: {  	v9 =	vsub.f32 v9, v26;
	v56 =	vsub.f32 v11, v26;
	v11 =	vld [tilespmem:$0x1F8C0];
	s29 =	smul.f32 s25, s29  }
0x3a6: {  	v19 =	vmul.f32 s17, v19;
	v52 =	vld [tilespmem:s28+$0x6890];
	v61 =	vsub.f32 v10, v27;
	v10 =	vmul.f32 s1, v6;
	s3 =	sshra.s32 s8, $0x1;
	s8 =	smul.f32 $5.000000000e-01, s8  }
0x3a7: {  	v63 =	vld [tilespmem:s28+$0x19420];
	v62 =	vsub.f32 v12, v26;
	v12 =	vmul.f32 s16, v9;
	s3 =	ssub.s32 $0x5F3759DF, s3;
	s29 =	ssub.f32 $1.500000000e+00, s29  }
0x3a8: {  	v7 =	vsub.f32 v18, v26;
	v10 =	vmul.f32 v10, v31;
	v31 =	vld [tilespmem:s28+$0x6830];
	s1 =	smul.f32 s3, s8;
	v18 =	vmul.f32 v19, v51  }
0x3a9: {  	v9 =	vld [tilespmem:s28+$0x68A0];
	v51 =	vsub.f32 v14, v27;
	v14 =	vsub.f32 v17, v26;
	v17 =	vmul.f32 v12, v48;
	s25 =	smul.f32 s25, s29  }
0x3aa: {  	v16 =	vsub.f32 v16, v27;
	v50 =	vld [tilespmem:s28+$0x19490];
	s1 =	smul.f32 s3, s1;
	v18 =	vadd.f32 v18, v11  }
0x3ab: {  	v13 =	vsub.f32 v13, v46;
	v8 =	vadd.f32 v8, v54;
	v26 =	vld [tilespmem:s28+$0x194A0];
	s5 =	smul.f32 s25, s5  }
0x3ac: {  	v10 =	vadd.f32 v10, v29;
	v12 =	vsub.f32 v15, v27;
	v15 =	vld [tilespmem:s28+$0x19430];
	s1 =	ssub.f32 $1.500000000e+00, s1;
	[tilespmem:s26+$0x6940] =	vst v18  }
0x3ad: {  	v19 =	vsub.f32 v20, v46;
	v48 =	vadd.f32 v17, v47;
	v17, _, _ =	vpop (xrf2);
	v29 =	vld [tilespmem:$0x1F850];
	s5 =	smul.f32 s5, s25  }
0x3ae: {  	v27 =	vld [tilespmem:s28+$0x68B0];
	v11 =	vmov s23;
	v18 =	vadd.f32 v60, v53;
	s3 =	smul.f32 s3, s1;
	(v2sf) =	vpush v17, $0xF;
	v17, _, _ =	vpop (xrf2)  }
0x3af: {  	v47 =	vmov s20;
	v53 =	vld [tilespmem:$0x1F8D0];
	(v2sf) =	vpush v17, $0xF;
	s1 =	ssub.f32 $1.500000000e+00, s5;
	v17 =	vadd.f32 v57, v55  }
0x3b0: {  	v20 =	vmul.f32 s17, v19;
	v19 =	vadd.f32 v59, v58;
	v58 =	vld [tilespmem:s28+$0x68C0];
	v25 =	vsub.f32 v25, v11;
	s8 =	smul.f32 s3, s8  }
0x3b1: {  	v54 =	vsub.f32 v22, v11;
	v60 =	vld [tilespmem:s28+$0x19440];
	v22 =	vmul.f32 v18, v18;
	s1 =	smul.f32 s1, s25;
	v57 =	vmul.f32 v17, v17  }
0x3b2: {  	v6 =	vsub.f32 v24, v47;
	v55 =	vld [tilespmem:s28+$0x6840];
	s5 =	smul.f32 s8, s3;
	v24 =	vmul.f32 v20, v29;
	v20 =	vadd.f32 v50, v52  }
0x3b3: {  	v50 =	vld [tilespmem:s28+$0x194C0];
	v52 =	vmul.f32 v19, v19;
	v25 =	vmul.f32 s1, v25;
	v29 =	vadd.f32 v57, v22  }
0x3b4: {  	s5 =	ssub.f32 $1.500000000e+00, s5;
	v22 =	vadd.f32 v63, v21;
	v57 =	vld [tilespmem:s28+$0x6850];
	v53 =	vadd.f32 v24, v53;
	v63 =	vmul.f32 v20, v20  }
0x3b5: {  	v21 =	vadd.f32 v26, v9;
	v9 =	vld [tilespmem:s28+$0x19450];
	v24 =	vadd.f32 v15, v31;
	v25 =	vmul.f32 v25, v30  }
0x3b6: {  	v23 =	vsub.f32 v23, v47;
	v15 =	vld [tilespmem:s28+$0x68D0];
	s20 =	smul.f32 s5, s3;
	v26 =	vmul.f32 v22, v22;
	[tilespmem:s26+$0x6950] =	vst v53;
	v52 =	vadd.f32 v63, v52  }
0x3b7: {  	v53 =	vmul.f32 v21, v21;
	v63 =	vmul.f32 v24, v24;
	v59 =	vld [tilespmem:$0x1F860];
	v31 =	vadd.f32 v25, v28  }
0x3b8: {  	v23 =	vmul.f32 s20, v23;
	v26 =	vadd.f32 v26, v29;
	v25 =	vadd.f32 v49, v27;
	v27 =	vld [tilespmem:s28+$0x194D0]  }
0x3b9: {  	v13 =	vmul.f32 s17, v13;
	v52 =	vadd.f32 v53, v52;
	v29 =	vadd.f32 v60, v55;
	v53 =	vld [tilespmem:$0x1F8E0]  }
0x3ba: {  	v49 =	vmul.f32 s16, v56;
	v55 =	vld [tilespmem:s28+$0x6860];
	v23 =	vmul.f32 v23, v30;
	v30 =	vadd.f32 v63, v26  }
0x3bb: {  	v56 =	vmul.f32 v25, v25;
	v60 =	vmul.f32 v29, v29;
	v26 =	vadd.f32 v50, v58;
	v50 =	vld [tilespmem:s28+$0x19460]  }
0x3bc: {  	v54 =	vmul.f32 s1, v54;
	v58 =	vld [tilespmem:s28+$0x194E0];
	v28 =	vadd.f32 v23, v28;
	v23 =	vadd.f32 v9, v57  }
0x3bd: {  	v9 =	vld [tilespmem:s28+$0x68E0];
	v52 =	vadd.f32 v56, v52;
	v56 =	vmul.f32 v26, v26;
	v57 =	vadd.f32 v60, v30  }
0x3be: {  	[tilespmem:s26+$0x6800] =	vst v31;
	v13 =	vmul.f32 v13, v59;
	v30 =	vadd.f32 v27, v15;
	v15 =	vld [tilespmem:s28+$0x6870];
	v27 =	vadd.f32 v17, v18  }
0x3bf: {  	v60 =	vmul.f32 s2, v61;
	s23 =	spop (v2sf);
	v59 =	vmul.f32 v23, v23;
	v52 =	vadd.f32 v56, v52;
	v56 =	vld [tilespmem:s28+$0x19470];
	[tilespmem:s26+$0x6880] =	vst v28  }
0x3c0: {  	s23 =	smul.f32 $7.812500000e-03, s23;
	s25 =	spop (v2sf);
	v28 =	vadd.f32 v50, v55;
	v55 =	vmul.f32 s2, v16;
	v16 =	vadd.f32 v22, v27;
	v27 =	vld [tilespmem:$0x1FFD0]  }
0x3c1: {  	v61 =	vadd.f32 v20, v19;
	v13 =	vadd.f32 v13, v53;
	v31 =	vmul.f32 v30, v30;
	v50 =	vld [tilespmem:$0x1F810];
	s3 =	smul.f32 $7.812500000e-03, s25  }
0x3c2: {  	v63 =	vmul.f32 s20, v6;
	s29 =	smul.f32 s23, s23;
	v53 =	vadd.f32 v59, v57;
	v57 =	vld [tilespmem:s28+$0x68F0];
	v16 =	vadd.f32 v24, v16  }
0x3c3: {  	v61 =	vadd.f32 v21, v61;
	v59 =	vmul.f32 s16, v62;
	v62 =	vld [tilespmem:$0x1F810];
	v52 =	vadd.f32 v31, v52  }
0x3c4: {  	v6 =	vmul.f32 s16, v14;
	[tilespmem:s15+$0x6830] =	vst v48;
	v31 =	vadd.f32 v58, v9;
	v58 =	vld [tilespmem:$0x1F890];
	s3 =	ssub.f32 s3, s29;
	v14 =	vadd.f32 v29, v16  }
0x3c5: {  	[tilespmem:s15+$0x68B0] =	vst v8;
	v8 =	vmul.f32 s16, v7;
	v46 =	vsub.f32 v27, v46;
	v27 =	vadd.f32 v56, v15;
	v15 =	vld [tilespmem:$0x1F890]  }
0x3c6: {  	v7 =	vadd.f32 v25, v61;
	v9 =	vmul.f32 v28, v28;
	s3 =	sadd.f32 $9.999999960e-13, s3;
	v50 =	vmul.f32 v54, v50;
	v54 =	vld [tilespmem:$0x1F840]  }
0x3c7: {  	[tilespmem:s26+$0x6960] =	vst v13;
	v56 =	vld [tilespmem:s28+$0x194F0];
	v13 =	vadd.f32 v23, v14  }
0x3c8: {  	v53 =	vadd.f32 v9, v53;
	v16 =	vmul.f32 v63, v62;
	v62 =	vadd.f32 v26, v7;
	v63 =	vld [tilespmem:$0x1F8C0];
	s8 =	sshra.s32 s3, $0x1;
	s3 =	smul.f32 $5.000000000e-01, s3  }
0x3c9: {  	v61 =	vld [tilespmem:$0x1F840];
	v50 =	vadd.f32 v50, v58;
	s5 =	ssub.s32 $0x5F3759DF, s8;
	v13 =	vadd.f32 v28, v13  }
0x3ca: {  	v7 =	vmul.f32 s2, v12;
	v12 =	vsub.f32 v37, v11;
	v14 =	vadd.f32 v30, v62;
	s25 =	smul.f32 s5, s3  }
0x3cb: {  	[tilespmem:s26+$0x6810] =	vst v50;
	v54 =	vmul.f32 v49, v54;
	v49 =	vsub.f32 v32, v47;
	v13 =	vadd.f32 v27, v13  }
0x3cc: {  	v9 =	vmul.f32 s2, v51;
	v14 =	vadd.f32 v31, v14;
	v51 =	vld [tilespmem:$0x1F820];
	v32 =	vadd.f32 v56, v57;
	s29 =	smul.f32 s5, s25  }
0x3cd: {  	v15 =	vadd.f32 v16, v15;
	v16 =	vld [tilespmem:$0x1F8C0];
	v37 =	vadd.f32 v54, v63;
	(xrf2) =	vadd.scan.msk.f32 $0xffff, v13  }
0x3ce: {  	v48 =	vmul.f32 v60, v61;
	v61 =	vld [tilespmem:$0x1F8A0];
	v14 =	vadd.f32 v32, v14;
	s2 =	ssub.f32 $1.500000000e+00, s29  }
0x3cf: {  	v60 =	vmul.f32 v27, v27;
	v12 =	vmul.f32 s1, v12;
	[tilespmem:s15+$0x6840] =	vst v37  }
0x3d0: {  	[tilespmem:s26+$0x6890] =	vst v15;
	v15 =	vmul.f32 v31, v31;
	(xrf2) =	vadd.scan.msk.f32 $0xffff, v14;
	s2 =	smul.f32 s5, s2;
	v13 =	vld [tilespmem:$0x1F850]  }
0x3d1: {  	v53 =	vadd.f32 v60, v53;
	v54 =	vld [tilespmem:$0x1F820];
	v12 =	vmul.f32 v12, v51  }
0x3d2: {  	v62 =	vmul.f32 v32, v32;
	v15 =	vadd.f32 v15, v52;
	v16 =	vadd.f32 v48, v16;
	v56 =	vld [tilespmem:$0x1F8D0];
	s3 =	smul.f32 s2, s3  }
0x3d3: {  	(xrf2) =	vadd.scan.msk.f32 $0xffff, v53;
	v12 =	vadd.f32 v12, v61  }
0x3d4: {  	v15 =	vadd.f32 v62, v15;
	[tilespmem:s15+$0x68C0] =	vst v16;
	s3 =	smul.f32 s3, s2  }
0x3d5: {  	v16 =	vmul.f32 s20, v49;
	[tilespmem:s26+$0x6820] =	vst v12;
	v12 =	vmul.f32 v59, v13  }
0x3d6: {  	v57 =	vsub.f32 v36, v11;
	v36 =	vld [tilespmem:$0x1F800];
	(xrf2) =	vadd.scan.msk.f32 $0xffff, v15;
	s3 =	ssub.f32 $1.500000000e+00, s3  }
0x3d7: {  	v63 =	vld [tilespmem:$0x1F8A0];
	v15 =	vmul.f32 v16, v54;
	v16 =	vmov s23;
	v61 =	vadd.f32 v12, v56;
	v56, _, _ =	vpop (xrf2)  }
0x3d8: {  	v45 =	vsub.f32 v45, v16;
	s2 =	smul.f32 s3, s2;
	(v2sf) =	vpush v56, $0xF  }
0x3d9: {  	v14 =	vld [tilespmem:$0x1F850]  }
0x3da: {  	v38 =	vsub.f32 v38, v11;
	v35 =	vsub.f32 v35, v11;
	v37 =	vld [tilespmem:$0x1F880];
	v59, _, _ =	vpop (xrf2);
	v60 =	vmul.f32 s2, v45  }
0x3db: {  	v33 =	vsub.f32 v33, v47;
	v58 =	vld [tilespmem:$0x1F8D0];
	(v2sf) =	vpush v59, $0xF  }
0x3dc: {  	v34 =	vsub.f32 v34, v47;
	v50 =	vld [tilespmem:$0x1F870];
	v15 =	vadd.f32 v15, v63;
	v63 =	vmul.f32 v60, v36  }
0x3dd: {  	v42 =	vsub.f32 v42, v47;
	v41 =	vsub.f32 v41, v11;
	v48 =	vld [tilespmem:$0x1F8F0];
	[tilespmem:s15+$0x6850] =	vst v61;
	v61, _, _ =	vpop (xrf2)  }
0x3de: {  	v11 =	vsub.f32 v39, v11;
	v39 =	vld [tilespmem:$0x1F830];
	[tilespmem:s26+$0x68A0] =	vst v15;
	v13 =	vmul.f32 v55, v14;
	(v2sf) =	vpush v61, $0xF  }
0x3df: {  	v43 =	vsub.f32 v43, v47;
	v38 =	vmul.f32 s1, v38;
	v15 =	vmul.f32 s1, v35;
	v35 =	vld [tilespmem:$0x1F830]  }
0x3e0: {  	v46 =	vmul.f32 s17, v46;
	v51 =	vld [tilespmem:$0x1F8B0];
	v62 =	vadd.f32 v13, v58;
	v60 =	vadd.f32 v63, v37;
	v63, _, _ =	vpop (xrf2)  }
0x3e1: {  	v53 =	vmul.f32 s20, v33;
	v12 =	vmul.f32 s1, v57;
	v57 =	vld [tilespmem:$0x1F8B0];
	(v2sf) =	vpush v63, $0xF  }
0x3e2: {  	v47 =	vsub.f32 v40, v47;
	v33 =	vmul.f32 s1, v41;
	v58 =	vmul.f32 v46, v50;
	v41 =	vld [tilespmem:$0x1F860];
	[tilespmem:s15+$0x68D0] =	vst v62  }
0x3e3: {  	[tilespmem:s15+$0x6970] =	vst v10;
	v10 =	vmul.f32 s1, v11;
	v39 =	vmul.f32 v38, v39;
	v38 =	vld [tilespmem:$0x1F860]  }
0x3e4: {  	v11 =	vmul.f32 s20, v47;
	v40 =	vld [tilespmem:$0x1F8E0];
	v62 =	vadd.f32 v58, v48;
	v35 =	vmul.f32 v53, v35;
	[tilespmem:s28+$0x6900] =	vst v60  }
0x3e5: {  	v44 =	vsub.f32 v44, v16;
	v13 =	vmul.f32 s20, v42;
	v42 =	vadd.f32 v39, v51;
	v45 =	vld [tilespmem:$0x1F810]  }
0x3e6: {  	s16 =	simm.s32 $0x1200;
	v14 =	vmul.f32 s20, v34;
	v34 =	vmul.f32 s20, v43;
	s1 =	simm.s32 $0x6;
	v39 =	vld [tilespmem:$0x1F8E0];
	[tilespmem:s26+$0x6970] =	vst v62;
	v35 =	vadd.f32 v35, v57  }
.LBB2_9:
0x3e7: {  	s17 =	sshra.s32 s16, $0x2;
	v46 =	vld [tilespmem:$0x1F890];
	s3 =	spop (v2sf);
	[tilespmem:s26+$0x6830] =	vst v42;
	v41 =	vmul.f32 v8, v41;
	v8 =	vmov v33  }
0x3e8: {  	v43 =	vld [tilespmem:s17+$0x6970];
	s3 =	smul.f32 $7.812500000e-03, s3;
	v33 =	vmul.f32 s2, v44;
	[tilespmem:s26+$0x68B0] =	vst v35;
	v44 =	vmul.f32 v9, v38;
	v9 =	vmov v34  }
0x3e9: {  	v47 =	vld [tilespmem:s17+$0x6930];
	v34 =	vadd.f32 v41, v40  }
0x3ea: {  	v48 =	vld [tilespmem:s17+$0x6920];
	s5 =	smul.f32 s3, s3;
	v49 =	vmov s3;
	v33 =	vmul.f32 v33, v45;
	s3 =	spop (v2sf)  }
0x3eb: {  	v35 =	vld [tilespmem:s17+$0x6900];
	v41 =	vsub.f32 v18, v49;
	v40 =	vsub.f32 v17, v49;
	s3 =	smul.f32 $7.812500000e-03, s3;
	[tilespmem:s15+$0x6860] =	vst v34  }
0x3ec: {  	v34 =	vsub.f32 v22, v49;
	v17 =	vld [tilespmem:s17+$0x19500];
	v18 =	vadd.f32 v33, v46  }
0x3ed: {  	v24 =	vsub.f32 v24, v49;
	v29 =	vsub.f32 v29, v49;
	v45 =	vld [tilespmem:s17+$0x6910];
	s8 =	smul.f32 s3, s3;
	v46 =	vmov s3;
	s3 =	spop (v2sf)  }
0x3ee: {  	v50 =	vld [tilespmem:s17+$0x19510];
	s3 =	smul.f32 $7.812500000e-03, s3;
	v42 =	vsub.f32 v19, v46;
	v22 =	vsub.f32 v20, v46;
	[tilespmem:s28+$0x6910] =	vst v18  }
0x3ef: {  	s1 =	sadd.s32 $0x3, s1;
	v21 =	vsub.f32 v21, v46;
	v25 =	vsub.f32 v25, v46;
	v18 =	vld [tilespmem:$0x1F820]  }
0x3f0: {  	v5 =	vsub.f32 v5, v16;
	p1 =	slt.u32 s1, $0xC3;
	v33 =	vsub.f32 v26, v46;
	v19 =	vld [tilespmem:s17+$0x19520];
	s3 =	ssub.f32 s3, s5;
	s5 =	spop (v2sf)  }
0x3f1: {  	v23 =	vsub.f32 v23, v49;
	v26 =	vsub.f32 v30, v46;
	s5 =	smul.f32 $7.812500000e-03, s5;
	v20 =	vld [tilespmem:$0x1F8A0]  }
0x3f2: {  	v5 =	vmul.f32 s2, v5;
	v28 =	vsub.f32 v28, v49;
	v30 =	vsub.f32 v31, v46;
	v51 =	vld [tilespmem:s17+$0x19530];
	s3 =	sadd.f32 $9.999999960e-13, s3  }
0x3f3: {  	v38 =	vadd.f32 v17, v35;
	v35 =	vadd.f32 v50, v45;
	v17 =	vld [tilespmem:s17+$0x6940];
	s5 =	ssub.f32 s5, s8  }
0x3f4: {  	v27 =	vsub.f32 v27, v49;
	v31 =	vadd.f32 v44, v39;
	v45 =	vld [tilespmem:s17+$0x19540];
	s8 =	sshra.s32 s3, $0x1;
	s20 =	smul.f32 $5.000000000e-01, s3;
	v18 =	vmul.f32 v5, v18  }
0x3f5: {  	v5 =	vadd.f32 v19, v48;
	v19 =	vld [tilespmem:s17+$0x6950];
	v39 =	vadd.f32 v35, v38;
	s3 =	ssub.s32 $0x5F3759DF, s8;
	s5 =	sadd.f32 $9.999999960e-13, s5  }
0x3f6: {  	v48 =	vmul.f32 v38, v38;
	v49 =	vmul.f32 v35, v35;
	v44 =	vld [tilespmem:s17+$0x19550];
	s8 =	smul.f32 s3, s20;
	v18 =	vadd.f32 v18, v20;
	[tilespmem:s15+$0x68E0] =	vst v31  }
0x3f7: {  	v20 =	vadd.f32 v51, v47;
	v47 =	vld [tilespmem:s17+$0x6960];
	v39 =	vadd.f32 v5, v39;
	s23 =	sshra.s32 s5, $0x1;
	s5 =	smul.f32 $5.000000000e-01, s5  }
0x3f8: {  	v31 =	vsub.f32 v32, v46;
	v48 =	vadd.f32 v49, v48;
	v49 =	vmul.f32 v5, v5;
	v50 =	vld [tilespmem:s17+$0x19560];
	s8 =	smul.f32 s3, s8;
	s23 =	ssub.s32 $0x5F3759DF, s23;
	[tilespmem:s28+$0x6920] =	vst v18  }
0x3f9: {  	v17 =	vadd.f32 v45, v17;
	v18 =	vadd.f32 v20, v39;
	s25 =	smul.f32 s23, s5;
	v32 =	vld [tilespmem:$0x1F830]  }
0x3fa: {  	v45 =	vadd.f32 v49, v48;
	v46 =	vmul.f32 v20, v20;
	v48 =	vsub.f32 v4, v16;
	v4 =	vmovc v20;
	v39 =	vld [tilespmem:s17+$0x19570];
	s8 =	ssub.f32 $1.500000000e+00, s8  }
0x3fb: {  	v49 =	vadd.f32 v44, v19;
	v18 =	vadd.f32 v17, v18;
	s25 =	smul.f32 s23, s25;
	v19 =	vld [tilespmem:$0x1F8B0]  }
0x3fc: {  	v44 =	vadd.f32 v46, v45;
	v46 =	vmul.f32 v17, v17;
	v48 =	vmul.f32 s2, v48;
	v20 =	vld [tilespmem:s17+$0x6800];
	s3 =	smul.f32 s3, s8  }
0x3fd: {  	v51 =	vld [tilespmem:s17+$0x19400];
	v45 =	vadd.f32 v50, v47;
	v18 =	vadd.f32 v49, v18;
	s8 =	ssub.f32 $1.500000000e+00, s25  }
0x3fe: {  	v44 =	vadd.f32 v46, v44;
	v46 =	vmul.f32 v49, v49;
	v47 =	vld [tilespmem:s17+$0x6810];
	s20 =	smul.f32 s3, s20;
	v48 =	vmul.f32 v48, v32  }
0x3ff: {  	v50 =	vld [tilespmem:s17+$0x19410];
	v32 =	vadd.f32 v39, v43;
	v18 =	vadd.f32 v45, v18;
	s8 =	smul.f32 s23, s8  }
0x400: {  	v43 =	vadd.f32 v46, v44;
	v44 =	vmul.f32 v45, v45;
	v39 =	vld [tilespmem:s17+$0x6880];
	s20 =	smul.f32 s20, s3;
	v19 =	vadd.f32 v48, v19  }
0x401: {  	v46 =	vld [tilespmem:s17+$0x19480];
	v48 =	vadd.f32 v32, v18;
	s5 =	smul.f32 s8, s5  }
0x402: {  	v43 =	vadd.f32 v44, v43;
	v44 =	vmul.f32 v32, v32;
	v18 =	vadd.f32 v51, v20;
	v20 =	vld [tilespmem:s17+$0x6890];
	s20 =	ssub.f32 $1.500000000e+00, s20;
	[tilespmem:s28+$0x6930] =	vst v19  }
0x403: {  	(xrf2) =	vadd.scan.msk.f32 $0xffff, v48;
	s5 =	smul.f32 s5, s8;
	v48 =	vld [tilespmem:$0x1F840]  }
0x404: {  	v43 =	vadd.f32 v44, v43;
	v44 =	vsub.f32 v3, v16;
	v3 =	vmovc v17;
	v51 =	vmul.f32 v18, v18;
	v52 =	vld [tilespmem:s17+$0x19490];
	s20 =	smul.f32 s20, s3  }
0x405: {  	v17 =	vadd.f32 v50, v47;
	s3 =	ssub.f32 $1.500000000e+00, s5;
	v47 =	vld [tilespmem:$0x1F8C0]  }
0x406: {  	v50 =	vld [tilespmem:s17+$0x6820];
	v19 =	vadd.f32 v46, v39;
	(xrf2) =	vadd.scan.msk.f32 $0xffff, v43;
	v39 =	vmul.f32 s20, v41;
	v43 =	vmul.f32 s2, v44  }
0x407: {  	v53 =	vadd.f32 v17, v18;
	v44 =	vmul.f32 v17, v17;
	v41 =	vmul.f32 s20, v40;
	v46 =	vld [tilespmem:s17+$0x19420];
	s23 =	smul.f32 s3, s8  }
0x408: {  	v40 =	vld [tilespmem:s17+$0x68A0];
	v54 =	vmul.f32 v19, v19;
	v43 =	vmul.f32 v43, v48  }
0x409: {  	v48 =	vadd.f32 v44, v51;
	v20 =	vadd.f32 v52, v20;
	v51 =	vld [tilespmem:s17+$0x194A0];
	v42 =	vmul.f32 s23, v42  }
0x40a: {  	v39 =	vmul.f32 v39, v36;
	v44 =	vmul.f32 s23, v22;
	v52 =	vld [tilespmem:s17+$0x6830];
	v57 =	vadd.f32 v43, v47  }
0x40b: {  	v47 =	vld [tilespmem:s17+$0x19430];
	v55 =	vadd.f32 v20, v19;
	v56 =	vmul.f32 v20, v20;
	v42 =	vmul.f32 v42, v36  }
0x40c: {  	v39 =	vadd.f32 v39, v37;
	v36 =	vmul.f32 s20, v34;
	v22 =	vadd.f32 v46, v50;
	v50 =	vld [tilespmem:s17+$0x68B0];
	[tilespmem:s28+$0x6940] =	vst v57  }
0x40d: {  	v34 =	vadd.f32 v56, v54;
	v43, _, _ =	vpop (xrf2);
	v42 =	vadd.f32 v42, v37;
	v37 =	vmul.f32 s23, v21;
	v54 =	vld [tilespmem:$0x1F850]  }
0x40e: {  	v56 =	vsub.f32 v2, v16;
	v46 =	vmul.f32 v22, v22;
	v21 =	vadd.f32 v51, v40;
	v51 =	vld [tilespmem:s17+$0x194B0];
	[tilespmem:s28+$0x6800] =	vst v39  }
0x40f: {  	v2 =	vmovc v49;
	v53 =	vadd.f32 v22, v53;
	v40 =	vmul.f32 s20, v24;
	v39 =	vmul.f32 s23, v25;
	[tilespmem:s28+$0x6880] =	vst v42;
	v42 =	vld [tilespmem:$0x1F8D0]  }
0x410: {  	v49 =	vld [tilespmem:s17+$0x6840];
	v55 =	vadd.f32 v21, v55;
	(v2sf) =	vpush v43, $0xF;
	v25, _, _ =	vpop (xrf2);
	v43 =	vmul.f32 s2, v56  }
0x411: {  	v24 =	vadd.f32 v47, v52;
	v47 =	vmul.f32 v21, v21;
	v52 =	vld [tilespmem:s17+$0x19440];
	(v2sf) =	vpush v25, $0xF  }
0x412: {  	v48 =	vadd.f32 v46, v48;
	v46 =	vmul.f32 s20, v29;
	v56 =	vld [tilespmem:s17+$0x68C0];
	v29 =	vmul.f32 v43, v54  }
0x413: {  	v53 =	vadd.f32 v24, v53;
	v43 =	vmul.f32 v24, v24;
	v25 =	vadd.f32 v51, v50;
	v50 =	vld [tilespmem:s17+$0x194C0]  }
0x414: {  	v34 =	vadd.f32 v47, v34;
	v47 =	vmul.f32 s23, v33;
	v51 =	vld [tilespmem:s17+$0x6850];
	v33 =	vadd.f32 v29, v42  }
0x415: {  	v48 =	vadd.f32 v43, v48;
	v54 =	vld [tilespmem:s17+$0x19450];
	v55 =	vadd.f32 v25, v55;
	v57 =	vmul.f32 v25, v25  }
0x416: {  	v43 =	vmul.f32 s20, v23;
	v42 =	vmul.f32 s23, v26;
	v29 =	vadd.f32 v52, v49;
	v49 =	vld [tilespmem:s17+$0x68D0];
	[tilespmem:s28+$0x6950] =	vst v33  }
0x417: {  	v33 =	vmul.f32 s20, v28;
	v52 =	vadd.f32 v57, v34;
	v34 =	vmul.f32 s23, v30;
	v28 =	vld [tilespmem:$0x1F860]  }
0x418: {  	v23 =	vsub.f32 v1, v16;
	v1 =	vmovc v45;
	v30 =	vmul.f32 v29, v29;
	v26 =	vadd.f32 v50, v56;
	v50 =	vld [tilespmem:s17+$0x194D0]  }
0x419: {  	v45 =	vadd.f32 v29, v53;
	v53 =	vmul.f32 s20, v27;
	v56 =	vmul.f32 s23, v31;
	v27 =	vld [tilespmem:$0x1F8E0]  }
0x41a: {  	v58 =	vmul.f32 s2, v23;
	v31 =	vld [tilespmem:s17+$0x6860];
	v55 =	vadd.f32 v26, v55;
	v57 =	vmul.f32 v26, v26  }
0x41b: {  	v23 =	vadd.f32 v54, v51;
	v48 =	vadd.f32 v30, v48;
	v51 =	vld [tilespmem:s17+$0x19460]  }
0x41c: {  	v54 =	vld [tilespmem:s17+$0x68E0];
	v52 =	vadd.f32 v57, v52;
	v28 =	vmul.f32 v58, v28  }
0x41d: {  	v45 =	vadd.f32 v23, v45;
	v57 =	vmul.f32 v23, v23;
	v30 =	vadd.f32 v50, v49;
	v49 =	vld [tilespmem:s17+$0x194E0]  }
0x41e: {  	v50 =	vld [tilespmem:s17+$0x6870];
	v27 =	vadd.f32 v28, v27  }
0x41f: {  	v48 =	vadd.f32 v57, v48;
	v58 =	vld [tilespmem:s17+$0x19470];
	v55 =	vadd.f32 v30, v55;
	v57 =	vmul.f32 v30, v30;
	s3 =	spop (v2sf)  }
0x420: {  	v28 =	vadd.f32 v51, v31;
	v51 =	vld [tilespmem:s17+$0x68F0];
	s20 =	smul.f32 $7.812500000e-03, s3;
	s3 =	spop (v2sf);
	[tilespmem:s28+$0x6960] =	vst v27  }
0x421: {  	v52 =	vadd.f32 v57, v52;
	s3 =	smul.f32 $7.812500000e-03, s3;
	v57 =	vld [tilespmem:$0x1F870]  }
0x422: {  	v16 =	vsub.f32 v0, v16;
	v0 =	vmovc v32;
	v59 =	vmul.f32 v28, v28;
	v31 =	vadd.f32 v49, v54;
	v49 =	vld [tilespmem:s17+$0x194F0];
	s5 =	smul.f32 s20, s20  }
0x423: {  	v32 =	vadd.f32 v28, v45;
	v45 =	vld [tilespmem:$0x1F8F0]  }
0x424: {  	v16 =	vmul.f32 s2, v16;
	v54 =	vadd.f32 v31, v55;
	v55 =	vmul.f32 v31, v31;
	s3 =	ssub.f32 s3, s5;
	v60 =	vld [tilespmem:$0x1F810]  }
0x425: {  	v27 =	vadd.f32 v58, v50;
	v48 =	vadd.f32 v59, v48;
	v50 =	vld [tilespmem:$0x1F810]  }
0x426: {  	v52 =	vadd.f32 v55, v52;
	s2 =	sadd.f32 $9.999999960e-13, s3;
	v55 =	vld [tilespmem:$0x1F890];
	v16 =	vmul.f32 v16, v57  }
0x427: {  	v57 =	vadd.f32 v27, v32;
	v58 =	vmul.f32 v27, v27;
	v32 =	vadd.f32 v49, v51;
	v49 =	vld [tilespmem:$0x1F890]  }
0x428: {  	s3 =	sshra.s32 s2, $0x1;
	s2 =	smul.f32 $5.000000000e-01, s2;
	v16 =	vadd.f32 v16, v45;
	v45 =	vld [tilespmem:$0x1F840]  }
0x429: {  	v48 =	vadd.f32 v58, v48;
	v51 =	vadd.f32 v32, v54;
	v54 =	vmul.f32 v32, v32;
	s3 =	ssub.s32 $0x5F3759DF, s3;
	(xrf2) =	vadd.scan.msk.f32 $0xffff, v57;
	v57 =	vld [tilespmem:$0x1F840]  }
0x42a: {  	v41 =	vmul.f32 v41, v60;
	s5 =	smul.f32 s3, s2;
	v44 =	vmul.f32 v44, v50;
	[tilespmem:s28+$0x6970] =	vst v16;
	v16 =	vld [tilespmem:$0x1F8C0]  }
0x42b: {  	v50 =	vadd.f32 v54, v52;
	v52 =	vld [tilespmem:$0x1F8C0]  }
0x42c: {  	v41 =	vadd.f32 v41, v55;
	s5 =	smul.f32 s3, s5;
	(xrf2) =	vadd.scan.msk.f32 $0xffff, v51;
	v44 =	vadd.f32 v44, v49;
	v49 =	vld [tilespmem:$0x1F870]  }
0x42d: {  	v45 =	vmul.f32 v15, v45;
	v51 =	vld [tilespmem:$0x1F870];
	v15 =	vmov v46  }
0x42e: {  	s5 =	ssub.f32 $1.500000000e+00, s5;
	[tilespmem:s28+$0x6810] =	vst v41;
	v41 =	vmul.f32 v14, v57;
	v46 =	vld [tilespmem:$0x1F8F0];
	v14 =	vmov v47  }
0x42f: {  	(xrf2) =	vadd.scan.msk.f32 $0xffff, v48;
	v47 =	vld [tilespmem:$0x1F820];
	[tilespmem:s28+$0x6890] =	vst v44;
	v16 =	vadd.f32 v45, v16  }
0x430: {  	s3 =	smul.f32 s3, s5;
	v44 =	vld [tilespmem:$0x1F820];
	v41 =	vadd.f32 v41, v52  }
0x431: {  	v45 =	vld [tilespmem:$0x1F8A0];
	[tilespmem:s26+$0x6840] =	vst v16;
	v16 =	vmul.f32 v6, v49;
	v6 =	vmov v10;
	v10 =	vmov v53  }
0x432: {  	s2 =	smul.f32 s3, s2;
	(xrf2) =	vadd.scan.msk.f32 $0xffff, v50;
	v48 =	vld [tilespmem:$0x1F8A0];
	[tilespmem:s26+$0x68C0] =	vst v41;
	v41 =	vmul.f32 v7, v51;
	v7 =	vmovc v11;
	v11 =	vmov v56  }
0x433: {  	v49, _, _ =	vpop (xrf2);
	v50 =	vld [tilespmem:$0x1F850];
	v16 =	vadd.f32 v16, v46  }
0x434: {  	s2 =	smul.f32 s2, s3;
	(v2sf) =	vpush v49, $0xF;
	v36 =	vmul.f32 v36, v47;
	v46 =	vld [tilespmem:$0x1F850]  }
0x435: {  	v37 =	vmul.f32 v37, v44;
	v44 =	vld [tilespmem:$0x1F8D0];
	[tilespmem:s15+$0x6870] =	vst v16  }
0x436: {  	s2 =	ssub.f32 $1.500000000e+00, s2;
	v47, _, _ =	vpop (xrf2);
	v45 =	vadd.f32 v36, v45;
	v49 =	vld [tilespmem:$0x1F8D0]  }
0x437: {  	v16 =	vmov s20;
	v36 =	vld [tilespmem:$0x1F800];
	(v2sf) =	vpush v47, $0xF;
	v47 =	vadd.f32 v37, v48  }
0x438: {  	v38 =	vsub.f32 v38, v16;
	s2 =	smul.f32 s2, s3;
	[tilespmem:s28+$0x6820] =	vst v45;
	v45 =	vmul.f32 v12, v50;
	v48 =	vld [tilespmem:$0x1F8F0];
	v12 =	vmov v43  }
0x439: {  	v37 =	vld [tilespmem:$0x1F880];
	v43, _, _ =	vpop (xrf2);
	[tilespmem:s28+$0x68A0] =	vst v47;
	v47 =	vmul.f32 v13, v46;
	v13 =	vmov v42  }
0x43a: {  	v38 =	vmul.f32 s2, v38;
	(v2sf) =	vpush v43, $0xF;
	v42 =	vld [tilespmem:$0x1F830];
	v43 =	vadd.f32 v45, v44  }
0x43b: {  	v44 =	vld [tilespmem:$0x1F830];
	v45 =	vadd.f32 v47, v49  }
0x43c: {  	v38 =	vmul.f32 v38, v36;
	v46, _, _ =	vpop (xrf2);
	v47 =	vld [tilespmem:$0x1F8B0];
	[tilespmem:s26+$0x6850] =	vst v43  }
0x43d: {  	(v2sf) =	vpush v46, $0xF;
	v43 =	vld [tilespmem:$0x1F8B0];
	[tilespmem:s26+$0x68D0] =	vst v45;
	v45 =	vadd.f32 v41, v48  }
.Ltmp3:
0x43e: {  	v46 =	vadd.f32 v38, v37;
	v41 =	vld [tilespmem:$0x1F860];
	(pc) =	sbr.rel @p1 .LBB2_9-.Ltmp3, $4  }
0x43f: {  	v42 =	vmul.f32 v40, v42;
	v38 =	vld [tilespmem:$0x1F860];
	[tilespmem:s15+$0x68F0] =	vst v45;
	s15 =	smov.u32 s26;
	s26 =	smov.u32 s28;
	s28 =	smov.u32 s17  }
0x440: {  	[tilespmem:s28+$0x6900] =	vst v46;
	v39 =	vmul.f32 v39, v44;
	v40 =	vld [tilespmem:$0x1F8E0]  }
0x441: {  	v45 =	vld [tilespmem:$0x1F810];
	v42 =	vadd.f32 v42, v47  }
0x442: {  	s16 =	sadd.s32 $0x600, s16;
	v44 =	vsub.f32 v35, v16;
	v35 =	vadd.f32 v39, v43;
	v39 =	vld [tilespmem:$0x1F8E0]  }
0x443: {  	_ =	sdelay $0x3  }
0x444: {  	s1 =	spop (v2sf)  }
0x445: {  	s1 =	smul.f32 $7.812500000e-03, s1;
	s3 =	spop (v2sf)  }
0x446: {  	s3 =	smul.f32 $7.812500000e-03, s3  }
0x447: {  	s5 =	smul.f32 s1, s1  }
0x448: {  	s8 =	smul.f32 s3, s3;
	s16 =	spop (v2sf)  }
0x449: {  	s16 =	smul.f32 $7.812500000e-03, s16;
	s17 =	spop (v2sf)  }
0x44a: {  	s17 =	smul.f32 $7.812500000e-03, s17  }
0x44b: {  	s5 =	ssub.f32 s16, s5  }
0x44c: {  	s8 =	ssub.f32 s17, s8  }
0x44d: {  	s5 =	sadd.f32 $9.999999960e-13, s5  }
0x44e: {  	s8 =	sadd.f32 $9.999999960e-13, s8  }
0x44f: {  	s20 =	sshra.s32 s5, $0x1;
	s5 =	smul.f32 $5.000000000e-01, s5  }
0x450: {  	s16 =	ssub.s32 $0x5F3759DF, s20;
	s23 =	sshra.s32 s8, $0x1;
	s8 =	smul.f32 $5.000000000e-01, s8  }
0x451: {  	v43 =	vld [tilespmem:$0x1F890];
	s20 =	smul.f32 s16, s5;
	s17 =	ssub.s32 $0x5F3759DF, s23  }
0x452: {  	v44 =	vmul.f32 s2, v44;
	s23 =	smul.f32 s17, s8  }
0x453: {  	s20 =	smul.f32 s16, s20  }
0x454: {  	v44 =	vmul.f32 v44, v45;
	s23 =	smul.f32 s17, s23  }
0x455: {  	s20 =	ssub.f32 $1.500000000e+00, s20  }
0x456: {  	v43 =	vadd.f32 v44, v43;
	s23 =	ssub.f32 $1.500000000e+00, s23  }
0x457: {  	s16 =	smul.f32 s16, s20  }
0x458: {  	[tilespmem:s28+$0x6910] =	vst v43;
	s17 =	smul.f32 s17, s23  }
0x459: {  	v43 =	vld [tilespmem:$0x1F820];
	s5 =	smul.f32 s16, s5  }
0x45a: {  	v5 =	vsub.f32 v5, v16;
	s8 =	smul.f32 s17, s8  }
0x45b: {  	v59 =	vld [tilespmem:$0x1F8A0];
	s5 =	smul.f32 s5, s16  }
0x45c: {  	v5 =	vmul.f32 s2, v5;
	s8 =	smul.f32 s8, s17  }
0x45d: {  	s5 =	ssub.f32 $1.500000000e+00, s5  }
0x45e: {  	v43 =	vmul.f32 v5, v43;
	v5 =	vmov s1;
	s25 =	ssub.f32 $1.500000000e+00, s8  }
0x45f: {  	v60 =	vsub.f32 v18, v5;
	v18 =	vmov s3;
	s16 =	smul.f32 s5, s16  }
0x460: {  	v43 =	vadd.f32 v43, v59;
	v19 =	vsub.f32 v19, v18;
	s1 =	smul.f32 s25, s17  }
0x461: {  	v61 =	vmul.f32 s16, v60  }
0x462: {  	[tilespmem:s28+$0x6920] =	vst v43;
	v19 =	vmul.f32 s1, v19  }
0x463: {  	v62 =	vld [tilespmem:$0x1F830];
	v43 =	vmul.f32 v61, v36  }
0x464: {  	v4 =	vsub.f32 v4, v16;
	v19 =	vmul.f32 v19, v36  }
0x465: {  	v63 =	vld [tilespmem:$0x1F8B0];
	v46 =	vadd.f32 v43, v37  }
0x466: {  	v4 =	vmul.f32 s2, v4;
	v19 =	vadd.f32 v19, v37  }
0x467: {  	[tilespmem:s28+$0x6800] =	vst v46  }
0x468: {  	v4 =	vmul.f32 v4, v62;
	v47 =	vld [tilespmem:$0x1F810];
	[tilespmem:s28+$0x6880] =	vst v19  }
0x469: {  	v17 =	vsub.f32 v17, v5;
	v48 =	vld [tilespmem:$0x1F810]  }
0x46a: {  	v20 =	vsub.f32 v20, v18;
	v4 =	vadd.f32 v4, v63;
	v49 =	vld [tilespmem:$0x1F890]  }
0x46b: {  	v50 =	vmul.f32 s16, v17;
	v51 =	vld [tilespmem:$0x1F890]  }
0x46c: {  	[tilespmem:s28+$0x6930] =	vst v4;
	v20 =	vmul.f32 s1, v20  }
0x46d: {  	v52 =	vld [tilespmem:$0x1F840];
	v4 =	vmul.f32 v50, v47  }
0x46e: {  	v3 =	vsub.f32 v3, v16;
	v20 =	vmul.f32 v20, v48  }
0x46f: {  	v53 =	vld [tilespmem:$0x1F8C0];
	v4 =	vadd.f32 v4, v49  }
0x470: {  	v3 =	vmul.f32 s2, v3;
	v17 =	vadd.f32 v20, v51  }
0x471: {  	[tilespmem:s28+$0x6810] =	vst v4  }
0x472: {  	v3 =	vmul.f32 v3, v52;
	v4 =	vld [tilespmem:$0x1F820];
	[tilespmem:s28+$0x6890] =	vst v17  }
0x473: {  	v54 =	vsub.f32 v22, v5;
	v55 =	vld [tilespmem:$0x1F820]  }
0x474: {  	v56 =	vsub.f32 v21, v18;
	v3 =	vadd.f32 v3, v53;
	v57 =	vld [tilespmem:$0x1F8A0]  }
0x475: {  	v17 =	vmul.f32 s16, v54;
	v58 =	vld [tilespmem:$0x1F8A0]  }
0x476: {  	[tilespmem:s28+$0x6940] =	vst v3;
	v20 =	vmul.f32 s1, v56  }
0x477: {  	v59 =	vld [tilespmem:$0x1F850];
	v4 =	vmul.f32 v17, v4  }
0x478: {  	v2 =	vsub.f32 v2, v16;
	v19 =	vmul.f32 v20, v55  }
0x479: {  	v60 =	vld [tilespmem:$0x1F8D0];
	v4 =	vadd.f32 v4, v57  }
0x47a: {  	v2 =	vmul.f32 s2, v2;
	v3 =	vadd.f32 v19, v58  }
0x47b: {  	[tilespmem:s28+$0x6820] =	vst v4  }
0x47c: {  	v2 =	vmul.f32 v2, v59;
	v61 =	vld [tilespmem:$0x1F830];
	[tilespmem:s28+$0x68A0] =	vst v3  }
0x47d: {  	v62 =	vsub.f32 v24, v5;
	v63 =	vld [tilespmem:$0x1F830]  }
0x47e: {  	v24 =	vsub.f32 v25, v18;
	v2 =	vadd.f32 v2, v60;
	v25 =	vld [tilespmem:$0x1F8B0]  }
0x47f: {  	[tilespmem:s26+$0x68B0] =	vst v35;
	v4 =	vmul.f32 s16, v62;
	v36 =	vld [tilespmem:$0x1F8B0]  }
0x480: {  	v44 =	vld [tilespmem:$0x1F840];
	[tilespmem:s28+$0x6950] =	vst v2;
	v19 =	vmul.f32 s1, v24  }
0x481: {  	v37 =	vld [tilespmem:$0x1F860];
	v3 =	vmul.f32 v4, v61  }
0x482: {  	v1 =	vsub.f32 v1, v16;
	v46 =	vld [tilespmem:$0x1F8C0];
	v17 =	vmul.f32 v19, v63  }
0x483: {  	[tilespmem:s26+$0x6830] =	vst v42;
	v42 =	vld [tilespmem:$0x1F8E0];
	v3 =	vadd.f32 v3, v25  }
0x484: {  	v1 =	vmul.f32 s2, v1;
	v43 =	vld [tilespmem:$0x1F840];
	v2 =	vadd.f32 v17, v36  }
0x485: {  	v45 =	vld [tilespmem:$0x1F8C0];
	v14 =	vmul.f32 v14, v44;
	[tilespmem:s28+$0x6830] =	vst v3  }
0x486: {  	v1 =	vmul.f32 v1, v37;
	v47 =	vld [tilespmem:$0x1F840];
	[tilespmem:s28+$0x68B0] =	vst v2  }
0x487: {  	v14 =	vadd.f32 v14, v46;
	v48 =	vsub.f32 v29, v5;
	v49 =	vld [tilespmem:$0x1F840]  }
0x488: {  	v50 =	vsub.f32 v26, v18;
	v1 =	vadd.f32 v1, v42;
	v51 =	vld [tilespmem:$0x1F8C0]  }
0x489: {  	[tilespmem:s26+$0x68C0] =	vst v14;
	v4 =	vmul.f32 v15, v43;
	v3 =	vmul.f32 s16, v48;
	v53 =	vld [tilespmem:$0x1F8C0]  }
0x48a: {  	v14 =	vld [tilespmem:$0x1F850];
	v54 =	vmul.f32 s1, v50;
	[tilespmem:s28+$0x6960] =	vst v1  }
0x48b: {  	v55 =	vld [tilespmem:$0x1F870];
	v52 =	vadd.f32 v4, v45;
	v56 =	vmul.f32 v3, v47  }
0x48c: {  	v61 =	vld [tilespmem:$0x1F8D0];
	v58 =	vmul.f32 v54, v49  }
0x48d: {  	[tilespmem:s26+$0x6840] =	vst v52;
	v17 =	vld [tilespmem:$0x1F8F0];
	v1 =	vadd.f32 v56, v51  }
0x48e: {  	v57 =	vld [tilespmem:$0x1F850];
	v3 =	vadd.f32 v58, v53  }
0x48f: {  	v60 =	vmul.f32 v8, v41;
	v59 =	vld [tilespmem:$0x1F8D0];
	[tilespmem:s28+$0x6840] =	vst v1  }
0x490: {  	v63 =	vld [tilespmem:$0x1F850];
	[tilespmem:s28+$0x68C0] =	vst v3  }
0x491: {  	v22 =	vsub.f32 v23, v5;
	v13 =	vmul.f32 v13, v14;
	v4 =	vadd.f32 v60, v40;
	v23 =	vld [tilespmem:$0x1F850]  }
0x492: {  	v62 =	vmul.f32 v9, v38;
	v24 =	vsub.f32 v30, v18;
	v25 =	vld [tilespmem:$0x1F8D0]  }
0x493: {  	v26 =	vmul.f32 s16, v22;
	[tilespmem:s15+$0x6860] =	vst v4;
	v8 =	vadd.f32 v13, v61;
	v2 =	vmul.f32 v12, v57;
	v29 =	vld [tilespmem:$0x1F8D0]  }
0x494: {  	v30 =	vmul.f32 s1, v24;
	v35 =	vld [tilespmem:$0x1F870];
	v1 =	vadd.f32 v62, v39  }
0x495: {  	v48 =	vld [tilespmem:$0x1F8F0];
	[tilespmem:s26+$0x68D0] =	vst v8;
	v2 =	vadd.f32 v2, v59;
	v37 =	vmul.f32 v26, v63  }
0x496: {  	v39 =	vld [tilespmem:$0x1F860];
	[tilespmem:s15+$0x68E0] =	vst v1;
	v1 =	vmul.f32 v30, v23  }
0x497: {  	v41 =	vld [tilespmem:$0x1F8E0];
	[tilespmem:s26+$0x6850] =	vst v2;
	v2 =	vadd.f32 v37, v25  }
0x498: {  	v38 =	vld [tilespmem:$0x1F860];
	v1 =	vadd.f32 v1, v29  }
0x499: {  	v40 =	vld [tilespmem:$0x1F8E0];
	[tilespmem:s28+$0x6850] =	vst v2  }
0x49a: {  	v42 =	vld [tilespmem:$0x1F860];
	[tilespmem:s28+$0x68D0] =	vst v1  }
0x49b: {  	v43 =	vsub.f32 v28, v5;
	v4 =	vmul.f32 v34, v39;
	v44 =	vld [tilespmem:$0x1F860]  }
0x49c: {  	v45 =	vsub.f32 v31, v18;
	v46 =	vld [tilespmem:$0x1F8E0]  }
0x49d: {  	v3 =	vmul.f32 v33, v38;
	v4 =	vadd.f32 v4, v41;
	v2 =	vmul.f32 s16, v43;
	v47 =	vld [tilespmem:$0x1F8E0]  }
0x49e: {  	v14 =	vmul.f32 s1, v45;
	v36 =	vld [tilespmem:$0x1F870]  }
0x49f: {  	v49 =	vld [tilespmem:$0x1F8F0];
	v3 =	vadd.f32 v3, v40;
	[tilespmem:s26+$0x68E0] =	vst v4;
	v1 =	vmul.f32 v2, v42  }
0x4a0: {  	v0 =	vsub.f32 v0, v16;
	v4 =	vld [tilespmem:$0x1F870];
	v51 =	vmul.f32 v14, v44  }
0x4a1: {  	[tilespmem:s26+$0x6860] =	vst v3;
	v53 =	vld [tilespmem:$0x1F8F0];
	v1 =	vadd.f32 v1, v46  }
0x4a2: {  	v0 =	vmul.f32 s2, v0;
	v50 =	vld [tilespmem:$0x1F870];
	v3 =	vadd.f32 v51, v47  }
0x4a3: {  	v52 =	vld [tilespmem:$0x1F8F0];
	[tilespmem:s28+$0x6860] =	vst v1  }
0x4a4: {  	v0 =	vmul.f32 v0, v55;
	v1 =	vld [tilespmem:$0x1F870];
	[tilespmem:s28+$0x68E0] =	vst v3  }
0x4a5: {  	v55 =	vmul.f32 v6, v35;
	v54 =	vsub.f32 v27, v5;
	v56 =	vld [tilespmem:$0x1F870]  }
0x4a6: {  	v57 =	vsub.f32 v32, v18;
	v0 =	vadd.f32 v0, v17;
	v7 =	vmul.f32 v7, v36;
	v58 =	vld [tilespmem:$0x1F8F0]  }
0x4a7: {  	v5 =	vadd.f32 v55, v48;
	v4 =	vmul.f32 v11, v4;
	v3 =	vmul.f32 s16, v54;
	v59 =	vld [tilespmem:$0x1F8F0]  }
0x4a8: {  	[tilespmem:s28+$0x6970] =	vst v0;
	v60 =	vadd.f32 v7, v49;
	v2 =	vmul.f32 v10, v50;
	v14 =	vmul.f32 s1, v57  }
0x4a9: {  	[tilespmem:s15+$0x6870] =	vst v5;
	v61 =	vadd.f32 v4, v53;
	v1 =	vmul.f32 v3, v1  }
0x4aa: {  	[tilespmem:s15+$0x68F0] =	vst v60;
	v2 =	vadd.f32 v2, v52;
	v62 =	vmul.f32 v14, v56  }
0x4ab: {  	[tilespmem:s26+$0x68F0] =	vst v61;
	v1 =	vadd.f32 v1, v58  }
0x4ac: {  	[tilespmem:s26+$0x6870] =	vst v2;
	v63 =	vadd.f32 v62, v59  }
0x4ad: {  	[tilespmem:s28+$0x6870] =	vst v1  }
0x4ae: {  	s29 =	simm.s32 $0x6800;
	[tilespmem:s28+$0x68F0] =	vst v63  }
.LBB2_11:
0x4af: {  	s1 =	sshra.s32 s22, $0x2  }
0x4b0: {  	v0 =	vld [tilespmem:s1+$0xCB00]  }
0x4b1: {  	v1 =	vld [tilespmem:s1+$0x1F700]  }
0x4b2: {  	v2 =	vld [tilespmem:s1+$0xCB10]  }
0x4b3: {  	v3 =	vld [tilespmem:s1+$0x1F710]  }
0x4b4: {  	v4 =	vld [tilespmem:s1+$0xCB20]  }
0x4b5: {  	v5 =	vld [tilespmem:s1+$0x1F720]  }
0x4b6: {  	v6 =	vld [tilespmem:s1+$0xCB30]  }
0x4b7: {  	v7 =	vld [tilespmem:s1+$0x1F730]  }
0x4b8: {  	v34 =	vld [tilespmem:s1+$0xCB40];
	v0 =	vadd.f32 v1, v0;
	v33 =	vadd.f32 v3, v2  }
0x4b9: {  	v35 =	vld [tilespmem:s1+$0x1F740]  }
0x4ba: {  	v36 =	vld [tilespmem:s1+$0xCB50];
	v4 =	vadd.f32 v5, v4;
	v8 =	vmul.f32 v0, v0;
	v9 =	vmul.f32 v33, v33  }
0x4bb: {  	v10 =	vld [tilespmem:s1+$0x1F750];
	v11 =	vadd.f32 v33, v0  }
0x4bc: {  	v37 =	vld [tilespmem:s1+$0xCB60];
	v6 =	vadd.f32 v7, v6;
	v38 =	vmul.f32 v4, v4;
	v8 =	vadd.f32 v9, v8  }
0x4bd: {  	v12 =	vld [tilespmem:s1+$0x1F760];
	v11 =	vadd.f32 v4, v11  }
0x4be: {  	v39 =	vld [tilespmem:s1+$0xCB70];
	v2 =	vadd.f32 v35, v34;
	v40 =	vmul.f32 v6, v6;
	v8 =	vadd.f32 v38, v8  }
0x4bf: {  	v13 =	vld [tilespmem:s1+$0x1F770];
	v11 =	vadd.f32 v6, v11  }
0x4c0: {  	v5 =	vadd.f32 v10, v36;
	v41 =	vmul.f32 v2, v2;
	v8 =	vadd.f32 v40, v8  }
0x4c1: {  	v42 =	vadd.f32 v2, v11  }
0x4c2: {  	v7 =	vadd.f32 v12, v37;
	v43 =	vmul.f32 v5, v5;
	v8 =	vadd.f32 v41, v8  }
0x4c3: {  	v10 =	vadd.f32 v5, v42  }
0x4c4: {  	v3 =	vadd.f32 v13, v39;
	v44 =	vmul.f32 v7, v7;
	v8 =	vadd.f32 v43, v8  }
0x4c5: {  	v10 =	vadd.f32 v7, v10  }
0x4c6: {  	v45 =	vmul.f32 v3, v3;
	v8 =	vadd.f32 v44, v8  }
0x4c7: {  	v10 =	vadd.f32 v3, v10  }
0x4c8: {  	v8 =	vadd.f32 v45, v8  }
0x4c9: {  	(xrf2) =	vadd.scan.msk.f32 $0xffff, v10  }
0x4ca: {  	(xrf2) =	vadd.scan.msk.f32 $0xffff, v8;
	_ =	sdelay $0x8  }
0x4cb: {  	v46, _, _ =	vpop (xrf2)  }
0x4cc: {  	(v2sf) =	vpush v46, $0xF;
	v47, _, _ =	vpop (xrf2)  }
0x4cd: {  	(v2sf) =	vpush v47, $0xF;
	_ =	sdelay $0xd  }
0x4ce: {  	s2 =	spop (v2sf)  }
0x4cf: {  	s2 =	smul.f32 $7.812500000e-03, s2;
	s3 =	spop (v2sf)  }
0x4d0: {  	s3 =	smul.f32 $7.812500000e-03, s3  }
0x4d1: {  	s5 =	smul.f32 s2, s2;
	_ =	sdelay $0x1  }
0x4d2: {  	s3 =	ssub.f32 s3, s5;
	_ =	sdelay $0x1  }
0x4d3: {  	s3 =	sadd.f32 $9.999999960e-13, s3;
	_ =	sdelay $0x1  }
0x4d4: {  	s26 =	sshra.s32 s3, $0x1;
	s3 =	smul.f32 $5.000000000e-01, s3  }
0x4d5: {  	s5 =	ssub.s32 $0x5F3759DF, s26  }
0x4d6: {  	s8 =	smul.f32 s5, s3;
	_ =	sdelay $0x1  }
0x4d7: {  	s8 =	smul.f32 s5, s8;
	_ =	sdelay $0x1  }
0x4d8: {  	s8 =	ssub.f32 $1.500000000e+00, s8;
	_ =	sdelay $0x1  }
0x4d9: {  	s5 =	smul.f32 s5, s8;
	_ =	sdelay $0x1  }
0x4da: {  	s3 =	smul.f32 s5, s3;
	_ =	sdelay $0x1  }
0x4db: {  	s3 =	smul.f32 s3, s5;
	_ =	sdelay $0x1  }
0x4dc: {  	s3 =	ssub.f32 $1.500000000e+00, s3  }
0x4dd: {  	v49 =	vld [tilespmem:$0x1F800];
	v48 =	vmov s2  }
0x4de: {  	v0 =	vsub.f32 v0, v48;
	s28 =	smul.f32 s3, s5  }
0x4df: {  	v50 =	vld [tilespmem:$0x1F880]  }
0x4e0: {  	v0 =	vmul.f32 s28, v0;
	_ =	sdelay $0x1  }
0x4e1: {  	v0 =	vmul.f32 v0, v49;
	_ =	sdelay $0x1  }
0x4e2: {  	v0 =	vadd.f32 v0, v50;
	_ =	sdelay $0x1  }
0x4e3: {  	[tilespmem:s1+$0xCB00] =	vst v0  }
0x4e4: {  	v0 =	vld [tilespmem:$0x1F810]  }
0x4e5: {  	v1 =	vsub.f32 v33, v48  }
0x4e6: {  	v51 =	vld [tilespmem:$0x1F890]  }
0x4e7: {  	v1 =	vmul.f32 s28, v1;
	_ =	sdelay $0x1  }
0x4e8: {  	v0 =	vmul.f32 v1, v0;
	_ =	sdelay $0x1  }
0x4e9: {  	v0 =	vadd.f32 v0, v51;
	_ =	sdelay $0x1  }
0x4ea: {  	[tilespmem:s1+$0xCB10] =	vst v0  }
0x4eb: {  	v0 =	vld [tilespmem:$0x1F820]  }
0x4ec: {  	v52 =	vsub.f32 v4, v48  }
0x4ed: {  	v53 =	vld [tilespmem:$0x1F8A0]  }
0x4ee: {  	v1 =	vmul.f32 s28, v52;
	_ =	sdelay $0x1  }
0x4ef: {  	v0 =	vmul.f32 v1, v0;
	_ =	sdelay $0x1  }
0x4f0: {  	v0 =	vadd.f32 v0, v53;
	_ =	sdelay $0x1  }
0x4f1: {  	[tilespmem:s1+$0xCB20] =	vst v0  }
0x4f2: {  	v0 =	vld [tilespmem:$0x1F830]  }
0x4f3: {  	v54 =	vsub.f32 v6, v48  }
0x4f4: {  	v55 =	vld [tilespmem:$0x1F8B0]  }
0x4f5: {  	v1 =	vmul.f32 s28, v54;
	_ =	sdelay $0x1  }
0x4f6: {  	v0 =	vmul.f32 v1, v0;
	_ =	sdelay $0x1  }
0x4f7: {  	v0 =	vadd.f32 v0, v55;
	_ =	sdelay $0x1  }
0x4f8: {  	[tilespmem:s1+$0xCB30] =	vst v0  }
0x4f9: {  	v0 =	vld [tilespmem:$0x1F840]  }
0x4fa: {  	v56 =	vsub.f32 v2, v48  }
0x4fb: {  	v57 =	vld [tilespmem:$0x1F8C0]  }
0x4fc: {  	v1 =	vmul.f32 s28, v56;
	_ =	sdelay $0x1  }
0x4fd: {  	v0 =	vmul.f32 v1, v0;
	_ =	sdelay $0x1  }
0x4fe: {  	v0 =	vadd.f32 v0, v57;
	_ =	sdelay $0x1  }
0x4ff: {  	[tilespmem:s1+$0xCB40] =	vst v0  }
0x500: {  	v0 =	vld [tilespmem:$0x1F850]  }
0x501: {  	v58 =	vsub.f32 v5, v48  }
0x502: {  	v59 =	vld [tilespmem:$0x1F8D0]  }
0x503: {  	v1 =	vmul.f32 s28, v58;
	_ =	sdelay $0x1  }
0x504: {  	v0 =	vmul.f32 v1, v0;
	_ =	sdelay $0x1  }
0x505: {  	v0 =	vadd.f32 v0, v59;
	_ =	sdelay $0x1  }
0x506: {  	[tilespmem:s1+$0xCB50] =	vst v0  }
0x507: {  	v0 =	vld [tilespmem:$0x1F860]  }
0x508: {  	v60 =	vsub.f32 v7, v48  }
0x509: {  	v61 =	vld [tilespmem:$0x1F8E0]  }
0x50a: {  	v1 =	vmul.f32 s28, v60;
	_ =	sdelay $0x1  }
0x50b: {  	v0 =	vmul.f32 v1, v0;
	_ =	sdelay $0x1  }
0x50c: {  	v0 =	vadd.f32 v0, v61;
	_ =	sdelay $0x1  }
0x50d: {  	[tilespmem:s1+$0xCB60] =	vst v0  }
0x50e: {  	v0 =	vld [tilespmem:$0x1F870]  }
0x50f: {  	v62 =	vsub.f32 v3, v48  }
0x510: {  	v63 =	vld [tilespmem:$0x1F8F0]  }
0x511: {  	v1 =	vmul.f32 s28, v62  }
0x512: {  	p1 =	sne.s32 s22, $0x200  }
.Ltmp4:
0x513: {  	v0 =	vmul.f32 v1, v0;
	(pc) =	sbr.rel @p1 .LBB2_11-.Ltmp4, $3  }
0x514: {  	_ = 	snop  }
0x515: {  	v0 =	vadd.f32 v0, v63;
	_ =	sdelay $0x1  }
0x516: {  	s22 =	sadd.s32 $0x200, s22;
	[tilespmem:s1+$0xCB70] =	vst v0  }
0x517: {  	s1 =	smul.u32 $0xC80, s13;
	_ =	sdelay $0x1  }
0x518: {  	s1 =	sadd.s32 s7, s1  }
0x519: {  	[hbm4b:s1+s9] =	stream.linear.scatter [tilespmem:s29], [sflag:$0x6], $0x6400, $0x38;
	[tilespmem:$0x1F980] =	vst v63  }
0x51a: {  	s1 =	simm.s32 @!p0 $0x8  }
0x51b: {  	_ =	swait.ge @!p0 [sflag:s1], $0x6400  }
0x51c: {  	[sflag:s1] =	ssyncset.done @!p0 $0x0  }
0x51d: {  	[sflag:s1] =	ssyncadd.s32 @!p0 $0xFFFF9C00  }
0x51e: {  	_ =	swait.ge [sflag:s6], $0x100  }
0x51f: {  	s26 =	simm.s32 $0x300;
	s2 =	simm.s32 $0x13000;
	[sflag:s6] =	ssyncset.done $0x0  }
0x520: {  	s13 =	sor.u32 $0x2, s11;
	p0 =	seq.s32 s10, $0x7;
	[sflag:s6] =	ssyncadd.s32 $0xFFFFFF00  }
0x521: {  	[tilespmem:s2], [sflag:$0x4] =	stream.indirect.gather [hbm4b:s0+s19], $0x80, s26, s19, $0xb8;
	[tilespmem:$0x1F980] =	vst v63  }
0x522: {  	s3 =	simm.s32 $0x16200;
	s1 =	sshll.u32 @!p0 s13, $0x5;
	s2 =	simm.s32 $0x380  }
0x523: {  	[tilespmem:s3], [sflag:$0x4] =	stream.indirect.gather [hbm4b:s0+s19], $0x80, s2, s19, $0xb8;
	[tilespmem:$0x1F980] =	vst v63  }
0x524: {  	s1 =	sadd.s32 @!p0 s1, s12;
	s2 =	simm.s32 @!p0 $0x0  }
0x525: {  	[tilespmem:s2], [sflag:$0x9] =	stream.linear.gather @!p0 [hbm4b:s1+s2], $0x100, $0x38;
	[tilespmem:$0x1F980] =	vst v63  }
0x526: {  	_ =	swait.ge [sflag:s18], $0x6400  }
0x527: {  	[sflag:s18] =	ssyncset.done $0x0  }
0x528: {  	s22 =	simm.s32 $0x0;
	[sflag:s18] =	ssyncadd.s32 $0xFFFF9C00  }
0x529: {  	v0 =	vld [tilespmem:s22+$0xCD00]  }
0x52a: {  	v1 =	vld [tilespmem:s22+$0x19500]  }
0x52b: {  	v3 =	vld [tilespmem:s22+$0xCD10]  }
0x52c: {  	v4 =	vld [tilespmem:s22+$0x19510]  }
0x52d: {  	v5 =	vld [tilespmem:s22+$0xCD20]  }
0x52e: {  	v6 =	vld [tilespmem:s22+$0x19520]  }
0x52f: {  	v7 =	vld [tilespmem:s22+$0xCD30]  }
0x530: {  	v8 =	vld [tilespmem:s22+$0x19530]  }
0x531: {  	v2 =	vadd.f32 v1, v0;
	v1 =	vadd.f32 v4, v3;
	v0 =	vld [tilespmem:s22+$0xCD40]  }
0x532: {  	v3 =	vld [tilespmem:s22+$0x19540]  }
0x533: {  	v11 =	vld [tilespmem:s22+$0x19550];
	v10 =	vadd.f32 v6, v5;
	v5 =	vmul.f32 v2, v2;
	v6 =	vmul.f32 v1, v1  }
0x534: {  	v4 =	vld [tilespmem:s22+$0xCD50];
	v9 =	vadd.f32 v1, v2  }
0x535: {  	v12 =	vld [tilespmem:s22+$0x19560];
	v26 =	vadd.f32 v8, v7;
	v8 =	vmul.f32 v10, v10;
	v6 =	vadd.f32 v6, v5  }
0x536: {  	v7 =	vld [tilespmem:s22+$0xCD60];
	v9 =	vadd.f32 v10, v9  }
0x537: {  	v13 =	vld [tilespmem:s22+$0xCD70];
	v5 =	vadd.f32 v3, v0;
	v3 =	vmul.f32 v26, v26;
	v0 =	vadd.f32 v8, v6  }
0x538: {  	v6 =	vadd.f32 v26, v9;
	v8 =	vld [tilespmem:s22+$0x19570]  }
0x539: {  	v4 =	vadd.f32 v11, v4;
	v9 =	vmul.f32 v5, v5;
	v3 =	vadd.f32 v3, v0  }
0x53a: {  	v6 =	vadd.f32 v5, v6  }
0x53b: {  	v0 =	vadd.f32 v12, v7;
	v7 =	vmul.f32 v4, v4;
	v3 =	vadd.f32 v9, v3  }
0x53c: {  	v9 =	vadd.f32 v4, v6  }
0x53d: {  	v6 =	vadd.f32 v8, v13;
	v3 =	vadd.f32 v7, v3;
	v7 =	vmul.f32 v0, v0  }
0x53e: {  	v8 =	vadd.f32 v0, v9  }
0x53f: {  	v3 =	vadd.f32 v7, v3;
	v7 =	vmul.f32 v6, v6  }
0x540: {  	v8 =	vadd.f32 v6, v8  }
0x541: {  	v3 =	vadd.f32 v7, v3  }
0x542: {  	(xrf2) =	vadd.scan.msk.f32 $0xffff, v8  }
0x543: {  	(xrf2) =	vadd.scan.msk.f32 $0xffff, v3;
	_ =	sdelay $0x8  }
0x544: {  	v3, _, _ =	vpop (xrf2)  }
0x545: {  	(v2sf) =	vpush v3, $0xF;
	v3, _, _ =	vpop (xrf2)  }
0x546: {  	(v2sf) =	vpush v3, $0xF;
	_ =	sdelay $0x2  }
0x547: {  	v14 =	vld [tilespmem:s22+$0x19490]  }
0x548: {  	v15 =	vld [tilespmem:s22+$0xCC20]  }
0x549: {  	v16 =	vld [tilespmem:s22+$0x19420]  }
0x54a: {  	v17 =	vld [tilespmem:s22+$0xCCA0]  }
0x54b: {  	v18 =	vld [tilespmem:s22+$0x194A0]  }
0x54c: {  	v19 =	vld [tilespmem:s22+$0xCC30]  }
0x54d: {  	v11 =	vld [tilespmem:s22+$0xCC80]  }
0x54e: {  	v12 =	vld [tilespmem:s22+$0x19480]  }
0x54f: {  	v13 =	vld [tilespmem:s22+$0xCC90]  }
0x550: {  	v9 =	vld [tilespmem:s22+$0x19410]  }
0x551: {  	v7 =	vld [tilespmem:s22+$0x19400]  }
0x552: {  	v8 =	vld [tilespmem:s22+$0xCC10];
	s5 =	spop (v2sf)  }
0x553: {  	v3 =	vld [tilespmem:s22+$0xCC00];
	s1 =	smul.f32 $7.812500000e-03, s5;
	s8 =	spop (v2sf)  }
0x554: {  	v20 =	vld [tilespmem:s22+$0x19430];
	s2 =	smul.f32 $7.812500000e-03, s8  }
0x555: {  	v23 =	vld [tilespmem:s22+$0xCCB0];
	s3 =	smul.f32 s1, s1  }
0x556: {  	v28 =	vld [tilespmem:s22+$0x194B0]  }
0x557: {  	v30 =	vld [tilespmem:s22+$0xCC50];
	v22 =	vadd.f32 v12, v11;
	v21 =	vadd.f32 v14, v13;
	s2 =	ssub.f32 s2, s3  }
0x558: {  	v32 =	vld [tilespmem:s22+$0xCCE0];
	v24 =	vadd.f32 v9, v8;
	v25 =	vadd.f32 v7, v3  }
0x559: {  	v27 =	vadd.f32 v16, v15;
	v15 =	vld [tilespmem:s22+$0x194C0];
	v13 =	vmul.f32 v22, v22;
	v14 =	vmul.f32 v21, v21;
	s2 =	sadd.f32 $9.999999960e-13, s2  }
0x55a: {  	v29 =	vadd.f32 v18, v17;
	v9 =	vld [tilespmem:s22+$0x19440];
	v11 =	vmul.f32 v24, v24;
	v7 =	vmul.f32 v25, v25  }
0x55b: {  	v16 =	vadd.f32 v21, v22;
	v3 =	vld [tilespmem:s22+$0xCC40];
	v8 =	vadd.f32 v24, v25;
	s15 =	sshra.s32 s2, $0x1;
	s2 =	smul.f32 $5.000000000e-01, s2  }
0x55c: {  	v12 =	vld [tilespmem:s22+$0xCCC0];
	v13 =	vadd.f32 v14, v13;
	v14 =	vmul.f32 v27, v27;
	v11 =	vadd.f32 v11, v7;
	s3 =	ssub.s32 $0x5F3759DF, s15  }
0x55d: {  	v33 =	vld [tilespmem:s22+$0xCC70];
	v8 =	vadd.f32 v27, v8;
	v7 =	vadd.f32 v20, v19;
	s5 =	smul.f32 s3, s2  }
0x55e: {  	v17 =	vld [tilespmem:s22+$0x19450];
	v16 =	vadd.f32 v29, v16;
	v19 =	vmul.f32 v29, v29;
	v11 =	vadd.f32 v14, v11  }
0x55f: {  	v18 =	vld [tilespmem:s22+$0xCCD0];
	v20 =	vadd.f32 v7, v8;
	v31 =	vmul.f32 v7, v7;
	v8 =	vadd.f32 v28, v23;
	s5 =	smul.f32 s3, s5  }
0x560: {  	v9 =	vadd.f32 v9, v3;
	v14 =	vld [tilespmem:s22+$0x194D0];
	v13 =	vadd.f32 v19, v13  }
0x561: {  	v34 =	vld [tilespmem:s22+$0x19470];
	v19 =	vadd.f32 v31, v11;
	v28 =	vmul.f32 v8, v8;
	v11 =	vadd.f32 v15, v12;
	s5 =	ssub.f32 $1.500000000e+00, s5  }
0x562: {  	v3 =	vld [tilespmem:s22+$0x19460];
	v15 =	vadd.f32 v8, v16;
	v16 =	vmul.f32 v9, v9  }
0x563: {  	v23 =	vld [tilespmem:s22+$0xCC60];
	v12 =	vadd.f32 v17, v30;
	v13 =	vadd.f32 v28, v13;
	v28 =	vmul.f32 v11, v11;
	s3 =	smul.f32 s3, s5  }
0x564: {  	v17 =	vld [tilespmem:s22+$0x194E0];
	v20 =	vadd.f32 v9, v20;
	v16 =	vadd.f32 v16, v19  }
0x565: {  	v35 =	vld [tilespmem:s22+$0xCCF0];
	v19 =	vmul.f32 v12, v12;
	v28 =	vadd.f32 v28, v13;
	v13 =	vadd.f32 v14, v18;
	s2 =	smul.f32 s3, s2  }
0x566: {  	v15 =	vadd.f32 v11, v15;
	v14 =	vadd.f32 v12, v20;
	v20 =	vld [tilespmem:s22+$0x194F0];
	v18 =	vmov s1  }
0x567: {  	v19 =	vadd.f32 v19, v16;
	v2 =	vsub.f32 v2, v18;
	v16 =	vmul.f32 v13, v13;
	s2 =	smul.f32 s2, s3  }
0x568: {  	v36 =	vadd.f32 v13, v15;
	v15 =	vadd.f32 v3, v23  }
0x569: {  	v3 =	vadd.f32 v16, v28;
	v16 =	vadd.f32 v17, v32;
	s2 =	ssub.f32 $1.500000000e+00, s2  }
0x56a: {  	v31 =	vld [tilespmem:$0x1F800];
	v23 =	vadd.f32 v15, v14;
	v14 =	vadd.f32 v34, v33  }
0x56b: {  	v17 =	vadd.f32 v20, v35;
	v32 =	vadd.f32 v16, v36;
	s2 =	smul.f32 s2, s3  }
0x56c: {  	v30 =	vld [tilespmem:$0x1F880];
	v23 =	vadd.f32 v14, v23  }
0x56d: {  	v28 =	vmul.f32 v15, v15;
	s15 =	simm.s32 $0x180;
	v32 =	vadd.f32 v17, v32;
	v2 =	vmul.f32 s2, v2  }
0x56e: {  	v20 =	vmul.f32 v16, v16;
	v53 =	vld [tilespmem:s15+$0x19510];
	(xrf2) =	vadd.scan.msk.f32 $0xffff, v23  }
0x56f: {  	v19 =	vadd.f32 v28, v19;
	v28 =	vmul.f32 v14, v14;
	v54 =	vld [tilespmem:s15+$0xCD20];
	(xrf2) =	vadd.scan.msk.f32 $0xffff, v32;
	v2 =	vmul.f32 v2, v31  }
0x570: {  	v55 =	vld [tilespmem:s15+$0x19520];
	v3 =	vadd.f32 v20, v3  }
0x571: {  	v56 =	vld [tilespmem:s15+$0xCD30];
	v19 =	vadd.f32 v28, v19;
	v20 =	vmul.f32 v17, v17;
	v2 =	vadd.f32 v2, v30  }
0x572: {  	v57 =	vld [tilespmem:s15+$0x19530]  }
0x573: {  	v23 =	vld [tilespmem:s15+$0xCD10];
	(xrf2) =	vadd.scan.msk.f32 $0xffff, v19;
	[tilespmem:s22+$0xCD00] =	vst v2;
	v2 =	vadd.f32 v20, v3  }
0x574: {  	v3 =	vld [tilespmem:s15+$0x19500]  }
0x575: {  	v19 =	vld [tilespmem:$0x1F810];
	(xrf2) =	vadd.scan.msk.f32 $0xffff, v2  }
0x576: {  	v1 =	vsub.f32 v1, v18;
	v2 =	vld [tilespmem:s15+$0xCD00]  }
0x577: {  	v20 =	vld [tilespmem:$0x1F890]  }
0x578: {  	v58 =	vld [tilespmem:s15+$0x19540];
	v28, _, _ =	vpop (xrf2);
	v1 =	vmul.f32 s2, v1  }
0x579: {  	v60 =	vld [tilespmem:s15+$0xCD50];
	(v2sf) =	vpush v28, $0xF;
	v28, _, _ =	vpop (xrf2)  }
0x57a: {  	v10 =	vsub.f32 v10, v18;
	v39 =	vld [tilespmem:s15+$0x19550];
	(v2sf) =	vpush v28, $0xF;
	v19 =	vmul.f32 v1, v19  }
0x57b: {  	v28 =	vadd.f32 v3, v2;
	v3 =	vadd.f32 v53, v23;
	v23 =	vld [tilespmem:s15+$0xCD40]  }
0x57c: {  	v63 =	vld [tilespmem:s15+$0xCD60];
	v2 =	vadd.f32 v55, v54;
	v19 =	vadd.f32 v19, v20  }
0x57d: {  	v45 =	vld [tilespmem:s15+$0x19560];
	v37, _, _ =	vpop (xrf2);
	v61 =	vmul.f32 v28, v28;
	v38 =	vmul.f32 v3, v3;
	v62 =	vadd.f32 v3, v28  }
0x57e: {  	v40 =	vld [tilespmem:s15+$0xCD70];
	(v2sf) =	vpush v37, $0xF;
	v1 =	vadd.f32 v57, v56;
	[tilespmem:s22+$0xCD10] =	vst v19  }
0x57f: {  	v44 =	vmul.f32 v2, v2;
	v34 =	vadd.f32 v38, v61;
	v37 =	vadd.f32 v2, v62;
	v49 =	vld [tilespmem:$0x1F820];
	v59, _, _ =	vpop (xrf2)  }
0x580: {  	v48 =	vld [tilespmem:s15+$0x19570];
	v20 =	vadd.f32 v58, v23;
	(v2sf) =	vpush v59, $0xF  }
0x581: {  	v46 =	vmul.f32 v1, v1;
	v51 =	vld [tilespmem:$0x1F8A0];
	v23 =	vadd.f32 v44, v34;
	v47 =	vadd.f32 v1, v37  }
0x582: {  	v53 =	vmul.f32 s2, v10;
	v19 =	vadd.f32 v39, v60  }
0x583: {  	v50 =	vmul.f32 v20, v20;
	v32 =	vadd.f32 v46, v23;
	v34 =	vadd.f32 v20, v47  }
0x584: {  	v23 =	vadd.f32 v45, v63;
	v35 =	vmul.f32 v53, v49  }
0x585: {  	v52 =	vmul.f32 v19, v19;
	v32 =	vadd.f32 v50, v32;
	v34 =	vadd.f32 v19, v34  }
0x586: {  	v10 =	vadd.f32 v48, v40;
	v35 =	vadd.f32 v35, v51  }
0x587: {  	v54 =	vmul.f32 v23, v23;
	v32 =	vadd.f32 v52, v32;
	v34 =	vadd.f32 v23, v34  }
0x588: {  	[tilespmem:$0x1FFC0] =	vst v10  }
0x589: {  	v55 =	vmul.f32 v10, v10;
	[tilespmem:s22+$0xCD20] =	vst v35;
	v32 =	vadd.f32 v54, v32;
	v34 =	vadd.f32 v10, v34  }
0x58a: {  	s16 =	spop (v2sf);
	v56 =	vld [tilespmem:$0x1F830]  }
0x58b: {  	v26 =	vsub.f32 v26, v18;
	s16 =	smul.f32 $7.812500000e-03, s16;
	s17 =	spop (v2sf);
	v32 =	vadd.f32 v55, v32;
	(xrf2) =	vadd.scan.msk.f32 $0xffff, v34  }
0x58c: {  	s1 =	smul.f32 $7.812500000e-03, s17;
	v57 =	vld [tilespmem:$0x1F8B0]  }
0x58d: {  	v26 =	vmul.f32 s2, v26;
	s20 =	smul.f32 s16, s16;
	s8 =	spop (v2sf);
	(xrf2) =	vadd.scan.msk.f32 $0xffff, v32  }
0x58e: {  	s8 =	smul.f32 $7.812500000e-03, s8  }
0x58f: {  	s23 =	smul.f32 s1, s1;
	v58 =	vld [tilespmem:s15+$0x19400];
	v26 =	vmul.f32 v26, v56  }
0x590: {  	s3 =	ssub.f32 s8, s20;
	v60 =	vld [tilespmem:s15+$0x19410];
	s17 =	spop (v2sf)  }
0x591: {  	v61 =	vld [tilespmem:s15+$0xCC80];
	v26 =	vadd.f32 v26, v57;
	s17 =	smul.f32 $7.812500000e-03, s17  }
0x592: {  	v62 =	vld [tilespmem:s15+$0x19480];
	s3 =	sadd.f32 $9.999999960e-13, s3  }
0x593: {  	v41 =	vld [tilespmem:s15+$0xCC20];
	s5 =	ssub.f32 s17, s23  }
0x594: {  	v42 =	vld [tilespmem:s15+$0x19420];
	s25 =	sshra.s32 s3, $0x1;
	s3 =	smul.f32 $5.000000000e-01, s3  }
0x595: {  	v43 =	vld [tilespmem:s15+$0xCCA0];
	s8 =	ssub.s32 $0x5F3759DF, s25;
	[tilespmem:s22+$0xCD30] =	vst v26;
	s5 =	sadd.f32 $9.999999960e-13, s5;
	v26, _, _ =	vpop (xrf2)  }
0x596: {  	v39 =	vld [tilespmem:s15+$0x194A0];
	s20 =	smul.f32 s8, s3;
	(v2sf) =	vpush v26, $0xF  }
0x597: {  	v56 =	vld [tilespmem:$0x1F840];
	s26 =	sshra.s32 s5, $0x1;
	s5 =	smul.f32 $5.000000000e-01, s5;
	v26, _, _ =	vpop (xrf2)  }
0x598: {  	v5 =	vsub.f32 v5, v18;
	v48 =	vld [tilespmem:s15+$0x194B0];
	s20 =	smul.f32 s8, s20;
	s17 =	ssub.s32 $0x5F3759DF, s26;
	(v2sf) =	vpush v26, $0xF  }
0x599: {  	v26 =	vld [tilespmem:$0x1F8C0];
	s23 =	smul.f32 s17, s5  }
0x59a: {  	v5 =	vmul.f32 s2, v5;
	v36 =	vld [tilespmem:s15+$0x19440];
	s20 =	ssub.f32 $1.500000000e+00, s20  }
0x59b: {  	v44 =	vld [tilespmem:s15+$0xCC30];
	s23 =	smul.f32 s17, s23  }
0x59c: {  	v63 =	vld [tilespmem:s15+$0xCC90];
	s8 =	smul.f32 s8, s20;
	v5 =	vmul.f32 v5, v56  }
0x59d: {  	v45 =	vld [tilespmem:s15+$0x19430];
	s23 =	ssub.f32 $1.500000000e+00, s23  }
0x59e: {  	v46 =	vld [tilespmem:s15+$0xCCB0];
	s3 =	smul.f32 s8, s3;
	v5 =	vadd.f32 v5, v26  }
0x59f: {  	v34 =	vld [tilespmem:s15+$0xCC00];
	s17 =	smul.f32 s17, s23  }
0x5a0: {  	s3 =	smul.f32 s3, s8;
	v57 =	vld [tilespmem:s15+$0x19490];
	[tilespmem:s22+$0xCD40] =	vst v5  }
0x5a1: {  	v5 =	vld [tilespmem:$0x1F850];
	s5 =	smul.f32 s17, s5  }
0x5a2: {  	v4 =	vsub.f32 v4, v18;
	v0 =	vsub.f32 v0, v18;
	v40 =	vld [tilespmem:s15+$0xCC50];
	s3 =	ssub.f32 $1.500000000e+00, s3  }
0x5a3: {  	v37 =	vadd.f32 v42, v41;
	v35 =	vadd.f32 v48, v46;
	v26 =	vmov s16;
	v51 =	vld [tilespmem:$0x1F8D0];
	s5 =	smul.f32 s5, s17  }
0x5a4: {  	v4 =	vmul.f32 s2, v4;
	v59 =	vld [tilespmem:s15+$0xCC10];
	v10 =	vadd.f32 v45, v44;
	s16 =	smul.f32 s3, s8;
	v47 =	vsub.f32 v25, v26  }
0x5a5: {  	v53 =	vld [tilespmem:s15+$0xCC40];
	v49 =	vsub.f32 v24, v26;
	v50 =	vsub.f32 v27, v26;
	v27 =	vmov s1;
	s5 =	ssub.f32 $1.500000000e+00, s5;
	s20 =	spop (v2sf)  }
0x5a6: {  	v42 =	vld [tilespmem:s15+$0x194D0];
	v25 =	vadd.f32 v58, v34;
	v24 =	vadd.f32 v57, v63;
	v4 =	vmul.f32 v4, v5;
	s23 =	smul.f32 $7.812500000e-03, s20  }
0x5a7: {  	v32 =	vld [tilespmem:s15+$0xCCC0];
	v52 =	vsub.f32 v22, v27;
	v54 =	vsub.f32 v21, v27;
	s1 =	smul.f32 s5, s17;
	s25 =	spop (v2sf)  }
0x5a8: {  	v0 =	vmul.f32 s2, v0;
	v56 =	vld [tilespmem:s15+$0xCCD0];
	v21 =	vadd.f32 v62, v61;
	v4 =	vadd.f32 v4, v51;
	s3 =	smul.f32 $7.812500000e-03, s25  }
0x5a9: {  	v5 =	vsub.f32 v29, v27;
	v29 =	vmul.f32 s16, v47;
	v47 =	vld [tilespmem:s15+$0x194C0];
	s26 =	smul.f32 s23, s23;
	v61 =	vmul.f32 s1, v52  }
0x5aa: {  	v22 =	vadd.f32 v60, v59;
	v58 =	vmul.f32 v25, v25;
	v63 =	vmul.f32 v24, v24;
	v51 =	vld [tilespmem:s15+$0x19450];
	[tilespmem:s22+$0xCD50] =	vst v4  }
0x5ab: {  	v34 =	vadd.f32 v39, v43;
	v29 =	vmul.f32 v29, v31;
	s3 =	ssub.f32 s3, s26;
	v4 =	vmul.f32 v61, v31;
	v31 =	vld [tilespmem:$0x1F860];
	[tilespmem:$0x1FFB0] =	vst v10  }
0x5ac: {  	v59 =	vmul.f32 v22, v22;
	v60 =	vmul.f32 v21, v21;
	v38 =	vadd.f32 v22, v25;
	v43 =	vld [tilespmem:$0x1F8E0]  }
0x5ad: {  	v49 =	vmul.f32 s16, v49;
	v55 =	vadd.f32 v24, v21;
	v29 =	vadd.f32 v29, v30;
	s3 =	sadd.f32 $9.999999960e-13, s3;
	v45 =	vld [tilespmem:s15+$0xCC60]  }
0x5ae: {  	v62 =	vadd.f32 v59, v58;
	v60 =	vadd.f32 v63, v60;
	v61 =	vmul.f32 v34, v34;
	v46 =	vld [tilespmem:s15+$0x19460]  }
0x5af: {  	v38 =	vadd.f32 v37, v38;
	[tilespmem:s22+$0xCC00] =	vst v29;
	v57 =	vld [tilespmem:s15+$0x194E0];
	v4 =	vadd.f32 v4, v30;
	v30 =	vmul.f32 v37, v37;
	s8 =	sshra.s32 s3, $0x1;
	s3 =	smul.f32 $5.000000000e-01, s3  }
0x5b0: {  	v39 =	vadd.f32 v34, v55;
	v33 =	vmul.f32 s1, v54;
	v41 =	vadd.f32 v61, v60;
	v44 =	vld [tilespmem:$0x1F810];
	s5 =	ssub.s32 $0x5F3759DF, s8  }
0x5b1: {  	v61 =	vld [tilespmem:s15+$0xCCE0];
	v29 =	vadd.f32 v30, v62;
	v30 =	vmul.f32 v10, v10;
	[tilespmem:s22+$0xCC80] =	vst v4;
	v4 =	vadd.f32 v10, v38;
	s20 =	smul.f32 s5, s3  }
0x5b2: {  	v62 =	vmul.f32 v35, v35;
	v38 =	vadd.f32 v36, v53;
	v36 =	vadd.f32 v47, v32;
	v32 =	vld [tilespmem:$0x1F890]  }
0x5b3: {  	v63 =	vld [tilespmem:$0x1F810];
	v0 =	vmul.f32 v0, v31;
	v29 =	vadd.f32 v30, v29;
	v30 =	vadd.f32 v35, v39;
	s8 =	smul.f32 s5, s20  }
0x5b4: {  	v31 =	vld [tilespmem:s15+$0x19470];
	v41 =	vadd.f32 v62, v41;
	v53 =	vmul.f32 v38, v38;
	v4 =	vadd.f32 v38, v4  }
0x5b5: {  	v39 =	vadd.f32 v51, v40;
	v62 =	vld [tilespmem:s15+$0xCC70];
	v44 =	vmul.f32 v49, v44;
	v0 =	vadd.f32 v0, v43;
	s8 =	ssub.f32 $1.500000000e+00, s8  }
0x5b6: {  	v60 =	vmul.f32 v36, v36;
	v51 =	vld [tilespmem:s15+$0x194F0];
	v43 =	vadd.f32 v46, v45;
	v30 =	vadd.f32 v36, v30  }
0x5b7: {  	v49 =	vld [tilespmem:s15+$0xCCF0];
	v45 =	vmov s23;
	v29 =	vadd.f32 v53, v29;
	v32 =	vadd.f32 v44, v32;
	s5 =	smul.f32 s5, s8  }
0x5b8: {  	v4 =	vadd.f32 v39, v4;
	v28 =	vsub.f32 v28, v45  }
0x5b9: {  	v52 =	vld [tilespmem:$0x1F890];
	v47 =	vmul.f32 v33, v63;
	v63 =	vadd.f32 v60, v41;
	v41 =	vadd.f32 v42, v56;
	[tilespmem:s22+$0xCC10] =	vst v32;
	s3 =	smul.f32 s5, s3  }
0x5ba: {  	v54 =	vmul.f32 v39, v39;
	v44 =	vadd.f32 v57, v61;
	v4 =	vadd.f32 v43, v4;
	v58 =	vld [tilespmem:$0x1F820]  }
0x5bb: {  	v42 =	vadd.f32 v31, v62;
	v30 =	vadd.f32 v41, v30;
	s3 =	smul.f32 s3, s5  }
0x5bc: {  	v29 =	vadd.f32 v54, v29;
	v60 =	vmul.f32 v43, v43;
	v40 =	vadd.f32 v51, v49  }
0x5bd: {  	v32 =	vmul.f32 s16, v50;
	v31 =	vld [tilespmem:$0x1F8A0];
	v4 =	vadd.f32 v42, v4;
	v61 =	vadd.f32 v44, v30;
	s3 =	ssub.f32 $1.500000000e+00, s3  }
0x5be: {  	v47 =	vadd.f32 v47, v52;
	v59 =	vmul.f32 v41, v41;
	v50 =	vadd.f32 v60, v29;
	v30 =	vld [tilespmem:$0x1F800]  }
0x5bf: {  	v57 =	vmul.f32 v42, v42;
	(xrf2) =	vadd.scan.msk.f32 $0xffff, v4;
	v4 =	vmul.f32 v32, v58;
	v58 =	vadd.f32 v40, v61;
	s17 =	smul.f32 s3, s5  }
0x5c0: {  	v62 =	vmul.f32 v44, v44;
	v29 =	vld [tilespmem:$0x1F880];
	[tilespmem:s22+$0xCC90] =	vst v47;
	v48 =	vadd.f32 v59, v63  }
0x5c1: {  	s26 =	simm.s32 $0x300;
	[tilespmem:s22+$0xCD60] =	vst v0;
	v47 =	vld [tilespmem:$0x1F820];
	v0 =	vadd.f32 v57, v50;
	(xrf2) =	vadd.scan.msk.f32 $0xffff, v58;
	v28 =	vmul.f32 s17, v28  }
0x5c2: {  	v55 =	vld [tilespmem:s26+$0xCD60];
	v59 =	vmul.f32 v40, v40;
	v48 =	vadd.f32 v62, v48  }
0x5c3: {  	v63 =	vld [tilespmem:$0x1F8A0];
	v4 =	vadd.f32 v4, v31;
	(xrf2) =	vadd.scan.msk.f32 $0xffff, v0;
	v60 =	vmul.f32 v28, v30  }
0x5c4: {  	v18 =	vsub.f32 v6, v18;
	v5 =	vmul.f32 s1, v5;
	v6 =	vld [tilespmem:s26+$0x19450];
	v0 =	vadd.f32 v59, v48  }
0x5c5: {  	v46 =	vld [tilespmem:s26+$0xCD00];
	[tilespmem:s22+$0xCC20] =	vst v4;
	v4 =	vadd.f32 v60, v29  }
0x5c6: {  	v53 =	vld [tilespmem:s26+$0x19540];
	v5 =	vmul.f32 v5, v47;
	(xrf2) =	vadd.scan.msk.f32 $0xffff, v0  }
0x5c7: {  	v3 =	vsub.f32 v3, v45;
	v33 =	vld [tilespmem:s26+$0x19520];
	[tilespmem:s15+$0xCD00] =	vst v4  }
0x5c8: {  	v5 =	vadd.f32 v5, v63;
	v0 =	vld [tilespmem:$0x1F810]  }
0x5c9: {  	v56 =	vld [tilespmem:s26+$0x19570];
	v3 =	vmul.f32 s17, v3  }
0x5ca: {  	[tilespmem:s22+$0xCCA0] =	vst v5;
	v5 =	vld [tilespmem:$0x1F890];
	v4, _, _ =	vpop (xrf2)  }
0x5cb: {  	v49 =	vld [tilespmem:s26+$0xCD70];
	(v2sf) =	vpush v4, $0xF;
	v61, _, _ =	vpop (xrf2)  }
0x5cc: {  	v52 =	vld [tilespmem:s26+$0xCD20];
	(v2sf) =	vpush v61, $0xF  }
0x5cd: {  	v57 =	vld [tilespmem:s26+$0x19560];
	v0 =	vmul.f32 v3, v0;
	v3, _, _ =	vpop (xrf2)  }
0x5ce: {  	v31 =	vld [tilespmem:$0x1F870];
	(v2sf) =	vpush v3, $0xF  }
0x5cf: {  	v63 =	vld [tilespmem:s26+$0x19510];
	v0 =	vadd.f32 v0, v5  }
0x5d0: {  	v3 =	vld [tilespmem:s26+$0x19500];
	v62, _, _ =	vpop (xrf2)  }
0x5d1: {  	v5 =	vld [tilespmem:s26+$0xCD10];
	(v2sf) =	vpush v62, $0xF;
	[tilespmem:s15+$0xCD10] =	vst v0  }
0x5d2: {  	v0 =	vld [tilespmem:$0x1F820]  }
0x5d3: {  	v2 =	vsub.f32 v2, v45;
	v4 =	vld [tilespmem:s26+$0xCD30]  }
0x5d4: {  	v60 =	vld [tilespmem:$0x1F8A0]  }
0x5d5: {  	v2 =	vmul.f32 s17, v2;
	v61 =	vld [tilespmem:s26+$0x19530]  }
0x5d6: {  	v58 =	vld [tilespmem:s26+$0x19550];
	v47 =	vadd.f32 v3, v46;
	v46 =	vadd.f32 v63, v5  }
0x5d7: {  	v10 =	vsub.f32 v9, v26;
	v9 =	vsub.f32 v8, v27;
	v3 =	vld [tilespmem:s26+$0xCD40];
	v0 =	vmul.f32 v2, v0  }
0x5d8: {  	v59 =	vld [tilespmem:s26+$0xCC00];
	v5 =	vadd.f32 v33, v52;
	v62 =	vmul.f32 v47, v47;
	v63 =	vmul.f32 v46, v46  }
0x5d9: {  	v33 =	vadd.f32 v46, v47;
	v2 =	vld [tilespmem:s26+$0xCD50];
	v0 =	vadd.f32 v0, v60  }
0x5da: {  	v50 =	vld [tilespmem:$0x1F830];
	v4 =	vadd.f32 v61, v4;
	v52 =	vadd.f32 v63, v62;
	s23 =	spop (v2sf);
	v60 =	vmul.f32 v5, v5  }
0x5db: {  	v18 =	vmul.f32 s2, v18;
	v9 =	vmul.f32 s1, v9;
	v28 =	vld [tilespmem:$0x1F8F0];
	v61 =	vadd.f32 v5, v33;
	s23 =	smul.f32 $7.812500000e-03, s23;
	s25 =	spop (v2sf);
	[tilespmem:s15+$0xCD20] =	vst v0  }
0x5dc: {  	v3 =	vadd.f32 v53, v3;
	v62 =	vmul.f32 v4, v4;
	v52 =	vadd.f32 v60, v52;
	s20 =	smul.f32 $7.812500000e-03, s25;
	v0 =	vld [tilespmem:$0x1F830]  }
0x5dd: {  	v1 =	vsub.f32 v1, v45;
	v51 =	vld [tilespmem:$0x1F830];
	v18 =	vmul.f32 v18, v31;
	v63 =	vadd.f32 v4, v61;
	s3 =	smul.f32 s23, s23;
	s8 =	spop (v2sf)  }
0x5de: {  	v33 =	vmul.f32 v3, v3;
	v2 =	vadd.f32 v58, v2;
	v58 =	vld [tilespmem:$0x1F8B0];
	v52 =	vadd.f32 v62, v52;
	s5 =	smul.f32 $7.812500000e-03, s8  }
0x5df: {  	v32 =	vld [tilespmem:$0x1F8B0];
	v9 =	vmul.f32 v9, v50;
	v60 =	vmul.f32 s17, v1;
	v54 =	vadd.f32 v3, v63;
	s8 =	smul.f32 s20, s20  }
0x5e0: {  	v31 =	vld [tilespmem:s26+$0x19430];
	v1 =	vadd.f32 v57, v55;
	s25 =	spop (v2sf);
	v52 =	vadd.f32 v33, v52;
	v33 =	vmul.f32 v2, v2;
	s3 =	ssub.f32 s5, s3  }
0x5e1: {  	v48 =	vld [tilespmem:$0x1F8B0];
	v50 =	vadd.f32 v18, v28;
	v54 =	vadd.f32 v2, v54;
	s5 =	smul.f32 $7.812500000e-03, s25;
	v57 =	vmul.f32 v60, v0  }
0x5e2: {  	v28 =	vld [tilespmem:s26+$0x194B0];
	v0 =	vadd.f32 v56, v49;
	v49 =	vadd.f32 v33, v52;
	v33 =	vmul.f32 v1, v1;
	s3 =	sadd.f32 $9.999999960e-13, s3  }
0x5e3: {  	v61 =	vld [tilespmem:s26+$0x19400];
	v62 =	vadd.f32 v1, v54;
	s5 =	ssub.f32 s5, s8;
	v63 =	vadd.f32 v57, v58  }
0x5e4: {  	v55 =	vld [tilespmem:s26+$0xCC10];
	v49 =	vadd.f32 v33, v49;
	v33 =	vmul.f32 v0, v0;
	s25 =	sshra.s32 s3, $0x1;
	s3 =	smul.f32 $5.000000000e-01, s3  }
0x5e5: {  	v54 =	vld [tilespmem:s26+$0xCC80];
	v53 =	vadd.f32 v0, v62;
	s5 =	sadd.f32 $9.999999960e-13, s5;
	[tilespmem:s15+$0xCD30] =	vst v63;
	s8 =	ssub.s32 $0x5F3759DF, s25  }
0x5e6: {  	v49 =	vadd.f32 v33, v49;
	v56 =	vld [tilespmem:$0x1F840];
	s25 =	smul.f32 s8, s3  }
0x5e7: {  	v20 =	vsub.f32 v20, v45;
	v60 =	vld [tilespmem:s26+$0x19410];
	(xrf2) =	vadd.scan.msk.f32 $0xffff, v53;
	s28 =	sshra.s32 s5, $0x1;
	s5 =	smul.f32 $5.000000000e-01, s5  }
0x5e8: {  	v53 =	vld [tilespmem:$0x1F8C0];
	(xrf2) =	vadd.scan.msk.f32 $0xffff, v49;
	s28 =	ssub.s32 $0x5F3759DF, s28;
	s25 =	smul.f32 s8, s25  }
0x5e9: {  	v20 =	vmul.f32 s17, v20;
	v52 =	vld [tilespmem:s26+$0x19490];
	s2 =	smul.f32 s28, s5  }
0x5ea: {  	v57 =	vld [tilespmem:s26+$0x19480];
	s25 =	ssub.f32 $1.500000000e+00, s25  }
0x5eb: {  	v8 =	vsub.f32 v12, v26;
	v58 =	vld [tilespmem:s26+$0xCC90];
	v49 =	vsub.f32 v7, v26;
	s2 =	smul.f32 s28, s2;
	v20 =	vmul.f32 v20, v56  }
0x5ec: {  	v23 =	vsub.f32 v23, v45;
	v18 =	vsub.f32 v19, v45;
	v62 =	vld [tilespmem:s26+$0xCC20];
	s8 =	smul.f32 s8, s25  }
0x5ed: {  	v63 =	vld [tilespmem:s26+$0x19420];
	v12 =	vmul.f32 s16, v49;
	v56 =	vsub.f32 v13, v27;
	s2 =	ssub.f32 $1.500000000e+00, s2;
	v13 =	vadd.f32 v20, v53  }
0x5ee: {  	v9 =	vadd.f32 v9, v48;
	v19 =	vmul.f32 s17, v18;
	v33 =	vsub.f32 v11, v27;
	v11 =	vld [tilespmem:s26+$0xCCA0];
	s3 =	smul.f32 s8, s3  }
0x5ef: {  	v18 =	vadd.f32 v60, v55;
	v55 =	vld [tilespmem:s26+$0x19440];
	v49 =	vsub.f32 v15, v26;
	v12 =	vmul.f32 v12, v51;
	s2 =	smul.f32 s28, s2;
	[tilespmem:s15+$0xCD40] =	vst v13  }
0x5f0: {  	v53 =	vsub.f32 v16, v27;
	v16 =	vsub.f32 v14, v26;
	v20 =	vld [tilespmem:$0x1F850];
	s3 =	smul.f32 s3, s8  }
0x5f1: {  	v60 =	vld [tilespmem:s26+$0xCCC0];
	v14 =	vsub.f32 v17, v27;
	v51 =	vadd.f32 v12, v32;
	s5 =	smul.f32 s2, s5;
	v13, _, _ =	vpop (xrf2)  }
0x5f2: {  	v12 =	vmov s23;
	v17 =	vadd.f32 v61, v59;
	v27 =	vld [tilespmem:$0x1F8D0];
	(v2sf) =	vpush v13, $0xF;
	v13, _, _ =	vpop (xrf2)  }
0x5f3: {  	v7 =	vld [tilespmem:s26+$0x194A0];
	v25 =	vsub.f32 v25, v12;
	s3 =	ssub.f32 $1.500000000e+00, s3;
	s5 =	smul.f32 s5, s2;
	(v2sf) =	vpush v13, $0xF;
	v13 =	vmov s20  }
0x5f4: {  	v26 =	vld [tilespmem:s26+$0xCCB0];
	v61 =	vmul.f32 v18, v18;
	v48 =	vsub.f32 v22, v12;
	v59 =	vsub.f32 v21, v13  }
0x5f5: {  	v15 =	vld [tilespmem:s26+$0xCC30];
	v21 =	vmul.f32 v17, v17;
	s28 =	smul.f32 s3, s8;
	s25 =	ssub.f32 $1.500000000e+00, s5;
	v22 =	vmul.f32 v19, v20;
	v20 =	vadd.f32 v57, v54  }
0x5f6: {  	v32 =	vld [tilespmem:s26+$0xCC40];
	v19 =	vadd.f32 v52, v58;
	v57 =	vsub.f32 v24, v13  }
0x5f7: {  	v52 =	vld [tilespmem:s26+$0x194C0];
	v24 =	vmul.f32 s28, v25;
	s20 =	smul.f32 s25, s2;
	v54 =	vadd.f32 v61, v21;
	v27 =	vadd.f32 v22, v27  }
0x5f8: {  	v25 =	vld [tilespmem:s26+$0xCC50];
	v58 =	vmul.f32 v20, v20;
	v61 =	vmul.f32 v19, v19;
	v22 =	vadd.f32 v63, v62  }
0x5f9: {  	v28 =	vadd.f32 v28, v26;
	v21 =	vadd.f32 v7, v11;
	v7 =	vld [tilespmem:s26+$0xCCD0];
	v11 =	vmul.f32 s20, v59  }
0x5fa: {  	v62 =	vld [tilespmem:s26+$0x194D0];
	v24 =	vmul.f32 v24, v30;
	v58 =	vadd.f32 v61, v58;
	v61 =	vmul.f32 v22, v22  }
0x5fb: {  	[tilespmem:s15+$0xCD50] =	vst v27;
	v27 =	vadd.f32 v31, v15;
	v15 =	vmul.f32 v21, v21;
	v31 =	vadd.f32 v55, v32;
	v32 =	vld [tilespmem:s26+$0x19460]  }
0x5fc: {  	v59 =	vld [tilespmem:$0x1F860];
	v11 =	vmul.f32 v11, v30;
	v63 =	vadd.f32 v24, v29;
	v24 =	vadd.f32 v61, v54  }
0x5fd: {  	v55 =	vld [tilespmem:s26+$0xCCE0];
	v30 =	vmul.f32 v27, v27;
	v15 =	vadd.f32 v15, v58;
	v61 =	vmul.f32 v28, v28  }
0x5fe: {  	v23 =	vmul.f32 s17, v23;
	v54 =	vld [tilespmem:s26+$0xCC60];
	v11 =	vadd.f32 v11, v29  }
0x5ff: {  	v58 =	vmul.f32 v31, v31;
	v30 =	vadd.f32 v30, v24;
	v15 =	vadd.f32 v61, v15;
	v61 =	vld [tilespmem:s26+$0x194E0]  }
0x600: {  	v26 =	vld [tilespmem:$0x1F8E0];
	v29 =	vadd.f32 v52, v60;
	v24 =	vadd.f32 v6, v25  }
0x601: {  	v6 =	vld [tilespmem:s26+$0xCC70];
	v25 =	vadd.f32 v18, v17;
	v52 =	vadd.f32 v58, v30;
	v23 =	vmul.f32 v23, v59  }
0x602: {  	v58 =	vld [tilespmem:s26+$0x19470];
	v59 =	vadd.f32 v19, v20;
	v30 =	vadd.f32 v62, v7;
	v7 =	vmul.f32 v29, v29  }
0x603: {  	v60 =	vld [tilespmem:s26+$0xCCF0];
	[tilespmem:s15+$0xCC00] =	vst v63;
	v62 =	vadd.f32 v22, v25;
	v25 =	vadd.f32 v32, v54;
	v54 =	vmul.f32 v24, v24  }
0x604: {  	[tilespmem:s15+$0xCC80] =	vst v11;
	s3 =	spop (v2sf);
	v7 =	vadd.f32 v7, v15;
	v11 =	vmul.f32 v30, v30;
	v15 =	vld [tilespmem:$0x1F810];
	v32 =	vadd.f32 v61, v55  }
0x605: {  	v63 =	vld [tilespmem:s26+$0x194F0];
	s2 =	smul.f32 $7.812500000e-03, s3;
	s5 =	spop (v2sf);
	v55 =	vadd.f32 v23, v26;
	v23 =	vadd.f32 v54, v52  }
0x606: {  	v52 =	vmul.f32 v25, v25;
	v54 =	vld [tilespmem:$0x1F810];
	v61 =	vadd.f32 v21, v59;
	s3 =	smul.f32 $7.812500000e-03, s5;
	v7 =	vadd.f32 v11, v7  }
0x607: {  	s8 =	smul.f32 s2, s2;
	v11 =	vmul.f32 v32, v32;
	v26 =	vadd.f32 v58, v6;
	v58 =	vld [tilespmem:$0x1F890];
	v6 =	vmul.f32 s28, v48  }
0x608: {  	[tilespmem:s22+$0xCC30] =	vst v51;
	v57 =	vmul.f32 s20, v57;
	v62 =	vadd.f32 v27, v62;
	v51 =	vadd.f32 v52, v23;
	v52 =	vld [tilespmem:$0x1F890]  }
0x609: {  	[tilespmem:s22+$0xCCB0] =	vst v9;
	s3 =	ssub.f32 s3, s8;
	v11 =	vadd.f32 v11, v7;
	v7 =	vld [tilespmem:$0x1F840];
	v9 =	vmul.f32 v6, v15;
	v6 =	vadd.f32 v28, v61  }
0x60a: {  	v10 =	vmul.f32 s16, v10;
	v15 =	vadd.f32 v31, v62  }
0x60b: {  	v23 =	vadd.f32 v63, v60;
	v60 =	vmul.f32 v57, v54;
	s3 =	sadd.f32 $9.999999960e-13, s3;
	v62 =	vadd.f32 v29, v6  }
0x60c: {  	v6 =	vmul.f32 s16, v16;
	v15 =	vadd.f32 v24, v15;
	v16 =	vld [tilespmem:$0x1F8C0];
	v9 =	vadd.f32 v9, v58  }
0x60d: {  	v63 =	vld [tilespmem:$0x1F8C0];
	v48 =	vadd.f32 v60, v52;
	s23 =	sshra.s32 s3, $0x1;
	s3 =	smul.f32 $5.000000000e-01, s3  }
0x60e: {  	v61 =	vld [tilespmem:$0x1F840];
	v15 =	vadd.f32 v25, v15;
	s5 =	ssub.s32 $0x5F3759DF, s23;
	v10 =	vmul.f32 v10, v7;
	v7 =	vadd.f32 v30, v62;
	[tilespmem:s15+$0xCC10] =	vst v9  }
0x60f: {  	v37 =	vsub.f32 v37, v12;
	v34 =	vsub.f32 v34, v13;
	[tilespmem:s15+$0xCC90] =	vst v48;
	s25 =	smul.f32 s5, s3;
	v48 =	vld [tilespmem:$0x1F820]  }
0x610: {  	v33 =	vmul.f32 s1, v33;
	v15 =	vadd.f32 v26, v15;
	v52 =	vld [tilespmem:$0x1F8A0];
	v59 =	vadd.f32 v32, v7  }
0x611: {  	v37 =	vmul.f32 s28, v37;
	[tilespmem:s15+$0xCD60] =	vst v55;
	v58 =	vmul.f32 v26, v26;
	v10 =	vadd.f32 v10, v16;
	v16 =	vld [tilespmem:$0x1F820];
	s8 =	smul.f32 s5, s25  }
0x612: {  	v9 =	vmul.f32 s1, v53;
	(xrf2) =	vadd.scan.msk.f32 $0xffff, v15;
	v15 =	vmul.f32 v23, v23;
	v53 =	vadd.f32 v23, v59  }
0x613: {  	v33 =	vmul.f32 v33, v61;
	v51 =	vadd.f32 v58, v51;
	[tilespmem:s22+$0xCC40] =	vst v10;
	s8 =	ssub.f32 $1.500000000e+00, s8  }
0x614: {  	v34 =	vmul.f32 s20, v34;
	v60 =	vld [tilespmem:$0x1FFB0];
	v11 =	vadd.f32 v15, v11;
	(xrf2) =	vadd.scan.msk.f32 $0xffff, v53;
	v15 =	vmul.f32 v37, v48  }
0x615: {  	v33 =	vadd.f32 v33, v63;
	s23 =	smul.f32 s5, s8;
	(xrf2) =	vadd.scan.msk.f32 $0xffff, v51  }
0x616: {  	(xrf2) =	vadd.scan.msk.f32 $0xffff, v11;
	v11 =	vmul.f32 v34, v16;
	v16 =	vadd.f32 v15, v52  }
0x617: {  	v38 =	vsub.f32 v38, v12;
	v39 =	vsub.f32 v39, v12;
	v10 =	vld [tilespmem:$0x1F8A0];
	[tilespmem:s22+$0xCCC0] =	vst v33;
	s25 =	smul.f32 s23, s3  }
0x618: {  	v43 =	vsub.f32 v43, v12;
	v42 =	vsub.f32 v42, v12;
	v61 =	vld [tilespmem:$0x1F850];
	[tilespmem:s15+$0xCC20] =	vst v16  }
0x619: {  	v7 =	vmul.f32 s1, v14;
	v14 =	vmov s2;
	v54 =	vsub.f32 v60, v12;
	s2 =	smul.f32 s25, s23;
	v12 =	vld [tilespmem:$0x1FFC0];
	_ =	sdelay $0x1  }
0x61a: {  	v63 =	vsub.f32 v36, v13;
	v36 =	vld [tilespmem:$0x1F800];
	s2 =	ssub.f32 $1.500000000e+00, s2  }
0x61b: {  	v57 =	vmul.f32 s16, v8;
	v62 =	vld [tilespmem:$0x1F850]  }
0x61c: {  	v10 =	vadd.f32 v11, v10;
	v11 =	vsub.f32 v47, v14;
	s2 =	smul.f32 s2, s23  }
0x61d: {  	v60 =	vld [tilespmem:$0x1F8D0];
	v33 =	vmul.f32 v57, v61;
	v61 =	vsub.f32 v12, v45  }
0x61e: {  	v55 =	vmul.f32 s1, v56;
	v58, _, _ =	vpop (xrf2);
	v11 =	vmul.f32 s2, v11  }
0x61f: {  	v37 =	vld [tilespmem:$0x1F880];
	(v2sf) =	vpush v58, $0xF  }
0x620: {  	[tilespmem:s15+$0xCCA0] =	vst v10;
	v10 =	vmul.f32 v55, v62;
	v11 =	vmul.f32 v11, v36  }
0x621: {  	v59 =	vld [tilespmem:$0x1F8D0];
	v15 =	vmul.f32 s28, v38;
	v38 =	vmul.f32 s17, v61;
	v61, _, _ =	vpop (xrf2)  }
0x622: {  	v10 =	vadd.f32 v10, v60;
	(v2sf) =	vpush v61, $0xF  }
0x623: {  	v8 =	vmul.f32 s16, v49;
	v49 =	vld [tilespmem:$0x1F870]  }
0x624: {  	v52 =	vld [tilespmem:$0x1F8F0];
	[tilespmem:s22+$0xCCD0] =	vst v10;
	v10 =	vadd.f32 v11, v37;
	v11, _, _ =	vpop (xrf2)  }
0x625: {  	v62 =	vld [tilespmem:$0x1F830];
	(v2sf) =	vpush v11, $0xF  }
0x626: {  	v35 =	vsub.f32 v35, v13;
	v16 =	vmul.f32 s20, v63;
	v63 =	vadd.f32 v33, v59;
	v47 =	vld [tilespmem:$0x1F830]  }
0x627: {  	v41 =	vsub.f32 v41, v13;
	v44 =	vsub.f32 v44, v13;
	v56 =	vld [tilespmem:$0x1F8B0];
	v11, _, _ =	vpop (xrf2)  }
0x628: {  	v35 =	vmul.f32 s20, v35;
	v51 =	vmul.f32 s28, v54;
	v59 =	vld [tilespmem:$0x1F8B0];
	[tilespmem:s22+$0xCC50] =	vst v63;
	(v2sf) =	vpush v11, $0xF  }
0x629: {  	v57 =	vsub.f32 v40, v13;
	v13 =	vmul.f32 s20, v41;
	v41 =	vld [tilespmem:$0x1F860];
	v60 =	vmul.f32 v38, v49  }
0x62a: {  	v34 =	vmul.f32 s20, v44;
	v62 =	vmul.f32 v51, v62;
	v38 =	vld [tilespmem:$0x1F860]  }
0x62b: {  	v33 =	vmul.f32 s28, v43;
	v40 =	vld [tilespmem:$0x1F8E0];
	v35 =	vmul.f32 v35, v47;
	v63 =	vadd.f32 v60, v52;
	[tilespmem:s26+$0xCD00] =	vst v10  }
0x62c: {  	[tilespmem:s22+$0xCD70] =	vst v50;
	v12 =	vmul.f32 s28, v39;
	v10 =	vmul.f32 s28, v42;
	v42 =	vadd.f32 v62, v56;
	v44 =	vld [tilespmem:$0x1F810]  }
0x62d: {  	s16 =	simm.s32 $0x1200;
	s1 =	simm.s32 $0x6;
	v45 =	vsub.f32 v46, v14;
	v39 =	vld [tilespmem:$0x1F8E0];
	v35 =	vadd.f32 v35, v59;
	s28 =	simm.s32 $0x0;
	[tilespmem:s15+$0xCD70] =	vst v63;
	v11 =	vmul.f32 s20, v57  }
.LBB2_13:
0x62e: {  	s17 =	sshra.s32 s16, $0x2;
	v46 =	vld [tilespmem:$0x1F890];
	s3 =	spop (v2sf);
	[tilespmem:s15+$0xCC30] =	vst v42;
	v41 =	vmul.f32 v8, v41;
	v8 =	vmov v33  }
0x62f: {  	v43 =	vld [tilespmem:s17+$0xCD70];
	s3 =	smul.f32 $7.812500000e-03, s3;
	v33 =	vmul.f32 s2, v45;
	[tilespmem:s15+$0xCCB0] =	vst v35;
	v45 =	vmul.f32 v9, v38;
	v9 =	vmov v34  }
0x630: {  	v47 =	vld [tilespmem:s17+$0xCD30];
	v34 =	vadd.f32 v41, v40  }
0x631: {  	v48 =	vld [tilespmem:s17+$0xCD20];
	s5 =	smul.f32 s3, s3;
	v49 =	vmov s3;
	v33 =	vmul.f32 v33, v44;
	s3 =	spop (v2sf)  }
0x632: {  	v35 =	vld [tilespmem:s17+$0xCD00];
	v41 =	vsub.f32 v17, v49;
	v40 =	vsub.f32 v18, v49;
	s3 =	smul.f32 $7.812500000e-03, s3;
	[tilespmem:s22+$0xCC60] =	vst v34  }
0x633: {  	v34 =	vsub.f32 v22, v49;
	v17 =	vld [tilespmem:s17+$0x19500];
	v18 =	vadd.f32 v33, v46  }
0x634: {  	v27 =	vsub.f32 v27, v49;
	v31 =	vsub.f32 v31, v49;
	v44 =	vld [tilespmem:s17+$0xCD10];
	s8 =	smul.f32 s3, s3;
	v46 =	vmov s3;
	s3 =	spop (v2sf)  }
0x635: {  	v50 =	vld [tilespmem:s17+$0x19510];
	s3 =	smul.f32 $7.812500000e-03, s3;
	v42 =	vsub.f32 v20, v46;
	v22 =	vsub.f32 v19, v46;
	[tilespmem:s26+$0xCD10] =	vst v18  }
0x636: {  	s1 =	sadd.s32 $0x3, s1;
	v21 =	vsub.f32 v21, v46;
	v28 =	vsub.f32 v28, v46;
	v18 =	vld [tilespmem:$0x1F820]  }
0x637: {  	v5 =	vsub.f32 v5, v14;
	p1 =	slt.u32 s1, $0xC3;
	v33 =	vsub.f32 v29, v46;
	v19 =	vld [tilespmem:s17+$0x19520];
	s3 =	ssub.f32 s3, s5;
	s5 =	spop (v2sf)  }
0x638: {  	v24 =	vsub.f32 v24, v49;
	v29 =	vsub.f32 v30, v46;
	s5 =	smul.f32 $7.812500000e-03, s5;
	v20 =	vld [tilespmem:$0x1F8A0]  }
0x639: {  	v5 =	vmul.f32 s2, v5;
	v25 =	vsub.f32 v25, v49;
	v30 =	vsub.f32 v32, v46;
	v51 =	vld [tilespmem:s17+$0x19530];
	s3 =	sadd.f32 $9.999999960e-13, s3  }
0x63a: {  	v38 =	vadd.f32 v17, v35;
	v35 =	vadd.f32 v50, v44;
	v17 =	vld [tilespmem:s17+$0xCD40];
	s5 =	ssub.f32 s5, s8  }
0x63b: {  	v26 =	vsub.f32 v26, v49;
	v32 =	vadd.f32 v45, v39;
	v44 =	vld [tilespmem:s17+$0x19540];
	s8 =	sshra.s32 s3, $0x1;
	s20 =	smul.f32 $5.000000000e-01, s3;
	v18 =	vmul.f32 v5, v18  }
0x63c: {  	v5 =	vadd.f32 v19, v48;
	v19 =	vld [tilespmem:s17+$0xCD50];
	v39 =	vadd.f32 v35, v38;
	s3 =	ssub.s32 $0x5F3759DF, s8;
	s5 =	sadd.f32 $9.999999960e-13, s5  }
0x63d: {  	v48 =	vmul.f32 v38, v38;
	v49 =	vmul.f32 v35, v35;
	v45 =	vld [tilespmem:s17+$0x19550];
	s8 =	smul.f32 s3, s20;
	v18 =	vadd.f32 v18, v20;
	[tilespmem:s22+$0xCCE0] =	vst v32  }
0x63e: {  	v20 =	vadd.f32 v51, v47;
	v47 =	vld [tilespmem:s17+$0xCD60];
	v39 =	vadd.f32 v5, v39;
	s23 =	sshra.s32 s5, $0x1;
	s5 =	smul.f32 $5.000000000e-01, s5  }
0x63f: {  	v32 =	vsub.f32 v23, v46;
	v48 =	vadd.f32 v49, v48;
	v49 =	vmul.f32 v5, v5;
	v50 =	vld [tilespmem:s17+$0x19560];
	s8 =	smul.f32 s3, s8;
	s23 =	ssub.s32 $0x5F3759DF, s23;
	[tilespmem:s26+$0xCD20] =	vst v18  }
0x640: {  	v18 =	vadd.f32 v44, v17;
	v17 =	vadd.f32 v20, v39;
	s25 =	smul.f32 s23, s5;
	v23 =	vld [tilespmem:$0x1F830]  }
0x641: {  	v44 =	vadd.f32 v49, v48;
	v46 =	vmul.f32 v20, v20;
	v48 =	vsub.f32 v4, v14;
	v4 =	vmovc v20;
	v39 =	vld [tilespmem:s17+$0x19570];
	s8 =	ssub.f32 $1.500000000e+00, s8  }
0x642: {  	v49 =	vadd.f32 v45, v19;
	v17 =	vadd.f32 v18, v17;
	s25 =	smul.f32 s23, s25;
	v19 =	vld [tilespmem:$0x1F8B0]  }
0x643: {  	v44 =	vadd.f32 v46, v44;
	v46 =	vmul.f32 v18, v18;
	v48 =	vmul.f32 s2, v48;
	v20 =	vld [tilespmem:s17+$0xCC00];
	s3 =	smul.f32 s3, s8  }
0x644: {  	v51 =	vld [tilespmem:s17+$0x19400];
	v45 =	vadd.f32 v50, v47;
	v17 =	vadd.f32 v49, v17;
	s8 =	ssub.f32 $1.500000000e+00, s25  }
0x645: {  	v44 =	vadd.f32 v46, v44;
	v46 =	vmul.f32 v49, v49;
	v47 =	vld [tilespmem:s17+$0xCC10];
	s20 =	smul.f32 s3, s20;
	v48 =	vmul.f32 v48, v23  }
0x646: {  	v50 =	vld [tilespmem:s17+$0x19410];
	v23 =	vadd.f32 v39, v43;
	v17 =	vadd.f32 v45, v17;
	s8 =	smul.f32 s23, s8  }
0x647: {  	v43 =	vadd.f32 v46, v44;
	v44 =	vmul.f32 v45, v45;
	v39 =	vld [tilespmem:s17+$0xCC80];
	s20 =	smul.f32 s20, s3;
	v19 =	vadd.f32 v48, v19  }
0x648: {  	v46 =	vld [tilespmem:s17+$0x19480];
	v48 =	vadd.f32 v23, v17;
	s5 =	smul.f32 s8, s5  }
0x649: {  	v17 =	vadd.f32 v51, v20;
	v51 =	vld [tilespmem:s17+$0xCC90];
	v20 =	vadd.f32 v44, v43;
	v43 =	vmul.f32 v23, v23;
	s20 =	ssub.f32 $1.500000000e+00, s20;
	[tilespmem:s26+$0xCD30] =	vst v19  }
0x64a: {  	(xrf2) =	vadd.scan.msk.f32 $0xffff, v48;
	s5 =	smul.f32 s5, s8;
	v19 =	vld [tilespmem:$0x1F840]  }
0x64b: {  	v52 =	vsub.f32 v3, v14;
	v3 =	vmovc v18;
	v44 =	vmul.f32 v17, v17;
	v48 =	vld [tilespmem:s17+$0x19490];
	v43 =	vadd.f32 v43, v20;
	s20 =	smul.f32 s20, s3  }
0x64c: {  	v18 =	vadd.f32 v50, v47;
	s3 =	ssub.f32 $1.500000000e+00, s5;
	v47 =	vld [tilespmem:$0x1F8C0]  }
0x64d: {  	v50 =	vld [tilespmem:s17+$0xCC20];
	v20 =	vadd.f32 v46, v39;
	(xrf2) =	vadd.scan.msk.f32 $0xffff, v43;
	v39 =	vmul.f32 s20, v41;
	v43 =	vmul.f32 s2, v52  }
0x64e: {  	v52 =	vadd.f32 v18, v17;
	v53 =	vmul.f32 v18, v18;
	v41 =	vmul.f32 s20, v40;
	v46 =	vld [tilespmem:s17+$0x19420];
	s23 =	smul.f32 s3, s8  }
0x64f: {  	v40 =	vld [tilespmem:s17+$0xCCA0];
	v54 =	vmul.f32 v20, v20;
	v43 =	vmul.f32 v43, v19  }
0x650: {  	v53 =	vadd.f32 v53, v44;
	v19 =	vadd.f32 v48, v51;
	v48 =	vld [tilespmem:s17+$0x194A0];
	v42 =	vmul.f32 s23, v42  }
0x651: {  	v39 =	vmul.f32 v39, v36;
	v44 =	vmul.f32 s23, v22;
	v51 =	vld [tilespmem:s17+$0xCC30];
	v57 =	vadd.f32 v43, v47  }
0x652: {  	v47 =	vld [tilespmem:s17+$0x19430];
	v55 =	vadd.f32 v19, v20;
	v56 =	vmul.f32 v19, v19;
	v42 =	vmul.f32 v42, v36  }
0x653: {  	v39 =	vadd.f32 v39, v37;
	v36 =	vmul.f32 s20, v34;
	v22 =	vadd.f32 v46, v50;
	v50 =	vld [tilespmem:s17+$0xCCB0];
	[tilespmem:s26+$0xCD40] =	vst v57  }
0x654: {  	v34 =	vadd.f32 v56, v54;
	v43, _, _ =	vpop (xrf2);
	v42 =	vadd.f32 v42, v37;
	v37 =	vmul.f32 s23, v21;
	v54 =	vld [tilespmem:$0x1F850]  }
0x655: {  	v56 =	vsub.f32 v2, v14;
	v46 =	vmul.f32 v22, v22;
	v21 =	vadd.f32 v48, v40;
	v48 =	vld [tilespmem:s17+$0x194B0];
	[tilespmem:s26+$0xCC00] =	vst v39  }
0x656: {  	v2 =	vmovc v49;
	v52 =	vadd.f32 v22, v52;
	v40 =	vmul.f32 s20, v27;
	v39 =	vmul.f32 s23, v28;
	[tilespmem:s26+$0xCC80] =	vst v42;
	v42 =	vld [tilespmem:$0x1F8D0]  }
0x657: {  	v49 =	vld [tilespmem:s17+$0xCC40];
	v55 =	vadd.f32 v21, v55;
	(v2sf) =	vpush v43, $0xF;
	v28, _, _ =	vpop (xrf2);
	v43 =	vmul.f32 s2, v56  }
0x658: {  	v27 =	vadd.f32 v47, v51;
	v47 =	vmul.f32 v21, v21;
	v51 =	vld [tilespmem:s17+$0x19440];
	(v2sf) =	vpush v28, $0xF  }
0x659: {  	v53 =	vadd.f32 v46, v53;
	v46 =	vmul.f32 s20, v31;
	v56 =	vld [tilespmem:s17+$0xCCC0];
	v31 =	vmul.f32 v43, v54  }
0x65a: {  	v52 =	vadd.f32 v27, v52;
	v43 =	vmul.f32 v27, v27;
	v28 =	vadd.f32 v48, v50;
	v48 =	vld [tilespmem:s17+$0x194C0]  }
0x65b: {  	v34 =	vadd.f32 v47, v34;
	v47 =	vmul.f32 s23, v33;
	v50 =	vld [tilespmem:s17+$0xCC50];
	v33 =	vadd.f32 v31, v42  }
0x65c: {  	v53 =	vadd.f32 v43, v53;
	v54 =	vld [tilespmem:s17+$0x19450];
	v55 =	vadd.f32 v28, v55;
	v57 =	vmul.f32 v28, v28  }
0x65d: {  	v43 =	vmul.f32 s20, v24;
	v42 =	vmul.f32 s23, v29;
	v31 =	vadd.f32 v51, v49;
	v49 =	vld [tilespmem:s17+$0xCCD0];
	[tilespmem:s26+$0xCD50] =	vst v33  }
0x65e: {  	v33 =	vmul.f32 s20, v25;
	v51 =	vadd.f32 v57, v34;
	v34 =	vmul.f32 s23, v30;
	v25 =	vld [tilespmem:$0x1F860]  }
0x65f: {  	v24 =	vsub.f32 v1, v14;
	v1 =	vmovc v45;
	v30 =	vmul.f32 v31, v31;
	v29 =	vadd.f32 v48, v56;
	v48 =	vld [tilespmem:s17+$0x194D0]  }
0x660: {  	v45 =	vadd.f32 v31, v52;
	v52 =	vmul.f32 s20, v26;
	v56 =	vmul.f32 s23, v32;
	v26 =	vld [tilespmem:$0x1F8E0]  }
0x661: {  	v58 =	vmul.f32 s2, v24;
	v32 =	vld [tilespmem:s17+$0xCC60];
	v55 =	vadd.f32 v29, v55;
	v57 =	vmul.f32 v29, v29  }
0x662: {  	v24 =	vadd.f32 v54, v50;
	v53 =	vadd.f32 v30, v53;
	v50 =	vld [tilespmem:s17+$0x19460]  }
0x663: {  	v54 =	vld [tilespmem:s17+$0xCCE0];
	v51 =	vadd.f32 v57, v51;
	v25 =	vmul.f32 v58, v25  }
0x664: {  	v45 =	vadd.f32 v24, v45;
	v57 =	vmul.f32 v24, v24;
	v30 =	vadd.f32 v48, v49;
	v48 =	vld [tilespmem:s17+$0x194E0]  }
0x665: {  	v49 =	vld [tilespmem:s17+$0xCC70];
	v26 =	vadd.f32 v25, v26  }
0x666: {  	v53 =	vadd.f32 v57, v53;
	v58 =	vld [tilespmem:s17+$0x19470];
	v55 =	vadd.f32 v30, v55;
	v57 =	vmul.f32 v30, v30;
	s3 =	spop (v2sf)  }
0x667: {  	v25 =	vadd.f32 v50, v32;
	v50 =	vld [tilespmem:s17+$0xCCF0];
	s20 =	smul.f32 $7.812500000e-03, s3;
	s3 =	spop (v2sf);
	[tilespmem:s26+$0xCD60] =	vst v26  }
0x668: {  	v51 =	vadd.f32 v57, v51;
	s3 =	smul.f32 $7.812500000e-03, s3;
	v57 =	vld [tilespmem:$0x1F870]  }
0x669: {  	v14 =	vsub.f32 v0, v14;
	v0 =	vmovc v23;
	v59 =	vmul.f32 v25, v25;
	v32 =	vadd.f32 v48, v54;
	v48 =	vld [tilespmem:s17+$0x194F0];
	s5 =	smul.f32 s20, s20  }
0x66a: {  	v23 =	vadd.f32 v25, v45;
	v45 =	vld [tilespmem:$0x1F8F0]  }
0x66b: {  	v14 =	vmul.f32 s2, v14;
	v54 =	vadd.f32 v32, v55;
	v55 =	vmul.f32 v32, v32;
	s3 =	ssub.f32 s3, s5;
	v60 =	vld [tilespmem:$0x1F810]  }
0x66c: {  	v26 =	vadd.f32 v58, v49;
	v49 =	vadd.f32 v59, v53;
	v53 =	vld [tilespmem:$0x1F810]  }
0x66d: {  	v51 =	vadd.f32 v55, v51;
	s2 =	sadd.f32 $9.999999960e-13, s3;
	v55 =	vld [tilespmem:$0x1F890];
	v14 =	vmul.f32 v14, v57  }
0x66e: {  	v57 =	vadd.f32 v26, v23;
	v58 =	vmul.f32 v26, v26;
	v23 =	vadd.f32 v48, v50;
	v48 =	vld [tilespmem:$0x1F890]  }
0x66f: {  	s3 =	sshra.s32 s2, $0x1;
	s2 =	smul.f32 $5.000000000e-01, s2;
	v14 =	vadd.f32 v14, v45;
	v45 =	vld [tilespmem:$0x1F840]  }
0x670: {  	v49 =	vadd.f32 v58, v49;
	v50 =	vadd.f32 v23, v54;
	v54 =	vmul.f32 v23, v23;
	s3 =	ssub.s32 $0x5F3759DF, s3;
	(xrf2) =	vadd.scan.msk.f32 $0xffff, v57;
	v57 =	vld [tilespmem:$0x1F840]  }
0x671: {  	v41 =	vmul.f32 v41, v60;
	s5 =	smul.f32 s3, s2;
	v44 =	vmul.f32 v44, v53;
	[tilespmem:s26+$0xCD70] =	vst v14;
	v14 =	vld [tilespmem:$0x1F8C0]  }
0x672: {  	v51 =	vadd.f32 v54, v51;
	v53 =	vld [tilespmem:$0x1F8C0]  }
0x673: {  	v41 =	vadd.f32 v41, v55;
	s5 =	smul.f32 s3, s5;
	(xrf2) =	vadd.scan.msk.f32 $0xffff, v50;
	v44 =	vadd.f32 v44, v48;
	v48 =	vld [tilespmem:$0x1F870]  }
0x674: {  	v45 =	vmul.f32 v15, v45;
	v50 =	vld [tilespmem:$0x1F870];
	v15 =	vmov v46  }
0x675: {  	s5 =	ssub.f32 $1.500000000e+00, s5;
	[tilespmem:s26+$0xCC10] =	vst v41;
	v41 =	vmul.f32 v16, v57;
	v46 =	vld [tilespmem:$0x1F8F0];
	v16 =	vmov v47  }
0x676: {  	(xrf2) =	vadd.scan.msk.f32 $0xffff, v49;
	v47 =	vld [tilespmem:$0x1F820];
	[tilespmem:s26+$0xCC90] =	vst v44;
	v14 =	vadd.f32 v45, v14  }
0x677: {  	s3 =	smul.f32 s3, s5;
	v44 =	vld [tilespmem:$0x1F820];
	v41 =	vadd.f32 v41, v53  }
0x678: {  	v45 =	vld [tilespmem:$0x1F8A0];
	[tilespmem:s15+$0xCC40] =	vst v14;
	v14 =	vmul.f32 v6, v48;
	v6 =	vmov v10;
	v10 =	vmov v52  }
0x679: {  	s2 =	smul.f32 s3, s2;
	(xrf2) =	vadd.scan.msk.f32 $0xffff, v51;
	v48 =	vld [tilespmem:$0x1F8A0];
	[tilespmem:s15+$0xCCC0] =	vst v41;
	v41 =	vmul.f32 v7, v50;
	v7 =	vmovc v11;
	v11 =	vmov v56  }
0x67a: {  	v49, _, _ =	vpop (xrf2);
	v50 =	vld [tilespmem:$0x1F850];
	v14 =	vadd.f32 v14, v46  }
0x67b: {  	s2 =	smul.f32 s2, s3;
	(v2sf) =	vpush v49, $0xF;
	v36 =	vmul.f32 v36, v47;
	v46 =	vld [tilespmem:$0x1F850]  }
0x67c: {  	v37 =	vmul.f32 v37, v44;
	v44 =	vld [tilespmem:$0x1F8D0];
	[tilespmem:s22+$0xCC70] =	vst v14  }
0x67d: {  	s2 =	ssub.f32 $1.500000000e+00, s2;
	v47, _, _ =	vpop (xrf2);
	v45 =	vadd.f32 v36, v45;
	v49 =	vld [tilespmem:$0x1F8D0]  }
0x67e: {  	v14 =	vmov s20;
	v36 =	vld [tilespmem:$0x1F800];
	(v2sf) =	vpush v47, $0xF;
	v47 =	vadd.f32 v37, v48  }
0x67f: {  	v38 =	vsub.f32 v38, v14;
	s2 =	smul.f32 s2, s3;
	[tilespmem:s26+$0xCC20] =	vst v45;
	v45 =	vmul.f32 v12, v50;
	v48 =	vld [tilespmem:$0x1F8F0];
	v12 =	vmov v43  }
0x680: {  	v37 =	vld [tilespmem:$0x1F880];
	v43, _, _ =	vpop (xrf2);
	[tilespmem:s26+$0xCCA0] =	vst v47;
	v47 =	vmul.f32 v13, v46;
	v13 =	vmov v42  }
0x681: {  	v38 =	vmul.f32 s2, v38;
	(v2sf) =	vpush v43, $0xF;
	v42 =	vld [tilespmem:$0x1F830];
	v43 =	vadd.f32 v45, v44  }
0x682: {  	v44 =	vld [tilespmem:$0x1F830];
	v45 =	vadd.f32 v47, v49  }
0x683: {  	v38 =	vmul.f32 v38, v36;
	v46, _, _ =	vpop (xrf2);
	v47 =	vld [tilespmem:$0x1F8B0];
	[tilespmem:s15+$0xCC50] =	vst v43  }
0x684: {  	(v2sf) =	vpush v46, $0xF;
	v43 =	vld [tilespmem:$0x1F8B0];
	[tilespmem:s15+$0xCCD0] =	vst v45;
	v45 =	vadd.f32 v41, v48  }
.Ltmp5:
0x685: {  	v46 =	vadd.f32 v38, v37;
	v41 =	vld [tilespmem:$0x1F860];
	(pc) =	sbr.rel @p1 .LBB2_13-.Ltmp5, $4  }
0x686: {  	v42 =	vmul.f32 v40, v42;
	v38 =	vld [tilespmem:$0x1F860];
	[tilespmem:s22+$0xCCF0] =	vst v45;
	s22 =	smov.u32 s15;
	s15 =	smov.u32 s26;
	s26 =	smov.u32 s17  }
0x687: {  	[tilespmem:s26+$0xCD00] =	vst v46;
	v39 =	vmul.f32 v39, v44;
	v40 =	vld [tilespmem:$0x1F8E0]  }
0x688: {  	v44 =	vld [tilespmem:$0x1F810];
	v42 =	vadd.f32 v42, v47  }
0x689: {  	s16 =	sadd.s32 $0x600, s16;
	v45 =	vsub.f32 v35, v14;
	v35 =	vadd.f32 v39, v43;
	v39 =	vld [tilespmem:$0x1F8E0]  }
0x68a: {  	_ =	sdelay $0x3  }
0x68b: {  	s1 =	spop (v2sf)  }
0x68c: {  	s1 =	smul.f32 $7.812500000e-03, s1;
	s3 =	spop (v2sf)  }
0x68d: {  	s3 =	smul.f32 $7.812500000e-03, s3  }
0x68e: {  	s5 =	smul.f32 s1, s1  }
0x68f: {  	s8 =	smul.f32 s3, s3;
	s16 =	spop (v2sf)  }
0x690: {  	s16 =	smul.f32 $7.812500000e-03, s16;
	s17 =	spop (v2sf)  }
0x691: {  	s17 =	smul.f32 $7.812500000e-03, s17  }
0x692: {  	s5 =	ssub.f32 s16, s5  }
0x693: {  	s8 =	ssub.f32 s17, s8  }
0x694: {  	s5 =	sadd.f32 $9.999999960e-13, s5  }
0x695: {  	s8 =	sadd.f32 $9.999999960e-13, s8  }
0x696: {  	s20 =	sshra.s32 s5, $0x1;
	s5 =	smul.f32 $5.000000000e-01, s5  }
0x697: {  	s16 =	ssub.s32 $0x5F3759DF, s20;
	s23 =	sshra.s32 s8, $0x1;
	s8 =	smul.f32 $5.000000000e-01, s8  }
0x698: {  	v43 =	vld [tilespmem:$0x1F890];
	s20 =	smul.f32 s16, s5;
	s17 =	ssub.s32 $0x5F3759DF, s23  }
0x699: {  	v45 =	vmul.f32 s2, v45;
	s23 =	smul.f32 s17, s8  }
0x69a: {  	s20 =	smul.f32 s16, s20  }
0x69b: {  	v44 =	vmul.f32 v45, v44;
	s23 =	smul.f32 s17, s23  }
0x69c: {  	s20 =	ssub.f32 $1.500000000e+00, s20  }
0x69d: {  	v43 =	vadd.f32 v44, v43;
	s23 =	ssub.f32 $1.500000000e+00, s23  }
0x69e: {  	s16 =	smul.f32 s16, s20  }
0x69f: {  	[tilespmem:s26+$0xCD10] =	vst v43;
	s17 =	smul.f32 s17, s23  }
0x6a0: {  	v43 =	vld [tilespmem:$0x1F820];
	s5 =	smul.f32 s16, s5  }
0x6a1: {  	v5 =	vsub.f32 v5, v14;
	s8 =	smul.f32 s17, s8  }
0x6a2: {  	s5 =	smul.f32 s5, s16  }
0x6a3: {  	v5 =	vmul.f32 s2, v5;
	v59 =	vld [tilespmem:$0x1F8A0];
	s8 =	smul.f32 s8, s17  }
0x6a4: {  	s5 =	ssub.f32 $1.500000000e+00, s5  }
0x6a5: {  	v43 =	vmul.f32 v5, v43;
	v5 =	vmov s1;
	s25 =	ssub.f32 $1.500000000e+00, s8  }
0x6a6: {  	v60 =	vsub.f32 v17, v5;
	v17 =	vmov s3;
	s16 =	smul.f32 s5, s16  }
0x6a7: {  	v20 =	vsub.f32 v20, v17;
	s1 =	smul.f32 s25, s17  }
0x6a8: {  	v43 =	vadd.f32 v43, v59;
	v61 =	vmul.f32 s16, v60  }
0x6a9: {  	v20 =	vmul.f32 s1, v20  }
0x6aa: {  	[tilespmem:s26+$0xCD20] =	vst v43;
	v43 =	vmul.f32 v61, v36  }
0x6ab: {  	v62 =	vld [tilespmem:$0x1F830];
	v20 =	vmul.f32 v20, v36  }
0x6ac: {  	v4 =	vsub.f32 v4, v14;
	v43 =	vadd.f32 v43, v37  }
0x6ad: {  	v63 =	vld [tilespmem:$0x1F8B0];
	v20 =	vadd.f32 v20, v37  }
0x6ae: {  	v4 =	vmul.f32 s2, v4;
	[tilespmem:s26+$0xCC00] =	vst v43  }
0x6af: {  	v46 =	vld [tilespmem:$0x1F810];
	[tilespmem:s26+$0xCC80] =	vst v20  }
0x6b0: {  	v18 =	vsub.f32 v18, v5;
	v4 =	vmul.f32 v4, v62;
	v47 =	vld [tilespmem:$0x1F810]  }
0x6b1: {  	v19 =	vsub.f32 v19, v17;
	v48 =	vld [tilespmem:$0x1F890]  }
0x6b2: {  	v4 =	vadd.f32 v4, v63;
	v49 =	vmul.f32 s16, v18;
	v50 =	vld [tilespmem:$0x1F890]  }
0x6b3: {  	v19 =	vmul.f32 s1, v19  }
0x6b4: {  	[tilespmem:s26+$0xCD30] =	vst v4;
	v4 =	vmul.f32 v49, v46  }
0x6b5: {  	v51 =	vld [tilespmem:$0x1F840];
	v19 =	vmul.f32 v19, v47  }
0x6b6: {  	v3 =	vsub.f32 v3, v14;
	v4 =	vadd.f32 v4, v48  }
0x6b7: {  	v52 =	vld [tilespmem:$0x1F8C0];
	v18 =	vadd.f32 v19, v50  }
0x6b8: {  	v3 =	vmul.f32 s2, v3;
	[tilespmem:s26+$0xCC10] =	vst v4  }
0x6b9: {  	v4 =	vld [tilespmem:$0x1F820];
	[tilespmem:s26+$0xCC90] =	vst v18  }
0x6ba: {  	v53 =	vsub.f32 v22, v5;
	v3 =	vmul.f32 v3, v51;
	v54 =	vld [tilespmem:$0x1F820]  }
0x6bb: {  	v55 =	vsub.f32 v21, v17;
	v56 =	vld [tilespmem:$0x1F8A0]  }
0x6bc: {  	v3 =	vadd.f32 v3, v52;
	v18 =	vmul.f32 s16, v53;
	v57 =	vld [tilespmem:$0x1F8A0]  }
0x6bd: {  	v20 =	vmul.f32 s1, v55  }
0x6be: {  	[tilespmem:s26+$0xCD40] =	vst v3;
	v4 =	vmul.f32 v18, v4  }
0x6bf: {  	[tilespmem:s15+$0xCCB0] =	vst v35;
	v58 =	vld [tilespmem:$0x1F850];
	v19 =	vmul.f32 v20, v54  }
0x6c0: {  	v2 =	vsub.f32 v2, v14;
	v43 =	vld [tilespmem:$0x1F840];
	v4 =	vadd.f32 v4, v56  }
0x6c1: {  	v59 =	vld [tilespmem:$0x1F8D0];
	v3 =	vadd.f32 v19, v57  }
0x6c2: {  	v2 =	vmul.f32 s2, v2;
	v45 =	vld [tilespmem:$0x1F8C0];
	[tilespmem:s26+$0xCC20] =	vst v4  }
0x6c3: {  	v60 =	vld [tilespmem:$0x1F830];
	[tilespmem:s26+$0xCCA0] =	vst v3  }
0x6c4: {  	v61 =	vsub.f32 v27, v5;
	v2 =	vmul.f32 v2, v58;
	v62 =	vld [tilespmem:$0x1F830]  }
0x6c5: {  	v63 =	vsub.f32 v28, v17;
	v16 =	vmul.f32 v16, v43;
	v27 =	vld [tilespmem:$0x1F8B0]  }
0x6c6: {  	[tilespmem:s15+$0xCC30] =	vst v42;
	v2 =	vadd.f32 v2, v59;
	v4 =	vmul.f32 s16, v61;
	v28 =	vld [tilespmem:$0x1F8B0]  }
0x6c7: {  	v42 =	vld [tilespmem:$0x1F840];
	v16 =	vadd.f32 v16, v45;
	v19 =	vmul.f32 s1, v63  }
0x6c8: {  	v44 =	vld [tilespmem:$0x1F8C0];
	[tilespmem:s26+$0xCD50] =	vst v2;
	v3 =	vmul.f32 v4, v60  }
0x6c9: {  	[tilespmem:s15+$0xCCC0] =	vst v16;
	v36 =	vld [tilespmem:$0x1F860];
	v18 =	vmul.f32 v19, v62  }
0x6ca: {  	v1 =	vsub.f32 v1, v14;
	v58 =	vld [tilespmem:$0x1F850];
	v3 =	vadd.f32 v3, v27  }
0x6cb: {  	v37 =	vld [tilespmem:$0x1F8E0];
	v2 =	vadd.f32 v18, v28  }
0x6cc: {  	v1 =	vmul.f32 s2, v1;
	v61 =	vld [tilespmem:$0x1F8D0];
	[tilespmem:s26+$0xCC30] =	vst v3  }
0x6cd: {  	v46 =	vld [tilespmem:$0x1F840];
	[tilespmem:s26+$0xCCB0] =	vst v2  }
0x6ce: {  	v47 =	vsub.f32 v31, v5;
	v1 =	vmul.f32 v1, v36;
	v48 =	vld [tilespmem:$0x1F840]  }
0x6cf: {  	v49 =	vsub.f32 v29, v17;
	v13 =	vmul.f32 v13, v58;
	v50 =	vld [tilespmem:$0x1F8C0]  }
0x6d0: {  	v1 =	vadd.f32 v1, v37;
	v4 =	vmul.f32 v15, v42;
	v3 =	vmul.f32 s16, v47;
	v52 =	vld [tilespmem:$0x1F8C0]  }
0x6d1: {  	v53 =	vmul.f32 s1, v49;
	v60 =	vmul.f32 v8, v41;
	v8 =	vadd.f32 v13, v61  }
0x6d2: {  	[tilespmem:s26+$0xCD60] =	vst v1;
	v51 =	vadd.f32 v4, v44;
	v55 =	vmul.f32 v3, v46  }
0x6d3: {  	v54 =	vld [tilespmem:$0x1F870];
	[tilespmem:s15+$0xCCD0] =	vst v8;
	v57 =	vmul.f32 v53, v48  }
0x6d4: {  	v41 =	vld [tilespmem:$0x1F8E0];
	[tilespmem:s15+$0xCC40] =	vst v51;
	v1 =	vadd.f32 v55, v50  }
0x6d5: {  	v56 =	vld [tilespmem:$0x1F850];
	v3 =	vadd.f32 v57, v52  }
0x6d6: {  	v59 =	vld [tilespmem:$0x1F8D0];
	[tilespmem:s26+$0xCC40] =	vst v1  }
0x6d7: {  	v63 =	vld [tilespmem:$0x1F850];
	[tilespmem:s26+$0xCCC0] =	vst v3  }
0x6d8: {  	v22 =	vsub.f32 v24, v5;
	v24 =	vld [tilespmem:$0x1F850]  }
0x6d9: {  	v4 =	vadd.f32 v60, v40;
	v27 =	vsub.f32 v30, v17;
	v62 =	vmul.f32 v9, v38;
	v28 =	vld [tilespmem:$0x1F8D0]  }
0x6da: {  	v29 =	vmul.f32 s16, v22;
	v2 =	vmul.f32 v12, v56;
	v30 =	vld [tilespmem:$0x1F8D0]  }
0x6db: {  	[tilespmem:s22+$0xCC60] =	vst v4;
	v31 =	vmul.f32 s1, v27;
	v18 =	vld [tilespmem:$0x1F8F0];
	v1 =	vadd.f32 v62, v39  }
0x6dc: {  	v35 =	vld [tilespmem:$0x1F870];
	v2 =	vadd.f32 v2, v59;
	v37 =	vmul.f32 v29, v63  }
0x6dd: {  	v39 =	vld [tilespmem:$0x1F860];
	[tilespmem:s22+$0xCCE0] =	vst v1;
	v1 =	vmul.f32 v31, v24  }
0x6de: {  	v48 =	vld [tilespmem:$0x1F8F0];
	[tilespmem:s15+$0xCC50] =	vst v2;
	v2 =	vadd.f32 v37, v28  }
0x6df: {  	v38 =	vld [tilespmem:$0x1F860];
	v1 =	vadd.f32 v1, v30  }
0x6e0: {  	v40 =	vld [tilespmem:$0x1F8E0];
	[tilespmem:s26+$0xCC50] =	vst v2  }
0x6e1: {  	v42 =	vld [tilespmem:$0x1F860];
	[tilespmem:s26+$0xCCD0] =	vst v1  }
0x6e2: {  	v43 =	vsub.f32 v25, v5;
	v4 =	vmul.f32 v34, v39;
	v44 =	vld [tilespmem:$0x1F860]  }
0x6e3: {  	v45 =	vsub.f32 v32, v17;
	v46 =	vld [tilespmem:$0x1F8E0]  }
0x6e4: {  	v3 =	vmul.f32 v33, v38;
	v4 =	vadd.f32 v4, v41;
	v2 =	vmul.f32 s16, v43;
	v47 =	vld [tilespmem:$0x1F8E0]  }
0x6e5: {  	v15 =	vmul.f32 s1, v45;
	v36 =	vld [tilespmem:$0x1F870]  }
0x6e6: {  	v49 =	vld [tilespmem:$0x1F8F0];
	v3 =	vadd.f32 v3, v40;
	[tilespmem:s15+$0xCCE0] =	vst v4;
	v1 =	vmul.f32 v2, v42  }
0x6e7: {  	v0 =	vsub.f32 v0, v14;
	v4 =	vld [tilespmem:$0x1F870];
	v51 =	vmul.f32 v15, v44  }
0x6e8: {  	[tilespmem:s15+$0xCC60] =	vst v3;
	v53 =	vld [tilespmem:$0x1F8F0];
	v1 =	vadd.f32 v1, v46  }
0x6e9: {  	v0 =	vmul.f32 s2, v0;
	v50 =	vld [tilespmem:$0x1F870];
	v3 =	vadd.f32 v51, v47  }
0x6ea: {  	v52 =	vld [tilespmem:$0x1F8F0];
	[tilespmem:s26+$0xCC60] =	vst v1  }
0x6eb: {  	v0 =	vmul.f32 v0, v54;
	v1 =	vld [tilespmem:$0x1F870];
	[tilespmem:s26+$0xCCE0] =	vst v3  }
0x6ec: {  	v54 =	vsub.f32 v26, v5;
	v55 =	vmul.f32 v6, v35;
	v56 =	vld [tilespmem:$0x1F870]  }
0x6ed: {  	v0 =	vadd.f32 v0, v18;
	v57 =	vsub.f32 v23, v17;
	v7 =	vmul.f32 v7, v36;
	v58 =	vld [tilespmem:$0x1F8F0]  }
0x6ee: {  	v5 =	vadd.f32 v55, v48;
	v4 =	vmul.f32 v11, v4;
	v3 =	vmul.f32 s16, v54;
	v59 =	vld [tilespmem:$0x1F8F0]  }
0x6ef: {  	[tilespmem:s26+$0xCD70] =	vst v0;
	v14 =	vmul.f32 s1, v57;
	v60 =	vadd.f32 v7, v49;
	v2 =	vmul.f32 v10, v50  }
0x6f0: {  	[tilespmem:s22+$0xCC70] =	vst v5;
	v61 =	vadd.f32 v4, v53;
	v1 =	vmul.f32 v3, v1  }
0x6f1: {  	[tilespmem:s22+$0xCCF0] =	vst v60;
	v2 =	vadd.f32 v2, v52;
	v62 =	vmul.f32 v14, v56  }
0x6f2: {  	[tilespmem:s15+$0xCCF0] =	vst v61;
	v1 =	vadd.f32 v1, v58  }
0x6f3: {  	[tilespmem:s15+$0xCC70] =	vst v2;
	v63 =	vadd.f32 v62, v59  }
0x6f4: {  	[tilespmem:s26+$0xCC70] =	vst v1  }
0x6f5: {  	[tilespmem:s26+$0xCCF0] =	vst v63  }
.LBB2_15:
0x6f6: {  	s1 =	sshra.s32 s28, $0x2  }
0x6f7: {  	v0 =	vld [tilespmem:s1+$0x12F00]  }
0x6f8: {  	v1 =	vld [tilespmem:s1+$0x1F700]  }
0x6f9: {  	v2 =	vld [tilespmem:s1+$0x12F10]  }
0x6fa: {  	v3 =	vld [tilespmem:s1+$0x1F710]  }
0x6fb: {  	v4 =	vld [tilespmem:s1+$0x12F20]  }
0x6fc: {  	v5 =	vld [tilespmem:s1+$0x1F720]  }
0x6fd: {  	v6 =	vld [tilespmem:s1+$0x12F30]  }
0x6fe: {  	v7 =	vld [tilespmem:s1+$0x1F730]  }
0x6ff: {  	v34 =	vld [tilespmem:s1+$0x12F40];
	v0 =	vadd.f32 v1, v0;
	v33 =	vadd.f32 v3, v2  }
0x700: {  	v35 =	vld [tilespmem:s1+$0x1F740]  }
0x701: {  	v36 =	vld [tilespmem:s1+$0x12F50];
	v4 =	vadd.f32 v5, v4;
	v8 =	vmul.f32 v0, v0;
	v9 =	vmul.f32 v33, v33  }
0x702: {  	v10 =	vld [tilespmem:s1+$0x1F750];
	v11 =	vadd.f32 v33, v0  }
0x703: {  	v37 =	vld [tilespmem:s1+$0x12F60];
	v6 =	vadd.f32 v7, v6;
	v38 =	vmul.f32 v4, v4;
	v8 =	vadd.f32 v9, v8  }
0x704: {  	v12 =	vld [tilespmem:s1+$0x1F760];
	v11 =	vadd.f32 v4, v11  }
0x705: {  	v39 =	vld [tilespmem:s1+$0x12F70];
	v2 =	vadd.f32 v35, v34;
	v40 =	vmul.f32 v6, v6;
	v8 =	vadd.f32 v38, v8  }
0x706: {  	v13 =	vld [tilespmem:s1+$0x1F770];
	v11 =	vadd.f32 v6, v11  }
0x707: {  	v5 =	vadd.f32 v10, v36;
	v41 =	vmul.f32 v2, v2;
	v8 =	vadd.f32 v40, v8  }
0x708: {  	v42 =	vadd.f32 v2, v11  }
0x709: {  	v7 =	vadd.f32 v12, v37;
	v43 =	vmul.f32 v5, v5;
	v8 =	vadd.f32 v41, v8  }
0x70a: {  	v10 =	vadd.f32 v5, v42  }
0x70b: {  	v3 =	vadd.f32 v13, v39;
	v44 =	vmul.f32 v7, v7;
	v8 =	vadd.f32 v43, v8  }
0x70c: {  	v10 =	vadd.f32 v7, v10  }
0x70d: {  	v45 =	vmul.f32 v3, v3;
	v8 =	vadd.f32 v44, v8  }
0x70e: {  	v10 =	vadd.f32 v3, v10  }
0x70f: {  	v8 =	vadd.f32 v45, v8  }
0x710: {  	(xrf2) =	vadd.scan.msk.f32 $0xffff, v10  }
0x711: {  	(xrf2) =	vadd.scan.msk.f32 $0xffff, v8;
	_ =	sdelay $0x8  }
0x712: {  	v46, _, _ =	vpop (xrf2)  }
0x713: {  	(v2sf) =	vpush v46, $0xF;
	v47, _, _ =	vpop (xrf2)  }
0x714: {  	(v2sf) =	vpush v47, $0xF;
	_ =	sdelay $0xd  }
0x715: {  	s2 =	spop (v2sf)  }
0x716: {  	s2 =	smul.f32 $7.812500000e-03, s2;
	s3 =	spop (v2sf)  }
0x717: {  	s3 =	smul.f32 $7.812500000e-03, s3  }
0x718: {  	s5 =	smul.f32 s2, s2;
	_ =	sdelay $0x1  }
0x719: {  	s3 =	ssub.f32 s3, s5;
	_ =	sdelay $0x1  }
0x71a: {  	s3 =	sadd.f32 $9.999999960e-13, s3;
	_ =	sdelay $0x1  }
0x71b: {  	s25 =	sshra.s32 s3, $0x1;
	s3 =	smul.f32 $5.000000000e-01, s3  }
0x71c: {  	s5 =	ssub.s32 $0x5F3759DF, s25  }
0x71d: {  	s8 =	smul.f32 s5, s3;
	_ =	sdelay $0x1  }
0x71e: {  	s8 =	smul.f32 s5, s8;
	_ =	sdelay $0x1  }
0x71f: {  	s8 =	ssub.f32 $1.500000000e+00, s8;
	_ =	sdelay $0x1  }
0x720: {  	s5 =	smul.f32 s5, s8;
	_ =	sdelay $0x1  }
0x721: {  	s3 =	smul.f32 s5, s3;
	_ =	sdelay $0x1  }
0x722: {  	s3 =	smul.f32 s3, s5;
	_ =	sdelay $0x1  }
0x723: {  	s3 =	ssub.f32 $1.500000000e+00, s3  }
0x724: {  	v49 =	vld [tilespmem:$0x1F800];
	v48 =	vmov s2  }
0x725: {  	v0 =	vsub.f32 v0, v48;
	s26 =	smul.f32 s3, s5  }
0x726: {  	v50 =	vld [tilespmem:$0x1F880]  }
0x727: {  	v0 =	vmul.f32 s26, v0;
	_ =	sdelay $0x1  }
0x728: {  	v0 =	vmul.f32 v0, v49;
	_ =	sdelay $0x1  }
0x729: {  	v0 =	vadd.f32 v0, v50;
	_ =	sdelay $0x1  }
0x72a: {  	[tilespmem:s1+$0x12F00] =	vst v0  }
0x72b: {  	v0 =	vld [tilespmem:$0x1F810]  }
0x72c: {  	v1 =	vsub.f32 v33, v48  }
0x72d: {  	v51 =	vld [tilespmem:$0x1F890]  }
0x72e: {  	v1 =	vmul.f32 s26, v1;
	_ =	sdelay $0x1  }
0x72f: {  	v0 =	vmul.f32 v1, v0;
	_ =	sdelay $0x1  }
0x730: {  	v0 =	vadd.f32 v0, v51;
	_ =	sdelay $0x1  }
0x731: {  	[tilespmem:s1+$0x12F10] =	vst v0  }
0x732: {  	v0 =	vld [tilespmem:$0x1F820]  }
0x733: {  	v52 =	vsub.f32 v4, v48  }
0x734: {  	v53 =	vld [tilespmem:$0x1F8A0]  }
0x735: {  	v1 =	vmul.f32 s26, v52;
	_ =	sdelay $0x1  }
0x736: {  	v0 =	vmul.f32 v1, v0;
	_ =	sdelay $0x1  }
0x737: {  	v0 =	vadd.f32 v0, v53;
	_ =	sdelay $0x1  }
0x738: {  	[tilespmem:s1+$0x12F20] =	vst v0  }
0x739: {  	v0 =	vld [tilespmem:$0x1F830]  }
0x73a: {  	v54 =	vsub.f32 v6, v48  }
0x73b: {  	v55 =	vld [tilespmem:$0x1F8B0]  }
0x73c: {  	v1 =	vmul.f32 s26, v54;
	_ =	sdelay $0x1  }
0x73d: {  	v0 =	vmul.f32 v1, v0;
	_ =	sdelay $0x1  }
0x73e: {  	v0 =	vadd.f32 v0, v55;
	_ =	sdelay $0x1  }
0x73f: {  	[tilespmem:s1+$0x12F30] =	vst v0  }
0x740: {  	v0 =	vld [tilespmem:$0x1F840]  }
0x741: {  	v56 =	vsub.f32 v2, v48  }
0x742: {  	v57 =	vld [tilespmem:$0x1F8C0]  }
0x743: {  	v1 =	vmul.f32 s26, v56;
	_ =	sdelay $0x1  }
0x744: {  	v0 =	vmul.f32 v1, v0;
	_ =	sdelay $0x1  }
0x745: {  	v0 =	vadd.f32 v0, v57;
	_ =	sdelay $0x1  }
0x746: {  	[tilespmem:s1+$0x12F40] =	vst v0  }
0x747: {  	v0 =	vld [tilespmem:$0x1F850]  }
0x748: {  	v58 =	vsub.f32 v5, v48  }
0x749: {  	v59 =	vld [tilespmem:$0x1F8D0]  }
0x74a: {  	v1 =	vmul.f32 s26, v58;
	_ =	sdelay $0x1  }
0x74b: {  	v0 =	vmul.f32 v1, v0;
	_ =	sdelay $0x1  }
0x74c: {  	v0 =	vadd.f32 v0, v59;
	_ =	sdelay $0x1  }
0x74d: {  	[tilespmem:s1+$0x12F50] =	vst v0  }
0x74e: {  	v0 =	vld [tilespmem:$0x1F860]  }
0x74f: {  	v60 =	vsub.f32 v7, v48  }
0x750: {  	v61 =	vld [tilespmem:$0x1F8E0]  }
0x751: {  	v1 =	vmul.f32 s26, v60;
	_ =	sdelay $0x1  }
0x752: {  	v0 =	vmul.f32 v1, v0;
	_ =	sdelay $0x1  }
0x753: {  	v0 =	vadd.f32 v0, v61;
	_ =	sdelay $0x1  }
0x754: {  	[tilespmem:s1+$0x12F60] =	vst v0  }
0x755: {  	v0 =	vld [tilespmem:$0x1F870]  }
0x756: {  	v62 =	vsub.f32 v3, v48  }
0x757: {  	v63 =	vld [tilespmem:$0x1F8F0]  }
0x758: {  	v1 =	vmul.f32 s26, v62  }
0x759: {  	p1 =	sne.s32 s28, $0x200  }
.Ltmp6:
0x75a: {  	v0 =	vmul.f32 v1, v0;
	(pc) =	sbr.rel @p1 .LBB2_15-.Ltmp6, $3  }
0x75b: {  	_ = 	snop  }
0x75c: {  	v0 =	vadd.f32 v0, v63;
	_ =	sdelay $0x1  }
0x75d: {  	s28 =	sadd.s32 $0x200, s28;
	[tilespmem:s1+$0x12F70] =	vst v0  }
0x75e: {  	s1 =	smul.u32 $0xC80, s13;
	_ =	sdelay $0x1  }
0x75f: {  	s2 =	simm.s32 $0xCC00;
	s1 =	sadd.s32 s7, s1  }
0x760: {  	[hbm4b:s1+s9] =	stream.linear.scatter [tilespmem:s2], [sflag:$0x7], $0x6400, $0x38;
	[tilespmem:$0x1F980] =	vst v63  }
0x761: {  	s1 =	simm.s32 @!p0 $0x5  }
0x762: {  	_ =	swait.ge @!p0 [sflag:s1], $0x6400  }
0x763: {  	[sflag:s1] =	ssyncset.done @!p0 $0x0  }
0x764: {  	[sflag:s1] =	ssyncadd.s32 @!p0 $0xFFFF9C00;
	s1 =	simm.s32 @!p0 $0x9  }
0x765: {  	_ =	swait.ge @!p0 [sflag:s1], $0x100  }
0x766: {  	s3 =	simm.s32 @!p0 $0x400;
	[sflag:s1] =	ssyncset.done @!p0 $0x0  }
0x767: {  	s2 =	simm.s32 @!p0 $0x0;
	[sflag:s1] =	ssyncadd.s32 @!p0 $0xFFFFFF00;
	s1 =	simm.s32 @!p0 $0x64  }
0x768: {  	[tilespmem:s3], [sflag:$0x1] =	stream.indirect.gather @!p0 [hbm4b:s0+s1], $0x80, s2, s1, $0xb8;
	[tilespmem:$0x1F980] =	vst v63  }
0x769: {  	s11 =	sor.u32 $0x3, s11;
	s5 =	simm.s32 @!p0 $0x3600;
	s3 =	simm.s32 @!p0 $0x80  }
0x76a: {  	[tilespmem:s5], [sflag:$0x1] =	stream.indirect.gather @!p0 [hbm4b:s0+s1], $0x80, s3, s1, $0xb8;
	[tilespmem:$0x1F980] =	vst v63  }
0x76b: {  	s1 =	sshll.u32 @!p0 s11, $0x5  }
0x76c: {  	s3 =	simm.s32 @!p0 $0x100;
	s1 =	sadd.s32 @!p0 s1, s12  }
0x76d: {  	[tilespmem:s3], [sflag:$0xA] =	stream.linear.gather @!p0 [hbm4b:s1+s2], $0x100, $0x38;
	[tilespmem:$0x1F980] =	vst v63  }
0x76e: {  	_ =	swait.ge [sflag:s21], $0x6400  }
0x76f: {  	[sflag:s21] =	ssyncset.done $0x0  }
0x770: {  	s13 =	simm.s32 $0x0;
	[sflag:s21] =	ssyncadd.s32 $0xFFFF9C00  }
0x771: {  	v0 =	vld [tilespmem:s13+$0x13100]  }
0x772: {  	v1 =	vld [tilespmem:s13+$0x19500]  }
0x773: {  	v3 =	vld [tilespmem:s13+$0x13110]  }
0x774: {  	v4 =	vld [tilespmem:s13+$0x19510]  }
0x775: {  	v5 =	vld [tilespmem:s13+$0x13120]  }
0x776: {  	v6 =	vld [tilespmem:s13+$0x19520]  }
0x777: {  	v7 =	vld [tilespmem:s13+$0x13130]  }
0x778: {  	v8 =	vld [tilespmem:s13+$0x19530]  }
0x779: {  	v2 =	vadd.f32 v1, v0;
	v1 =	vadd.f32 v4, v3;
	v0 =	vld [tilespmem:s13+$0x13140]  }
0x77a: {  	v3 =	vld [tilespmem:s13+$0x19540]  }
0x77b: {  	v11 =	vld [tilespmem:s13+$0x19550];
	v10 =	vadd.f32 v6, v5;
	v5 =	vmul.f32 v2, v2;
	v6 =	vmul.f32 v1, v1  }
0x77c: {  	v4 =	vld [tilespmem:s13+$0x13150];
	v9 =	vadd.f32 v1, v2  }
0x77d: {  	v22 =	vadd.f32 v8, v7;
	v7 =	vld [tilespmem:s13+$0x13160];
	v5 =	vadd.f32 v6, v5;
	v6 =	vmul.f32 v10, v10  }
0x77e: {  	v8 =	vadd.f32 v10, v9;
	v9 =	vld [tilespmem:s13+$0x19560]  }
0x77f: {  	v12 =	vld [tilespmem:s13+$0x13170];
	v21 =	vadd.f32 v3, v0;
	v3 =	vmul.f32 v22, v22;
	v0 =	vadd.f32 v6, v5  }
0x780: {  	v5 =	vadd.f32 v22, v8;
	v6 =	vld [tilespmem:s13+$0x19570]  }
0x781: {  	v4 =	vadd.f32 v11, v4;
	v8 =	vmul.f32 v21, v21;
	v3 =	vadd.f32 v3, v0  }
0x782: {  	v5 =	vadd.f32 v21, v5  }
0x783: {  	v0 =	vadd.f32 v9, v7;
	v7 =	vmul.f32 v4, v4;
	v3 =	vadd.f32 v8, v3  }
0x784: {  	v5 =	vadd.f32 v4, v5  }
0x785: {  	v6 =	vadd.f32 v6, v12;
	v3 =	vadd.f32 v7, v3;
	v7 =	vmul.f32 v0, v0  }
0x786: {  	v5 =	vadd.f32 v0, v5  }
0x787: {  	v3 =	vadd.f32 v7, v3;
	v7 =	vmul.f32 v6, v6  }
0x788: {  	v5 =	vadd.f32 v6, v5  }
0x789: {  	v3 =	vadd.f32 v7, v3  }
0x78a: {  	(xrf2) =	vadd.scan.msk.f32 $0xffff, v5  }
0x78b: {  	(xrf2) =	vadd.scan.msk.f32 $0xffff, v3;
	_ =	sdelay $0x8  }
0x78c: {  	v3, _, _ =	vpop (xrf2)  }
0x78d: {  	(v2sf) =	vpush v3, $0xF;
	v3, _, _ =	vpop (xrf2)  }
0x78e: {  	v13 =	vld [tilespmem:s13+$0x19490];
	(v2sf) =	vpush v3, $0xF  }
0x78f: {  	v14 =	vld [tilespmem:s13+$0x13020]  }
0x790: {  	v15 =	vld [tilespmem:s13+$0x19420]  }
0x791: {  	v16 =	vld [tilespmem:s13+$0x130A0]  }
0x792: {  	v17 =	vld [tilespmem:s13+$0x194A0]  }
0x793: {  	v18 =	vld [tilespmem:s13+$0x13030]  }
0x794: {  	v19 =	vld [tilespmem:s13+$0x19430]  }
0x795: {  	v11 =	vld [tilespmem:s13+$0x19480]  }
0x796: {  	v9 =	vld [tilespmem:s13+$0x13080]  }
0x797: {  	v8 =	vld [tilespmem:s13+$0x19410]  }
0x798: {  	v12 =	vld [tilespmem:s13+$0x13090]  }
0x799: {  	v5 =	vld [tilespmem:s13+$0x19400]  }
0x79a: {  	v7 =	vld [tilespmem:s13+$0x13010]  }
0x79b: {  	v3 =	vld [tilespmem:s13+$0x13000]  }
0x79c: {  	v20 =	vld [tilespmem:s13+$0x130B0];
	s17 =	spop (v2sf)  }
0x79d: {  	v23 =	vld [tilespmem:s13+$0x194B0];
	v24 =	vadd.f32 v11, v9;
	s1 =	smul.f32 $7.812500000e-03, s17;
	s20 =	spop (v2sf)  }
0x79e: {  	v30 =	vld [tilespmem:s13+$0x13040];
	v28 =	vadd.f32 v13, v12;
	s2 =	smul.f32 $7.812500000e-03, s20  }
0x79f: {  	v27 =	vadd.f32 v15, v14;
	v9 =	vld [tilespmem:s13+$0x194C0];
	v12 =	vmul.f32 v24, v24;
	s22 =	smul.f32 s1, s1  }
0x7a0: {  	v14 =	vmul.f32 v28, v28;
	v26 =	vadd.f32 v8, v7;
	v25 =	vadd.f32 v5, v3;
	v5 =	vld [tilespmem:s13+$0x130C0]  }
0x7a1: {  	v32 =	vld [tilespmem:s13+$0x194D0];
	v29 =	vadd.f32 v17, v16;
	v16 =	vadd.f32 v28, v24;
	s2 =	ssub.f32 s2, s22  }
0x7a2: {  	v33 =	vld [tilespmem:s13+$0x19460];
	v12 =	vadd.f32 v14, v12;
	v8 =	vmul.f32 v26, v26;
	v7 =	vmul.f32 v25, v25  }
0x7a3: {  	v16 =	vadd.f32 v29, v16;
	v3 =	vld [tilespmem:s13+$0x19440];
	v11 =	vadd.f32 v26, v25;
	s2 =	sadd.f32 $9.999999960e-13, s2  }
0x7a4: {  	v34 =	vld [tilespmem:s13+$0x130E0];
	v17 =	vmul.f32 v27, v27;
	v8 =	vadd.f32 v8, v7;
	v7 =	vadd.f32 v19, v18  }
0x7a5: {  	v15 =	vld [tilespmem:s13+$0x19450];
	v14 =	vmul.f32 v29, v29;
	v11 =	vadd.f32 v27, v11;
	v9 =	vadd.f32 v9, v5;
	s23 =	sshra.s32 s2, $0x1;
	s2 =	smul.f32 $5.000000000e-01, s2  }
0x7a6: {  	v13 =	vld [tilespmem:s13+$0x13050];
	v17 =	vadd.f32 v17, v8;
	v18 =	vmul.f32 v7, v7;
	v8 =	vadd.f32 v23, v20;
	s3 =	ssub.s32 $0x5F3759DF, s23  }
0x7a7: {  	v12 =	vadd.f32 v14, v12;
	v19 =	vld [tilespmem:s13+$0x130D0];
	v23 =	vadd.f32 v7, v11;
	s25 =	smul.f32 s3, s2  }
0x7a8: {  	v20 =	vld [tilespmem:s13+$0x13060];
	v11 =	vadd.f32 v3, v30;
	[tilespmem:$0x1FF80] =	vst v9;
	v14 =	vadd.f32 v18, v17;
	v17 =	vmul.f32 v8, v8  }
0x7a9: {  	v3 =	vld [tilespmem:s13+$0x194E0];
	v5 =	vadd.f32 v8, v16;
	s5 =	smul.f32 s3, s25  }
0x7aa: {  	v35 =	vld [tilespmem:s13+$0x13070];
	v18 =	vadd.f32 v11, v23;
	v16 =	vadd.f32 v17, v12;
	v17 =	vmul.f32 v11, v11  }
0x7ab: {  	v23 =	vmul.f32 v9, v9;
	v36 =	vld [tilespmem:s13+$0x19470];
	v5 =	vadd.f32 v9, v5;
	v9 =	vadd.f32 v15, v13;
	s5 =	ssub.f32 $1.500000000e+00, s5  }
0x7ac: {  	v13 =	vadd.f32 v17, v14  }
0x7ad: {  	v37 =	vld [tilespmem:s13+$0x194F0];
	v23 =	vadd.f32 v23, v16;
	v38 =	vadd.f32 v9, v18;
	v14 =	vmul.f32 v9, v9;
	s3 =	smul.f32 s3, s5  }
0x7ae: {  	v15 =	vld [tilespmem:s13+$0x130F0];
	v16 =	vadd.f32 v32, v19;
	v17 =	vadd.f32 v33, v20  }
0x7af: {  	v12 =	vadd.f32 v3, v34;
	v19 =	vadd.f32 v14, v13;
	s2 =	smul.f32 s3, s2  }
0x7b0: {  	v3 =	vmul.f32 v17, v17;
	v20 =	vadd.f32 v17, v38;
	v14 =	vadd.f32 v36, v35  }
0x7b1: {  	v5 =	vadd.f32 v16, v5;
	s2 =	smul.f32 s2, s3  }
0x7b2: {  	v18 =	vmov s1;
	v3 =	vadd.f32 v3, v19;
	v19 =	vadd.f32 v14, v20  }
0x7b3: {  	v32 =	vmul.f32 v16, v16;
	v13 =	vadd.f32 v37, v15;
	v5 =	vadd.f32 v12, v5;
	s2 =	ssub.f32 $1.500000000e+00, s2  }
0x7b4: {  	v31 =	vld [tilespmem:$0x1F800];
	v2 =	vsub.f32 v2, v18;
	v20 =	vmul.f32 v14, v14;
	(xrf2) =	vadd.scan.msk.f32 $0xffff, v19  }
0x7b5: {  	s15 =	simm.s32 $0x180;
	v30 =	vld [tilespmem:$0x1F880];
	[tilespmem:$0x1FF90] =	vst v14;
	v23 =	vadd.f32 v32, v23;
	v5 =	vadd.f32 v13, v5;
	v19 =	vmul.f32 v12, v12;
	s1 =	smul.f32 s2, s3  }
0x7b6: {  	v49 =	vld [tilespmem:s15+$0x13120];
	v3 =	vadd.f32 v20, v3  }
0x7b7: {  	v51 =	vld [tilespmem:s15+$0x19520];
	(xrf2) =	vadd.scan.msk.f32 $0xffff, v5;
	v5 =	vadd.f32 v19, v23;
	v19 =	vmul.f32 v13, v13;
	v2 =	vmul.f32 s1, v2  }
0x7b8: {  	v23 =	vld [tilespmem:s15+$0x19510];
	(xrf2) =	vadd.scan.msk.f32 $0xffff, v3  }
0x7b9: {  	v3 =	vadd.f32 v19, v5;
	v5 =	vld [tilespmem:s15+$0x13100];
	v2 =	vmul.f32 v2, v31  }
0x7ba: {  	v19 =	vld [tilespmem:s15+$0x19500]  }
0x7bb: {  	(xrf2) =	vadd.scan.msk.f32 $0xffff, v3;
	v3 =	vld [tilespmem:s15+$0x13110];
	v2 =	vadd.f32 v2, v30  }
0x7bc: {  	v53 =	vld [tilespmem:s15+$0x13130]  }
0x7bd: {  	v54 =	vld [tilespmem:s15+$0x19530];
	[tilespmem:s13+$0x13100] =	vst v2  }
0x7be: {  	v50, _, _ =	vpop (xrf2);
	v2 =	vld [tilespmem:$0x1F810]  }
0x7bf: {  	v1 =	vsub.f32 v1, v18;
	v56 =	vld [tilespmem:s15+$0x13150];
	(v2sf) =	vpush v50, $0xF  }
0x7c0: {  	v5 =	vadd.f32 v19, v5;
	v3 =	vadd.f32 v23, v3;
	v20 =	vld [tilespmem:$0x1F890]  }
0x7c1: {  	v19 =	vld [tilespmem:s15+$0x13140];
	v52, _, _ =	vpop (xrf2);
	v1 =	vmul.f32 s1, v1  }
0x7c2: {  	v23 =	vld [tilespmem:s15+$0x19540];
	v57 =	vmul.f32 v5, v5;
	(v2sf) =	vpush v52, $0xF;
	v55, _, _ =	vpop (xrf2);
	v58 =	vmul.f32 v3, v3  }
0x7c3: {  	v39 =	vld [tilespmem:s15+$0x19550];
	(v2sf) =	vpush v55, $0xF;
	v1 =	vmul.f32 v1, v2;
	v2 =	vadd.f32 v51, v49  }
0x7c4: {  	v60 =	vld [tilespmem:s15+$0x13160];
	v59 =	vadd.f32 v3, v5;
	v35 =	vadd.f32 v58, v57  }
0x7c5: {  	v63 =	vld [tilespmem:s15+$0x19560];
	v40, _, _ =	vpop (xrf2);
	v20 =	vadd.f32 v1, v20;
	v1 =	vadd.f32 v54, v53;
	v61 =	vmul.f32 v2, v2  }
0x7c6: {  	v32 =	vld [tilespmem:s15+$0x13170];
	(v2sf) =	vpush v40, $0xF;
	v62 =	vadd.f32 v2, v59  }
0x7c7: {  	v47 =	vld [tilespmem:s15+$0x19570];
	[tilespmem:s13+$0x13110] =	vst v20;
	v20 =	vadd.f32 v23, v19;
	v23 =	vadd.f32 v61, v35;
	v45 =	vmul.f32 v1, v1  }
0x7c8: {  	v10 =	vsub.f32 v10, v18;
	v46 =	vadd.f32 v1, v62;
	v44 =	vld [tilespmem:$0x1F820]  }
0x7c9: {  	v19 =	vadd.f32 v39, v56;
	v48 =	vadd.f32 v45, v23;
	v49 =	vmul.f32 v20, v20  }
0x7ca: {  	v36 =	vadd.f32 v20, v46;
	v23 =	vadd.f32 v63, v60  }
0x7cb: {  	v10 =	vmul.f32 s1, v10;
	v41 =	vld [tilespmem:$0x1F8A0];
	v50 =	vmul.f32 v19, v19;
	v33 =	vadd.f32 v49, v48  }
0x7cc: {  	v36 =	vadd.f32 v19, v36;
	v53 =	vmul.f32 v23, v23  }
0x7cd: {  	v51 =	vmul.f32 v10, v44;
	v10 =	vadd.f32 v47, v32;
	v52 =	vadd.f32 v50, v33  }
0x7ce: {  	s26 =	spop (v2sf);
	v55 =	vadd.f32 v23, v36  }
0x7cf: {  	s2 =	smul.f32 $7.812500000e-03, s26;
	v32 =	vadd.f32 v53, v52;
	v56 =	vmul.f32 v10, v10  }
0x7d0: {  	v54 =	vadd.f32 v51, v41;
	v57 =	vadd.f32 v10, v55  }
0x7d1: {  	s16 =	spop (v2sf);
	s28 =	smul.f32 s2, s2;
	[tilespmem:$0x1FFA0] =	vst v10;
	v32 =	vadd.f32 v56, v32  }
0x7d2: {  	s16 =	smul.f32 $7.812500000e-03, s16;
	s17 =	spop (v2sf);
	v34 =	vld [tilespmem:s15+$0x19400];
	[tilespmem:s13+$0x13120] =	vst v54;
	(xrf2) =	vadd.scan.msk.f32 $0xffff, v57  }
0x7d3: {  	s5 =	smul.f32 $7.812500000e-03, s17;
	v58 =	vld [tilespmem:$0x1F830];
	(xrf2) =	vadd.scan.msk.f32 $0xffff, v32  }
0x7d4: {  	v22 =	vsub.f32 v22, v18;
	s8 =	smul.f32 s16, s16;
	v36 =	vld [tilespmem:s15+$0x13010]  }
0x7d5: {  	s3 =	ssub.f32 s5, s28;
	s20 =	spop (v2sf);
	v59 =	vld [tilespmem:$0x1F8B0]  }
0x7d6: {  	v22 =	vmul.f32 s1, v22;
	s5 =	smul.f32 $7.812500000e-03, s20;
	v60 =	vld [tilespmem:s15+$0x19410]  }
0x7d7: {  	s3 =	sadd.f32 $9.999999960e-13, s3;
	v61 =	vld [tilespmem:s15+$0x13080]  }
0x7d8: {  	s5 =	ssub.f32 s5, s8;
	v62 =	vld [tilespmem:s15+$0x19480];
	v22 =	vmul.f32 v22, v58  }
0x7d9: {  	s22 =	sshra.s32 s3, $0x1;
	s3 =	smul.f32 $5.000000000e-01, s3;
	v63 =	vld [tilespmem:s15+$0x13090]  }
0x7da: {  	s8 =	ssub.s32 $0x5F3759DF, s22;
	s5 =	sadd.f32 $9.999999960e-13, s5;
	v42 =	vld [tilespmem:s15+$0x13020];
	v22 =	vadd.f32 v22, v59  }
0x7db: {  	s17 =	smul.f32 s8, s3;
	v40 =	vld [tilespmem:s15+$0x19420]  }
0x7dc: {  	s20 =	sshra.s32 s5, $0x1;
	s5 =	smul.f32 $5.000000000e-01, s5;
	v43 =	vld [tilespmem:s15+$0x130A0];
	[tilespmem:s13+$0x13130] =	vst v22;
	v57, _, _ =	vpop (xrf2)  }
0x7dd: {  	s17 =	smul.f32 s8, s17;
	s20 =	ssub.s32 $0x5F3759DF, s20;
	v22 =	vld [tilespmem:$0x1F840];
	(v2sf) =	vpush v57, $0xF;
	v59, _, _ =	vpop (xrf2)  }
0x7de: {  	v21 =	vsub.f32 v21, v18;
	s22 =	smul.f32 s20, s5;
	v45 =	vld [tilespmem:s15+$0x13030];
	(v2sf) =	vpush v59, $0xF  }
0x7df: {  	s17 =	ssub.f32 $1.500000000e+00, s17;
	v58 =	vld [tilespmem:$0x1F8C0]  }
0x7e0: {  	v21 =	vmul.f32 s1, v21;
	v41 =	vld [tilespmem:s15+$0x19430];
	s22 =	smul.f32 s20, s22  }
0x7e1: {  	v37 =	vld [tilespmem:s15+$0x13050];
	s8 =	smul.f32 s8, s17  }
0x7e2: {  	v39 =	vld [tilespmem:s15+$0x19450];
	s23 =	ssub.f32 $1.500000000e+00, s22;
	v21 =	vmul.f32 v21, v22  }
0x7e3: {  	v44 =	vld [tilespmem:s15+$0x194A0];
	s3 =	smul.f32 s8, s3  }
0x7e4: {  	v32 =	vld [tilespmem:s15+$0x13000];
	s17 =	smul.f32 s20, s23;
	v21 =	vadd.f32 v21, v58  }
0x7e5: {  	v4 =	vsub.f32 v4, v18;
	v46 =	vld [tilespmem:s15+$0x130B0];
	s3 =	smul.f32 s3, s8  }
0x7e6: {  	v0 =	vsub.f32 v0, v18;
	v56 =	vld [tilespmem:s15+$0x19490];
	v38 =	vadd.f32 v41, v45;
	s25 =	smul.f32 s17, s5;
	v22 =	vmov s2;
	[tilespmem:s13+$0x13140] =	vst v21  }
0x7e7: {  	v37 =	vadd.f32 v39, v37;
	s3 =	ssub.f32 $1.500000000e+00, s3;
	v25 =	vsub.f32 v25, v22;
	v21 =	vld [tilespmem:$0x1F850]  }
0x7e8: {  	v47 =	vld [tilespmem:s15+$0x194B0];
	s2 =	smul.f32 s25, s17;
	v48 =	vsub.f32 v26, v22;
	v50 =	vsub.f32 v27, v22;
	v27 =	vmov s16  }
0x7e9: {  	v26 =	vadd.f32 v34, v32;
	s16 =	smul.f32 s3, s8;
	v52 =	vsub.f32 v24, v27;
	v49 =	vld [tilespmem:$0x1F8D0]  }
0x7ea: {  	v4 =	vmul.f32 s1, v4;
	v51 =	vld [tilespmem:s15+$0x13040];
	v28 =	vsub.f32 v28, v27;
	s2 =	ssub.f32 $1.500000000e+00, s2;
	v24 =	vadd.f32 v60, v36  }
0x7eb: {  	v53 =	vld [tilespmem:s15+$0x19440];
	v29 =	vsub.f32 v29, v27;
	v32 =	vmul.f32 v26, v26;
	v60 =	vmul.f32 s16, v25  }
0x7ec: {  	v35 =	vld [tilespmem:s15+$0x194C0];
	v25 =	vadd.f32 v56, v63;
	s2 =	smul.f32 s2, s17;
	v36 =	vmul.f32 v24, v24;
	v4 =	vmul.f32 v4, v21;
	s26 =	spop (v2sf)  }
0x7ed: {  	v41 =	vld [tilespmem:s15+$0x13060];
	v54 =	vadd.f32 v24, v26;
	v33 =	vmul.f32 v60, v31;
	v21 =	vadd.f32 v62, v61;
	s28 =	smul.f32 $7.812500000e-03, s26;
	s5 =	spop (v2sf)  }
0x7ee: {  	v34 =	vld [tilespmem:s15+$0x130C0];
	v63 =	vmul.f32 v25, v25;
	v62 =	vmul.f32 s2, v52;
	v4 =	vadd.f32 v4, v49;
	s3 =	smul.f32 $7.812500000e-03, s5  }
0x7ef: {  	v57 =	vadd.f32 v33, v30;
	v33 =	vadd.f32 v47, v46;
	v46 =	vld [tilespmem:s15+$0x130E0];
	v61 =	vmul.f32 v21, v21;
	s8 =	smul.f32 s28, s28  }
0x7f0: {  	v52 =	vld [tilespmem:s15+$0x130D0];
	v55 =	vadd.f32 v25, v21;
	v31 =	vmul.f32 v62, v31;
	[tilespmem:s13+$0x13150] =	vst v4;
	v4 =	vadd.f32 v36, v32  }
0x7f1: {  	[tilespmem:s13+$0x13000] =	vst v57;
	v36 =	vadd.f32 v40, v42;
	v42 =	vld [tilespmem:s15+$0x194D0];
	v49 =	vadd.f32 v63, v61;
	s3 =	ssub.f32 s3, s8  }
0x7f2: {  	v0 =	vmul.f32 s1, v0;
	v32 =	vadd.f32 v44, v43;
	v30 =	vadd.f32 v31, v30;
	v63 =	vld [tilespmem:$0x1F810]  }
0x7f3: {  	v48 =	vmul.f32 s16, v48;
	v34 =	vadd.f32 v35, v34;
	v56 =	vld [tilespmem:$0x1F860];
	v31 =	vmul.f32 v36, v36;
	s3 =	sadd.f32 $9.999999960e-13, s3  }
0x7f4: {  	v58 =	vadd.f32 v36, v54;
	v59 =	vadd.f32 v32, v55;
	v60 =	vmul.f32 v32, v32;
	v55 =	vld [tilespmem:s15+$0x19460];
	[tilespmem:s13+$0x13080] =	vst v30  }
0x7f5: {  	v28 =	vmul.f32 s2, v28;
	v44 =	vadd.f32 v53, v51;
	v57 =	vld [tilespmem:$0x1F810];
	v4 =	vadd.f32 v31, v4;
	s20 =	sshra.s32 s3, $0x1;
	s3 =	smul.f32 $5.000000000e-01, s3  }
0x7f6: {  	v31 =	vmul.f32 v38, v38;
	v61 =	vadd.f32 v38, v58;
	v62 =	vadd.f32 v60, v49;
	v49 =	vld [tilespmem:s15+$0x194E0];
	s5 =	ssub.s32 $0x5F3759DF, s20  }
0x7f7: {  	v51 =	vmul.f32 v44, v44;
	v30 =	vadd.f32 v33, v59;
	v58 =	vmul.f32 v34, v34;
	v59 =	vld [tilespmem:$0x1F890];
	s22 =	smul.f32 s5, s3  }
0x7f8: {  	v60 =	vld [tilespmem:s15+$0x13070];
	v4 =	vadd.f32 v31, v4;
	v31 =	vmul.f32 v33, v33;
	v40 =	vadd.f32 v44, v61  }
0x7f9: {  	v45 =	vmul.f32 v48, v63;
	v63 =	vld [tilespmem:s15+$0x130F0];
	v30 =	vadd.f32 v34, v30;
	v41 =	vadd.f32 v55, v41;
	s8 =	smul.f32 s5, s22  }
0x7fa: {  	v61 =	vld [tilespmem:s15+$0x19470];
	v31 =	vadd.f32 v31, v62;
	v4 =	vadd.f32 v51, v4;
	v28 =	vmul.f32 v28, v57  }
0x7fb: {  	v0 =	vmul.f32 v0, v56;
	v62 =	vadd.f32 v37, v40;
	v40 =	vadd.f32 v42, v52;
	v57 =	vld [tilespmem:s15+$0x194F0];
	s8 =	ssub.f32 $1.500000000e+00, s8  }
0x7fc: {  	v56 =	vmul.f32 v37, v37;
	v42 =	vadd.f32 v49, v46;
	v28 =	vadd.f32 v28, v59  }
0x7fd: {  	v31 =	vadd.f32 v58, v31;
	v30 =	vadd.f32 v40, v30;
	s5 =	smul.f32 s5, s8  }
0x7fe: {  	v47 =	vld [tilespmem:$0x1F890];
	v4 =	vadd.f32 v56, v4;
	v59 =	vadd.f32 v41, v62;
	[tilespmem:s13+$0x13090] =	vst v28;
	v28 =	vmul.f32 v40, v40  }
0x7ff: {  	v43 =	vld [tilespmem:$0x1F8E0];
	s22 =	simm.s32 $0x300;
	v39 =	vadd.f32 v61, v60;
	v61 =	vmul.f32 s2, v29;
	v29 =	vadd.f32 v42, v30;
	s3 =	smul.f32 s5, s3  }
0x800: {  	v51 =	vld [tilespmem:s22+$0x13170];
	v35 =	vadd.f32 v57, v63;
	v28 =	vadd.f32 v28, v31;
	v31 =	vmul.f32 v41, v41  }
0x801: {  	v53 =	vld [tilespmem:s22+$0x19540];
	v62 =	vadd.f32 v39, v59;
	s3 =	smul.f32 s3, s5  }
0x802: {  	v60 =	vld [tilespmem:$0x1F820];
	v52 =	vadd.f32 v35, v29;
	v4 =	vadd.f32 v31, v4;
	v31 =	vmul.f32 v39, v39  }
0x803: {  	v58 =	vadd.f32 v45, v47;
	v56 =	vmul.f32 v42, v42;
	v63 =	vld [tilespmem:$0x1F8A0];
	(xrf2) =	vadd.scan.msk.f32 $0xffff, v62;
	s3 =	ssub.f32 $1.500000000e+00, s3  }
0x804: {  	v0 =	vadd.f32 v0, v43;
	v43 =	vmov s28;
	v29 =	vld [tilespmem:$0x1F800];
	(xrf2) =	vadd.scan.msk.f32 $0xffff, v52;
	v4 =	vadd.f32 v31, v4  }
0x805: {  	v5 =	vsub.f32 v5, v43;
	v55 =	vld [tilespmem:s22+$0x13160];
	[tilespmem:s13+$0x13010] =	vst v58;
	v58 =	vmul.f32 v35, v35;
	v57 =	vadd.f32 v56, v28;
	s17 =	smul.f32 s3, s5  }
0x806: {  	v28 =	vld [tilespmem:$0x1F880];
	(xrf2) =	vadd.scan.msk.f32 $0xffff, v4  }
0x807: {  	[tilespmem:s13+$0x13160] =	vst v0;
	v14 =	vld [tilespmem:s22+$0x130A0];
	v59 =	vmul.f32 v61, v60;
	v0 =	vadd.f32 v58, v57;
	v5 =	vmul.f32 s17, v5  }
0x808: {  	v46 =	vld [tilespmem:$0x1F820]  }
0x809: {  	v30 =	vld [tilespmem:$0x1F8A0];
	v4 =	vadd.f32 v59, v63;
	(xrf2) =	vadd.scan.msk.f32 $0xffff, v0;
	v5 =	vmul.f32 v5, v29  }
0x80a: {  	v62 =	vld [tilespmem:s22+$0x19520]  }
0x80b: {  	v56 =	vld [tilespmem:s22+$0x19570];
	v0 =	vadd.f32 v5, v28  }
0x80c: {  	v52 =	vld [tilespmem:s22+$0x13120];
	[tilespmem:s13+$0x130A0] =	vst v4  }
0x80d: {  	v3 =	vsub.f32 v3, v43;
	v31 =	vld [tilespmem:$0x1F870];
	v4, _, _ =	vpop (xrf2);
	[tilespmem:s15+$0x13100] =	vst v0  }
0x80e: {  	v45 =	vmul.f32 s16, v50;
	(v2sf) =	vpush v4, $0xF;
	v4, _, _ =	vpop (xrf2);
	v0 =	vld [tilespmem:$0x1F810]  }
0x80f: {  	v61 =	vld [tilespmem:s22+$0x19510];
	v3 =	vmul.f32 s17, v3;
	(v2sf) =	vpush v4, $0xF  }
0x810: {  	v45 =	vmul.f32 v45, v46;
	v5 =	vld [tilespmem:$0x1F890];
	v60, _, _ =	vpop (xrf2)  }
0x811: {  	v58 =	vld [tilespmem:s22+$0x19550];
	(v2sf) =	vpush v60, $0xF  }
0x812: {  	v45 =	vadd.f32 v45, v30;
	v30 =	vld [tilespmem:$0x1F8F0]  }
0x813: {  	v59 =	vld [tilespmem:s22+$0x13000];
	v0 =	vmul.f32 v3, v0;
	v3, _, _ =	vpop (xrf2)  }
0x814: {  	[tilespmem:s13+$0x13020] =	vst v45;
	v45 =	vld [tilespmem:s22+$0x13100];
	(v2sf) =	vpush v3, $0xF  }
0x815: {  	v49 =	vld [tilespmem:$0x1F830];
	v0 =	vadd.f32 v0, v5  }
0x816: {  	v3 =	vld [tilespmem:s22+$0x19500]  }
0x817: {  	v5 =	vld [tilespmem:s22+$0x13110];
	[tilespmem:s15+$0x13110] =	vst v0  }
0x818: {  	v0 =	vld [tilespmem:$0x1F820]  }
0x819: {  	v2 =	vsub.f32 v2, v43;
	v4 =	vld [tilespmem:s22+$0x13130]  }
0x81a: {  	v6 =	vsub.f32 v6, v18;
	v63 =	vld [tilespmem:$0x1F8A0]  }
0x81b: {  	v8 =	vsub.f32 v8, v27;
	v2 =	vmul.f32 s17, v2;
	v60 =	vld [tilespmem:s22+$0x19530]  }
0x81c: {  	v6 =	vmul.f32 s1, v6;
	v15 =	vsub.f32 v12, v27;
	v50 =	vld [tilespmem:$0x1F830];
	v46 =	vadd.f32 v3, v45  }
0x81d: {  	v8 =	vmul.f32 s2, v8;
	v48 =	vld [tilespmem:$0x1F8B0];
	s23 =	spop (v2sf);
	v45 =	vadd.f32 v61, v5;
	v0 =	vmul.f32 v2, v0  }
0x81e: {  	v1 =	vsub.f32 v1, v43;
	v3 =	vld [tilespmem:s22+$0x13140];
	v5 =	vadd.f32 v62, v52;
	s20 =	smul.f32 $7.812500000e-03, s23;
	v61 =	vmul.f32 v46, v46;
	s25 =	spop (v2sf)  }
0x81f: {  	v62 =	vmul.f32 v45, v45;
	v57 =	vadd.f32 v45, v46;
	s23 =	smul.f32 $7.812500000e-03, s25;
	v2 =	vld [tilespmem:s22+$0x13150];
	v0 =	vadd.f32 v0, v63  }
0x820: {  	v47 =	vld [tilespmem:$0x1F8B0];
	v12 =	vmul.f32 v6, v31;
	v8 =	vmul.f32 v8, v49;
	v4 =	vadd.f32 v60, v4;
	s26 =	smul.f32 s20, s20;
	s25 =	spop (v2sf)  }
0x821: {  	v52 =	vadd.f32 v62, v61;
	v60 =	vadd.f32 v5, v57;
	v57 =	vld [tilespmem:s22+$0x19560];
	v63 =	vmul.f32 v5, v5;
	s8 =	smul.f32 $7.812500000e-03, s25;
	[tilespmem:s15+$0x13120] =	vst v0  }
0x822: {  	v49 =	vadd.f32 v12, v30;
	v8 =	vadd.f32 v8, v48;
	s28 =	smul.f32 s23, s23;
	v0 =	vld [tilespmem:$0x1F830]  }
0x823: {  	v31 =	vld [tilespmem:s22+$0x19430];
	v3 =	vadd.f32 v53, v3;
	v61 =	vmul.f32 v4, v4;
	v52 =	vadd.f32 v63, v52;
	s3 =	ssub.f32 s8, s26;
	s25 =	spop (v2sf)  }
0x824: {  	v62 =	vadd.f32 v4, v60;
	v2 =	vadd.f32 v58, v2;
	v58 =	vld [tilespmem:$0x1F8B0];
	s25 =	smul.f32 $7.812500000e-03, s25  }
0x825: {  	v30 =	vld [tilespmem:s22+$0x194B0];
	v53 =	vmul.f32 v3, v3;
	v60 =	vmul.f32 s17, v1;
	v52 =	vadd.f32 v61, v52;
	s3 =	sadd.f32 $9.999999960e-13, s3  }
0x826: {  	v48 =	vld [tilespmem:s22+$0x13040];
	v54 =	vadd.f32 v3, v62;
	v1 =	vadd.f32 v57, v55;
	s5 =	ssub.f32 s25, s28  }
0x827: {  	v61 =	vld [tilespmem:s22+$0x19400];
	v52 =	vadd.f32 v53, v52;
	v53 =	vmul.f32 v2, v2;
	s26 =	sshra.s32 s3, $0x1;
	s3 =	smul.f32 $5.000000000e-01, s3;
	v57 =	vmul.f32 v60, v0  }
0x828: {  	v55 =	vld [tilespmem:s22+$0x13010];
	v54 =	vadd.f32 v2, v54;
	s8 =	ssub.s32 $0x5F3759DF, s26;
	v0 =	vadd.f32 v56, v51;
	s5 =	sadd.f32 $9.999999960e-13, s5  }
0x829: {  	v63 =	vmul.f32 v1, v1;
	v60 =	vld [tilespmem:s22+$0x19410];
	v51 =	vadd.f32 v53, v52;
	s26 =	smul.f32 s8, s3;
	v62 =	vadd.f32 v57, v58  }
0x82a: {  	v53 =	vadd.f32 v1, v54;
	v54 =	vld [tilespmem:s22+$0x13080];
	s28 =	sshra.s32 s5, $0x1;
	s5 =	smul.f32 $5.000000000e-01, s5  }
0x82b: {  	v57 =	vld [tilespmem:s22+$0x19480];
	v51 =	vadd.f32 v63, v51;
	v63 =	vmul.f32 v0, v0;
	s26 =	smul.f32 s8, s26;
	[tilespmem:s15+$0x13130] =	vst v62;
	s25 =	ssub.s32 $0x5F3759DF, s28  }
0x82c: {  	v53 =	vadd.f32 v0, v53;
	v56 =	vld [tilespmem:$0x1F840];
	s28 =	smul.f32 s25, s5  }
0x82d: {  	v20 =	vsub.f32 v20, v43;
	v58 =	vld [tilespmem:s22+$0x13090];
	v51 =	vadd.f32 v63, v51;
	s26 =	ssub.f32 $1.500000000e+00, s26  }
0x82e: {  	(xrf2) =	vadd.scan.msk.f32 $0xffff, v53;
	v18 =	vld [tilespmem:$0x1F8C0];
	s28 =	smul.f32 s25, s28  }
0x82f: {  	v20 =	vmul.f32 s17, v20;
	v10 =	vld [tilespmem:$0x1FF80];
	(xrf2) =	vadd.scan.msk.f32 $0xffff, v51;
	s1 =	smul.f32 s8, s26  }
0x830: {  	v7 =	vsub.f32 v7, v22;
	v6 =	vld [tilespmem:$0x1FF90];
	s28 =	ssub.f32 $1.500000000e+00, s28  }
0x831: {  	v53 =	vld [tilespmem:s22+$0x19490];
	s3 =	smul.f32 s1, s3;
	v20 =	vmul.f32 v20, v56  }
0x832: {  	v7 =	vmul.f32 s16, v7;
	v62 =	vld [tilespmem:s22+$0x13020];
	v63 =	vsub.f32 v11, v22;
	s25 =	smul.f32 s25, s28  }
0x833: {  	v11 =	vld [tilespmem:s22+$0x19420];
	v56 =	vsub.f32 v17, v22;
	s3 =	smul.f32 s3, s1;
	v17 =	vadd.f32 v20, v18  }
0x834: {  	v16 =	vsub.f32 v16, v27;
	v51 =	vsub.f32 v9, v22;
	v9 =	vld [tilespmem:s22+$0x194A0];
	v18 =	vmul.f32 v7, v50;
	s5 =	smul.f32 s25, s5  }
0x835: {  	v52 =	vsub.f32 v10, v27;
	v10 =	vld [tilespmem:s22+$0x13030];
	v6 =	vsub.f32 v6, v22;
	s3 =	ssub.f32 $1.500000000e+00, s3;
	[tilespmem:s15+$0x13140] =	vst v17  }
0x836: {  	v12 =	vmov s20;
	v47 =	vadd.f32 v18, v47;
	v18 =	vsub.f32 v19, v43;
	v20 =	vld [tilespmem:$0x1F850];
	s5 =	smul.f32 s5, s25  }
0x837: {  	v22 =	vsub.f32 v26, v12;
	v7 =	vsub.f32 v13, v27;
	v50 =	vld [tilespmem:s22+$0x130B0];
	v13 =	vmov s23;
	s1 =	smul.f32 s3, s1  }
0x838: {  	v21 =	vsub.f32 v21, v13;
	v26 =	vld [tilespmem:$0x1F8D0];
	v17, _, _ =	vpop (xrf2);
	v27 =	vmul.f32 s17, v18;
	v18 =	vadd.f32 v60, v55;
	s5 =	ssub.f32 $1.500000000e+00, s5  }
0x839: {  	v55 =	vld [tilespmem:s22+$0x19440];
	v22 =	vmul.f32 s1, v22;
	(v2sf) =	vpush v17, $0xF;
	v19, _, _ =	vpop (xrf2);
	v17 =	vadd.f32 v61, v59  }
0x83a: {  	v60 =	vld [tilespmem:s22+$0x13050];
	(v2sf) =	vpush v19, $0xF;
	v19 =	vadd.f32 v57, v54;
	v57 =	vmul.f32 v18, v18;
	s28 =	smul.f32 s5, s25  }
0x83b: {  	v54 =	vld [tilespmem:s22+$0x130C0];
	v59 =	vmul.f32 v17, v17;
	v27 =	vmul.f32 v27, v20  }
0x83c: {  	v20 =	vadd.f32 v53, v58;
	v53 =	vld [tilespmem:s22+$0x194C0];
	v58 =	vmul.f32 v19, v19;
	v21 =	vmul.f32 s28, v21  }
0x83d: {  	v26 =	vadd.f32 v27, v26;
	v27 =	vmul.f32 v22, v29;
	v22 =	vadd.f32 v11, v62;
	v11 =	vld [tilespmem:s22+$0x19450]  }
0x83e: {  	v57 =	vadd.f32 v57, v59;
	v29 =	vmul.f32 v21, v29;
	v21 =	vadd.f32 v9, v14;
	v9 =	vld [tilespmem:s22+$0x130D0]  }
0x83f: {  	v61 =	vmul.f32 v20, v20;
	v14 =	vadd.f32 v27, v28;
	v27 =	vadd.f32 v31, v10;
	v31 =	vld [tilespmem:s22+$0x194D0]  }
0x840: {  	[tilespmem:s15+$0x13150] =	vst v26;
	v59 =	vmul.f32 v22, v22;
	v26 =	vadd.f32 v30, v50;
	v30 =	vadd.f32 v55, v48;
	v48 =	vld [tilespmem:s22+$0x19460]  }
0x841: {  	v23 =	vsub.f32 v23, v43;
	v58 =	vadd.f32 v61, v58;
	v61 =	vld [tilespmem:$0x1F860];
	v10 =	vmul.f32 v21, v21  }
0x842: {  	v29 =	vadd.f32 v29, v28;
	v50 =	vld [tilespmem:$0x1F8E0];
	v28 =	vadd.f32 v59, v57;
	v57 =	vmul.f32 v27, v27  }
0x843: {  	v62 =	vmul.f32 v26, v26;
	v59 =	vld [tilespmem:s22+$0x13060];
	[tilespmem:s15+$0x13000] =	vst v14;
	v14 =	vadd.f32 v20, v19;
	v10 =	vadd.f32 v10, v58  }
0x844: {  	v58 =	vmul.f32 v30, v30;
	v55 =	vadd.f32 v57, v28;
	v57 =	vld [tilespmem:s22+$0x130E0];
	v28 =	vadd.f32 v53, v54  }
0x845: {  	v53 =	vmul.f32 s17, v23;
	v54 =	vld [tilespmem:s22+$0x194E0];
	v23 =	vadd.f32 v11, v60;
	v60 =	vsub.f32 v25, v13  }
0x846: {  	v11 =	vld [tilespmem:s22+$0x13070];
	v14 =	vadd.f32 v21, v14;
	v10 =	vadd.f32 v62, v10;
	v62 =	vmul.f32 s16, v63  }
0x847: {  	v63 =	vsub.f32 v24, v12;
	v31 =	vadd.f32 v31, v9;
	v53 =	vmul.f32 v53, v61;
	v61 =	vld [tilespmem:s22+$0x19470]  }
0x848: {  	v25 =	vadd.f32 v58, v55;
	v58 =	vadd.f32 v18, v17;
	v9 =	vmul.f32 v28, v28  }
0x849: {  	v14 =	vadd.f32 v26, v14;
	v24 =	vadd.f32 v48, v59;
	v59 =	vmul.f32 v23, v23  }
0x84a: {  	[tilespmem:s15+$0x13080] =	vst v29;
	v9 =	vadd.f32 v9, v10;
	v10 =	vmul.f32 v31, v31;
	v29 =	vadd.f32 v54, v57;
	v54 =	vld [tilespmem:$0x1F810]  }
0x84b: {  	v50 =	vadd.f32 v53, v50;
	v48 =	vadd.f32 v59, v25;
	v53 =	vmul.f32 v24, v24;
	v57 =	vld [tilespmem:$0x1F810]  }
0x84c: {  	v9 =	vadd.f32 v10, v9;
	v10 =	vmul.f32 v29, v29;
	v25 =	vadd.f32 v61, v11;
	v11 =	vld [tilespmem:$0x1F890]  }
0x84d: {  	[tilespmem:s13+$0x13030] =	vst v47;
	v61 =	vmul.f32 s1, v63;
	v63 =	vadd.f32 v22, v58;
	v48 =	vadd.f32 v53, v48;
	v53 =	vld [tilespmem:$0x1F890]  }
0x84e: {  	v60 =	vmul.f32 s28, v60;
	v10 =	vadd.f32 v10, v9;
	v9 =	vld [tilespmem:$0x1F840]  }
0x84f: {  	[tilespmem:s13+$0x130B0] =	vst v8;
	s26 =	spop (v2sf);
	v14 =	vadd.f32 v28, v14;
	v8 =	vadd.f32 v27, v63;
	v63 =	vld [tilespmem:s22+$0x194F0]  }
0x850: {  	s20 =	smul.f32 $7.812500000e-03, s26;
	s5 =	spop (v2sf);
	v47 =	vmul.f32 v61, v54;
	v61 =	vmul.f32 v60, v57;
	v57 =	vld [tilespmem:$0x1F840]  }
0x851: {  	s3 =	smul.f32 $7.812500000e-03, s5;
	v14 =	vadd.f32 v31, v14;
	v58 =	vmul.f32 s2, v16;
	v54 =	vld [tilespmem:s22+$0x130F0];
	v16 =	vadd.f32 v30, v8  }
0x852: {  	v52 =	vmul.f32 s2, v52;
	s8 =	smul.f32 s20, s20;
	v11 =	vadd.f32 v47, v11;
	v53 =	vadd.f32 v61, v53;
	v61 =	vld [tilespmem:$0x1F8C0]  }
0x853: {  	v60 =	vmul.f32 v62, v9;
	v9 =	vmul.f32 s2, v15;
	v15 =	vadd.f32 v23, v16  }
0x854: {  	v36 =	vsub.f32 v36, v12;
	v55 =	vld [tilespmem:$0x1F8C0];
	v14 =	vadd.f32 v29, v14;
	s3 =	ssub.f32 s3, s8;
	[tilespmem:s15+$0x13010] =	vst v11  }
0x855: {  	v11 =	vsub.f32 v44, v12;
	v62 =	vmul.f32 v52, v57;
	v52 =	vld [tilespmem:$0x1F820];
	v15 =	vadd.f32 v24, v15  }
0x856: {  	s3 =	sadd.f32 $9.999999960e-13, s3;
	v16 =	vsub.f32 v32, v13;
	v32 =	vadd.f32 v63, v54  }
0x857: {  	v44 =	vadd.f32 v62, v61;
	v61 =	vld [tilespmem:$0x1F8A0];
	v15 =	vadd.f32 v25, v15  }
0x858: {  	v36 =	vmul.f32 s1, v36;
	s23 =	sshra.s32 s3, $0x1;
	s3 =	smul.f32 $5.000000000e-01, s3;
	v14 =	vadd.f32 v32, v14  }
0x859: {  	s5 =	ssub.s32 $0x5F3759DF, s23;
	[tilespmem:s15+$0x13090] =	vst v53;
	(xrf2) =	vadd.scan.msk.f32 $0xffff, v15  }
0x85a: {  	s25 =	smul.f32 s5, s3;
	v63 =	vmul.f32 v25, v25;
	v57 =	vadd.f32 v60, v55;
	v60 =	vld [tilespmem:$0x1F820];
	(xrf2) =	vadd.scan.msk.f32 $0xffff, v14;
	v14 =	vmul.f32 v36, v52  }
0x85b: {  	[tilespmem:s15+$0x13160] =	vst v50;
	v62 =	vmul.f32 v32, v32  }
0x85c: {  	s8 =	smul.f32 s5, s25;
	v47 =	vadd.f32 v63, v48;
	v63 =	vld [tilespmem:$0x1F8A0];
	[tilespmem:s13+$0x13040] =	vst v57;
	v61 =	vadd.f32 v14, v61  }
0x85d: {  	v16 =	vmul.f32 s28, v16;
	[tilespmem:s13+$0x130C0] =	vst v44;
	v10 =	vadd.f32 v62, v10;
	v15 =	vld [tilespmem:$0x1F850]  }
0x85e: {  	v38 =	vsub.f32 v38, v12;
	v41 =	vsub.f32 v41, v12;
	s8 =	ssub.f32 $1.500000000e+00, s8;
	v44 =	vld [tilespmem:$0x1F850];
	(xrf2) =	vadd.scan.msk.f32 $0xffff, v47;
	[tilespmem:s15+$0x13020] =	vst v61  }
0x85f: {  	v39 =	vsub.f32 v39, v12;
	v57 =	vsub.f32 v37, v12;
	(xrf2) =	vadd.scan.msk.f32 $0xffff, v10;
	v10 =	vmul.f32 v16, v60;
	v12 =	vld [tilespmem:$0x1FFA0]  }
0x860: {  	v59 =	vld [tilespmem:$0x1F8D0];
	s5 =	smul.f32 s5, s8  }
0x861: {  	v60 =	vld [tilespmem:$0x1F8D0];
	v10 =	vadd.f32 v10, v63  }
0x862: {  	v51 =	vmul.f32 s16, v51;
	v7 =	vmul.f32 s2, v7;
	s26 =	smul.f32 s5, s3  }
0x863: {  	v50 =	vld [tilespmem:$0x1F870];
	v14 =	vmul.f32 s1, v11;
	[tilespmem:s15+$0x130A0] =	vst v10;
	v10 =	vmul.f32 v58, v44;
	v58, _, _ =	vpop (xrf2)  }
0x864: {  	s2 =	smul.f32 s26, s5;
	v11 =	vmul.f32 v51, v15;
	v43 =	vsub.f32 v12, v43;
	(v2sf) =	vpush v58, $0xF  }
0x865: {  	v55 =	vld [tilespmem:$0x1F8F0]  }
0x866: {  	v36 =	vld [tilespmem:$0x1F800];
	s2 =	ssub.f32 $1.500000000e+00, s2;
	v11 =	vadd.f32 v11, v59;
	v10 =	vadd.f32 v10, v60;
	v60, _, _ =	vpop (xrf2);
	v53 =	vmul.f32 s17, v43  }
0x867: {  	v16 =	vmov s20;
	v63 =	vld [tilespmem:$0x1F830];
	(v2sf) =	vpush v60, $0xF  }
0x868: {  	v33 =	vsub.f32 v33, v13;
	v62 =	vsub.f32 v46, v16;
	s2 =	smul.f32 s2, s5;
	[tilespmem:s13+$0x13050] =	vst v11;
	v11 =	vmul.f32 v53, v50  }
0x869: {  	v38 =	vmul.f32 s1, v38;
	v37 =	vld [tilespmem:$0x1F880];
	v61, _, _ =	vpop (xrf2)  }
0x86a: {  	v54 =	vmul.f32 s28, v33;
	v33 =	vmul.f32 s2, v62;
	(v2sf) =	vpush v61, $0xF  }
0x86b: {  	v8 =	vmul.f32 s16, v56;
	v46 =	vld [tilespmem:$0x1F830];
	v12 =	vmul.f32 s1, v57  }
0x86c: {  	v57 =	vld [tilespmem:$0x1F8B0];
	v62 =	vmul.f32 v38, v63;
	v56 =	vmul.f32 v33, v36;
	v63 =	vadd.f32 v11, v55;
	v11, _, _ =	vpop (xrf2)  }
0x86d: {  	v34 =	vsub.f32 v34, v13;
	v59 =	vld [tilespmem:$0x1F8B0];
	(v2sf) =	vpush v11, $0xF  }
0x86e: {  	v40 =	vsub.f32 v40, v13;
	[tilespmem:s13+$0x130D0] =	vst v10;
	v33 =	vmul.f32 s1, v41;
	v41 =	vld [tilespmem:$0x1F860];
	v10 =	vadd.f32 v56, v37  }
0x86f: {  	v6 =	vmul.f32 s16, v6;
	v42 =	vsub.f32 v42, v13;
	v35 =	vsub.f32 v35, v13;
	v38 =	vld [tilespmem:$0x1F860]  }
0x870: {  	v13 =	vmul.f32 s28, v40;
	v45 =	vsub.f32 v45, v16;
	v40 =	vld [tilespmem:$0x1F8E0];
	v46 =	vmul.f32 v54, v46;
	[tilespmem:s22+$0x13100] =	vst v10  }
0x871: {  	v15 =	vmul.f32 s28, v34;
	v34 =	vmul.f32 s28, v42;
	[tilespmem:s13+$0x13170] =	vst v49;
	v42 =	vadd.f32 v62, v57;
	v44 =	vld [tilespmem:$0x1F810]  }
0x872: {  	s16 =	simm.s32 $0x1200;
	s26 =	simm.s32 $0x0;
	v10 =	vmul.f32 s1, v39;
	s1 =	simm.s32 $0x6;
	v39 =	vld [tilespmem:$0x1F8E0];
	[tilespmem:s15+$0x13170] =	vst v63;
	v11 =	vmul.f32 s28, v35;
	v35 =	vadd.f32 v46, v59  }
.LBB2_17:
0x873: {  	s17 =	sshra.s32 s16, $0x2;
	v46 =	vld [tilespmem:$0x1F890];
	s3 =	spop (v2sf);
	[tilespmem:s15+$0x13030] =	vst v42;
	v41 =	vmul.f32 v8, v41;
	v8 =	vmov v33  }
0x874: {  	v43 =	vld [tilespmem:s17+$0x13170];
	s3 =	smul.f32 $7.812500000e-03, s3;
	v33 =	vmul.f32 s2, v45;
	[tilespmem:s15+$0x130B0] =	vst v35;
	v45 =	vmul.f32 v9, v38;
	v9 =	vmov v34  }
0x875: {  	v47 =	vld [tilespmem:s17+$0x13130];
	v34 =	vadd.f32 v41, v40  }
0x876: {  	v48 =	vld [tilespmem:s17+$0x13120];
	s5 =	smul.f32 s3, s3;
	v49 =	vmov s3;
	v33 =	vmul.f32 v33, v44;
	s3 =	spop (v2sf)  }
0x877: {  	v35 =	vld [tilespmem:s17+$0x13100];
	v41 =	vsub.f32 v17, v49;
	v40 =	vsub.f32 v18, v49;
	s3 =	smul.f32 $7.812500000e-03, s3;
	[tilespmem:s13+$0x13060] =	vst v34  }
0x878: {  	v34 =	vsub.f32 v22, v49;
	v17 =	vld [tilespmem:s17+$0x19500];
	v18 =	vadd.f32 v33, v46  }
0x879: {  	v27 =	vsub.f32 v27, v49;
	v30 =	vsub.f32 v30, v49;
	v44 =	vld [tilespmem:s17+$0x13110];
	s8 =	smul.f32 s3, s3;
	v46 =	vmov s3;
	s3 =	spop (v2sf)  }
0x87a: {  	v50 =	vld [tilespmem:s17+$0x19510];
	s3 =	smul.f32 $7.812500000e-03, s3;
	v42 =	vsub.f32 v19, v46;
	v22 =	vsub.f32 v20, v46;
	[tilespmem:s22+$0x13110] =	vst v18  }
0x87b: {  	s1 =	sadd.s32 $0x3, s1;
	v21 =	vsub.f32 v21, v46;
	v26 =	vsub.f32 v26, v46;
	v18 =	vld [tilespmem:$0x1F820]  }
0x87c: {  	v5 =	vsub.f32 v5, v16;
	p0 =	slt.u32 s1, $0xC3;
	v33 =	vsub.f32 v28, v46;
	v19 =	vld [tilespmem:s17+$0x19520];
	s3 =	ssub.f32 s3, s5;
	s5 =	spop (v2sf)  }
0x87d: {  	v23 =	vsub.f32 v23, v49;
	v28 =	vsub.f32 v31, v46;
	s5 =	smul.f32 $7.812500000e-03, s5;
	v20 =	vld [tilespmem:$0x1F8A0]  }
0x87e: {  	v5 =	vmul.f32 s2, v5;
	v24 =	vsub.f32 v24, v49;
	v29 =	vsub.f32 v29, v46;
	v31 =	vld [tilespmem:s17+$0x19530];
	s3 =	sadd.f32 $9.999999960e-13, s3  }
0x87f: {  	v38 =	vadd.f32 v17, v35;
	v35 =	vadd.f32 v50, v44;
	v17 =	vld [tilespmem:s17+$0x13140];
	s5 =	ssub.f32 s5, s8  }
0x880: {  	v25 =	vsub.f32 v25, v49;
	v39 =	vadd.f32 v45, v39;
	v44 =	vld [tilespmem:s17+$0x19540];
	s8 =	sshra.s32 s3, $0x1;
	s20 =	smul.f32 $5.000000000e-01, s3;
	v18 =	vmul.f32 v5, v18  }
0x881: {  	v5 =	vadd.f32 v19, v48;
	v19 =	vld [tilespmem:s17+$0x13150];
	v45 =	vadd.f32 v35, v38;
	s3 =	ssub.s32 $0x5F3759DF, s8;
	s5 =	sadd.f32 $9.999999960e-13, s5  }
0x882: {  	v49 =	vmul.f32 v38, v38;
	v50 =	vmul.f32 v35, v35;
	v48 =	vld [tilespmem:s17+$0x19550];
	s8 =	smul.f32 s3, s20;
	v18 =	vadd.f32 v18, v20;
	[tilespmem:s13+$0x130E0] =	vst v39  }
0x883: {  	v20 =	vadd.f32 v31, v47;
	v39 =	vld [tilespmem:s17+$0x13160];
	v45 =	vadd.f32 v5, v45;
	s23 =	sshra.s32 s5, $0x1;
	s5 =	smul.f32 $5.000000000e-01, s5  }
0x884: {  	v49 =	vadd.f32 v50, v49;
	v50 =	vmul.f32 v5, v5;
	v31 =	vsub.f32 v32, v46;
	v47 =	vld [tilespmem:s17+$0x19560];
	s8 =	smul.f32 s3, s8;
	s23 =	ssub.s32 $0x5F3759DF, s23;
	[tilespmem:s22+$0x13120] =	vst v18  }
0x885: {  	v18 =	vadd.f32 v44, v17;
	v17 =	vadd.f32 v20, v45;
	s25 =	smul.f32 s23, s5;
	v32 =	vld [tilespmem:$0x1F830]  }
0x886: {  	v45 =	vadd.f32 v50, v49;
	v46 =	vmul.f32 v20, v20;
	v49 =	vsub.f32 v4, v16;
	v4 =	vmovc v20;
	v44 =	vld [tilespmem:s17+$0x19570];
	s8 =	ssub.f32 $1.500000000e+00, s8  }
0x887: {  	v48 =	vadd.f32 v48, v19;
	v17 =	vadd.f32 v18, v17;
	s25 =	smul.f32 s23, s25;
	v19 =	vld [tilespmem:$0x1F8B0]  }
0x888: {  	v46 =	vadd.f32 v46, v45;
	v50 =	vmul.f32 v18, v18;
	v49 =	vmul.f32 s2, v49;
	v20 =	vld [tilespmem:s17+$0x13000];
	s3 =	smul.f32 s3, s8  }
0x889: {  	v51 =	vld [tilespmem:s17+$0x19400];
	v45 =	vadd.f32 v47, v39;
	v17 =	vadd.f32 v48, v17;
	s8 =	ssub.f32 $1.500000000e+00, s25  }
0x88a: {  	v46 =	vadd.f32 v50, v46;
	v47 =	vmul.f32 v48, v48;
	v39 =	vld [tilespmem:s17+$0x13010];
	s20 =	smul.f32 s3, s20;
	v49 =	vmul.f32 v49, v32  }
0x88b: {  	v50 =	vld [tilespmem:s17+$0x19410];
	v32 =	vadd.f32 v44, v43;
	v17 =	vadd.f32 v45, v17;
	s8 =	smul.f32 s23, s8  }
0x88c: {  	v44 =	vadd.f32 v47, v46;
	v46 =	vmul.f32 v45, v45;
	v43 =	vld [tilespmem:s17+$0x13080];
	s20 =	smul.f32 s20, s3;
	v19 =	vadd.f32 v49, v19  }
0x88d: {  	v47 =	vld [tilespmem:s17+$0x19480];
	v49 =	vadd.f32 v32, v17;
	s5 =	smul.f32 s8, s5  }
0x88e: {  	v44 =	vadd.f32 v46, v44;
	v46 =	vmul.f32 v32, v32;
	v17 =	vadd.f32 v51, v20;
	v20 =	vld [tilespmem:s17+$0x13090];
	s20 =	ssub.f32 $1.500000000e+00, s20;
	[tilespmem:s22+$0x13130] =	vst v19  }
0x88f: {  	(xrf2) =	vadd.scan.msk.f32 $0xffff, v49;
	s5 =	smul.f32 s5, s8;
	v49 =	vld [tilespmem:$0x1F840]  }
0x890: {  	v44 =	vadd.f32 v46, v44;
	v46 =	vsub.f32 v3, v16;
	v3 =	vmovc v18;
	v51 =	vmul.f32 v17, v17;
	v52 =	vld [tilespmem:s17+$0x19490];
	s20 =	smul.f32 s20, s3  }
0x891: {  	v18 =	vadd.f32 v50, v39;
	s3 =	ssub.f32 $1.500000000e+00, s5;
	v39 =	vld [tilespmem:$0x1F8C0]  }
0x892: {  	v50 =	vld [tilespmem:s17+$0x13020];
	v19 =	vadd.f32 v47, v43;
	(xrf2) =	vadd.scan.msk.f32 $0xffff, v44;
	v43 =	vmul.f32 s20, v41;
	v44 =	vmul.f32 s2, v46  }
0x893: {  	v47 =	vadd.f32 v18, v17;
	v53 =	vmul.f32 v18, v18;
	v41 =	vmul.f32 s20, v40;
	v46 =	vld [tilespmem:s17+$0x19420];
	s23 =	smul.f32 s3, s8  }
0x894: {  	v40 =	vld [tilespmem:s17+$0x130A0];
	v54 =	vmul.f32 v19, v19;
	v49 =	vmul.f32 v44, v49  }
0x895: {  	v51 =	vadd.f32 v53, v51;
	v20 =	vadd.f32 v52, v20;
	v52 =	vld [tilespmem:s17+$0x194A0];
	v42 =	vmul.f32 s23, v42  }
0x896: {  	v43 =	vmul.f32 v43, v36;
	v44 =	vmul.f32 s23, v22;
	v53 =	vld [tilespmem:s17+$0x13030];
	v39 =	vadd.f32 v49, v39  }
0x897: {  	v49 =	vld [tilespmem:s17+$0x19430];
	v55 =	vadd.f32 v20, v19;
	v56 =	vmul.f32 v20, v20;
	v42 =	vmul.f32 v42, v36  }
0x898: {  	v43 =	vadd.f32 v43, v37;
	v36 =	vmul.f32 s20, v34;
	v22 =	vadd.f32 v46, v50;
	v50 =	vld [tilespmem:s17+$0x130B0];
	[tilespmem:s22+$0x13140] =	vst v39  }
0x899: {  	v34 =	vadd.f32 v56, v54;
	v46, _, _ =	vpop (xrf2);
	v39 =	vadd.f32 v42, v37;
	v37 =	vmul.f32 s23, v21;
	v42 =	vld [tilespmem:$0x1F850]  }
0x89a: {  	v54 =	vmul.f32 v22, v22;
	v21 =	vadd.f32 v52, v40;
	v52 =	vld [tilespmem:s17+$0x194B0];
	[tilespmem:s22+$0x13000] =	vst v43;
	v43 =	vsub.f32 v2, v16  }
0x89b: {  	v47 =	vadd.f32 v22, v47;
	v40 =	vmul.f32 s20, v27;
	v2 =	vmovc v48;
	[tilespmem:s22+$0x13080] =	vst v39;
	v39 =	vmul.f32 s23, v26;
	v56 =	vld [tilespmem:$0x1F8D0]  }
0x89c: {  	v48 =	vld [tilespmem:s17+$0x13040];
	v55 =	vadd.f32 v21, v55;
	(v2sf) =	vpush v46, $0xF;
	v26, _, _ =	vpop (xrf2);
	v43 =	vmul.f32 s2, v43  }
0x89d: {  	v27 =	vadd.f32 v49, v53;
	v53 =	vmul.f32 v21, v21;
	v49 =	vld [tilespmem:s17+$0x19440];
	(v2sf) =	vpush v26, $0xF  }
0x89e: {  	v51 =	vadd.f32 v54, v51;
	v46 =	vmul.f32 s20, v30;
	v54 =	vld [tilespmem:s17+$0x130C0];
	v30 =	vmul.f32 v43, v42  }
0x89f: {  	v57 =	vadd.f32 v27, v47;
	v42 =	vmul.f32 v27, v27;
	v26 =	vadd.f32 v52, v50;
	v50 =	vld [tilespmem:s17+$0x194C0]  }
0x8a0: {  	v34 =	vadd.f32 v53, v34;
	v47 =	vmul.f32 s23, v33;
	v52 =	vld [tilespmem:s17+$0x13050];
	v33 =	vadd.f32 v30, v56  }
0x8a1: {  	v51 =	vadd.f32 v42, v51;
	v53 =	vld [tilespmem:s17+$0x19450];
	v55 =	vadd.f32 v26, v55;
	v56 =	vmul.f32 v26, v26  }
0x8a2: {  	v43 =	vmul.f32 s20, v23;
	v42 =	vmul.f32 s23, v28;
	v30 =	vadd.f32 v49, v48;
	v48 =	vld [tilespmem:s17+$0x130D0];
	[tilespmem:s22+$0x13150] =	vst v33  }
0x8a3: {  	v33 =	vmul.f32 s20, v24;
	v49 =	vadd.f32 v56, v34;
	v34 =	vmul.f32 s23, v29;
	v24 =	vld [tilespmem:$0x1F860]  }
0x8a4: {  	v23 =	vsub.f32 v1, v16;
	v1 =	vmovc v45;
	v29 =	vmul.f32 v30, v30;
	v28 =	vadd.f32 v50, v54;
	v50 =	vld [tilespmem:s17+$0x194D0]  }
0x8a5: {  	v56 =	vmul.f32 s23, v31;
	v45 =	vadd.f32 v30, v57;
	v54 =	vmul.f32 s20, v25;
	v25 =	vld [tilespmem:$0x1F8E0]  }
0x8a6: {  	v58 =	vmul.f32 s2, v23;
	v57 =	vld [tilespmem:s17+$0x13060];
	v55 =	vadd.f32 v28, v55;
	v31 =	vmul.f32 v28, v28  }
0x8a7: {  	v23 =	vadd.f32 v53, v52;
	v29 =	vadd.f32 v29, v51;
	v52 =	vld [tilespmem:s17+$0x19460]  }
0x8a8: {  	v51 =	vld [tilespmem:s17+$0x130E0];
	v49 =	vadd.f32 v31, v49;
	v24 =	vmul.f32 v58, v24  }
0x8a9: {  	v45 =	vadd.f32 v23, v45;
	v53 =	vmul.f32 v23, v23;
	v31 =	vadd.f32 v50, v48;
	v48 =	vld [tilespmem:s17+$0x194E0]  }
0x8aa: {  	v50 =	vld [tilespmem:s17+$0x13070];
	v25 =	vadd.f32 v24, v25  }
0x8ab: {  	v53 =	vadd.f32 v53, v29;
	v58 =	vld [tilespmem:s17+$0x19470];
	v55 =	vadd.f32 v31, v55;
	v29 =	vmul.f32 v31, v31;
	s3 =	spop (v2sf)  }
0x8ac: {  	v24 =	vadd.f32 v52, v57;
	v52 =	vld [tilespmem:s17+$0x130F0];
	s20 =	smul.f32 $7.812500000e-03, s3;
	s3 =	spop (v2sf);
	[tilespmem:s22+$0x13160] =	vst v25  }
0x8ad: {  	v49 =	vadd.f32 v29, v49;
	s3 =	smul.f32 $7.812500000e-03, s3;
	v57 =	vld [tilespmem:$0x1F870]  }
0x8ae: {  	v16 =	vsub.f32 v0, v16;
	v0 =	vmovc v32;
	v59 =	vmul.f32 v24, v24;
	v29 =	vadd.f32 v48, v51;
	v48 =	vld [tilespmem:s17+$0x194F0];
	s5 =	smul.f32 s20, s20  }
0x8af: {  	v32 =	vadd.f32 v24, v45;
	v45 =	vld [tilespmem:$0x1F8F0]  }
0x8b0: {  	v16 =	vmul.f32 s2, v16;
	v51 =	vadd.f32 v29, v55;
	v55 =	vmul.f32 v29, v29;
	s3 =	ssub.f32 s3, s5;
	v60 =	vld [tilespmem:$0x1F810]  }
0x8b1: {  	v25 =	vadd.f32 v58, v50;
	v50 =	vadd.f32 v59, v53;
	v53 =	vld [tilespmem:$0x1F810]  }
0x8b2: {  	v49 =	vadd.f32 v55, v49;
	s2 =	sadd.f32 $9.999999960e-13, s3;
	v55 =	vld [tilespmem:$0x1F890];
	v16 =	vmul.f32 v16, v57  }
0x8b3: {  	v57 =	vadd.f32 v25, v32;
	v58 =	vmul.f32 v25, v25;
	v32 =	vadd.f32 v48, v52;
	v48 =	vld [tilespmem:$0x1F890]  }
0x8b4: {  	s3 =	sshra.s32 s2, $0x1;
	s2 =	smul.f32 $5.000000000e-01, s2;
	v16 =	vadd.f32 v16, v45;
	v45 =	vld [tilespmem:$0x1F840]  }
0x8b5: {  	v50 =	vadd.f32 v58, v50;
	v51 =	vadd.f32 v32, v51;
	v52 =	vmul.f32 v32, v32;
	s3 =	ssub.s32 $0x5F3759DF, s3;
	(xrf2) =	vadd.scan.msk.f32 $0xffff, v57;
	v57 =	vld [tilespmem:$0x1F840]  }
0x8b6: {  	v41 =	vmul.f32 v41, v60;
	s5 =	smul.f32 s3, s2;
	v44 =	vmul.f32 v44, v53;
	[tilespmem:s22+$0x13170] =	vst v16;
	v16 =	vld [tilespmem:$0x1F8C0]  }
0x8b7: {  	v49 =	vadd.f32 v52, v49;
	v52 =	vld [tilespmem:$0x1F8C0]  }
0x8b8: {  	v41 =	vadd.f32 v41, v55;
	s5 =	smul.f32 s3, s5;
	(xrf2) =	vadd.scan.msk.f32 $0xffff, v51;
	v44 =	vadd.f32 v44, v48;
	v48 =	vld [tilespmem:$0x1F870]  }
0x8b9: {  	v45 =	vmul.f32 v14, v45;
	v51 =	vld [tilespmem:$0x1F870];
	v14 =	vmov v46  }
0x8ba: {  	s5 =	ssub.f32 $1.500000000e+00, s5;
	[tilespmem:s22+$0x13010] =	vst v41;
	v41 =	vmul.f32 v15, v57;
	v46 =	vld [tilespmem:$0x1F8F0];
	v15 =	vmov v47  }
0x8bb: {  	(xrf2) =	vadd.scan.msk.f32 $0xffff, v50;
	v47 =	vld [tilespmem:$0x1F820];
	[tilespmem:s22+$0x13090] =	vst v44;
	v16 =	vadd.f32 v45, v16  }
0x8bc: {  	s3 =	smul.f32 s3, s5;
	v44 =	vld [tilespmem:$0x1F820];
	v41 =	vadd.f32 v41, v52  }
0x8bd: {  	v45 =	vld [tilespmem:$0x1F8A0];
	[tilespmem:s15+$0x13040] =	vst v16;
	v16 =	vmul.f32 v6, v48;
	v6 =	vmov v10;
	v10 =	vmov v54  }
0x8be: {  	s2 =	smul.f32 s3, s2;
	(xrf2) =	vadd.scan.msk.f32 $0xffff, v49;
	v48 =	vld [tilespmem:$0x1F8A0];
	[tilespmem:s15+$0x130C0] =	vst v41;
	v41 =	vmul.f32 v7, v51;
	v7 =	vmovc v11;
	v11 =	vmov v56  }
0x8bf: {  	v49, _, _ =	vpop (xrf2);
	v50 =	vld [tilespmem:$0x1F850];
	v16 =	vadd.f32 v16, v46  }
0x8c0: {  	s2 =	smul.f32 s2, s3;
	(v2sf) =	vpush v49, $0xF;
	v36 =	vmul.f32 v36, v47;
	v46 =	vld [tilespmem:$0x1F850]  }
0x8c1: {  	v37 =	vmul.f32 v37, v44;
	v44 =	vld [tilespmem:$0x1F8D0];
	[tilespmem:s13+$0x13070] =	vst v16  }
0x8c2: {  	s2 =	ssub.f32 $1.500000000e+00, s2;
	v47, _, _ =	vpop (xrf2);
	v45 =	vadd.f32 v36, v45;
	v49 =	vld [tilespmem:$0x1F8D0]  }
0x8c3: {  	v16 =	vmov s20;
	v36 =	vld [tilespmem:$0x1F800];
	(v2sf) =	vpush v47, $0xF;
	v47 =	vadd.f32 v37, v48  }
0x8c4: {  	v38 =	vsub.f32 v38, v16;
	s2 =	smul.f32 s2, s3;
	[tilespmem:s22+$0x13020] =	vst v45;
	v45 =	vmul.f32 v12, v50;
	v48 =	vld [tilespmem:$0x1F8F0];
	v12 =	vmov v43  }
0x8c5: {  	v37 =	vld [tilespmem:$0x1F880];
	v43, _, _ =	vpop (xrf2);
	[tilespmem:s22+$0x130A0] =	vst v47;
	v47 =	vmul.f32 v13, v46;
	v13 =	vmov v42  }
0x8c6: {  	v38 =	vmul.f32 s2, v38;
	(v2sf) =	vpush v43, $0xF;
	v42 =	vld [tilespmem:$0x1F830];
	v43 =	vadd.f32 v45, v44  }
0x8c7: {  	v44 =	vld [tilespmem:$0x1F830];
	v45 =	vadd.f32 v47, v49  }
0x8c8: {  	v38 =	vmul.f32 v38, v36;
	v46, _, _ =	vpop (xrf2);
	v47 =	vld [tilespmem:$0x1F8B0];
	[tilespmem:s15+$0x13050] =	vst v43  }
0x8c9: {  	(v2sf) =	vpush v46, $0xF;
	v43 =	vld [tilespmem:$0x1F8B0];
	[tilespmem:s15+$0x130D0] =	vst v45;
	v45 =	vadd.f32 v41, v48  }
.Ltmp7:
0x8ca: {  	v46 =	vadd.f32 v38, v37;
	v41 =	vld [tilespmem:$0x1F860];
	(pc) =	sbr.rel @p0 .LBB2_17-.Ltmp7, $4  }
0x8cb: {  	v42 =	vmul.f32 v40, v42;
	v38 =	vld [tilespmem:$0x1F860];
	[tilespmem:s13+$0x130F0] =	vst v45;
	s13 =	smov.u32 s15;
	s15 =	smov.u32 s22;
	s22 =	smov.u32 s17  }
0x8cc: {  	[tilespmem:s22+$0x13100] =	vst v46;
	v39 =	vmul.f32 v39, v44;
	v40 =	vld [tilespmem:$0x1F8E0]  }
0x8cd: {  	v44 =	vld [tilespmem:$0x1F810];
	v42 =	vadd.f32 v42, v47  }
0x8ce: {  	s16 =	sadd.s32 $0x600, s16;
	v45 =	vsub.f32 v35, v16;
	v35 =	vadd.f32 v39, v43;
	v39 =	vld [tilespmem:$0x1F8E0]  }
0x8cf: {  	_ =	sdelay $0x3  }
0x8d0: {  	s1 =	spop (v2sf)  }
0x8d1: {  	s1 =	smul.f32 $7.812500000e-03, s1;
	s3 =	spop (v2sf)  }
0x8d2: {  	s3 =	smul.f32 $7.812500000e-03, s3  }
0x8d3: {  	s5 =	smul.f32 s1, s1  }
0x8d4: {  	s8 =	smul.f32 s3, s3;
	s16 =	spop (v2sf)  }
0x8d5: {  	s16 =	smul.f32 $7.812500000e-03, s16;
	s17 =	spop (v2sf)  }
0x8d6: {  	s17 =	smul.f32 $7.812500000e-03, s17  }
0x8d7: {  	s5 =	ssub.f32 s16, s5  }
0x8d8: {  	s8 =	ssub.f32 s17, s8  }
0x8d9: {  	s5 =	sadd.f32 $9.999999960e-13, s5  }
0x8da: {  	s8 =	sadd.f32 $9.999999960e-13, s8  }
0x8db: {  	s23 =	sshra.s32 s5, $0x1;
	s5 =	smul.f32 $5.000000000e-01, s5  }
0x8dc: {  	s16 =	ssub.s32 $0x5F3759DF, s23;
	s25 =	sshra.s32 s8, $0x1;
	s8 =	smul.f32 $5.000000000e-01, s8  }
0x8dd: {  	v43 =	vld [tilespmem:$0x1F890];
	s20 =	smul.f32 s16, s5;
	s17 =	ssub.s32 $0x5F3759DF, s25  }
0x8de: {  	v45 =	vmul.f32 s2, v45;
	s23 =	smul.f32 s17, s8  }
0x8df: {  	s20 =	smul.f32 s16, s20  }
0x8e0: {  	v44 =	vmul.f32 v45, v44;
	s23 =	smul.f32 s17, s23  }
0x8e1: {  	s20 =	ssub.f32 $1.500000000e+00, s20  }
0x8e2: {  	v43 =	vadd.f32 v44, v43;
	s23 =	ssub.f32 $1.500000000e+00, s23  }
0x8e3: {  	s16 =	smul.f32 s16, s20  }
0x8e4: {  	[tilespmem:s22+$0x13110] =	vst v43;
	s17 =	smul.f32 s17, s23  }
0x8e5: {  	v43 =	vld [tilespmem:$0x1F820];
	s5 =	smul.f32 s16, s5  }
0x8e6: {  	v5 =	vsub.f32 v5, v16;
	s8 =	smul.f32 s17, s8  }
0x8e7: {  	s5 =	smul.f32 s5, s16  }
0x8e8: {  	v5 =	vmul.f32 s2, v5;
	v59 =	vld [tilespmem:$0x1F8A0];
	s8 =	smul.f32 s8, s17  }
0x8e9: {  	s5 =	ssub.f32 $1.500000000e+00, s5  }
0x8ea: {  	v43 =	vmul.f32 v5, v43;
	v5 =	vmov s1;
	s28 =	ssub.f32 $1.500000000e+00, s8  }
0x8eb: {  	v60 =	vsub.f32 v17, v5;
	v17 =	vmov s3;
	s16 =	smul.f32 s5, s16  }
0x8ec: {  	v19 =	vsub.f32 v19, v17;
	s1 =	smul.f32 s28, s17  }
0x8ed: {  	v43 =	vadd.f32 v43, v59;
	v61 =	vmul.f32 s16, v60  }
0x8ee: {  	v19 =	vmul.f32 s1, v19  }
0x8ef: {  	[tilespmem:s22+$0x13120] =	vst v43;
	v43 =	vmul.f32 v61, v36  }
0x8f0: {  	v62 =	vld [tilespmem:$0x1F830];
	v19 =	vmul.f32 v19, v36  }
0x8f1: {  	v4 =	vsub.f32 v4, v16;
	v43 =	vadd.f32 v43, v37  }
0x8f2: {  	v63 =	vld [tilespmem:$0x1F8B0];
	v19 =	vadd.f32 v19, v37  }
0x8f3: {  	v4 =	vmul.f32 s2, v4;
	[tilespmem:s22+$0x13000] =	vst v43  }
0x8f4: {  	v46 =	vld [tilespmem:$0x1F810];
	[tilespmem:s22+$0x13080] =	vst v19  }
0x8f5: {  	v18 =	vsub.f32 v18, v5;
	v4 =	vmul.f32 v4, v62;
	v47 =	vld [tilespmem:$0x1F810]  }
0x8f6: {  	v20 =	vsub.f32 v20, v17;
	v48 =	vld [tilespmem:$0x1F890]  }
0x8f7: {  	v4 =	vadd.f32 v4, v63;
	v49 =	vmul.f32 s16, v18;
	v50 =	vld [tilespmem:$0x1F890]  }
0x8f8: {  	v20 =	vmul.f32 s1, v20  }
0x8f9: {  	[tilespmem:s22+$0x13130] =	vst v4;
	v4 =	vmul.f32 v49, v46  }
0x8fa: {  	v51 =	vld [tilespmem:$0x1F840];
	v20 =	vmul.f32 v20, v47  }
0x8fb: {  	v3 =	vsub.f32 v3, v16;
	v4 =	vadd.f32 v4, v48  }
0x8fc: {  	v52 =	vld [tilespmem:$0x1F8C0];
	v18 =	vadd.f32 v20, v50  }
0x8fd: {  	v3 =	vmul.f32 s2, v3;
	[tilespmem:s22+$0x13010] =	vst v4  }
0x8fe: {  	v4 =	vld [tilespmem:$0x1F820];
	[tilespmem:s22+$0x13090] =	vst v18  }
0x8ff: {  	v53 =	vsub.f32 v22, v5;
	v3 =	vmul.f32 v3, v51;
	v54 =	vld [tilespmem:$0x1F820]  }
0x900: {  	v55 =	vsub.f32 v21, v17;
	v56 =	vld [tilespmem:$0x1F8A0]  }
0x901: {  	v3 =	vadd.f32 v3, v52;
	v18 =	vmul.f32 s16, v53;
	v57 =	vld [tilespmem:$0x1F8A0]  }
0x902: {  	v20 =	vmul.f32 s1, v55  }
0x903: {  	[tilespmem:s22+$0x13140] =	vst v3;
	v4 =	vmul.f32 v18, v4  }
0x904: {  	[tilespmem:s15+$0x130B0] =	vst v35;
	v58 =	vld [tilespmem:$0x1F850];
	v19 =	vmul.f32 v20, v54  }
0x905: {  	v2 =	vsub.f32 v2, v16;
	v43 =	vld [tilespmem:$0x1F840];
	v4 =	vadd.f32 v4, v56  }
0x906: {  	v59 =	vld [tilespmem:$0x1F8D0];
	v3 =	vadd.f32 v19, v57  }
0x907: {  	v2 =	vmul.f32 s2, v2;
	v45 =	vld [tilespmem:$0x1F8C0];
	[tilespmem:s22+$0x13020] =	vst v4  }
0x908: {  	v60 =	vld [tilespmem:$0x1F830];
	[tilespmem:s22+$0x130A0] =	vst v3  }
0x909: {  	v61 =	vsub.f32 v27, v5;
	v2 =	vmul.f32 v2, v58;
	v62 =	vld [tilespmem:$0x1F830]  }
0x90a: {  	v63 =	vsub.f32 v26, v17;
	v15 =	vmul.f32 v15, v43;
	v26 =	vld [tilespmem:$0x1F8B0]  }
0x90b: {  	[tilespmem:s15+$0x13030] =	vst v42;
	v2 =	vadd.f32 v2, v59;
	v4 =	vmul.f32 s16, v61;
	v27 =	vld [tilespmem:$0x1F8B0]  }
0x90c: {  	v42 =	vld [tilespmem:$0x1F840];
	v15 =	vadd.f32 v15, v45;
	v19 =	vmul.f32 s1, v63  }
0x90d: {  	v44 =	vld [tilespmem:$0x1F8C0];
	[tilespmem:s22+$0x13150] =	vst v2;
	v3 =	vmul.f32 v4, v60  }
0x90e: {  	[tilespmem:s15+$0x130C0] =	vst v15;
	v36 =	vld [tilespmem:$0x1F860];
	v18 =	vmul.f32 v19, v62  }
0x90f: {  	v1 =	vsub.f32 v1, v16;
	v58 =	vld [tilespmem:$0x1F850];
	v3 =	vadd.f32 v3, v26  }
0x910: {  	v37 =	vld [tilespmem:$0x1F8E0];
	v2 =	vadd.f32 v18, v27  }
0x911: {  	v1 =	vmul.f32 s2, v1;
	v61 =	vld [tilespmem:$0x1F8D0];
	[tilespmem:s22+$0x13030] =	vst v3  }
0x912: {  	v46 =	vld [tilespmem:$0x1F840];
	[tilespmem:s22+$0x130B0] =	vst v2  }
0x913: {  	v47 =	vsub.f32 v30, v5;
	v1 =	vmul.f32 v1, v36;
	v48 =	vld [tilespmem:$0x1F840]  }
0x914: {  	v49 =	vsub.f32 v28, v17;
	v13 =	vmul.f32 v13, v58;
	v50 =	vld [tilespmem:$0x1F8C0]  }
0x915: {  	v1 =	vadd.f32 v1, v37;
	v4 =	vmul.f32 v14, v42;
	v3 =	vmul.f32 s16, v47;
	v52 =	vld [tilespmem:$0x1F8C0]  }
0x916: {  	v53 =	vmul.f32 s1, v49;
	v60 =	vmul.f32 v8, v41;
	v8 =	vadd.f32 v13, v61  }
0x917: {  	[tilespmem:s22+$0x13160] =	vst v1;
	v51 =	vadd.f32 v4, v44;
	v55 =	vmul.f32 v3, v46  }
0x918: {  	v54 =	vld [tilespmem:$0x1F870];
	[tilespmem:s15+$0x130D0] =	vst v8;
	v57 =	vmul.f32 v53, v48  }
0x919: {  	v41 =	vld [tilespmem:$0x1F8E0];
	[tilespmem:s15+$0x13040] =	vst v51;
	v1 =	vadd.f32 v55, v50  }
0x91a: {  	v56 =	vld [tilespmem:$0x1F850];
	v3 =	vadd.f32 v57, v52  }
0x91b: {  	v59 =	vld [tilespmem:$0x1F8D0];
	[tilespmem:s22+$0x13040] =	vst v1  }
0x91c: {  	v63 =	vld [tilespmem:$0x1F850];
	[tilespmem:s22+$0x130C0] =	vst v3  }
0x91d: {  	v22 =	vsub.f32 v23, v5;
	v23 =	vld [tilespmem:$0x1F850]  }
0x91e: {  	v4 =	vadd.f32 v60, v40;
	v26 =	vsub.f32 v31, v17;
	v62 =	vmul.f32 v9, v38;
	v27 =	vld [tilespmem:$0x1F8D0]  }
0x91f: {  	v28 =	vmul.f32 s16, v22;
	v2 =	vmul.f32 v12, v56;
	v30 =	vld [tilespmem:$0x1F8D0]  }
0x920: {  	[tilespmem:s13+$0x13060] =	vst v4;
	v31 =	vmul.f32 s1, v26;
	v18 =	vld [tilespmem:$0x1F8F0];
	v1 =	vadd.f32 v62, v39  }
0x921: {  	v35 =	vld [tilespmem:$0x1F870];
	v2 =	vadd.f32 v2, v59;
	v37 =	vmul.f32 v28, v63  }
0x922: {  	v39 =	vld [tilespmem:$0x1F860];
	[tilespmem:s13+$0x130E0] =	vst v1;
	v1 =	vmul.f32 v31, v23  }
0x923: {  	v48 =	vld [tilespmem:$0x1F8F0];
	[tilespmem:s15+$0x13050] =	vst v2;
	v2 =	vadd.f32 v37, v27  }
0x924: {  	v38 =	vld [tilespmem:$0x1F860];
	v1 =	vadd.f32 v1, v30  }
0x925: {  	v40 =	vld [tilespmem:$0x1F8E0];
	[tilespmem:s22+$0x13050] =	vst v2  }
0x926: {  	v42 =	vld [tilespmem:$0x1F860];
	[tilespmem:s22+$0x130D0] =	vst v1  }
0x927: {  	v43 =	vsub.f32 v24, v5;
	v4 =	vmul.f32 v34, v39;
	v44 =	vld [tilespmem:$0x1F860]  }
0x928: {  	v45 =	vsub.f32 v29, v17;
	v46 =	vld [tilespmem:$0x1F8E0]  }
0x929: {  	v3 =	vmul.f32 v33, v38;
	v4 =	vadd.f32 v4, v41;
	v2 =	vmul.f32 s16, v43;
	v47 =	vld [tilespmem:$0x1F8E0]  }
0x92a: {  	v14 =	vmul.f32 s1, v45;
	v36 =	vld [tilespmem:$0x1F870]  }
0x92b: {  	v49 =	vld [tilespmem:$0x1F8F0];
	v3 =	vadd.f32 v3, v40;
	[tilespmem:s15+$0x130E0] =	vst v4;
	v1 =	vmul.f32 v2, v42  }
0x92c: {  	v0 =	vsub.f32 v0, v16;
	v4 =	vld [tilespmem:$0x1F870];
	v51 =	vmul.f32 v14, v44  }
0x92d: {  	[tilespmem:s15+$0x13060] =	vst v3;
	v53 =	vld [tilespmem:$0x1F8F0];
	v1 =	vadd.f32 v1, v46  }
0x92e: {  	v0 =	vmul.f32 s2, v0;
	v50 =	vld [tilespmem:$0x1F870];
	v3 =	vadd.f32 v51, v47  }
0x92f: {  	v52 =	vld [tilespmem:$0x1F8F0];
	[tilespmem:s22+$0x13060] =	vst v1  }
0x930: {  	v0 =	vmul.f32 v0, v54;
	v1 =	vld [tilespmem:$0x1F870];
	[tilespmem:s22+$0x130E0] =	vst v3  }
0x931: {  	v54 =	vsub.f32 v25, v5;
	v55 =	vmul.f32 v6, v35;
	v56 =	vld [tilespmem:$0x1F870]  }
0x932: {  	v0 =	vadd.f32 v0, v18;
	v57 =	vsub.f32 v32, v17;
	v7 =	vmul.f32 v7, v36;
	v58 =	vld [tilespmem:$0x1F8F0]  }
0x933: {  	v5 =	vadd.f32 v55, v48;
	v4 =	vmul.f32 v11, v4;
	v3 =	vmul.f32 s16, v54;
	v59 =	vld [tilespmem:$0x1F8F0]  }
0x934: {  	[tilespmem:s22+$0x13170] =	vst v0;
	v60 =	vadd.f32 v7, v49;
	v2 =	vmul.f32 v10, v50;
	v14 =	vmul.f32 s1, v57  }
0x935: {  	[tilespmem:s13+$0x13070] =	vst v5;
	v61 =	vadd.f32 v4, v53;
	v1 =	vmul.f32 v3, v1  }
0x936: {  	[tilespmem:s13+$0x130F0] =	vst v60;
	v2 =	vadd.f32 v2, v52;
	v62 =	vmul.f32 v14, v56  }
0x937: {  	[tilespmem:s15+$0x130F0] =	vst v61;
	v1 =	vadd.f32 v1, v58  }
0x938: {  	[tilespmem:s15+$0x13070] =	vst v2;
	v63 =	vadd.f32 v62, v59  }
0x939: {  	[tilespmem:s22+$0x13070] =	vst v1  }
0x93a: {  	[tilespmem:s22+$0x130F0] =	vst v63  }
.LBB2_19:
0x93b: {  	s1 =	sshra.s32 s26, $0x2  }
0x93c: {  	v0 =	vld [tilespmem:s1+$0x19300]  }
0x93d: {  	v1 =	vld [tilespmem:s1+$0x1F700]  }
0x93e: {  	v2 =	vld [tilespmem:s1+$0x19310]  }
0x93f: {  	v3 =	vld [tilespmem:s1+$0x1F710]  }
0x940: {  	v4 =	vld [tilespmem:s1+$0x19320]  }
0x941: {  	v5 =	vld [tilespmem:s1+$0x1F720]  }
0x942: {  	v6 =	vld [tilespmem:s1+$0x19330]  }
0x943: {  	v7 =	vld [tilespmem:s1+$0x1F730]  }
0x944: {  	v34 =	vld [tilespmem:s1+$0x19340];
	v0 =	vadd.f32 v1, v0;
	v33 =	vadd.f32 v3, v2  }
0x945: {  	v35 =	vld [tilespmem:s1+$0x1F740]  }
0x946: {  	v36 =	vld [tilespmem:s1+$0x19350];
	v4 =	vadd.f32 v5, v4;
	v8 =	vmul.f32 v0, v0;
	v9 =	vmul.f32 v33, v33  }
0x947: {  	v10 =	vld [tilespmem:s1+$0x1F750];
	v11 =	vadd.f32 v33, v0  }
0x948: {  	v37 =	vld [tilespmem:s1+$0x19360];
	v6 =	vadd.f32 v7, v6;
	v38 =	vmul.f32 v4, v4;
	v8 =	vadd.f32 v9, v8  }
0x949: {  	v12 =	vld [tilespmem:s1+$0x1F760];
	v11 =	vadd.f32 v4, v11  }
0x94a: {  	v39 =	vld [tilespmem:s1+$0x19370];
	v2 =	vadd.f32 v35, v34;
	v40 =	vmul.f32 v6, v6;
	v8 =	vadd.f32 v38, v8  }
0x94b: {  	v13 =	vld [tilespmem:s1+$0x1F770];
	v11 =	vadd.f32 v6, v11  }
0x94c: {  	v5 =	vadd.f32 v10, v36;
	v41 =	vmul.f32 v2, v2;
	v8 =	vadd.f32 v40, v8  }
0x94d: {  	v42 =	vadd.f32 v2, v11  }
0x94e: {  	v7 =	vadd.f32 v12, v37;
	v43 =	vmul.f32 v5, v5;
	v8 =	vadd.f32 v41, v8  }
0x94f: {  	v10 =	vadd.f32 v5, v42  }
0x950: {  	v3 =	vadd.f32 v13, v39;
	v44 =	vmul.f32 v7, v7;
	v8 =	vadd.f32 v43, v8  }
0x951: {  	v10 =	vadd.f32 v7, v10  }
0x952: {  	v45 =	vmul.f32 v3, v3;
	v8 =	vadd.f32 v44, v8  }
0x953: {  	v10 =	vadd.f32 v3, v10  }
0x954: {  	v8 =	vadd.f32 v45, v8  }
0x955: {  	(xrf2) =	vadd.scan.msk.f32 $0xffff, v10  }
0x956: {  	(xrf2) =	vadd.scan.msk.f32 $0xffff, v8;
	_ =	sdelay $0x8  }
0x957: {  	v46, _, _ =	vpop (xrf2)  }
0x958: {  	(v2sf) =	vpush v46, $0xF;
	v47, _, _ =	vpop (xrf2)  }
0x959: {  	(v2sf) =	vpush v47, $0xF;
	_ =	sdelay $0xd  }
0x95a: {  	s2 =	spop (v2sf)  }
0x95b: {  	s2 =	smul.f32 $7.812500000e-03, s2;
	s3 =	spop (v2sf)  }
0x95c: {  	s3 =	smul.f32 $7.812500000e-03, s3  }
0x95d: {  	s5 =	smul.f32 s2, s2;
	_ =	sdelay $0x1  }
0x95e: {  	s3 =	ssub.f32 s3, s5;
	_ =	sdelay $0x1  }
0x95f: {  	s3 =	sadd.f32 $9.999999960e-13, s3;
	_ =	sdelay $0x1  }
0x960: {  	s25 =	sshra.s32 s3, $0x1;
	s3 =	smul.f32 $5.000000000e-01, s3  }
0x961: {  	s5 =	ssub.s32 $0x5F3759DF, s25  }
0x962: {  	s8 =	smul.f32 s5, s3;
	_ =	sdelay $0x1  }
0x963: {  	s8 =	smul.f32 s5, s8;
	_ =	sdelay $0x1  }
0x964: {  	s8 =	ssub.f32 $1.500000000e+00, s8;
	_ =	sdelay $0x1  }
0x965: {  	s5 =	smul.f32 s5, s8;
	_ =	sdelay $0x1  }
0x966: {  	s3 =	smul.f32 s5, s3;
	_ =	sdelay $0x1  }
0x967: {  	s3 =	smul.f32 s3, s5;
	_ =	sdelay $0x1  }
0x968: {  	s3 =	ssub.f32 $1.500000000e+00, s3  }
0x969: {  	v49 =	vld [tilespmem:$0x1F800];
	v48 =	vmov s2  }
0x96a: {  	v0 =	vsub.f32 v0, v48;
	s28 =	smul.f32 s3, s5  }
0x96b: {  	v50 =	vld [tilespmem:$0x1F880]  }
0x96c: {  	v0 =	vmul.f32 s28, v0;
	_ =	sdelay $0x1  }
0x96d: {  	v0 =	vmul.f32 v0, v49;
	_ =	sdelay $0x1  }
0x96e: {  	v0 =	vadd.f32 v0, v50;
	_ =	sdelay $0x1  }
0x96f: {  	[tilespmem:s1+$0x19300] =	vst v0  }
0x970: {  	v0 =	vld [tilespmem:$0x1F810]  }
0x971: {  	v1 =	vsub.f32 v33, v48  }
0x972: {  	v51 =	vld [tilespmem:$0x1F890]  }
0x973: {  	v1 =	vmul.f32 s28, v1;
	_ =	sdelay $0x1  }
0x974: {  	v0 =	vmul.f32 v1, v0;
	_ =	sdelay $0x1  }
0x975: {  	v0 =	vadd.f32 v0, v51;
	_ =	sdelay $0x1  }
0x976: {  	[tilespmem:s1+$0x19310] =	vst v0  }
0x977: {  	v0 =	vld [tilespmem:$0x1F820]  }
0x978: {  	v52 =	vsub.f32 v4, v48  }
0x979: {  	v53 =	vld [tilespmem:$0x1F8A0]  }
0x97a: {  	v1 =	vmul.f32 s28, v52;
	_ =	sdelay $0x1  }
0x97b: {  	v0 =	vmul.f32 v1, v0;
	_ =	sdelay $0x1  }
0x97c: {  	v0 =	vadd.f32 v0, v53;
	_ =	sdelay $0x1  }
0x97d: {  	[tilespmem:s1+$0x19320] =	vst v0  }
0x97e: {  	v0 =	vld [tilespmem:$0x1F830]  }
0x97f: {  	v54 =	vsub.f32 v6, v48  }
0x980: {  	v55 =	vld [tilespmem:$0x1F8B0]  }
0x981: {  	v1 =	vmul.f32 s28, v54;
	_ =	sdelay $0x1  }
0x982: {  	v0 =	vmul.f32 v1, v0;
	_ =	sdelay $0x1  }
0x983: {  	v0 =	vadd.f32 v0, v55;
	_ =	sdelay $0x1  }
0x984: {  	[tilespmem:s1+$0x19330] =	vst v0  }
0x985: {  	v0 =	vld [tilespmem:$0x1F840]  }
0x986: {  	v56 =	vsub.f32 v2, v48  }
0x987: {  	v57 =	vld [tilespmem:$0x1F8C0]  }
0x988: {  	v1 =	vmul.f32 s28, v56;
	_ =	sdelay $0x1  }
0x989: {  	v0 =	vmul.f32 v1, v0;
	_ =	sdelay $0x1  }
0x98a: {  	v0 =	vadd.f32 v0, v57;
	_ =	sdelay $0x1  }
0x98b: {  	[tilespmem:s1+$0x19340] =	vst v0  }
0x98c: {  	v0 =	vld [tilespmem:$0x1F850]  }
0x98d: {  	v58 =	vsub.f32 v5, v48  }
0x98e: {  	v59 =	vld [tilespmem:$0x1F8D0]  }
0x98f: {  	v1 =	vmul.f32 s28, v58;
	_ =	sdelay $0x1  }
0x990: {  	v0 =	vmul.f32 v1, v0;
	_ =	sdelay $0x1  }
0x991: {  	v0 =	vadd.f32 v0, v59;
	_ =	sdelay $0x1  }
0x992: {  	[tilespmem:s1+$0x19350] =	vst v0  }
0x993: {  	v0 =	vld [tilespmem:$0x1F860]  }
0x994: {  	v60 =	vsub.f32 v7, v48  }
0x995: {  	v61 =	vld [tilespmem:$0x1F8E0]  }
0x996: {  	v1 =	vmul.f32 s28, v60;
	_ =	sdelay $0x1  }
0x997: {  	v0 =	vmul.f32 v1, v0;
	_ =	sdelay $0x1  }
0x998: {  	v0 =	vadd.f32 v0, v61;
	_ =	sdelay $0x1  }
0x999: {  	[tilespmem:s1+$0x19360] =	vst v0  }
0x99a: {  	v0 =	vld [tilespmem:$0x1F870]  }
0x99b: {  	v62 =	vsub.f32 v3, v48  }
0x99c: {  	v63 =	vld [tilespmem:$0x1F8F0]  }
0x99d: {  	v1 =	vmul.f32 s28, v62  }
0x99e: {  	p0 =	sne.s32 s26, $0x200  }
.Ltmp8:
0x99f: {  	v0 =	vmul.f32 v1, v0;
	(pc) =	sbr.rel @p0 .LBB2_19-.Ltmp8, $3  }
0x9a0: {  	_ = 	snop  }
0x9a1: {  	v0 =	vadd.f32 v0, v63;
	_ =	sdelay $0x1  }
0x9a2: {  	s26 =	sadd.s32 $0x200, s26;
	[tilespmem:s1+$0x19370] =	vst v0  }
0x9a3: {  	s10 =	sadd.s32 $0x1, s10  }
0x9a4: {  	p0 =	sne.s32 s10, $0x8  }
.Ltmp9:
0x9a5: {  	_ = 	snop;
	(pc) =	sbr.rel @p0 .LBB2_4-.Ltmp9, $3  }
0x9a6: {  	s1 =	smul.u32 $0xC80, s11;
	_ =	sdelay $0x1  }
0x9a7: {  	s2 =	simm.s32 $0x13000;
	s1 =	sadd.s32 s7, s1  }
0x9a8: {  	[hbm4b:s1+s9] =	stream.linear.scatter [tilespmem:s2], [sflag:$0x8], $0x6400, $0x38;
	[tilespmem:$0x1F980] =	vst v63  }
0x9a9: {  	s1 =	simm.s32 $0x5  }
0x9aa: {  	_ =	swait.ge [sflag:s1], $0x6400  }
0x9ab: {  	[sflag:s1] =	ssyncset.done $0x0  }
0x9ac: {  	s25 =	simm.s32 $0x6;
	[sflag:s1] =	ssyncadd.s32 $0xFFFF9C00  }
0x9ad: {  	_ =	swait.ge [sflag:s25], $0x6400  }
0x9ae: {  	[sflag:s25] =	ssyncset.done $0x0  }
0x9af: {  	s26 =	simm.s32 $0x7;
	[sflag:s25] =	ssyncadd.s32 $0xFFFF9C00  }
0x9b0: {  	_ =	swait.ge [sflag:s26], $0x6400  }
0x9b1: {  	[sflag:s26] =	ssyncset.done $0x0  }
0x9b2: {  	s2 =	simm.s32 $0x8;
	[sflag:s26] =	ssyncadd.s32 $0xFFFF9C00  }
0x9b3: {  	_ =	swait.ge [sflag:s2], $0x6400  }
0x9b4: {  	s5 =	rddreg [dreg:$0xb]  }
0x9b5: {  	s28 =	rddreg [dreg:$0xa];
	s5 =	sadd.s32 $0x1, s5  }
0x9b6: {  	p0 =	sne.s32 s5, s28  }
.Ltmp10:
0x9b7: {  	_ = 	snop;
	(pc) =	sbr.rel @p0 .LBB2_1-.Ltmp10, $3  }
0x9b8: {  	_ =	sdelay $0x1  }
0x9b9: {  	[sflag:s2] =	ssyncset.done $0x0  }
0x9ba: {  	s3 =	simm.s32 $0xD;
	[sflag:s2] =	ssyncadd.s32 $0xFFFF9C00  }
0x9bb: {  	_ =	sfence.sel $0x180000  }
0x9bc: {  	[bflag:$0x0] =	sbarrier.arrive $0xFFFF  }
0x9bd: {  	_ =	strace $0x90000047  }
0x9be: {  	s0 =	stileid.u32;
	[bflag:$0x2] =	sbarrier.arrive $0xFFFF  }
0x9bf: {  	p0 =	sne.s32 s0, $0x0;
	s0 =	rddreg [dreg:$0x7]  }
0x9c0: {  	s0 =	sadd.s32 @!p0 $0x100000, s0  }
0x9c1: {  	[sflag:s0] =	ssyncadd.tile.s32 @!p0 $0x1;
	_ =	shalt  }
.Lfunc_end2:
_tile_overlayer_lowered:
.L_overlay_start_2:
0x9c2: {  	(tag) =	ssettag $0x2  }
0x9c3: {  	s0 =	rddreg [dreg:$0x0];
	s2 =	stileid.u32  }
0x9c4: {  	s1 =	rddreg [dreg:$0x1];
	p0 =	sne.s32 s2, $0x0  }
0x9c5: {  	s3 =	rddreg [dreg:$0x2];
	[bflag:$0x3] =	sbarrier.arrive $0xFFFF;
	s2 =	simm.s32 @!p0 $0x1C0D  }
0x9c6: {  	[timem:s3], [sflag:s2] =	dma.local @!p0 [hbm:s0], s1  }
0x9c7: {  	s0 =	simm.s32 @!p0 $0xD  }
0x9c8: {  	_ =	swait.ge @!p0 [sflag:s0], s1  }
0x9c9: {  	s1 =	ssub.s32 @!p0 $0x0, s1;
	[sflag:s0] =	ssyncset.done @!p0 $0x0  }
0x9ca: {  	[sflag:s0] =	ssyncadd.s32 @!p0 s1  }
0x9cb: {  	[bflag:$0x3] =	sbarrier.arrive $0xFFFF  }
0x9cc: {  	_ =	shalt  }

</sc_bundles>
